<compile_context>
chip_gen: v7x
topology: tpu7x:2x2x1
jax: 0.10.2.dev20260603
libtpu: 0.0.44.dev20260713+nightly
codegen_flags: <defaults>
</compile_context>

<pallas_src>
import functools

import jax
import jax.numpy as jnp
from jax import lax
from jax.experimental import pallas as pl
from jax.experimental.pallas import tpu as pltpu
from jax.experimental.pallas import tpu_sc as plsc

N = 10000
E = 320000
H = 128
NC = 2
NS = 16
NW = NC * NS

NPAD = 10240
EMB_ROWS = NPAD // NW
EMB_C = 80
EMB_K = EMB_ROWS // EMB_C

C = 128
NB = 2
K0 = 152
K1 = 8
TOT = NS * (K0 + K1)
EPAD = TOT * C
APAD = 10240
DUMP = N
ZR = APAD // NS

def _mesh():
    return plsc.VectorSubcoreMesh(core_axis_name="c", subcore_axis_name="s",
                                  num_cores=NC, num_subcores=NS)


def _emb_body(f0_hbm, f1_hbm, kt_hbm, vt_hbm, out_hbm,
              idx0_v, idx1_v, bufa, bufb, sem0, sem1):
    w = lax.axis_index("s") * NC + lax.axis_index("c")
    base = w * EMB_ROWS
    pltpu.sync_copy(f0_hbm.at[pl.ds(base, EMB_ROWS)], idx0_v)
    pltpu.sync_copy(f1_hbm.at[pl.ds(base, EMB_ROWS)], idx1_v)
    for j in range(EMB_K):
        isl = pl.ds(j * EMB_C, EMB_C)
        cpa = pltpu.async_copy(kt_hbm.at[idx0_v.at[isl]], bufa, sem0)
        cpb = pltpu.async_copy(vt_hbm.at[idx1_v.at[isl]], bufb, sem1)
        cpa.wait()
        cpb.wait()

        @plsc.parallel_loop(0, EMB_C, 1, unroll=4)
        def _(r):
            for cc in range(H // 16):
                sl = pl.ds(cc * 16, 16)
                bufa[r, sl] = bufa[r, sl] + bufb[r, sl]
        pltpu.sync_copy(bufa, out_hbm.at[pl.ds(base + j * EMB_C, EMB_C)])


def _emb_call(f0p, f1p, key_table, val_table):
    return pl.kernel(
        _emb_body,
        out_type=jax.ShapeDtypeStruct((NPAD, H), jnp.float32),
        mesh=_mesh(),
        scratch_types=[
            pltpu.VMEM((EMB_ROWS,), jnp.int32),
            pltpu.VMEM((EMB_ROWS,), jnp.int32),
            pltpu.VMEM((EMB_C, H), jnp.float32),
            pltpu.VMEM((EMB_C, H), jnp.float32),
            pltpu.SemaphoreType.DMA,
            pltpu.SemaphoreType.DMA,
        ],
    )(f0p, f1p, key_table, val_table)


G = 8


def _agg_body(h_hbm, src_hbm, dst_hbm, zeros_hbm, out_hbm,
              isg, idg, buf0, buf1, sem0, sem1, sem_i, agg_sh):
    c = lax.axis_index("c")
    s = lax.axis_index("s")
    base = jnp.where(c == 0, s * K0, NS * K0 + s * K1)
    kc = jnp.where(c == 0, K0, K1)
    ng = kc // G
    bufs = (buf0, buf1)
    sems = (sem0, sem1)
    pltpu.sync_copy(src_hbm.at[pl.ds(base, G)], isg.at[0])
    pltpu.sync_copy(dst_hbm.at[pl.ds(base, G)], idg.at[0])
    for b in range(NB):
        pltpu.async_copy(h_hbm.at[isg.at[0, b]], bufs[b], sems[b])

    @pl.when(ng > 1)
    def _():
        pltpu.async_copy(src_hbm.at[pl.ds(base + G, G)], isg.at[1], sem_i)
        pltpu.async_copy(dst_hbm.at[pl.ds(base + G, G)], idg.at[1], sem_i)

    pltpu.sync_copy(zeros_hbm.at[pl.ds(s * ZR, ZR)], agg_sh.at[pl.ds(s * ZR, ZR)])
    plsc.subcore_barrier()

    def group_body(g, _):
        slot = lax.rem(g, 2)
        nxt = 1 - slot
        grow_next = base + (g + 1) * G

        def body(i, _):
            @pl.when((i == G // NB - 1) & (g + 1 < ng))
            def _():
                pltpu.make_async_copy(src_hbm.at[pl.ds(grow_next, G)],
                                      isg.at[nxt], sem_i).wait()
                pltpu.make_async_copy(dst_hbm.at[pl.ds(grow_next, G)],
                                      idg.at[nxt], sem_i).wait()

            for b in range(NB):
                jj = i * NB + b
                pltpu.make_async_copy(h_hbm.at[isg.at[slot, jj]],
                                      bufs[b], sems[b]).wait()
                pltpu.sync_copy(bufs[b], agg_sh.at[idg.at[slot, jj]], add=True)
                nj = jj + NB

                @pl.when(nj < G)
                def _():
                    pltpu.async_copy(h_hbm.at[isg.at[slot, nj]], bufs[b], sems[b])

                @pl.when((nj >= G) & (g + 1 < ng))
                def _():
                    pltpu.async_copy(h_hbm.at[isg.at[nxt, nj - G]], bufs[b], sems[b])
            return 0

        lax.fori_loop(0, G // NB, body, 0)

        @pl.when(g + 2 < ng)
        def _():
            pltpu.async_copy(src_hbm.at[pl.ds(grow_next + G, G)],
                             isg.at[slot], sem_i)
            pltpu.async_copy(dst_hbm.at[pl.ds(grow_next + G, G)],
                             idg.at[slot], sem_i)

        return 0

    lax.fori_loop(0, ng, group_body, 0)
    plsc.subcore_barrier()
    pltpu.sync_copy(agg_sh.at[pl.ds(s * ZR, ZR)], out_hbm.at[c, pl.ds(s * ZR, ZR)])


def _agg_call(h, srcp, dstp, zeros):
    return pl.kernel(
        _agg_body,
        out_type=jax.ShapeDtypeStruct((NC, APAD, H), jnp.float32),
        mesh=_mesh(),
        scratch_types=[
            pltpu.VMEM((2, G, C), jnp.int32),
            pltpu.VMEM((2, G, C), jnp.int32),
            pltpu.VMEM((C, H), jnp.float32),
            pltpu.VMEM((C, H), jnp.float32),
            pltpu.SemaphoreType.DMA,
            pltpu.SemaphoreType.DMA,
            pltpu.SemaphoreType.DMA,
            pltpu.VMEM_SHARED((APAD, H), jnp.float32),
        ],
    )(h, srcp, dstp, zeros)


def _mlp_body(h_ref, p_ref, w1_ref, b1_ref, w2_ref, b2_ref, o_ref):
    x = h_ref[...] + p_ref[0] + p_ref[1]
    y = jnp.dot(x, w1_ref[...], preferred_element_type=jnp.float32) + b1_ref[...]
    y = jnp.maximum(y, 0.0)
    o_ref[...] = jnp.dot(y, w2_ref[...], preferred_element_type=jnp.float32) + b2_ref[...]


def _mlp_cls_body(h_ref, p_ref, w1_ref, b1_ref, w2_ref, b2_ref, wc_ref, o_ref):
    x = h_ref[...] + p_ref[0] + p_ref[1]
    y = jnp.dot(x, w1_ref[...], preferred_element_type=jnp.float32) + b1_ref[...]
    y = jnp.maximum(y, 0.0)
    y = jnp.dot(y, w2_ref[...], preferred_element_type=jnp.float32) + b2_ref[...]
    o_ref[...] = jnp.dot(y, wc_ref[...], preferred_element_type=jnp.float32)


_BLK = 1000


def _mlp_call(h, parts, w1t, b1, w2t, b2):
    return pl.pallas_call(
        _mlp_body,
        grid=(N // _BLK,),
        in_specs=[
            pl.BlockSpec((_BLK, H), lambda i: (i, 0)),
            pl.BlockSpec((NC, _BLK, H), lambda i: (0, i, 0)),
            pl.BlockSpec((H, H), lambda i: (0, 0)),
            pl.BlockSpec((1, H), lambda i: (0, 0)),
            pl.BlockSpec((H, H), lambda i: (0, 0)),
            pl.BlockSpec((1, H), lambda i: (0, 0)),
        ],
        out_specs=pl.BlockSpec((_BLK, H), lambda i: (i, 0)),
        out_shape=jax.ShapeDtypeStruct((N, H), jnp.float32),
    )(h, parts, w1t, b1, w2t, b2)


def _mlp_cls_call(h, parts, w1t, b1, w2t, b2, wct):
    return pl.pallas_call(
        _mlp_cls_body,
        grid=(N // _BLK,),
        in_specs=[
            pl.BlockSpec((_BLK, H), lambda i: (i, 0)),
            pl.BlockSpec((NC, _BLK, H), lambda i: (0, i, 0)),
            pl.BlockSpec((H, H), lambda i: (0, 0)),
            pl.BlockSpec((1, H), lambda i: (0, 0)),
            pl.BlockSpec((H, H), lambda i: (0, 0)),
            pl.BlockSpec((1, H), lambda i: (0, 0)),
            pl.BlockSpec((H, 1), lambda i: (0, 0)),
        ],
        out_specs=pl.BlockSpec((_BLK, 1), lambda i: (i, 0)),
        out_shape=jax.ShapeDtypeStruct((N, 1), jnp.float32),
    )(h, parts, w1t, b1, w2t, b2, wct)


def kernel(graphs, feats, key_table, val_table,
           W1_0, b1_0, W2_0, b2_0, W1_1, b1_1, W2_1, b2_1, Wc):
    src = graphs[0].astype(jnp.int32)
    dst = graphs[1].astype(jnp.int32)
    f0p = jnp.concatenate([feats[:, 0].astype(jnp.int32),
                           jnp.zeros((NPAD - N,), jnp.int32)])
    f1p = jnp.concatenate([feats[:, 1].astype(jnp.int32),
                           jnp.zeros((NPAD - N,), jnp.int32)])
    srcp = jnp.concatenate([src, jnp.zeros((EPAD - E,), jnp.int32)]).reshape(TOT, C)
    pad_dst = DUMP + (jnp.arange(EPAD - E, dtype=jnp.int32) % (APAD - N))
    dstp = jnp.concatenate([dst, pad_dst]).reshape(TOT, C)
    zeros = jnp.zeros((APAD, H), jnp.float32)

    h0 = _emb_call(f0p, f1p, key_table, val_table)
    parts0 = _agg_call(h0, srcp, dstp, zeros)
    h1 = _mlp_call(h0, parts0, W1_0.T, b1_0.reshape(1, H),
                   W2_0.T, b2_0.reshape(1, H))
    parts1 = _agg_call(h1, srcp, dstp, zeros)
    out = _mlp_cls_call(h1, parts1, W1_1.T, b1_1.reshape(1, H),
                        W2_1.T, b2_1.reshape(1, H), Wc.T)
    return out

# --- scband reference (transcript-rebuilt; emitter-appended) ---
"""Pipeline reference for scband-sirmodel-30434138259918 (READ-ONLY COPY).

The authoritative reference and input builder live on the scoring server;
editing this copy changes nothing except your own understanding.
"""

import jax, jax.numpy as jnp
import numpy as np

N = 10000
E = 320000
H = 128
V = 10001  # input_dim + 1
OUT = 1


def _init_linear(key, out_dim, in_dim):
    kw, kb = jax.random.split(key)
    lim = 1.0 / np.sqrt(in_dim)
    W = jax.random.uniform(kw, (out_dim, in_dim), minval=-lim, maxval=lim, dtype=jnp.float32)
    b = jax.random.uniform(kb, (out_dim,), minval=-lim, maxval=lim, dtype=jnp.float32)
    return W, b


def setup_inputs(seed: int = 0) -> dict:
    key = jax.random.key(seed)
    ks = jax.random.split(key, 12)
    graphs = jax.random.randint(ks[0], (2, E), 0, N, dtype=jnp.int64)
    feats = jax.random.randint(ks[1], (N, 2), 0, V, dtype=jnp.int64)
    key_table = jax.random.normal(ks[2], (V, H), dtype=jnp.float32)
    val_table = jax.random.normal(ks[3], (V, H), dtype=jnp.float32)
    W1_0, b1_0 = _init_linear(ks[4], H, H)
    W2_0, b2_0 = _init_linear(ks[5], H, H)
    W1_1, b1_1 = _init_linear(ks[6], H, H)
    W2_1, b2_1 = _init_linear(ks[7], H, H)
    lim = 1.0 / np.sqrt(H)
    Wc = jax.random.uniform(ks[8], (OUT, H), minval=-lim, maxval=lim, dtype=jnp.float32)
    return {
        'graphs': graphs, 'feats': feats,
        'key_table': key_table, 'val_table': val_table,
        'W1_0': W1_0, 'b1_0': b1_0, 'W2_0': W2_0, 'b2_0': b2_0,
        'W1_1': W1_1, 'b1_1': b1_1, 'W2_1': W2_1, 'b2_1': b2_1,
        'Wc': Wc,
    }


def _mlp(h, W1, b1, W2, b2):
    # MLP(hidden, hidden, hidden, mlp_layers=2, dropout=0, norm='none', ReLU)
    h = h @ W1.T + b1
    h = jax.nn.relu(h)
    h = h @ W2.T + b2
    return h


def reference(graphs, feats, key_table, val_table,
              W1_0, b1_0, W2_0, b2_0, W1_1, b1_1, W2_1, b2_1, Wc):
    # embedding lookups (SparseCore gather)
    h = jnp.take(key_table, feats[:, 0], axis=0) + jnp.take(val_table, feats[:, 1], axis=0)
    src = graphs[0]
    dst = graphs[1]
    layer_params = ((W1_0, b1_0, W2_0, b2_0), (W1_1, b1_1, W2_1, b2_1))
    for (W1, b1, W2, b2) in layer_params:
        # SIRConv: sum-aggregate neighbor messages then apply MLP (GIN-style)
        msg = jnp.take(h, src, axis=0)                 # gather over edges
        agg = jax.ops.segment_sum(msg, dst, num_segments=N)  # scatter-add
        h = _mlp(h + agg, W1, b1, W2, b2)
    out = h @ Wc.T  # classifier, bias=False
    return out

if __name__ == "__main__":
    import jax
    _d = setup_inputs()
    print(jax.jit(kernel)(*tuple(_d.values())))

</pallas_src>

<mosaic_0001>
#map = affine_map<(d0, d1) -> (0)>
#map1 = affine_map<(d0, d1) -> (0, 0)>
module attributes {stable_mosaic.version = 14 : i64} {
  func.func @_emb_body(%arg0: i32, %arg1: i32, %arg2: memref<10240xi32, #tpu.memory_space<hbm>>, %arg3: memref<10240xi32, #tpu.memory_space<hbm>>, %arg4: memref<10001x128xf32, #tpu.memory_space<hbm>>, %arg5: memref<10001x128xf32, #tpu.memory_space<hbm>>, %arg6: memref<10240x128xf32, #tpu.memory_space<hbm>>, %arg7: memref<320xi32, #tpu.memory_space<vmem>>, %arg8: memref<320xi32, #tpu.memory_space<vmem>>, %arg9: memref<80x128xf32, #tpu.memory_space<vmem>>, %arg10: memref<80x128xf32, #tpu.memory_space<vmem>>, %arg11: memref<!tpu.dma_semaphore, #tpu.memory_space<semaphore_mem>>, %arg12: memref<!tpu.dma_semaphore, #tpu.memory_space<semaphore_mem>>) attributes {dimension_semantics = [#tpu.dimension_semantics<core_parallel>, #tpu.dimension_semantics<subcore_parallel>], iteration_bounds = array<i64: 2, 16>, scalar_prefetch = 0 : i64, scratch_operands = 6 : i64, tpu.core_type = #tpu.core_type<sc_vector_subcore>, window_params = [{transform_indices = #map}, {transform_indices = #map}, {transform_indices = #map1}, {transform_indices = #map1}, {transform_indices = #map1}]} {
    %mul3A = arith.constant 2 : i32
    %mul3A_0 = arith.muli %arg1, %mul3A : i32
    %add3A = arith.addi %mul3A_0, %arg0 : i32
    %mul3A_1 = arith.constant 320 : i32
    %mul3A_2 = arith.muli %add3A, %mul3A_1 : i32
    "tpu.region"() ({
      %run_scoped3A = tpu.sem_alloc : memref<!tpu.dma_semaphore, #tpu.memory_space<semaphore_mem>>
      %dma_start3A_100 = tpu.memref_slice %arg2[%mul3A_2] : memref<10240xi32, #tpu.memory_space<hbm>> -> memref<320xi32, #tpu.memory_space<hbm>>
      %dma_start3A_101 = tpu.memref_slice %arg2[%mul3A_2] : memref<10240xi32, #tpu.memory_space<hbm>> -> memref<320xi32, #tpu.memory_space<hbm>>
      tpu.enqueue_dma source(%dma_start3A_101 : memref<320xi32, #tpu.memory_space<hbm>>) target(%arg7 : memref<320xi32, #tpu.memory_space<vmem>>) target_semaphore(%run_scoped3A : memref<!tpu.dma_semaphore, #tpu.memory_space<semaphore_mem>>)
      %dma_wait3A_102 = tpu.memref_slice %arg2[%mul3A_2] : memref<10240xi32, #tpu.memory_space<hbm>> -> memref<320xi32, #tpu.memory_space<hbm>>
      %dma_wait3A_103 = tpu.memref_slice %arg2[%mul3A_2] : memref<10240xi32, #tpu.memory_space<hbm>> -> memref<320xi32, #tpu.memory_space<hbm>>
      tpu.wait_dma2 semaphore(%run_scoped3A : memref<!tpu.dma_semaphore, #tpu.memory_space<semaphore_mem>>) src(%dma_wait3A_103 : memref<320xi32, #tpu.memory_space<hbm>>) dst(%arg7 : memref<320xi32, #tpu.memory_space<vmem>>)
      tpu.yield
    }) : () -> ()
    "tpu.region"() ({
      %run_scoped3A = tpu.sem_alloc : memref<!tpu.dma_semaphore, #tpu.memory_space<semaphore_mem>>
      %dma_start3A_100 = tpu.memref_slice %arg3[%mul3A_2] : memref<10240xi32, #tpu.memory_space<hbm>> -> memref<320xi32, #tpu.memory_space<hbm>>
      %dma_start3A_101 = tpu.memref_slice %arg3[%mul3A_2] : memref<10240xi32, #tpu.memory_space<hbm>> -> memref<320xi32, #tpu.memory_space<hbm>>
      tpu.enqueue_dma source(%dma_start3A_101 : memref<320xi32, #tpu.memory_space<hbm>>) target(%arg8 : memref<320xi32, #tpu.memory_space<vmem>>) target_semaphore(%run_scoped3A : memref<!tpu.dma_semaphore, #tpu.memory_space<semaphore_mem>>)
      %dma_wait3A_102 = tpu.memref_slice %arg3[%mul3A_2] : memref<10240xi32, #tpu.memory_space<hbm>> -> memref<320xi32, #tpu.memory_space<hbm>>
      %dma_wait3A_103 = tpu.memref_slice %arg3[%mul3A_2] : memref<10240xi32, #tpu.memory_space<hbm>> -> memref<320xi32, #tpu.memory_space<hbm>>
      tpu.wait_dma2 semaphore(%run_scoped3A : memref<!tpu.dma_semaphore, #tpu.memory_space<semaphore_mem>>) src(%dma_wait3A_103 : memref<320xi32, #tpu.memory_space<hbm>>) dst(%arg8 : memref<320xi32, #tpu.memory_space<vmem>>)
      tpu.yield
    }) : () -> ()
    %dma_start3A = arith.constant 0 : i32
    %dma_start3A_3 = tpu.memref_slice %arg7[%dma_start3A] : memref<320xi32, #tpu.memory_space<vmem>> -> memref<80xi32, #tpu.memory_space<vmem>>
    %dma_start3A_4 = arith.constant 0 : i32
    %dma_start3A_5 = arith.constant 0 : i32
    %dma_start3A_6 = tpu.memref_slice %arg4[%dma_start3A_4, %dma_start3A_5] : memref<10001x128xf32, #tpu.memory_space<hbm>> -> memref<10001x128xf32, #tpu.memory_space<hbm>>
    tpu.enqueue_indirect_dma source(%dma_start3A_6 : memref<10001x128xf32, #tpu.memory_space<hbm>>) target(%arg9 : memref<80x128xf32, #tpu.memory_space<vmem>>) offsets(%dma_start3A_3 : memref<80xi32, #tpu.memory_space<vmem>>) semaphore(%arg11 : memref<!tpu.dma_semaphore, #tpu.memory_space<semaphore_mem>>)
    %dma_start3A_7 = arith.constant 0 : i32
    %dma_start3A_8 = tpu.memref_slice %arg8[%dma_start3A_7] : memref<320xi32, #tpu.memory_space<vmem>> -> memref<80xi32, #tpu.memory_space<vmem>>
    %dma_start3A_9 = arith.constant 0 : i32
    %dma_start3A_10 = arith.constant 0 : i32
    %dma_start3A_11 = tpu.memref_slice %arg5[%dma_start3A_9, %dma_start3A_10] : memref<10001x128xf32, #tpu.memory_space<hbm>> -> memref<10001x128xf32, #tpu.memory_space<hbm>>
    tpu.enqueue_indirect_dma source(%dma_start3A_11 : memref<10001x128xf32, #tpu.memory_space<hbm>>) target(%arg10 : memref<80x128xf32, #tpu.memory_space<vmem>>) offsets(%dma_start3A_8 : memref<80xi32, #tpu.memory_space<vmem>>) semaphore(%arg12 : memref<!tpu.dma_semaphore, #tpu.memory_space<semaphore_mem>>)
    %dma_wait3A = arith.constant 0 : i32
    %dma_wait3A_12 = tpu.memref_slice %arg7[%dma_wait3A] : memref<320xi32, #tpu.memory_space<vmem>> -> memref<80xi32, #tpu.memory_space<vmem>>
    %dma_wait3A_13 = arith.constant 0 : i32
    %dma_wait3A_14 = arith.constant 0 : i32
    %dma_wait3A_15 = tpu.memref_slice %arg4[%dma_wait3A_13, %dma_wait3A_14] : memref<10001x128xf32, #tpu.memory_space<hbm>> -> memref<10001x128xf32, #tpu.memory_space<hbm>>
    tpu.wait_indirect_dma semaphore(%arg11 : memref<!tpu.dma_semaphore, #tpu.memory_space<semaphore_mem>>) src(%dma_wait3A_15 : memref<10001x128xf32, #tpu.memory_space<hbm>>) dst(%arg9 : memref<80x128xf32, #tpu.memory_space<vmem>>)
    %dma_wait3A_16 = arith.constant 0 : i32
    %dma_wait3A_17 = tpu.memref_slice %arg8[%dma_wait3A_16] : memref<320xi32, #tpu.memory_space<vmem>> -> memref<80xi32, #tpu.memory_space<vmem>>
    %dma_wait3A_18 = arith.constant 0 : i32
    %dma_wait3A_19 = arith.constant 0 : i32
    %dma_wait3A_20 = tpu.memref_slice %arg5[%dma_wait3A_18, %dma_wait3A_19] : memref<10001x128xf32, #tpu.memory_space<hbm>> -> memref<10001x128xf32, #tpu.memory_space<hbm>>
    tpu.wait_indirect_dma semaphore(%arg12 : memref<!tpu.dma_semaphore, #tpu.memory_space<semaphore_mem>>) src(%dma_wait3A_20 : memref<10001x128xf32, #tpu.memory_space<hbm>>) dst(%arg10 : memref<80x128xf32, #tpu.memory_space<vmem>>)
    %parallel_loop3A = arith.constant 0 : i32
    %parallel_loop3A_21 = arith.constant 80 : i32
    %parallel_loop3A_22 = arith.constant 1 : i32
    scf.for %parallel_loop3A_100 = %parallel_loop3A to %parallel_loop3A_21 step %parallel_loop3A_22  : i32 {
      %parallel_loop3A_101 = arith.index_cast %parallel_loop3A_100 : i32 to index
      %parallel_loop3A_102 = arith.constant 0 : index
      %parallel_loop3A_103 = tpu.vector_load %arg9[%parallel_loop3A_101, %parallel_loop3A_102] {strides = array<i32>} : memref<80x128xf32, #tpu.memory_space<vmem>>, vector<1x16xf32>,
      %parallel_loop3A_104 = vector.shape_cast %parallel_loop3A_103 : vector<1x16xf32> to vector<16xf32>
      %parallel_loop3A_105 = arith.index_cast %parallel_loop3A_100 : i32 to index
      %parallel_loop3A_106 = arith.constant 0 : index
      %parallel_loop3A_107 = tpu.vector_load %arg10[%parallel_loop3A_105, %parallel_loop3A_106] {strides = array<i32>} : memref<80x128xf32, #tpu.memory_space<vmem>>, vector<1x16xf32>,
      %parallel_loop3A_108 = vector.shape_cast %parallel_loop3A_107 : vector<1x16xf32> to vector<16xf32>
      %parallel_loop3A_109 = arith.addf %parallel_loop3A_104, %parallel_loop3A_108 : vector<16xf32>
      %parallel_loop3A_110 = arith.index_cast %parallel_loop3A_100 : i32 to index
      %parallel_loop3A_111 = arith.constant 0 : index
      %parallel_loop3A_112 = tpu.vector_load %arg9[%parallel_loop3A_110, %parallel_loop3A_111] {strides = array<i32>} : memref<80x128xf32, #tpu.memory_space<vmem>>, vector<1x16xf32>,
      %parallel_loop3A_113 = vector.shape_cast %parallel_loop3A_112 : vector<1x16xf32> to vector<16xf32>
      %parallel_loop3A_114 = vector.shape_cast %parallel_loop3A_109 : vector<16xf32> to vector<1x16xf32>
      tpu.vector_store %arg9[%parallel_loop3A_110, %parallel_loop3A_111], %parallel_loop3A_114 {strides = array<i32>} : memref<80x128xf32, #tpu.memory_space<vmem>>, vector<1x16xf32>,
      %parallel_loop3A_115 = arith.index_cast %parallel_loop3A_100 : i32 to index
      %parallel_loop3A_116 = arith.constant 16 : index
      %parallel_loop3A_117 = tpu.vector_load %arg9[%parallel_loop3A_115, %parallel_loop3A_116] {strides = array<i32>} : memref<80x128xf32, #tpu.memory_space<vmem>>, vector<1x16xf32>,
      %parallel_loop3A_118 = vector.shape_cast %parallel_loop3A_117 : vector<1x16xf32> to vector<16xf32>
      %parallel_loop3A_119 = arith.index_cast %parallel_loop3A_100 : i32 to index
      %parallel_loop3A_120 = arith.constant 16 : index
      %parallel_loop3A_121 = tpu.vector_load %arg10[%parallel_loop3A_119, %parallel_loop3A_120] {strides = array<i32>} : memref<80x128xf32, #tpu.memory_space<vmem>>, vector<1x16xf32>,
      %parallel_loop3A_122 = vector.shape_cast %parallel_loop3A_121 : vector<1x16xf32> to vector<16xf32>
      %parallel_loop3A_123 = arith.addf %parallel_loop3A_118, %parallel_loop3A_122 : vector<16xf32>
      %parallel_loop3A_124 = arith.index_cast %parallel_loop3A_100 : i32 to index
      %parallel_loop3A_125 = arith.constant 16 : index
      %parallel_loop3A_126 = tpu.vector_load %arg9[%parallel_loop3A_124, %parallel_loop3A_125] {strides = array<i32>} : memref<80x128xf32, #tpu.memory_space<vmem>>, vector<1x16xf32>,
      %parallel_loop3A_127 = vector.shape_cast %parallel_loop3A_126 : vector<1x16xf32> to vector<16xf32>
      %parallel_loop3A_128 = vector.shape_cast %parallel_loop3A_123 : vector<16xf32> to vector<1x16xf32>
      tpu.vector_store %arg9[%parallel_loop3A_124, %parallel_loop3A_125], %parallel_loop3A_128 {strides = array<i32>} : memref<80x128xf32, #tpu.memory_space<vmem>>, vector<1x16xf32>,
      %parallel_loop3A_129 = arith.index_cast %parallel_loop3A_100 : i32 to index
      %parallel_loop3A_130 = arith.constant 32 : index
      %parallel_loop3A_131 = tpu.vector_load %arg9[%parallel_loop3A_129, %parallel_loop3A_130] {strides = array<i32>} : memref<80x128xf32, #tpu.memory_space<vmem>>, vector<1x16xf32>,
      %parallel_loop3A_132 = vector.shape_cast %parallel_loop3A_131 : vector<1x16xf32> to vector<16xf32>
      %parallel_loop3A_133 = arith.index_cast %parallel_loop3A_100 : i32 to index
      %parallel_loop3A_134 = arith.constant 32 : index
      %parallel_loop3A_135 = tpu.vector_load %arg10[%parallel_loop3A_133, %parallel_loop3A_134] {strides = array<i32>} : memref<80x128xf32, #tpu.memory_space<vmem>>, vector<1x16xf32>,
      %parallel_loop3A_136 = vector.shape_cast %parallel_loop3A_135 : vector<1x16xf32> to vector<16xf32>
      %parallel_loop3A_137 = arith.addf %parallel_loop3A_132, %parallel_loop3A_136 : vector<16xf32>
      %parallel_loop3A_138 = arith.index_cast %parallel_loop3A_100 : i32 to index
      %parallel_loop3A_139 = arith.constant 32 : index
      %parallel_loop3A_140 = tpu.vector_load %arg9[%parallel_loop3A_138, %parallel_loop3A_139] {strides = array<i32>} : memref<80x128xf32, #tpu.memory_space<vmem>>, vector<1x16xf32>,
      %parallel_loop3A_141 = vector.shape_cast %parallel_loop3A_140 : vector<1x16xf32> to vector<16xf32>
      %parallel_loop3A_142 = vector.shape_cast %parallel_loop3A_137 : vector<16xf32> to vector<1x16xf32>
      tpu.vector_store %arg9[%parallel_loop3A_138, %parallel_loop3A_139], %parallel_loop3A_142 {strides = array<i32>} : memref<80x128xf32, #tpu.memory_space<vmem>>, vector<1x16xf32>,
      %parallel_loop3A_143 = arith.index_cast %parallel_loop3A_100 : i32 to index
      %parallel_loop3A_144 = arith.constant 48 : index
      %parallel_loop3A_145 = tpu.vector_load %arg9[%parallel_loop3A_143, %parallel_loop3A_144] {strides = array<i32>} : memref<80x128xf32, #tpu.memory_space<vmem>>, vector<1x16xf32>,
      %parallel_loop3A_146 = vector.shape_cast %parallel_loop3A_145 : vector<1x16xf32> to vector<16xf32>
      %parallel_loop3A_147 = arith.index_cast %parallel_loop3A_100 : i32 to index
      %parallel_loop3A_148 = arith.constant 48 : index
      %parallel_loop3A_149 = tpu.vector_load %arg10[%parallel_loop3A_147, %parallel_loop3A_148] {strides = array<i32>} : memref<80x128xf32, #tpu.memory_space<vmem>>, vector<1x16xf32>,
      %parallel_loop3A_150 = vector.shape_cast %parallel_loop3A_149 : vector<1x16xf32> to vector<16xf32>
      %parallel_loop3A_151 = arith.addf %parallel_loop3A_146, %parallel_loop3A_150 : vector<16xf32>
      %parallel_loop3A_152 = arith.index_cast %parallel_loop3A_100 : i32 to index
      %parallel_loop3A_153 = arith.constant 48 : index
      %parallel_loop3A_154 = tpu.vector_load %arg9[%parallel_loop3A_152, %parallel_loop3A_153] {strides = array<i32>} : memref<80x128xf32, #tpu.memory_space<vmem>>, vector<1x16xf32>,
      %parallel_loop3A_155 = vector.shape_cast %parallel_loop3A_154 : vector<1x16xf32> to vector<16xf32>
      %parallel_loop3A_156 = vector.shape_cast %parallel_loop3A_151 : vector<16xf32> to vector<1x16xf32>
      tpu.vector_store %arg9[%parallel_loop3A_152, %parallel_loop3A_153], %parallel_loop3A_156 {strides = array<i32>} : memref<80x128xf32, #tpu.memory_space<vmem>>, vector<1x16xf32>,
      %parallel_loop3A_157 = arith.index_cast %parallel_loop3A_100 : i32 to index
      %parallel_loop3A_158 = arith.constant 64 : index
      %parallel_loop3A_159 = tpu.vector_load %arg9[%parallel_loop3A_157, %parallel_loop3A_158] {strides = array<i32>} : memref<80x128xf32, #tpu.memory_space<vmem>>, vector<1x16xf32>,
      %parallel_loop3A_160 = vector.shape_cast %parallel_loop3A_159 : vector<1x16xf32> to vector<16xf32>
      %parallel_loop3A_161 = arith.index_cast %parallel_loop3A_100 : i32 to index
      %parallel_loop3A_162 = arith.constant 64 : index
      %parallel_loop3A_163 = tpu.vector_load %arg10[%parallel_loop3A_161, %parallel_loop3A_162] {strides = array<i32>} : memref<80x128xf32, #tpu.memory_space<vmem>>, vector<1x16xf32>,
      %parallel_loop3A_164 = vector.shape_cast %parallel_loop3A_163 : vector<1x16xf32> to vector<16xf32>
      %parallel_loop3A_165 = arith.addf %parallel_loop3A_160, %parallel_loop3A_164 : vector<16xf32>
      %parallel_loop3A_166 = arith.index_cast %parallel_loop3A_100 : i32 to index
      %parallel_loop3A_167 = arith.constant 64 : index
      %parallel_loop3A_168 = tpu.vector_load %arg9[%parallel_loop3A_166, %parallel_loop3A_167] {strides = array<i32>} : memref<80x128xf32, #tpu.memory_space<vmem>>, vector<1x16xf32>,
      %parallel_loop3A_169 = vector.shape_cast %parallel_loop3A_168 : vector<1x16xf32> to vector<16xf32>
      %parallel_loop3A_170 = vector.shape_cast %parallel_loop3A_165 : vector<16xf32> to vector<1x16xf32>
      tpu.vector_store %arg9[%parallel_loop3A_166, %parallel_loop3A_167], %parallel_loop3A_170 {strides = array<i32>} : memref<80x128xf32, #tpu.memory_space<vmem>>, vector<1x16xf32>,
      %parallel_loop3A_171 = arith.index_cast %parallel_loop3A_100 : i32 to index
      %parallel_loop3A_172 = arith.constant 80 : index
      %parallel_loop3A_173 = tpu.vector_load %arg9[%parallel_loop3A_171, %parallel_loop3A_172] {strides = array<i32>} : memref<80x128xf32, #tpu.memory_space<vmem>>, vector<1x16xf32>,
      %parallel_loop3A_174 = vector.shape_cast %parallel_loop3A_173 : vector<1x16xf32> to vector<16xf32>
      %parallel_loop3A_175 = arith.index_cast %parallel_loop3A_100 : i32 to index
      %parallel_loop3A_176 = arith.constant 80 : index
      %parallel_loop3A_177 = tpu.vector_load %arg10[%parallel_loop3A_175, %parallel_loop3A_176] {strides = array<i32>} : memref<80x128xf32, #tpu.memory_space<vmem>>, vector<1x16xf32>,
      %parallel_loop3A_178 = vector.shape_cast %parallel_loop3A_177 : vector<1x16xf32> to vector<16xf32>
      %parallel_loop3A_179 = arith.addf %parallel_loop3A_174, %parallel_loop3A_178 : vector<16xf32>
      %parallel_loop3A_180 = arith.index_cast %parallel_loop3A_100 : i32 to index
      %parallel_loop3A_181 = arith.constant 80 : index
      %parallel_loop3A_182 = tpu.vector_load %arg9[%parallel_loop3A_180, %parallel_loop3A_181] {strides = array<i32>} : memref<80x128xf32, #tpu.memory_space<vmem>>, vector<1x16xf32>,
      %parallel_loop3A_183 = vector.shape_cast %parallel_loop3A_182 : vector<1x16xf32> to vector<16xf32>
      %parallel_loop3A_184 = vector.shape_cast %parallel_loop3A_179 : vector<16xf32> to vector<1x16xf32>
      tpu.vector_store %arg9[%parallel_loop3A_180, %parallel_loop3A_181], %parallel_loop3A_184 {strides = array<i32>} : memref<80x128xf32, #tpu.memory_space<vmem>>, vector<1x16xf32>,
      %parallel_loop3A_185 = arith.index_cast %parallel_loop3A_100 : i32 to index
      %parallel_loop3A_186 = arith.constant 96 : index
      %parallel_loop3A_187 = tpu.vector_load %arg9[%parallel_loop3A_185, %parallel_loop3A_186] {strides = array<i32>} : memref<80x128xf32, #tpu.memory_space<vmem>>, vector<1x16xf32>,
      %parallel_loop3A_188 = vector.shape_cast %parallel_loop3A_187 : vector<1x16xf32> to vector<16xf32>
      %parallel_loop3A_189 = arith.index_cast %parallel_loop3A_100 : i32 to index
      %parallel_loop3A_190 = arith.constant 96 : index
      %parallel_loop3A_191 = tpu.vector_load %arg10[%parallel_loop3A_189, %parallel_loop3A_190] {strides = array<i32>} : memref<80x128xf32, #tpu.memory_space<vmem>>, vector<1x16xf32>,
      %parallel_loop3A_192 = vector.shape_cast %parallel_loop3A_191 : vector<1x16xf32> to vector<16xf32>
      %parallel_loop3A_193 = arith.addf %parallel_loop3A_188, %parallel_loop3A_192 : vector<16xf32>
      %parallel_loop3A_194 = arith.index_cast %parallel_loop3A_100 : i32 to index
      %parallel_loop3A_195 = arith.constant 96 : index
      %parallel_loop3A_196 = tpu.vector_load %arg9[%parallel_loop3A_194, %parallel_loop3A_195] {strides = array<i32>} : memref<80x128xf32, #tpu.memory_space<vmem>>, vector<1x16xf32>,
      %parallel_loop3A_197 = vector.shape_cast %parallel_loop3A_196 : vector<1x16xf32> to vector<16xf32>
      %parallel_loop3A_198 = vector.shape_cast %parallel_loop3A_193 : vector<16xf32> to vector<1x16xf32>
      tpu.vector_store %arg9[%parallel_loop3A_194, %parallel_loop3A_195], %parallel_loop3A_198 {strides = array<i32>} : memref<80x128xf32, #tpu.memory_space<vmem>>, vector<1x16xf32>,
      %parallel_loop3A_199 = arith.index_cast %parallel_loop3A_100 : i32 to index
      %parallel_loop3A_200 = arith.constant 112 : index
      %parallel_loop3A_201 = tpu.vector_load %arg9[%parallel_loop3A_199, %parallel_loop3A_200] {strides = array<i32>} : memref<80x128xf32, #tpu.memory_space<vmem>>, vector<1x16xf32>,
      %parallel_loop3A_202 = vector.shape_cast %parallel_loop3A_201 : vector<1x16xf32> to vector<16xf32>
      %parallel_loop3A_203 = arith.index_cast %parallel_loop3A_100 : i32 to index
      %parallel_loop3A_204 = arith.constant 112 : index
      %parallel_loop3A_205 = tpu.vector_load %arg10[%parallel_loop3A_203, %parallel_loop3A_204] {strides = array<i32>} : memref<80x128xf32, #tpu.memory_space<vmem>>, vector<1x16xf32>,
      %parallel_loop3A_206 = vector.shape_cast %parallel_loop3A_205 : vector<1x16xf32> to vector<16xf32>
      %parallel_loop3A_207 = arith.addf %parallel_loop3A_202, %parallel_loop3A_206 : vector<16xf32>
      %parallel_loop3A_208 = arith.index_cast %parallel_loop3A_100 : i32 to index
      %parallel_loop3A_209 = arith.constant 112 : index
      %parallel_loop3A_210 = tpu.vector_load %arg9[%parallel_loop3A_208, %parallel_loop3A_209] {strides = array<i32>} : memref<80x128xf32, #tpu.memory_space<vmem>>, vector<1x16xf32>,
      %parallel_loop3A_211 = vector.shape_cast %parallel_loop3A_210 : vector<1x16xf32> to vector<16xf32>
      %parallel_loop3A_212 = vector.shape_cast %parallel_loop3A_207 : vector<16xf32> to vector<1x16xf32>
      tpu.vector_store %arg9[%parallel_loop3A_208, %parallel_loop3A_209], %parallel_loop3A_212 {strides = array<i32>} : memref<80x128xf32, #tpu.memory_space<vmem>>, vector<1x16xf32>,
    } {sc.loop_unroll_factor = 4 : i64, sc.parallel_access}
    %add3A_23 = arith.constant 0 : i32
    %add3A_24 = arith.addi %mul3A_2, %add3A_23 : i32
    "tpu.region"() ({
      %run_scoped3A = tpu.sem_alloc : memref<!tpu.dma_semaphore, #tpu.memory_space<semaphore_mem>>
      %dma_start3A_100 = arith.constant 0 : i32
      %dma_start3A_101 = tpu.memref_slice %arg6[%add3A_24, %dma_start3A_100] : memref<10240x128xf32, #tpu.memory_space<hbm>> -> memref<80x128xf32, #tpu.memory_space<hbm>>
      %dma_start3A_102 = arith.constant 0 : i32
      %dma_start3A_103 = tpu.memref_slice %arg6[%add3A_24, %dma_start3A_102] : memref<10240x128xf32, #tpu.memory_space<hbm>> -> memref<80x128xf32, #tpu.memory_space<hbm>>
      tpu.enqueue_dma source(%arg9 : memref<80x128xf32, #tpu.memory_space<vmem>>) target(%dma_start3A_103 : memref<80x128xf32, #tpu.memory_space<hbm>>) target_semaphore(%run_scoped3A : memref<!tpu.dma_semaphore, #tpu.memory_space<semaphore_mem>>)
      %dma_wait3A_104 = arith.constant 0 : i32
      %dma_wait3A_105 = tpu.memref_slice %arg6[%add3A_24, %dma_wait3A_104] : memref<10240x128xf32, #tpu.memory_space<hbm>> -> memref<80x128xf32, #tpu.memory_space<hbm>>
      %dma_wait3A_106 = arith.constant 0 : i32
      %dma_wait3A_107 = tpu.memref_slice %arg6[%add3A_24, %dma_wait3A_106] : memref<10240x128xf32, #tpu.memory_space<hbm>> -> memref<80x128xf32, #tpu.memory_space<hbm>>
      tpu.wait_dma2 semaphore(%run_scoped3A : memref<!tpu.dma_semaphore, #tpu.memory_space<semaphore_mem>>) src(%arg9 : memref<80x128xf32, #tpu.memory_space<vmem>>) dst(%dma_wait3A_107 : memref<80x128xf32, #tpu.memory_space<hbm>>)
      tpu.yield
    }) : () -> ()
    %dma_start3A_25 = arith.constant 80 : i32
    %dma_start3A_26 = tpu.memref_slice %arg7[%dma_start3A_25] : memref<320xi32, #tpu.memory_space<vmem>> -> memref<80xi32, #tpu.memory_space<vmem>>
    %dma_start3A_27 = arith.constant 0 : i32
    %dma_start3A_28 = arith.constant 0 : i32
    %dma_start3A_29 = tpu.memref_slice %arg4[%dma_start3A_27, %dma_start3A_28] : memref<10001x128xf32, #tpu.memory_space<hbm>> -> memref<10001x128xf32, #tpu.memory_space<hbm>>
    tpu.enqueue_indirect_dma source(%dma_start3A_29 : memref<10001x128xf32, #tpu.memory_space<hbm>>) target(%arg9 : memref<80x128xf32, #tpu.memory_space<vmem>>) offsets(%dma_start3A_26 : memref<80xi32, #tpu.memory_space<vmem>>) semaphore(%arg11 : memref<!tpu.dma_semaphore, #tpu.memory_space<semaphore_mem>>)
    %dma_start3A_30 = arith.constant 80 : i32
    %dma_start3A_31 = tpu.memref_slice %arg8[%dma_start3A_30] : memref<320xi32, #tpu.memory_space<vmem>> -> memref<80xi32, #tpu.memory_space<vmem>>
    %dma_start3A_32 = arith.constant 0 : i32
    %dma_start3A_33 = arith.constant 0 : i32
    %dma_start3A_34 = tpu.memref_slice %arg5[%dma_start3A_32, %dma_start3A_33] : memref<10001x128xf32, #tpu.memory_space<hbm>> -> memref<10001x128xf32, #tpu.memory_space<hbm>>
    tpu.enqueue_indirect_dma source(%dma_start3A_34 : memref<10001x128xf32, #tpu.memory_space<hbm>>) target(%arg10 : memref<80x128xf32, #tpu.memory_space<vmem>>) offsets(%dma_start3A_31 : memref<80xi32, #tpu.memory_space<vmem>>) semaphore(%arg12 : memref<!tpu.dma_semaphore, #tpu.memory_space<semaphore_mem>>)
    %dma_wait3A_35 = arith.constant 80 : i32
    %dma_wait3A_36 = tpu.memref_slice %arg7[%dma_wait3A_35] : memref<320xi32, #tpu.memory_space<vmem>> -> memref<80xi32, #tpu.memory_space<vmem>>
    %dma_wait3A_37 = arith.constant 0 : i32
    %dma_wait3A_38 = arith.constant 0 : i32
    %dma_wait3A_39 = tpu.memref_slice %arg4[%dma_wait3A_37, %dma_wait3A_38] : memref<10001x128xf32, #tpu.memory_space<hbm>> -> memref<10001x128xf32, #tpu.memory_space<hbm>>
    tpu.wait_indirect_dma semaphore(%arg11 : memref<!tpu.dma_semaphore, #tpu.memory_space<semaphore_mem>>) src(%dma_wait3A_39 : memref<10001x128xf32, #tpu.memory_space<hbm>>) dst(%arg9 : memref<80x128xf32, #tpu.memory_space<vmem>>)
    %dma_wait3A_40 = arith.constant 80 : i32
    %dma_wait3A_41 = tpu.memref_slice %arg8[%dma_wait3A_40] : memref<320xi32, #tpu.memory_space<vmem>> -> memref<80xi32, #tpu.memory_space<vmem>>
    %dma_wait3A_42 = arith.constant 0 : i32
    %dma_wait3A_43 = arith.constant 0 : i32
    %dma_wait3A_44 = tpu.memref_slice %arg5[%dma_wait3A_42, %dma_wait3A_43] : memref<10001x128xf32, #tpu.memory_space<hbm>> -> memref<10001x128xf32, #tpu.memory_space<hbm>>
    tpu.wait_indirect_dma semaphore(%arg12 : memref<!tpu.dma_semaphore, #tpu.memory_space<semaphore_mem>>) src(%dma_wait3A_44 : memref<10001x128xf32, #tpu.memory_space<hbm>>) dst(%arg10 : memref<80x128xf32, #tpu.memory_space<vmem>>)
    %parallel_loop3A_45 = arith.constant 0 : i32
    %parallel_loop3A_46 = arith.constant 80 : i32
    %parallel_loop3A_47 = arith.constant 1 : i32
    scf.for %parallel_loop3A_100 = %parallel_loop3A_45 to %parallel_loop3A_46 step %parallel_loop3A_47  : i32 {
      %parallel_loop3A_101 = arith.index_cast %parallel_loop3A_100 : i32 to index
      %parallel_loop3A_102 = arith.constant 0 : index
      %parallel_loop3A_103 = tpu.vector_load %arg9[%parallel_loop3A_101, %parallel_loop3A_102] {strides = array<i32>} : memref<80x128xf32, #tpu.memory_space<vmem>>, vector<1x16xf32>,
      %parallel_loop3A_104 = vector.shape_cast %parallel_loop3A_103 : vector<1x16xf32> to vector<16xf32>
      %parallel_loop3A_105 = arith.index_cast %parallel_loop3A_100 : i32 to index
      %parallel_loop3A_106 = arith.constant 0 : index
      %parallel_loop3A_107 = tpu.vector_load %arg10[%parallel_loop3A_105, %parallel_loop3A_106] {strides = array<i32>} : memref<80x128xf32, #tpu.memory_space<vmem>>, vector<1x16xf32>,
      %parallel_loop3A_108 = vector.shape_cast %parallel_loop3A_107 : vector<1x16xf32> to vector<16xf32>
      %parallel_loop3A_109 = arith.addf %parallel_loop3A_104, %parallel_loop3A_108 : vector<16xf32>
      %parallel_loop3A_110 = arith.index_cast %parallel_loop3A_100 : i32 to index
      %parallel_loop3A_111 = arith.constant 0 : index
      %parallel_loop3A_112 = tpu.vector_load %arg9[%parallel_loop3A_110, %parallel_loop3A_111] {strides = array<i32>} : memref<80x128xf32, #tpu.memory_space<vmem>>, vector<1x16xf32>,
      %parallel_loop3A_113 = vector.shape_cast %parallel_loop3A_112 : vector<1x16xf32> to vector<16xf32>
      %parallel_loop3A_114 = vector.shape_cast %parallel_loop3A_109 : vector<16xf32> to vector<1x16xf32>
      tpu.vector_store %arg9[%parallel_loop3A_110, %parallel_loop3A_111], %parallel_loop3A_114 {strides = array<i32>} : memref<80x128xf32, #tpu.memory_space<vmem>>, vector<1x16xf32>,
      %parallel_loop3A_115 = arith.index_cast %parallel_loop3A_100 : i32 to index
      %parallel_loop3A_116 = arith.constant 16 : index
      %parallel_loop3A_117 = tpu.vector_load %arg9[%parallel_loop3A_115, %parallel_loop3A_116] {strides = array<i32>} : memref<80x128xf32, #tpu.memory_space<vmem>>, vector<1x16xf32>,
      %parallel_loop3A_118 = vector.shape_cast %parallel_loop3A_117 : vector<1x16xf32> to vector<16xf32>
      %parallel_loop3A_119 = arith.index_cast %parallel_loop3A_100 : i32 to index
      %parallel_loop3A_120 = arith.constant 16 : index
      %parallel_loop3A_121 = tpu.vector_load %arg10[%parallel_loop3A_119, %parallel_loop3A_120] {strides = array<i32>} : memref<80x128xf32, #tpu.memory_space<vmem>>, vector<1x16xf32>,
      %parallel_loop3A_122 = vector.shape_cast %parallel_loop3A_121 : vector<1x16xf32> to vector<16xf32>
      %parallel_loop3A_123 = arith.addf %parallel_loop3A_118, %parallel_loop3A_122 : vector<16xf32>
      %parallel_loop3A_124 = arith.index_cast %parallel_loop3A_100 : i32 to index
      %parallel_loop3A_125 = arith.constant 16 : index
      %parallel_loop3A_126 = tpu.vector_load %arg9[%parallel_loop3A_124, %parallel_loop3A_125] {strides = array<i32>} : memref<80x128xf32, #tpu.memory_space<vmem>>, vector<1x16xf32>,
      %parallel_loop3A_127 = vector.shape_cast %parallel_loop3A_126 : vector<1x16xf32> to vector<16xf32>
      %parallel_loop3A_128 = vector.shape_cast %parallel_loop3A_123 : vector<16xf32> to vector<1x16xf32>
      tpu.vector_store %arg9[%parallel_loop3A_124, %parallel_loop3A_125], %parallel_loop3A_128 {strides = array<i32>} : memref<80x128xf32, #tpu.memory_space<vmem>>, vector<1x16xf32>,
      %parallel_loop3A_129 = arith.index_cast %parallel_loop3A_100 : i32 to index
      %parallel_loop3A_130 = arith.constant 32 : index
      %parallel_loop3A_131 = tpu.vector_load %arg9[%parallel_loop3A_129, %parallel_loop3A_130] {strides = array<i32>} : memref<80x128xf32, #tpu.memory_space<vmem>>, vector<1x16xf32>,
      %parallel_loop3A_132 = vector.shape_cast %parallel_loop3A_131 : vector<1x16xf32> to vector<16xf32>
      %parallel_loop3A_133 = arith.index_cast %parallel_loop3A_100 : i32 to index
      %parallel_loop3A_134 = arith.constant 32 : index
      %parallel_loop3A_135 = tpu.vector_load %arg10[%parallel_loop3A_133, %parallel_loop3A_134] {strides = array<i32>} : memref<80x128xf32, #tpu.memory_space<vmem>>, vector<1x16xf32>,
      %parallel_loop3A_136 = vector.shape_cast %parallel_loop3A_135 : vector<1x16xf32> to vector<16xf32>
      %parallel_loop3A_137 = arith.addf %parallel_loop3A_132, %parallel_loop3A_136 : vector<16xf32>
      %parallel_loop3A_138 = arith.index_cast %parallel_loop3A_100 : i32 to index
      %parallel_loop3A_139 = arith.constant 32 : index
      %parallel_loop3A_140 = tpu.vector_load %arg9[%parallel_loop3A_138, %parallel_loop3A_139] {strides = array<i32>} : memref<80x128xf32, #tpu.memory_space<vmem>>, vector<1x16xf32>,
      %parallel_loop3A_141 = vector.shape_cast %parallel_loop3A_140 : vector<1x16xf32> to vector<16xf32>
      %parallel_loop3A_142 = vector.shape_cast %parallel_loop3A_137 : vector<16xf32> to vector<1x16xf32>
      tpu.vector_store %arg9[%parallel_loop3A_138, %parallel_loop3A_139], %parallel_loop3A_142 {strides = array<i32>} : memref<80x128xf32, #tpu.memory_space<vmem>>, vector<1x16xf32>,
      %parallel_loop3A_143 = arith.index_cast %parallel_loop3A_100 : i32 to index
      %parallel_loop3A_144 = arith.constant 48 : index
      %parallel_loop3A_145 = tpu.vector_load %arg9[%parallel_loop3A_143, %parallel_loop3A_144] {strides = array<i32>} : memref<80x128xf32, #tpu.memory_space<vmem>>, vector<1x16xf32>,
      %parallel_loop3A_146 = vector.shape_cast %parallel_loop3A_145 : vector<1x16xf32> to vector<16xf32>
      %parallel_loop3A_147 = arith.index_cast %parallel_loop3A_100 : i32 to index
      %parallel_loop3A_148 = arith.constant 48 : index
      %parallel_loop3A_149 = tpu.vector_load %arg10[%parallel_loop3A_147, %parallel_loop3A_148] {strides = array<i32>} : memref<80x128xf32, #tpu.memory_space<vmem>>, vector<1x16xf32>,
      %parallel_loop3A_150 = vector.shape_cast %parallel_loop3A_149 : vector<1x16xf32> to vector<16xf32>
      %parallel_loop3A_151 = arith.addf %parallel_loop3A_146, %parallel_loop3A_150 : vector<16xf32>
      %parallel_loop3A_152 = arith.index_cast %parallel_loop3A_100 : i32 to index
      %parallel_loop3A_153 = arith.constant 48 : index
      %parallel_loop3A_154 = tpu.vector_load %arg9[%parallel_loop3A_152, %parallel_loop3A_153] {strides = array<i32>} : memref<80x128xf32, #tpu.memory_space<vmem>>, vector<1x16xf32>,
      %parallel_loop3A_155 = vector.shape_cast %parallel_loop3A_154 : vector<1x16xf32> to vector<16xf32>
      %parallel_loop3A_156 = vector.shape_cast %parallel_loop3A_151 : vector<16xf32> to vector<1x16xf32>
      tpu.vector_store %arg9[%parallel_loop3A_152, %parallel_loop3A_153], %parallel_loop3A_156 {strides = array<i32>} : memref<80x128xf32, #tpu.memory_space<vmem>>, vector<1x16xf32>,
      %parallel_loop3A_157 = arith.index_cast %parallel_loop3A_100 : i32 to index
      %parallel_loop3A_158 = arith.constant 64 : index
      %parallel_loop3A_159 = tpu.vector_load %arg9[%parallel_loop3A_157, %parallel_loop3A_158] {strides = array<i32>} : memref<80x128xf32, #tpu.memory_space<vmem>>, vector<1x16xf32>,
      %parallel_loop3A_160 = vector.shape_cast %parallel_loop3A_159 : vector<1x16xf32> to vector<16xf32>
      %parallel_loop3A_161 = arith.index_cast %parallel_loop3A_100 : i32 to index
      %parallel_loop3A_162 = arith.constant 64 : index
      %parallel_loop3A_163 = tpu.vector_load %arg10[%parallel_loop3A_161, %parallel_loop3A_162] {strides = array<i32>} : memref<80x128xf32, #tpu.memory_space<vmem>>, vector<1x16xf32>,
      %parallel_loop3A_164 = vector.shape_cast %parallel_loop3A_163 : vector<1x16xf32> to vector<16xf32>
      %parallel_loop3A_165 = arith.addf %parallel_loop3A_160, %parallel_loop3A_164 : vector<16xf32>
      %parallel_loop3A_166 = arith.index_cast %parallel_loop3A_100 : i32 to index
      %parallel_loop3A_167 = arith.constant 64 : index
      %parallel_loop3A_168 = tpu.vector_load %arg9[%parallel_loop3A_166, %parallel_loop3A_167] {strides = array<i32>} : memref<80x128xf32, #tpu.memory_space<vmem>>, vector<1x16xf32>,
      %parallel_loop3A_169 = vector.shape_cast %parallel_loop3A_168 : vector<1x16xf32> to vector<16xf32>
      %parallel_loop3A_170 = vector.shape_cast %parallel_loop3A_165 : vector<16xf32> to vector<1x16xf32>
      tpu.vector_store %arg9[%parallel_loop3A_166, %parallel_loop3A_167], %parallel_loop3A_170 {strides = array<i32>} : memref<80x128xf32, #tpu.memory_space<vmem>>, vector<1x16xf32>,
      %parallel_loop3A_171 = arith.index_cast %parallel_loop3A_100 : i32 to index
      %parallel_loop3A_172 = arith.constant 80 : index
      %parallel_loop3A_173 = tpu.vector_load %arg9[%parallel_loop3A_171, %parallel_loop3A_172] {strides = array<i32>} : memref<80x128xf32, #tpu.memory_space<vmem>>, vector<1x16xf32>,
      %parallel_loop3A_174 = vector.shape_cast %parallel_loop3A_173 : vector<1x16xf32> to vector<16xf32>
      %parallel_loop3A_175 = arith.index_cast %parallel_loop3A_100 : i32 to index
      %parallel_loop3A_176 = arith.constant 80 : index
      %parallel_loop3A_177 = tpu.vector_load %arg10[%parallel_loop3A_175, %parallel_loop3A_176] {strides = array<i32>} : memref<80x128xf32, #tpu.memory_space<vmem>>, vector<1x16xf32>,
      %parallel_loop3A_178 = vector.shape_cast %parallel_loop3A_177 : vector<1x16xf32> to vector<16xf32>
      %parallel_loop3A_179 = arith.addf %parallel_loop3A_174, %parallel_loop3A_178 : vector<16xf32>
      %parallel_loop3A_180 = arith.index_cast %parallel_loop3A_100 : i32 to index
      %parallel_loop3A_181 = arith.constant 80 : index
      %parallel_loop3A_182 = tpu.vector_load %arg9[%parallel_loop3A_180, %parallel_loop3A_181] {strides = array<i32>} : memref<80x128xf32, #tpu.memory_space<vmem>>, vector<1x16xf32>,
      %parallel_loop3A_183 = vector.shape_cast %parallel_loop3A_182 : vector<1x16xf32> to vector<16xf32>
      %parallel_loop3A_184 = vector.shape_cast %parallel_loop3A_179 : vector<16xf32> to vector<1x16xf32>
      tpu.vector_store %arg9[%parallel_loop3A_180, %parallel_loop3A_181], %parallel_loop3A_184 {strides = array<i32>} : memref<80x128xf32, #tpu.memory_space<vmem>>, vector<1x16xf32>,
      %parallel_loop3A_185 = arith.index_cast %parallel_loop3A_100 : i32 to index
      %parallel_loop3A_186 = arith.constant 96 : index
      %parallel_loop3A_187 = tpu.vector_load %arg9[%parallel_loop3A_185, %parallel_loop3A_186] {strides = array<i32>} : memref<80x128xf32, #tpu.memory_space<vmem>>, vector<1x16xf32>,
      %parallel_loop3A_188 = vector.shape_cast %parallel_loop3A_187 : vector<1x16xf32> to vector<16xf32>
      %parallel_loop3A_189 = arith.index_cast %parallel_loop3A_100 : i32 to index
      %parallel_loop3A_190 = arith.constant 96 : index
      %parallel_loop3A_191 = tpu.vector_load %arg10[%parallel_loop3A_189, %parallel_loop3A_190] {strides = array<i32>} : memref<80x128xf32, #tpu.memory_space<vmem>>, vector<1x16xf32>,
      %parallel_loop3A_192 = vector.shape_cast %parallel_loop3A_191 : vector<1x16xf32> to vector<16xf32>
      %parallel_loop3A_193 = arith.addf %parallel_loop3A_188, %parallel_loop3A_192 : vector<16xf32>
      %parallel_loop3A_194 = arith.index_cast %parallel_loop3A_100 : i32 to index
      %parallel_loop3A_195 = arith.constant 96 : index
      %parallel_loop3A_196 = tpu.vector_load %arg9[%parallel_loop3A_194, %parallel_loop3A_195] {strides = array<i32>} : memref<80x128xf32, #tpu.memory_space<vmem>>, vector<1x16xf32>,
      %parallel_loop3A_197 = vector.shape_cast %parallel_loop3A_196 : vector<1x16xf32> to vector<16xf32>
      %parallel_loop3A_198 = vector.shape_cast %parallel_loop3A_193 : vector<16xf32> to vector<1x16xf32>
      tpu.vector_store %arg9[%parallel_loop3A_194, %parallel_loop3A_195], %parallel_loop3A_198 {strides = array<i32>} : memref<80x128xf32, #tpu.memory_space<vmem>>, vector<1x16xf32>,
      %parallel_loop3A_199 = arith.index_cast %parallel_loop3A_100 : i32 to index
      %parallel_loop3A_200 = arith.constant 112 : index
      %parallel_loop3A_201 = tpu.vector_load %arg9[%parallel_loop3A_199, %parallel_loop3A_200] {strides = array<i32>} : memref<80x128xf32, #tpu.memory_space<vmem>>, vector<1x16xf32>,
      %parallel_loop3A_202 = vector.shape_cast %parallel_loop3A_201 : vector<1x16xf32> to vector<16xf32>
      %parallel_loop3A_203 = arith.index_cast %parallel_loop3A_100 : i32 to index
      %parallel_loop3A_204 = arith.constant 112 : index
      %parallel_loop3A_205 = tpu.vector_load %arg10[%parallel_loop3A_203, %parallel_loop3A_204] {strides = array<i32>} : memref<80x128xf32, #tpu.memory_space<vmem>>, vector<1x16xf32>,
      %parallel_loop3A_206 = vector.shape_cast %parallel_loop3A_205 : vector<1x16xf32> to vector<16xf32>
      %parallel_loop3A_207 = arith.addf %parallel_loop3A_202, %parallel_loop3A_206 : vector<16xf32>
      %parallel_loop3A_208 = arith.index_cast %parallel_loop3A_100 : i32 to index
      %parallel_loop3A_209 = arith.constant 112 : index
      %parallel_loop3A_210 = tpu.vector_load %arg9[%parallel_loop3A_208, %parallel_loop3A_209] {strides = array<i32>} : memref<80x128xf32, #tpu.memory_space<vmem>>, vector<1x16xf32>,
      %parallel_loop3A_211 = vector.shape_cast %parallel_loop3A_210 : vector<1x16xf32> to vector<16xf32>
      %parallel_loop3A_212 = vector.shape_cast %parallel_loop3A_207 : vector<16xf32> to vector<1x16xf32>
      tpu.vector_store %arg9[%parallel_loop3A_208, %parallel_loop3A_209], %parallel_loop3A_212 {strides = array<i32>} : memref<80x128xf32, #tpu.memory_space<vmem>>, vector<1x16xf32>,
    } {sc.loop_unroll_factor = 4 : i64, sc.parallel_access}
    %add3A_48 = arith.constant 80 : i32
    %add3A_49 = arith.addi %mul3A_2, %add3A_48 : i32
    "tpu.region"() ({
      %run_scoped3A = tpu.sem_alloc : memref<!tpu.dma_semaphore, #tpu.memory_space<semaphore_mem>>
      %dma_start3A_100 = arith.constant 0 : i32
      %dma_start3A_101 = tpu.memref_slice %arg6[%add3A_49, %dma_start3A_100] : memref<10240x128xf32, #tpu.memory_space<hbm>> -> memref<80x128xf32, #tpu.memory_space<hbm>>
      %dma_start3A_102 = arith.constant 0 : i32
      %dma_start3A_103 = tpu.memref_slice %arg6[%add3A_49, %dma_start3A_102] : memref<10240x128xf32, #tpu.memory_space<hbm>> -> memref<80x128xf32, #tpu.memory_space<hbm>>
      tpu.enqueue_dma source(%arg9 : memref<80x128xf32, #tpu.memory_space<vmem>>) target(%dma_start3A_103 : memref<80x128xf32, #tpu.memory_space<hbm>>) target_semaphore(%run_scoped3A : memref<!tpu.dma_semaphore, #tpu.memory_space<semaphore_mem>>)
      %dma_wait3A_104 = arith.constant 0 : i32
      %dma_wait3A_105 = tpu.memref_slice %arg6[%add3A_49, %dma_wait3A_104] : memref<10240x128xf32, #tpu.memory_space<hbm>> -> memref<80x128xf32, #tpu.memory_space<hbm>>
      %dma_wait3A_106 = arith.constant 0 : i32
      %dma_wait3A_107 = tpu.memref_slice %arg6[%add3A_49, %dma_wait3A_106] : memref<10240x128xf32, #tpu.memory_space<hbm>> -> memref<80x128xf32, #tpu.memory_space<hbm>>
      tpu.wait_dma2 semaphore(%run_scoped3A : memref<!tpu.dma_semaphore, #tpu.memory_space<semaphore_mem>>) src(%arg9 : memref<80x128xf32, #tpu.memory_space<vmem>>) dst(%dma_wait3A_107 : memref<80x128xf32, #tpu.memory_space<hbm>>)
      tpu.yield
    }) : () -> ()
    %dma_start3A_50 = arith.constant 160 : i32
    %dma_start3A_51 = tpu.memref_slice %arg7[%dma_start3A_50] : memref<320xi32, #tpu.memory_space<vmem>> -> memref<80xi32, #tpu.memory_space<vmem>>
    %dma_start3A_52 = arith.constant 0 : i32
    %dma_start3A_53 = arith.constant 0 : i32
    %dma_start3A_54 = tpu.memref_slice %arg4[%dma_start3A_52, %dma_start3A_53] : memref<10001x128xf32, #tpu.memory_space<hbm>> -> memref<10001x128xf32, #tpu.memory_space<hbm>>
    tpu.enqueue_indirect_dma source(%dma_start3A_54 : memref<10001x128xf32, #tpu.memory_space<hbm>>) target(%arg9 : memref<80x128xf32, #tpu.memory_space<vmem>>) offsets(%dma_start3A_51 : memref<80xi32, #tpu.memory_space<vmem>>) semaphore(%arg11 : memref<!tpu.dma_semaphore, #tpu.memory_space<semaphore_mem>>)
    %dma_start3A_55 = arith.constant 160 : i32
    %dma_start3A_56 = tpu.memref_slice %arg8[%dma_start3A_55] : memref<320xi32, #tpu.memory_space<vmem>> -> memref<80xi32, #tpu.memory_space<vmem>>
    %dma_start3A_57 = arith.constant 0 : i32
    %dma_start3A_58 = arith.constant 0 : i32
    %dma_start3A_59 = tpu.memref_slice %arg5[%dma_start3A_57, %dma_start3A_58] : memref<10001x128xf32, #tpu.memory_space<hbm>> -> memref<10001x128xf32, #tpu.memory_space<hbm>>
    tpu.enqueue_indirect_dma source(%dma_start3A_59 : memref<10001x128xf32, #tpu.memory_space<hbm>>) target(%arg10 : memref<80x128xf32, #tpu.memory_space<vmem>>) offsets(%dma_start3A_56 : memref<80xi32, #tpu.memory_space<vmem>>) semaphore(%arg12 : memref<!tpu.dma_semaphore, #tpu.memory_space<semaphore_mem>>)
    %dma_wait3A_60 = arith.constant 160 : i32
    %dma_wait3A_61 = tpu.memref_slice %arg7[%dma_wait3A_60] : memref<320xi32, #tpu.memory_space<vmem>> -> memref<80xi32, #tpu.memory_space<vmem>>
    %dma_wait3A_62 = arith.constant 0 : i32
    %dma_wait3A_63 = arith.constant 0 : i32
    %dma_wait3A_64 = tpu.memref_slice %arg4[%dma_wait3A_62, %dma_wait3A_63] : memref<10001x128xf32, #tpu.memory_space<hbm>> -> memref<10001x128xf32, #tpu.memory_space<hbm>>
    tpu.wait_indirect_dma semaphore(%arg11 : memref<!tpu.dma_semaphore, #tpu.memory_space<semaphore_mem>>) src(%dma_wait3A_64 : memref<10001x128xf32, #tpu.memory_space<hbm>>) dst(%arg9 : memref<80x128xf32, #tpu.memory_space<vmem>>)
    %dma_wait3A_65 = arith.constant 160 : i32
    %dma_wait3A_66 = tpu.memref_slice %arg8[%dma_wait3A_65] : memref<320xi32, #tpu.memory_space<vmem>> -> memref<80xi32, #tpu.memory_space<vmem>>
    %dma_wait3A_67 = arith.constant 0 : i32
    %dma_wait3A_68 = arith.constant 0 : i32
    %dma_wait3A_69 = tpu.memref_slice %arg5[%dma_wait3A_67, %dma_wait3A_68] : memref<10001x128xf32, #tpu.memory_space<hbm>> -> memref<10001x128xf32, #tpu.memory_space<hbm>>
    tpu.wait_indirect_dma semaphore(%arg12 : memref<!tpu.dma_semaphore, #tpu.memory_space<semaphore_mem>>) src(%dma_wait3A_69 : memref<10001x128xf32, #tpu.memory_space<hbm>>) dst(%arg10 : memref<80x128xf32, #tpu.memory_space<vmem>>)
    %parallel_loop3A_70 = arith.constant 0 : i32
    %parallel_loop3A_71 = arith.constant 80 : i32
    %parallel_loop3A_72 = arith.constant 1 : i32
    scf.for %parallel_loop3A_100 = %parallel_loop3A_70 to %parallel_loop3A_71 step %parallel_loop3A_72  : i32 {
      %parallel_loop3A_101 = arith.index_cast %parallel_loop3A_100 : i32 to index
      %parallel_loop3A_102 = arith.constant 0 : index
      %parallel_loop3A_103 = tpu.vector_load %arg9[%parallel_loop3A_101, %parallel_loop3A_102] {strides = array<i32>} : memref<80x128xf32, #tpu.memory_space<vmem>>, vector<1x16xf32>,
      %parallel_loop3A_104 = vector.shape_cast %parallel_loop3A_103 : vector<1x16xf32> to vector<16xf32>
      %parallel_loop3A_105 = arith.index_cast %parallel_loop3A_100 : i32 to index
      %parallel_loop3A_106 = arith.constant 0 : index
      %parallel_loop3A_107 = tpu.vector_load %arg10[%parallel_loop3A_105, %parallel_loop3A_106] {strides = array<i32>} : memref<80x128xf32, #tpu.memory_space<vmem>>, vector<1x16xf32>,
      %parallel_loop3A_108 = vector.shape_cast %parallel_loop3A_107 : vector<1x16xf32> to vector<16xf32>
      %parallel_loop3A_109 = arith.addf %parallel_loop3A_104, %parallel_loop3A_108 : vector<16xf32>
      %parallel_loop3A_110 = arith.index_cast %parallel_loop3A_100 : i32 to index
      %parallel_loop3A_111 = arith.constant 0 : index
      %parallel_loop3A_112 = tpu.vector_load %arg9[%parallel_loop3A_110, %parallel_loop3A_111] {strides = array<i32>} : memref<80x128xf32, #tpu.memory_space<vmem>>, vector<1x16xf32>,
      %parallel_loop3A_113 = vector.shape_cast %parallel_loop3A_112 : vector<1x16xf32> to vector<16xf32>
      %parallel_loop3A_114 = vector.shape_cast %parallel_loop3A_109 : vector<16xf32> to vector<1x16xf32>
      tpu.vector_store %arg9[%parallel_loop3A_110, %parallel_loop3A_111], %parallel_loop3A_114 {strides = array<i32>} : memref<80x128xf32, #tpu.memory_space<vmem>>, vector<1x16xf32>,
      %parallel_loop3A_115 = arith.index_cast %parallel_loop3A_100 : i32 to index
      %parallel_loop3A_116 = arith.constant 16 : index
      %parallel_loop3A_117 = tpu.vector_load %arg9[%parallel_loop3A_115, %parallel_loop3A_116] {strides = array<i32>} : memref<80x128xf32, #tpu.memory_space<vmem>>, vector<1x16xf32>,
      %parallel_loop3A_118 = vector.shape_cast %parallel_loop3A_117 : vector<1x16xf32> to vector<16xf32>
      %parallel_loop3A_119 = arith.index_cast %parallel_loop3A_100 : i32 to index
      %parallel_loop3A_120 = arith.constant 16 : index
      %parallel_loop3A_121 = tpu.vector_load %arg10[%parallel_loop3A_119, %parallel_loop3A_120] {strides = array<i32>} : memref<80x128xf32, #tpu.memory_space<vmem>>, vector<1x16xf32>,
      %parallel_loop3A_122 = vector.shape_cast %parallel_loop3A_121 : vector<1x16xf32> to vector<16xf32>
      %parallel_loop3A_123 = arith.addf %parallel_loop3A_118, %parallel_loop3A_122 : vector<16xf32>
      %parallel_loop3A_124 = arith.index_cast %parallel_loop3A_100 : i32 to index
      %parallel_loop3A_125 = arith.constant 16 : index
      %parallel_loop3A_126 = tpu.vector_load %arg9[%parallel_loop3A_124, %parallel_loop3A_125] {strides = array<i32>} : memref<80x128xf32, #tpu.memory_space<vmem>>, vector<1x16xf32>,
      %parallel_loop3A_127 = vector.shape_cast %parallel_loop3A_126 : vector<1x16xf32> to vector<16xf32>
      %parallel_loop3A_128 = vector.shape_cast %parallel_loop3A_123 : vector<16xf32> to vector<1x16xf32>
      tpu.vector_store %arg9[%parallel_loop3A_124, %parallel_loop3A_125], %parallel_loop3A_128 {strides = array<i32>} : memref<80x128xf32, #tpu.memory_space<vmem>>, vector<1x16xf32>,
      %parallel_loop3A_129 = arith.index_cast %parallel_loop3A_100 : i32 to index
      %parallel_loop3A_130 = arith.constant 32 : index
      %parallel_loop3A_131 = tpu.vector_load %arg9[%parallel_loop3A_129, %parallel_loop3A_130] {strides = array<i32>} : memref<80x128xf32, #tpu.memory_space<vmem>>, vector<1x16xf32>,
      %parallel_loop3A_132 = vector.shape_cast %parallel_loop3A_131 : vector<1x16xf32> to vector<16xf32>
      %parallel_loop3A_133 = arith.index_cast %parallel_loop3A_100 : i32 to index
      %parallel_loop3A_134 = arith.constant 32 : index
      %parallel_loop3A_135 = tpu.vector_load %arg10[%parallel_loop3A_133, %parallel_loop3A_134] {strides = array<i32>} : memref<80x128xf32, #tpu.memory_space<vmem>>, vector<1x16xf32>,
      %parallel_loop3A_136 = vector.shape_cast %parallel_loop3A_135 : vector<1x16xf32> to vector<16xf32>
      %parallel_loop3A_137 = arith.addf %parallel_loop3A_132, %parallel_loop3A_136 : vector<16xf32>
      %parallel_loop3A_138 = arith.index_cast %parallel_loop3A_100 : i32 to index
      %parallel_loop3A_139 = arith.constant 32 : index
      %parallel_loop3A_140 = tpu.vector_load %arg9[%parallel_loop3A_138, %parallel_loop3A_139] {strides = array<i32>} : memref<80x128xf32, #tpu.memory_space<vmem>>, vector<1x16xf32>,
      %parallel_loop3A_141 = vector.shape_cast %parallel_loop3A_140 : vector<1x16xf32> to vector<16xf32>
      %parallel_loop3A_142 = vector.shape_cast %parallel_loop3A_137 : vector<16xf32> to vector<1x16xf32>
      tpu.vector_store %arg9[%parallel_loop3A_138, %parallel_loop3A_139], %parallel_loop3A_142 {strides = array<i32>} : memref<80x128xf32, #tpu.memory_space<vmem>>, vector<1x16xf32>,
      %parallel_loop3A_143 = arith.index_cast %parallel_loop3A_100 : i32 to index
      %parallel_loop3A_144 = arith.constant 48 : index
      %parallel_loop3A_145 = tpu.vector_load %arg9[%parallel_loop3A_143, %parallel_loop3A_144] {strides = array<i32>} : memref<80x128xf32, #tpu.memory_space<vmem>>, vector<1x16xf32>,
      %parallel_loop3A_146 = vector.shape_cast %parallel_loop3A_145 : vector<1x16xf32> to vector<16xf32>
      %parallel_loop3A_147 = arith.index_cast %parallel_loop3A_100 : i32 to index
      %parallel_loop3A_148 = arith.constant 48 : index
      %parallel_loop3A_149 = tpu.vector_load %arg10[%parallel_loop3A_147, %parallel_loop3A_148] {strides = array<i32>} : memref<80x128xf32, #tpu.memory_space<vmem>>, vector<1x16xf32>,
      %parallel_loop3A_150 = vector.shape_cast %parallel_loop3A_149 : vector<1x16xf32> to vector<16xf32>
      %parallel_loop3A_151 = arith.addf %parallel_loop3A_146, %parallel_loop3A_150 : vector<16xf32>
      %parallel_loop3A_152 = arith.index_cast %parallel_loop3A_100 : i32 to index
      %parallel_loop3A_153 = arith.constant 48 : index
      %parallel_loop3A_154 = tpu.vector_load %arg9[%parallel_loop3A_152, %parallel_loop3A_153] {strides = array<i32>} : memref<80x128xf32, #tpu.memory_space<vmem>>, vector<1x16xf32>,
      %parallel_loop3A_155 = vector.shape_cast %parallel_loop3A_154 : vector<1x16xf32> to vector<16xf32>
      %parallel_loop3A_156 = vector.shape_cast %parallel_loop3A_151 : vector<16xf32> to vector<1x16xf32>
      tpu.vector_store %arg9[%parallel_loop3A_152, %parallel_loop3A_153], %parallel_loop3A_156 {strides = array<i32>} : memref<80x128xf32, #tpu.memory_space<vmem>>, vector<1x16xf32>,
      %parallel_loop3A_157 = arith.index_cast %parallel_loop3A_100 : i32 to index
      %parallel_loop3A_158 = arith.constant 64 : index
      %parallel_loop3A_159 = tpu.vector_load %arg9[%parallel_loop3A_157, %parallel_loop3A_158] {strides = array<i32>} : memref<80x128xf32, #tpu.memory_space<vmem>>, vector<1x16xf32>,
      %parallel_loop3A_160 = vector.shape_cast %parallel_loop3A_159 : vector<1x16xf32> to vector<16xf32>
      %parallel_loop3A_161 = arith.index_cast %parallel_loop3A_100 : i32 to index
      %parallel_loop3A_162 = arith.constant 64 : index
      %parallel_loop3A_163 = tpu.vector_load %arg10[%parallel_loop3A_161, %parallel_loop3A_162] {strides = array<i32>} : memref<80x128xf32, #tpu.memory_space<vmem>>, vector<1x16xf32>,
      %parallel_loop3A_164 = vector.shape_cast %parallel_loop3A_163 : vector<1x16xf32> to vector<16xf32>
      %parallel_loop3A_165 = arith.addf %parallel_loop3A_160, %parallel_loop3A_164 : vector<16xf32>
      %parallel_loop3A_166 = arith.index_cast %parallel_loop3A_100 : i32 to index
      %parallel_loop3A_167 = arith.constant 64 : index
      %parallel_loop3A_168 = tpu.vector_load %arg9[%parallel_loop3A_166, %parallel_loop3A_167] {strides = array<i32>} : memref<80x128xf32, #tpu.memory_space<vmem>>, vector<1x16xf32>,
      %parallel_loop3A_169 = vector.shape_cast %parallel_loop3A_168 : vector<1x16xf32> to vector<16xf32>
      %parallel_loop3A_170 = vector.shape_cast %parallel_loop3A_165 : vector<16xf32> to vector<1x16xf32>
      tpu.vector_store %arg9[%parallel_loop3A_166, %parallel_loop3A_167], %parallel_loop3A_170 {strides = array<i32>} : memref<80x128xf32, #tpu.memory_space<vmem>>, vector<1x16xf32>,
      %parallel_loop3A_171 = arith.index_cast %parallel_loop3A_100 : i32 to index
      %parallel_loop3A_172 = arith.constant 80 : index
      %parallel_loop3A_173 = tpu.vector_load %arg9[%parallel_loop3A_171, %parallel_loop3A_172] {strides = array<i32>} : memref<80x128xf32, #tpu.memory_space<vmem>>, vector<1x16xf32>,
      %parallel_loop3A_174 = vector.shape_cast %parallel_loop3A_173 : vector<1x16xf32> to vector<16xf32>
      %parallel_loop3A_175 = arith.index_cast %parallel_loop3A_100 : i32 to index
      %parallel_loop3A_176 = arith.constant 80 : index
      %parallel_loop3A_177 = tpu.vector_load %arg10[%parallel_loop3A_175, %parallel_loop3A_176] {strides = array<i32>} : memref<80x128xf32, #tpu.memory_space<vmem>>, vector<1x16xf32>,
      %parallel_loop3A_178 = vector.shape_cast %parallel_loop3A_177 : vector<1x16xf32> to vector<16xf32>
      %parallel_loop3A_179 = arith.addf %parallel_loop3A_174, %parallel_loop3A_178 : vector<16xf32>
      %parallel_loop3A_180 = arith.index_cast %parallel_loop3A_100 : i32 to index
      %parallel_loop3A_181 = arith.constant 80 : index
      %parallel_loop3A_182 = tpu.vector_load %arg9[%parallel_loop3A_180, %parallel_loop3A_181] {strides = array<i32>} : memref<80x128xf32, #tpu.memory_space<vmem>>, vector<1x16xf32>,
      %parallel_loop3A_183 = vector.shape_cast %parallel_loop3A_182 : vector<1x16xf32> to vector<16xf32>
      %parallel_loop3A_184 = vector.shape_cast %parallel_loop3A_179 : vector<16xf32> to vector<1x16xf32>
      tpu.vector_store %arg9[%parallel_loop3A_180, %parallel_loop3A_181], %parallel_loop3A_184 {strides = array<i32>} : memref<80x128xf32, #tpu.memory_space<vmem>>, vector<1x16xf32>,
      %parallel_loop3A_185 = arith.index_cast %parallel_loop3A_100 : i32 to index
      %parallel_loop3A_186 = arith.constant 96 : index
      %parallel_loop3A_187 = tpu.vector_load %arg9[%parallel_loop3A_185, %parallel_loop3A_186] {strides = array<i32>} : memref<80x128xf32, #tpu.memory_space<vmem>>, vector<1x16xf32>,
      %parallel_loop3A_188 = vector.shape_cast %parallel_loop3A_187 : vector<1x16xf32> to vector<16xf32>
      %parallel_loop3A_189 = arith.index_cast %parallel_loop3A_100 : i32 to index
      %parallel_loop3A_190 = arith.constant 96 : index
      %parallel_loop3A_191 = tpu.vector_load %arg10[%parallel_loop3A_189, %parallel_loop3A_190] {strides = array<i32>} : memref<80x128xf32, #tpu.memory_space<vmem>>, vector<1x16xf32>,
      %parallel_loop3A_192 = vector.shape_cast %parallel_loop3A_191 : vector<1x16xf32> to vector<16xf32>
      %parallel_loop3A_193 = arith.addf %parallel_loop3A_188, %parallel_loop3A_192 : vector<16xf32>
      %parallel_loop3A_194 = arith.index_cast %parallel_loop3A_100 : i32 to index
      %parallel_loop3A_195 = arith.constant 96 : index
      %parallel_loop3A_196 = tpu.vector_load %arg9[%parallel_loop3A_194, %parallel_loop3A_195] {strides = array<i32>} : memref<80x128xf32, #tpu.memory_space<vmem>>, vector<1x16xf32>,
      %parallel_loop3A_197 = vector.shape_cast %parallel_loop3A_196 : vector<1x16xf32> to vector<16xf32>
      %parallel_loop3A_198 = vector.shape_cast %parallel_loop3A_193 : vector<16xf32> to vector<1x16xf32>
      tpu.vector_store %arg9[%parallel_loop3A_194, %parallel_loop3A_195], %parallel_loop3A_198 {strides = array<i32>} : memref<80x128xf32, #tpu.memory_space<vmem>>, vector<1x16xf32>,
      %parallel_loop3A_199 = arith.index_cast %parallel_loop3A_100 : i32 to index
      %parallel_loop3A_200 = arith.constant 112 : index
      %parallel_loop3A_201 = tpu.vector_load %arg9[%parallel_loop3A_199, %parallel_loop3A_200] {strides = array<i32>} : memref<80x128xf32, #tpu.memory_space<vmem>>, vector<1x16xf32>,
      %parallel_loop3A_202 = vector.shape_cast %parallel_loop3A_201 : vector<1x16xf32> to vector<16xf32>
      %parallel_loop3A_203 = arith.index_cast %parallel_loop3A_100 : i32 to index
      %parallel_loop3A_204 = arith.constant 112 : index
      %parallel_loop3A_205 = tpu.vector_load %arg10[%parallel_loop3A_203, %parallel_loop3A_204] {strides = array<i32>} : memref<80x128xf32, #tpu.memory_space<vmem>>, vector<1x16xf32>,
      %parallel_loop3A_206 = vector.shape_cast %parallel_loop3A_205 : vector<1x16xf32> to vector<16xf32>
      %parallel_loop3A_207 = arith.addf %parallel_loop3A_202, %parallel_loop3A_206 : vector<16xf32>
      %parallel_loop3A_208 = arith.index_cast %parallel_loop3A_100 : i32 to index
      %parallel_loop3A_209 = arith.constant 112 : index
      %parallel_loop3A_210 = tpu.vector_load %arg9[%parallel_loop3A_208, %parallel_loop3A_209] {strides = array<i32>} : memref<80x128xf32, #tpu.memory_space<vmem>>, vector<1x16xf32>,
      %parallel_loop3A_211 = vector.shape_cast %parallel_loop3A_210 : vector<1x16xf32> to vector<16xf32>
      %parallel_loop3A_212 = vector.shape_cast %parallel_loop3A_207 : vector<16xf32> to vector<1x16xf32>
      tpu.vector_store %arg9[%parallel_loop3A_208, %parallel_loop3A_209], %parallel_loop3A_212 {strides = array<i32>} : memref<80x128xf32, #tpu.memory_space<vmem>>, vector<1x16xf32>,
    } {sc.loop_unroll_factor = 4 : i64, sc.parallel_access}
    %add3A_73 = arith.constant 160 : i32
    %add3A_74 = arith.addi %mul3A_2, %add3A_73 : i32
    "tpu.region"() ({
      %run_scoped3A = tpu.sem_alloc : memref<!tpu.dma_semaphore, #tpu.memory_space<semaphore_mem>>
      %dma_start3A_100 = arith.constant 0 : i32
      %dma_start3A_101 = tpu.memref_slice %arg6[%add3A_74, %dma_start3A_100] : memref<10240x128xf32, #tpu.memory_space<hbm>> -> memref<80x128xf32, #tpu.memory_space<hbm>>
      %dma_start3A_102 = arith.constant 0 : i32
      %dma_start3A_103 = tpu.memref_slice %arg6[%add3A_74, %dma_start3A_102] : memref<10240x128xf32, #tpu.memory_space<hbm>> -> memref<80x128xf32, #tpu.memory_space<hbm>>
      tpu.enqueue_dma source(%arg9 : memref<80x128xf32, #tpu.memory_space<vmem>>) target(%dma_start3A_103 : memref<80x128xf32, #tpu.memory_space<hbm>>) target_semaphore(%run_scoped3A : memref<!tpu.dma_semaphore, #tpu.memory_space<semaphore_mem>>)
      %dma_wait3A_104 = arith.constant 0 : i32
      %dma_wait3A_105 = tpu.memref_slice %arg6[%add3A_74, %dma_wait3A_104] : memref<10240x128xf32, #tpu.memory_space<hbm>> -> memref<80x128xf32, #tpu.memory_space<hbm>>
      %dma_wait3A_106 = arith.constant 0 : i32
      %dma_wait3A_107 = tpu.memref_slice %arg6[%add3A_74, %dma_wait3A_106] : memref<10240x128xf32, #tpu.memory_space<hbm>> -> memref<80x128xf32, #tpu.memory_space<hbm>>
      tpu.wait_dma2 semaphore(%run_scoped3A : memref<!tpu.dma_semaphore, #tpu.memory_space<semaphore_mem>>) src(%arg9 : memref<80x128xf32, #tpu.memory_space<vmem>>) dst(%dma_wait3A_107 : memref<80x128xf32, #tpu.memory_space<hbm>>)
      tpu.yield
    }) : () -> ()
    %dma_start3A_75 = arith.constant 240 : i32
    %dma_start3A_76 = tpu.memref_slice %arg7[%dma_start3A_75] : memref<320xi32, #tpu.memory_space<vmem>> -> memref<80xi32, #tpu.memory_space<vmem>>
    %dma_start3A_77 = arith.constant 0 : i32
    %dma_start3A_78 = arith.constant 0 : i32
    %dma_start3A_79 = tpu.memref_slice %arg4[%dma_start3A_77, %dma_start3A_78] : memref<10001x128xf32, #tpu.memory_space<hbm>> -> memref<10001x128xf32, #tpu.memory_space<hbm>>
    tpu.enqueue_indirect_dma source(%dma_start3A_79 : memref<10001x128xf32, #tpu.memory_space<hbm>>) target(%arg9 : memref<80x128xf32, #tpu.memory_space<vmem>>) offsets(%dma_start3A_76 : memref<80xi32, #tpu.memory_space<vmem>>) semaphore(%arg11 : memref<!tpu.dma_semaphore, #tpu.memory_space<semaphore_mem>>)
    %dma_start3A_80 = arith.constant 240 : i32
    %dma_start3A_81 = tpu.memref_slice %arg8[%dma_start3A_80] : memref<320xi32, #tpu.memory_space<vmem>> -> memref<80xi32, #tpu.memory_space<vmem>>
    %dma_start3A_82 = arith.constant 0 : i32
    %dma_start3A_83 = arith.constant 0 : i32
    %dma_start3A_84 = tpu.memref_slice %arg5[%dma_start3A_82, %dma_start3A_83] : memref<10001x128xf32, #tpu.memory_space<hbm>> -> memref<10001x128xf32, #tpu.memory_space<hbm>>
    tpu.enqueue_indirect_dma source(%dma_start3A_84 : memref<10001x128xf32, #tpu.memory_space<hbm>>) target(%arg10 : memref<80x128xf32, #tpu.memory_space<vmem>>) offsets(%dma_start3A_81 : memref<80xi32, #tpu.memory_space<vmem>>) semaphore(%arg12 : memref<!tpu.dma_semaphore, #tpu.memory_space<semaphore_mem>>)
    %dma_wait3A_85 = arith.constant 240 : i32
    %dma_wait3A_86 = tpu.memref_slice %arg7[%dma_wait3A_85] : memref<320xi32, #tpu.memory_space<vmem>> -> memref<80xi32, #tpu.memory_space<vmem>>
    %dma_wait3A_87 = arith.constant 0 : i32
    %dma_wait3A_88 = arith.constant 0 : i32
    %dma_wait3A_89 = tpu.memref_slice %arg4[%dma_wait3A_87, %dma_wait3A_88] : memref<10001x128xf32, #tpu.memory_space<hbm>> -> memref<10001x128xf32, #tpu.memory_space<hbm>>
    tpu.wait_indirect_dma semaphore(%arg11 : memref<!tpu.dma_semaphore, #tpu.memory_space<semaphore_mem>>) src(%dma_wait3A_89 : memref<10001x128xf32, #tpu.memory_space<hbm>>) dst(%arg9 : memref<80x128xf32, #tpu.memory_space<vmem>>)
    %dma_wait3A_90 = arith.constant 240 : i32
    %dma_wait3A_91 = tpu.memref_slice %arg8[%dma_wait3A_90] : memref<320xi32, #tpu.memory_space<vmem>> -> memref<80xi32, #tpu.memory_space<vmem>>
    %dma_wait3A_92 = arith.constant 0 : i32
    %dma_wait3A_93 = arith.constant 0 : i32
    %dma_wait3A_94 = tpu.memref_slice %arg5[%dma_wait3A_92, %dma_wait3A_93] : memref<10001x128xf32, #tpu.memory_space<hbm>> -> memref<10001x128xf32, #tpu.memory_space<hbm>>
    tpu.wait_indirect_dma semaphore(%arg12 : memref<!tpu.dma_semaphore, #tpu.memory_space<semaphore_mem>>) src(%dma_wait3A_94 : memref<10001x128xf32, #tpu.memory_space<hbm>>) dst(%arg10 : memref<80x128xf32, #tpu.memory_space<vmem>>)
    %parallel_loop3A_95 = arith.constant 0 : i32
    %parallel_loop3A_96 = arith.constant 80 : i32
    %parallel_loop3A_97 = arith.constant 1 : i32
    scf.for %parallel_loop3A_100 = %parallel_loop3A_95 to %parallel_loop3A_96 step %parallel_loop3A_97  : i32 {
      %parallel_loop3A_101 = arith.index_cast %parallel_loop3A_100 : i32 to index
      %parallel_loop3A_102 = arith.constant 0 : index
      %parallel_loop3A_103 = tpu.vector_load %arg9[%parallel_loop3A_101, %parallel_loop3A_102] {strides = array<i32>} : memref<80x128xf32, #tpu.memory_space<vmem>>, vector<1x16xf32>,
      %parallel_loop3A_104 = vector.shape_cast %parallel_loop3A_103 : vector<1x16xf32> to vector<16xf32>
      %parallel_loop3A_105 = arith.index_cast %parallel_loop3A_100 : i32 to index
      %parallel_loop3A_106 = arith.constant 0 : index
      %parallel_loop3A_107 = tpu.vector_load %arg10[%parallel_loop3A_105, %parallel_loop3A_106] {strides = array<i32>} : memref<80x128xf32, #tpu.memory_space<vmem>>, vector<1x16xf32>,
      %parallel_loop3A_108 = vector.shape_cast %parallel_loop3A_107 : vector<1x16xf32> to vector<16xf32>
      %parallel_loop3A_109 = arith.addf %parallel_loop3A_104, %parallel_loop3A_108 : vector<16xf32>
      %parallel_loop3A_110 = arith.index_cast %parallel_loop3A_100 : i32 to index
      %parallel_loop3A_111 = arith.constant 0 : index
      %parallel_loop3A_112 = tpu.vector_load %arg9[%parallel_loop3A_110, %parallel_loop3A_111] {strides = array<i32>} : memref<80x128xf32, #tpu.memory_space<vmem>>, vector<1x16xf32>,
      %parallel_loop3A_113 = vector.shape_cast %parallel_loop3A_112 : vector<1x16xf32> to vector<16xf32>
      %parallel_loop3A_114 = vector.shape_cast %parallel_loop3A_109 : vector<16xf32> to vector<1x16xf32>
      tpu.vector_store %arg9[%parallel_loop3A_110, %parallel_loop3A_111], %parallel_loop3A_114 {strides = array<i32>} : memref<80x128xf32, #tpu.memory_space<vmem>>, vector<1x16xf32>,
      %parallel_loop3A_115 = arith.index_cast %parallel_loop3A_100 : i32 to index
      %parallel_loop3A_116 = arith.constant 16 : index
      %parallel_loop3A_117 = tpu.vector_load %arg9[%parallel_loop3A_115, %parallel_loop3A_116] {strides = array<i32>} : memref<80x128xf32, #tpu.memory_space<vmem>>, vector<1x16xf32>,
      %parallel_loop3A_118 = vector.shape_cast %parallel_loop3A_117 : vector<1x16xf32> to vector<16xf32>
      %parallel_loop3A_119 = arith.index_cast %parallel_loop3A_100 : i32 to index
      %parallel_loop3A_120 = arith.constant 16 : index
      %parallel_loop3A_121 = tpu.vector_load %arg10[%parallel_loop3A_119, %parallel_loop3A_120] {strides = array<i32>} : memref<80x128xf32, #tpu.memory_space<vmem>>, vector<1x16xf32>,
      %parallel_loop3A_122 = vector.shape_cast %parallel_loop3A_121 : vector<1x16xf32> to vector<16xf32>
      %parallel_loop3A_123 = arith.addf %parallel_loop3A_118, %parallel_loop3A_122 : vector<16xf32>
      %parallel_loop3A_124 = arith.index_cast %parallel_loop3A_100 : i32 to index
      %parallel_loop3A_125 = arith.constant 16 : index
      %parallel_loop3A_126 = tpu.vector_load %arg9[%parallel_loop3A_124, %parallel_loop3A_125] {strides = array<i32>} : memref<80x128xf32, #tpu.memory_space<vmem>>, vector<1x16xf32>,
      %parallel_loop3A_127 = vector.shape_cast %parallel_loop3A_126 : vector<1x16xf32> to vector<16xf32>
      %parallel_loop3A_128 = vector.shape_cast %parallel_loop3A_123 : vector<16xf32> to vector<1x16xf32>
      tpu.vector_store %arg9[%parallel_loop3A_124, %parallel_loop3A_125], %parallel_loop3A_128 {strides = array<i32>} : memref<80x128xf32, #tpu.memory_space<vmem>>, vector<1x16xf32>,
      %parallel_loop3A_129 = arith.index_cast %parallel_loop3A_100 : i32 to index
      %parallel_loop3A_130 = arith.constant 32 : index
      %parallel_loop3A_131 = tpu.vector_load %arg9[%parallel_loop3A_129, %parallel_loop3A_130] {strides = array<i32>} : memref<80x128xf32, #tpu.memory_space<vmem>>, vector<1x16xf32>,
      %parallel_loop3A_132 = vector.shape_cast %parallel_loop3A_131 : vector<1x16xf32> to vector<16xf32>
      %parallel_loop3A_133 = arith.index_cast %parallel_loop3A_100 : i32 to index
      %parallel_loop3A_134 = arith.constant 32 : index
      %parallel_loop3A_135 = tpu.vector_load %arg10[%parallel_loop3A_133, %parallel_loop3A_134] {strides = array<i32>} : memref<80x128xf32, #tpu.memory_space<vmem>>, vector<1x16xf32>,
      %parallel_loop3A_136 = vector.shape_cast %parallel_loop3A_135 : vector<1x16xf32> to vector<16xf32>
      %parallel_loop3A_137 = arith.addf %parallel_loop3A_132, %parallel_loop3A_136 : vector<16xf32>
      %parallel_loop3A_138 = arith.index_cast %parallel_loop3A_100 : i32 to index
      %parallel_loop3A_139 = arith.constant 32 : index
      %parallel_loop3A_140 = tpu.vector_load %arg9[%parallel_loop3A_138, %parallel_loop3A_139] {strides = array<i32>} : memref<80x128xf32, #tpu.memory_space<vmem>>, vector<1x16xf32>,
      %parallel_loop3A_141 = vector.shape_cast %parallel_loop3A_140 : vector<1x16xf32> to vector<16xf32>
      %parallel_loop3A_142 = vector.shape_cast %parallel_loop3A_137 : vector<16xf32> to vector<1x16xf32>
      tpu.vector_store %arg9[%parallel_loop3A_138, %parallel_loop3A_139], %parallel_loop3A_142 {strides = array<i32>} : memref<80x128xf32, #tpu.memory_space<vmem>>, vector<1x16xf32>,
      %parallel_loop3A_143 = arith.index_cast %parallel_loop3A_100 : i32 to index
      %parallel_loop3A_144 = arith.constant 48 : index
      %parallel_loop3A_145 = tpu.vector_load %arg9[%parallel_loop3A_143, %parallel_loop3A_144] {strides = array<i32>} : memref<80x128xf32, #tpu.memory_space<vmem>>, vector<1x16xf32>,
      %parallel_loop3A_146 = vector.shape_cast %parallel_loop3A_145 : vector<1x16xf32> to vector<16xf32>
      %parallel_loop3A_147 = arith.index_cast %parallel_loop3A_100 : i32 to index
      %parallel_loop3A_148 = arith.constant 48 : index
      %parallel_loop3A_149 = tpu.vector_load %arg10[%parallel_loop3A_147, %parallel_loop3A_148] {strides = array<i32>} : memref<80x128xf32, #tpu.memory_space<vmem>>, vector<1x16xf32>,
      %parallel_loop3A_150 = vector.shape_cast %parallel_loop3A_149 : vector<1x16xf32> to vector<16xf32>
      %parallel_loop3A_151 = arith.addf %parallel_loop3A_146, %parallel_loop3A_150 : vector<16xf32>
      %parallel_loop3A_152 = arith.index_cast %parallel_loop3A_100 : i32 to index
      %parallel_loop3A_153 = arith.constant 48 : index
      %parallel_loop3A_154 = tpu.vector_load %arg9[%parallel_loop3A_152, %parallel_loop3A_153] {strides = array<i32>} : memref<80x128xf32, #tpu.memory_space<vmem>>, vector<1x16xf32>,
      %parallel_loop3A_155 = vector.shape_cast %parallel_loop3A_154 : vector<1x16xf32> to vector<16xf32>
      %parallel_loop3A_156 = vector.shape_cast %parallel_loop3A_151 : vector<16xf32> to vector<1x16xf32>
      tpu.vector_store %arg9[%parallel_loop3A_152, %parallel_loop3A_153], %parallel_loop3A_156 {strides = array<i32>} : memref<80x128xf32, #tpu.memory_space<vmem>>, vector<1x16xf32>,
      %parallel_loop3A_157 = arith.index_cast %parallel_loop3A_100 : i32 to index
      %parallel_loop3A_158 = arith.constant 64 : index
      %parallel_loop3A_159 = tpu.vector_load %arg9[%parallel_loop3A_157, %parallel_loop3A_158] {strides = array<i32>} : memref<80x128xf32, #tpu.memory_space<vmem>>, vector<1x16xf32>,
      %parallel_loop3A_160 = vector.shape_cast %parallel_loop3A_159 : vector<1x16xf32> to vector<16xf32>
      %parallel_loop3A_161 = arith.index_cast %parallel_loop3A_100 : i32 to index
      %parallel_loop3A_162 = arith.constant 64 : index
      %parallel_loop3A_163 = tpu.vector_load %arg10[%parallel_loop3A_161, %parallel_loop3A_162] {strides = array<i32>} : memref<80x128xf32, #tpu.memory_space<vmem>>, vector<1x16xf32>,
      %parallel_loop3A_164 = vector.shape_cast %parallel_loop3A_163 : vector<1x16xf32> to vector<16xf32>
      %parallel_loop3A_165 = arith.addf %parallel_loop3A_160, %parallel_loop3A_164 : vector<16xf32>
      %parallel_loop3A_166 = arith.index_cast %parallel_loop3A_100 : i32 to index
      %parallel_loop3A_167 = arith.constant 64 : index
      %parallel_loop3A_168 = tpu.vector_load %arg9[%parallel_loop3A_166, %parallel_loop3A_167] {strides = array<i32>} : memref<80x128xf32, #tpu.memory_space<vmem>>, vector<1x16xf32>,
      %parallel_loop3A_169 = vector.shape_cast %parallel_loop3A_168 : vector<1x16xf32> to vector<16xf32>
      %parallel_loop3A_170 = vector.shape_cast %parallel_loop3A_165 : vector<16xf32> to vector<1x16xf32>
      tpu.vector_store %arg9[%parallel_loop3A_166, %parallel_loop3A_167], %parallel_loop3A_170 {strides = array<i32>} : memref<80x128xf32, #tpu.memory_space<vmem>>, vector<1x16xf32>,
      %parallel_loop3A_171 = arith.index_cast %parallel_loop3A_100 : i32 to index
      %parallel_loop3A_172 = arith.constant 80 : index
      %parallel_loop3A_173 = tpu.vector_load %arg9[%parallel_loop3A_171, %parallel_loop3A_172] {strides = array<i32>} : memref<80x128xf32, #tpu.memory_space<vmem>>, vector<1x16xf32>,
      %parallel_loop3A_174 = vector.shape_cast %parallel_loop3A_173 : vector<1x16xf32> to vector<16xf32>
      %parallel_loop3A_175 = arith.index_cast %parallel_loop3A_100 : i32 to index
      %parallel_loop3A_176 = arith.constant 80 : index
      %parallel_loop3A_177 = tpu.vector_load %arg10[%parallel_loop3A_175, %parallel_loop3A_176] {strides = array<i32>} : memref<80x128xf32, #tpu.memory_space<vmem>>, vector<1x16xf32>,
      %parallel_loop3A_178 = vector.shape_cast %parallel_loop3A_177 : vector<1x16xf32> to vector<16xf32>
      %parallel_loop3A_179 = arith.addf %parallel_loop3A_174, %parallel_loop3A_178 : vector<16xf32>
      %parallel_loop3A_180 = arith.index_cast %parallel_loop3A_100 : i32 to index
      %parallel_loop3A_181 = arith.constant 80 : index
      %parallel_loop3A_182 = tpu.vector_load %arg9[%parallel_loop3A_180, %parallel_loop3A_181] {strides = array<i32>} : memref<80x128xf32, #tpu.memory_space<vmem>>, vector<1x16xf32>,
      %parallel_loop3A_183 = vector.shape_cast %parallel_loop3A_182 : vector<1x16xf32> to vector<16xf32>
      %parallel_loop3A_184 = vector.shape_cast %parallel_loop3A_179 : vector<16xf32> to vector<1x16xf32>
      tpu.vector_store %arg9[%parallel_loop3A_180, %parallel_loop3A_181], %parallel_loop3A_184 {strides = array<i32>} : memref<80x128xf32, #tpu.memory_space<vmem>>, vector<1x16xf32>,
      %parallel_loop3A_185 = arith.index_cast %parallel_loop3A_100 : i32 to index
      %parallel_loop3A_186 = arith.constant 96 : index
      %parallel_loop3A_187 = tpu.vector_load %arg9[%parallel_loop3A_185, %parallel_loop3A_186] {strides = array<i32>} : memref<80x128xf32, #tpu.memory_space<vmem>>, vector<1x16xf32>,
      %parallel_loop3A_188 = vector.shape_cast %parallel_loop3A_187 : vector<1x16xf32> to vector<16xf32>
      %parallel_loop3A_189 = arith.index_cast %parallel_loop3A_100 : i32 to index
      %parallel_loop3A_190 = arith.constant 96 : index
      %parallel_loop3A_191 = tpu.vector_load %arg10[%parallel_loop3A_189, %parallel_loop3A_190] {strides = array<i32>} : memref<80x128xf32, #tpu.memory_space<vmem>>, vector<1x16xf32>,
      %parallel_loop3A_192 = vector.shape_cast %parallel_loop3A_191 : vector<1x16xf32> to vector<16xf32>
      %parallel_loop3A_193 = arith.addf %parallel_loop3A_188, %parallel_loop3A_192 : vector<16xf32>
      %parallel_loop3A_194 = arith.index_cast %parallel_loop3A_100 : i32 to index
      %parallel_loop3A_195 = arith.constant 96 : index
      %parallel_loop3A_196 = tpu.vector_load %arg9[%parallel_loop3A_194, %parallel_loop3A_195] {strides = array<i32>} : memref<80x128xf32, #tpu.memory_space<vmem>>, vector<1x16xf32>,
      %parallel_loop3A_197 = vector.shape_cast %parallel_loop3A_196 : vector<1x16xf32> to vector<16xf32>
      %parallel_loop3A_198 = vector.shape_cast %parallel_loop3A_193 : vector<16xf32> to vector<1x16xf32>
      tpu.vector_store %arg9[%parallel_loop3A_194, %parallel_loop3A_195], %parallel_loop3A_198 {strides = array<i32>} : memref<80x128xf32, #tpu.memory_space<vmem>>, vector<1x16xf32>,
      %parallel_loop3A_199 = arith.index_cast %parallel_loop3A_100 : i32 to index
      %parallel_loop3A_200 = arith.constant 112 : index
      %parallel_loop3A_201 = tpu.vector_load %arg9[%parallel_loop3A_199, %parallel_loop3A_200] {strides = array<i32>} : memref<80x128xf32, #tpu.memory_space<vmem>>, vector<1x16xf32>,
      %parallel_loop3A_202 = vector.shape_cast %parallel_loop3A_201 : vector<1x16xf32> to vector<16xf32>
      %parallel_loop3A_203 = arith.index_cast %parallel_loop3A_100 : i32 to index
      %parallel_loop3A_204 = arith.constant 112 : index
      %parallel_loop3A_205 = tpu.vector_load %arg10[%parallel_loop3A_203, %parallel_loop3A_204] {strides = array<i32>} : memref<80x128xf32, #tpu.memory_space<vmem>>, vector<1x16xf32>,
      %parallel_loop3A_206 = vector.shape_cast %parallel_loop3A_205 : vector<1x16xf32> to vector<16xf32>
      %parallel_loop3A_207 = arith.addf %parallel_loop3A_202, %parallel_loop3A_206 : vector<16xf32>
      %parallel_loop3A_208 = arith.index_cast %parallel_loop3A_100 : i32 to index
      %parallel_loop3A_209 = arith.constant 112 : index
      %parallel_loop3A_210 = tpu.vector_load %arg9[%parallel_loop3A_208, %parallel_loop3A_209] {strides = array<i32>} : memref<80x128xf32, #tpu.memory_space<vmem>>, vector<1x16xf32>,
      %parallel_loop3A_211 = vector.shape_cast %parallel_loop3A_210 : vector<1x16xf32> to vector<16xf32>
      %parallel_loop3A_212 = vector.shape_cast %parallel_loop3A_207 : vector<16xf32> to vector<1x16xf32>
      tpu.vector_store %arg9[%parallel_loop3A_208, %parallel_loop3A_209], %parallel_loop3A_212 {strides = array<i32>} : memref<80x128xf32, #tpu.memory_space<vmem>>, vector<1x16xf32>,
    } {sc.loop_unroll_factor = 4 : i64, sc.parallel_access}
    %add3A_98 = arith.constant 240 : i32
    %add3A_99 = arith.addi %mul3A_2, %add3A_98 : i32
    "tpu.region"() ({
      %run_scoped3A = tpu.sem_alloc : memref<!tpu.dma_semaphore, #tpu.memory_space<semaphore_mem>>
      %dma_start3A_100 = arith.constant 0 : i32
      %dma_start3A_101 = tpu.memref_slice %arg6[%add3A_99, %dma_start3A_100] : memref<10240x128xf32, #tpu.memory_space<hbm>> -> memref<80x128xf32, #tpu.memory_space<hbm>>
      %dma_start3A_102 = arith.constant 0 : i32
      %dma_start3A_103 = tpu.memref_slice %arg6[%add3A_99, %dma_start3A_102] : memref<10240x128xf32, #tpu.memory_space<hbm>> -> memref<80x128xf32, #tpu.memory_space<hbm>>
      tpu.enqueue_dma source(%arg9 : memref<80x128xf32, #tpu.memory_space<vmem>>) target(%dma_start3A_103 : memref<80x128xf32, #tpu.memory_space<hbm>>) target_semaphore(%run_scoped3A : memref<!tpu.dma_semaphore, #tpu.memory_space<semaphore_mem>>)
      %dma_wait3A_104 = arith.constant 0 : i32
      %dma_wait3A_105 = tpu.memref_slice %arg6[%add3A_99, %dma_wait3A_104] : memref<10240x128xf32, #tpu.memory_space<hbm>> -> memref<80x128xf32, #tpu.memory_space<hbm>>
      %dma_wait3A_106 = arith.constant 0 : i32
      %dma_wait3A_107 = tpu.memref_slice %arg6[%add3A_99, %dma_wait3A_106] : memref<10240x128xf32, #tpu.memory_space<hbm>> -> memref<80x128xf32, #tpu.memory_space<hbm>>
      tpu.wait_dma2 semaphore(%run_scoped3A : memref<!tpu.dma_semaphore, #tpu.memory_space<semaphore_mem>>) src(%arg9 : memref<80x128xf32, #tpu.memory_space<vmem>>) dst(%dma_wait3A_107 : memref<80x128xf32, #tpu.memory_space<hbm>>)
      tpu.yield
    }) : () -> ()
    return
  }
}

#map = affine_map<(d0, d1) -> (0, 0)>
#map1 = affine_map<(d0, d1) -> (0, 0, 0)>
module attributes {stable_mosaic.version = 14 : i64} {
  func.func @_agg_body(%arg0: i32, %arg1: i32, %arg2: memref<10000x128xf32, #tpu.memory_space<hbm>>, %arg3: memref<2560x128xi32, #tpu.memory_space<hbm>>, %arg4: memref<2560x128xi32, #tpu.memory_space<hbm>>, %arg5: memref<10240x128xf32, #tpu.memory_space<hbm>>, %arg6: memref<2x10240x128xf32, #tpu.memory_space<hbm>>, %arg7: memref<2x8x128xi32, #tpu.memory_space<vmem>>, %arg8: memref<2x8x128xi32, #tpu.memory_space<vmem>>, %arg9: memref<128x128xf32, #tpu.memory_space<vmem>>, %arg10: memref<128x128xf32, #tpu.memory_space<vmem>>, %arg11: memref<!tpu.dma_semaphore, #tpu.memory_space<semaphore_mem>>, %arg12: memref<!tpu.dma_semaphore, #tpu.memory_space<semaphore_mem>>, %arg13: memref<!tpu.dma_semaphore, #tpu.memory_space<semaphore_mem>>, %arg14: memref<10240x128xf32, #tpu.memory_space<vmem_shared>>) attributes {dimension_semantics = [#tpu.dimension_semantics<core_parallel>, #tpu.dimension_semantics<subcore_parallel>], iteration_bounds = array<i64: 2, 16>, scalar_prefetch = 0 : i64, scratch_operands = 8 : i64, tpu.core_type = #tpu.core_type<sc_vector_subcore>, window_params = [{transform_indices = #map}, {transform_indices = #map}, {transform_indices = #map}, {transform_indices = #map}, {transform_indices = #map1}]} {
    %eq3A = arith.constant 0 : i32
    %eq3A_0 = arith.cmpi eq, %arg0, %eq3A : i32
    %mul3A = arith.constant 152 : i32
    %mul3A_1 = arith.muli %arg1, %mul3A : i32
    %mul3A_2 = arith.constant 8 : i32
    %mul3A_3 = arith.muli %arg1, %mul3A_2 : i32
    %add3A = arith.constant 2432 : i32
    %add3A_4 = arith.addi %add3A, %mul3A_3 : i32
    %select_n3A = arith.select %eq3A_0, %mul3A_1, %add3A_4 : i32
    %eq3A_5 = arith.constant 0 : i32
    %eq3A_6 = arith.cmpi eq, %arg0, %eq3A_5 : i32
    %jit3A = arith.constant 152 : i32
    %jit3A_7 = arith.constant 8 : i32
    %select_n3A_8 = arith.select %eq3A_6, %jit3A, %jit3A_7 : i32
    %jit3A_9 = arith.constant 8 : i32
    %div3A = arith.divsi %select_n3A_8, %jit3A_9 : i32
    %sign3A = arith.constant 0 : i32
    %sign3A_10 = arith.cmpi sgt, %select_n3A_8, %sign3A : i32
    %sign3A_11 = arith.extui %sign3A_10 : i1 to i32
    %sign3A_12 = arith.constant 0 : i32
    %sign3A_13 = arith.cmpi slt, %select_n3A_8, %sign3A_12 : i32
    %sign3A_14 = arith.extui %sign3A_13 : i1 to i32
    %sign3A_15 = arith.subi %sign3A_11, %sign3A_14 : i32
    %sign3A_16 = arith.constant 0 : i32
    %sign3A_17 = arith.cmpi sgt, %jit3A_9, %sign3A_16 : i32
    %sign3A_18 = arith.extui %sign3A_17 : i1 to i32
    %sign3A_19 = arith.constant 0 : i32
    %sign3A_20 = arith.cmpi slt, %jit3A_9, %sign3A_19 : i32
    %sign3A_21 = arith.extui %sign3A_20 : i1 to i32
    %sign3A_22 = arith.subi %sign3A_18, %sign3A_21 : i32
    %ne3A = arith.cmpi ne, %sign3A_15, %sign3A_22 : i32
    %rem3A = arith.remsi %select_n3A_8, %jit3A_9 : i32
    %ne3A_23 = arith.constant 0 : i32
    %ne3A_24 = arith.cmpi ne, %rem3A, %ne3A_23 : i32
    %and3A = arith.andi %ne3A, %ne3A_24 : i1
    %sub3A = arith.constant 1 : i32
    %sub3A_25 = arith.subi %div3A, %sub3A : i32
    %select_n3A_26 = arith.select %and3A, %sub3A_25, %div3A : i32
    %run_scoped3A = arith.constant 0 : i32
    "tpu.region"() ({
      %run_scoped3A_65 = tpu.sem_alloc : memref<!tpu.dma_semaphore, #tpu.memory_space<semaphore_mem>>
      %dma_start3A_66 = arith.constant 0 : i32
      %dma_start3A_67 = arith.constant 0 : i32
      %dma_start3A_68 = tpu.memref_slice %arg7[%run_scoped3A, %dma_start3A_66, %dma_start3A_67] : memref<2x8x128xi32, #tpu.memory_space<vmem>> -> memref<1x8x128xi32, #tpu.memory_space<vmem>>
      %dma_start3A_69 = tpu.memref_squeeze %dma_start3A_68 : memref<1x8x128xi32, #tpu.memory_space<vmem>> -> memref<8x128xi32, #tpu.memory_space<vmem>>
      %dma_start3A_70 = arith.constant 0 : i32
      %dma_start3A_71 = tpu.memref_slice %arg3[%select_n3A, %dma_start3A_70] : memref<2560x128xi32, #tpu.memory_space<hbm>> -> memref<8x128xi32, #tpu.memory_space<hbm>>
      %dma_start3A_72 = arith.constant 0 : i32
      %dma_start3A_73 = arith.constant 0 : i32
      %dma_start3A_74 = tpu.memref_slice %arg7[%run_scoped3A, %dma_start3A_72, %dma_start3A_73] : memref<2x8x128xi32, #tpu.memory_space<vmem>> -> memref<1x8x128xi32, #tpu.memory_space<vmem>>
      %dma_start3A_75 = tpu.memref_squeeze %dma_start3A_74 : memref<1x8x128xi32, #tpu.memory_space<vmem>> -> memref<8x128xi32, #tpu.memory_space<vmem>>
      %dma_start3A_76 = arith.constant 0 : i32
      %dma_start3A_77 = tpu.memref_slice %arg3[%select_n3A, %dma_start3A_76] : memref<2560x128xi32, #tpu.memory_space<hbm>> -> memref<8x128xi32, #tpu.memory_space<hbm>>
      tpu.enqueue_dma source(%dma_start3A_77 : memref<8x128xi32, #tpu.memory_space<hbm>>) target(%dma_start3A_75 : memref<8x128xi32, #tpu.memory_space<vmem>>) target_semaphore(%run_scoped3A_65 : memref<!tpu.dma_semaphore, #tpu.memory_space<semaphore_mem>>)
      %dma_wait3A = arith.constant 0 : i32
      %dma_wait3A_78 = arith.constant 0 : i32
      %dma_wait3A_79 = tpu.memref_slice %arg7[%run_scoped3A, %dma_wait3A, %dma_wait3A_78] : memref<2x8x128xi32, #tpu.memory_space<vmem>> -> memref<1x8x128xi32, #tpu.memory_space<vmem>>
      %dma_wait3A_80 = tpu.memref_squeeze %dma_wait3A_79 : memref<1x8x128xi32, #tpu.memory_space<vmem>> -> memref<8x128xi32, #tpu.memory_space<vmem>>
      %dma_wait3A_81 = arith.constant 0 : i32
      %dma_wait3A_82 = tpu.memref_slice %arg3[%select_n3A, %dma_wait3A_81] : memref<2560x128xi32, #tpu.memory_space<hbm>> -> memref<8x128xi32, #tpu.memory_space<hbm>>
      %dma_wait3A_83 = arith.constant 0 : i32
      %dma_wait3A_84 = arith.constant 0 : i32
      %dma_wait3A_85 = tpu.memref_slice %arg7[%run_scoped3A, %dma_wait3A_83, %dma_wait3A_84] : memref<2x8x128xi32, #tpu.memory_space<vmem>> -> memref<1x8x128xi32, #tpu.memory_space<vmem>>
      %dma_wait3A_86 = tpu.memref_squeeze %dma_wait3A_85 : memref<1x8x128xi32, #tpu.memory_space<vmem>> -> memref<8x128xi32, #tpu.memory_space<vmem>>
      %dma_wait3A_87 = arith.constant 0 : i32
      %dma_wait3A_88 = tpu.memref_slice %arg3[%select_n3A, %dma_wait3A_87] : memref<2560x128xi32, #tpu.memory_space<hbm>> -> memref<8x128xi32, #tpu.memory_space<hbm>>
      tpu.wait_dma2 semaphore(%run_scoped3A_65 : memref<!tpu.dma_semaphore, #tpu.memory_space<semaphore_mem>>) src(%dma_wait3A_88 : memref<8x128xi32, #tpu.memory_space<hbm>>) dst(%dma_wait3A_86 : memref<8x128xi32, #tpu.memory_space<vmem>>)
      tpu.yield
    }) : () -> ()
    %run_scoped3A_27 = arith.constant 0 : i32
    "tpu.region"() ({
      %run_scoped3A_65 = tpu.sem_alloc : memref<!tpu.dma_semaphore, #tpu.memory_space<semaphore_mem>>
      %dma_start3A_66 = arith.constant 0 : i32
      %dma_start3A_67 = arith.constant 0 : i32
      %dma_start3A_68 = tpu.memref_slice %arg8[%run_scoped3A_27, %dma_start3A_66, %dma_start3A_67] : memref<2x8x128xi32, #tpu.memory_space<vmem>> -> memref<1x8x128xi32, #tpu.memory_space<vmem>>
      %dma_start3A_69 = tpu.memref_squeeze %dma_start3A_68 : memref<1x8x128xi32, #tpu.memory_space<vmem>> -> memref<8x128xi32, #tpu.memory_space<vmem>>
      %dma_start3A_70 = arith.constant 0 : i32
      %dma_start3A_71 = tpu.memref_slice %arg4[%select_n3A, %dma_start3A_70] : memref<2560x128xi32, #tpu.memory_space<hbm>> -> memref<8x128xi32, #tpu.memory_space<hbm>>
      %dma_start3A_72 = arith.constant 0 : i32
      %dma_start3A_73 = arith.constant 0 : i32
      %dma_start3A_74 = tpu.memref_slice %arg8[%run_scoped3A_27, %dma_start3A_72, %dma_start3A_73] : memref<2x8x128xi32, #tpu.memory_space<vmem>> -> memref<1x8x128xi32, #tpu.memory_space<vmem>>
      %dma_start3A_75 = tpu.memref_squeeze %dma_start3A_74 : memref<1x8x128xi32, #tpu.memory_space<vmem>> -> memref<8x128xi32, #tpu.memory_space<vmem>>
      %dma_start3A_76 = arith.constant 0 : i32
      %dma_start3A_77 = tpu.memref_slice %arg4[%select_n3A, %dma_start3A_76] : memref<2560x128xi32, #tpu.memory_space<hbm>> -> memref<8x128xi32, #tpu.memory_space<hbm>>
      tpu.enqueue_dma source(%dma_start3A_77 : memref<8x128xi32, #tpu.memory_space<hbm>>) target(%dma_start3A_75 : memref<8x128xi32, #tpu.memory_space<vmem>>) target_semaphore(%run_scoped3A_65 : memref<!tpu.dma_semaphore, #tpu.memory_space<semaphore_mem>>)
      %dma_wait3A = arith.constant 0 : i32
      %dma_wait3A_78 = arith.constant 0 : i32
      %dma_wait3A_79 = tpu.memref_slice %arg8[%run_scoped3A_27, %dma_wait3A, %dma_wait3A_78] : memref<2x8x128xi32, #tpu.memory_space<vmem>> -> memref<1x8x128xi32, #tpu.memory_space<vmem>>
      %dma_wait3A_80 = tpu.memref_squeeze %dma_wait3A_79 : memref<1x8x128xi32, #tpu.memory_space<vmem>> -> memref<8x128xi32, #tpu.memory_space<vmem>>
      %dma_wait3A_81 = arith.constant 0 : i32
      %dma_wait3A_82 = tpu.memref_slice %arg4[%select_n3A, %dma_wait3A_81] : memref<2560x128xi32, #tpu.memory_space<hbm>> -> memref<8x128xi32, #tpu.memory_space<hbm>>
      %dma_wait3A_83 = arith.constant 0 : i32
      %dma_wait3A_84 = arith.constant 0 : i32
      %dma_wait3A_85 = tpu.memref_slice %arg8[%run_scoped3A_27, %dma_wait3A_83, %dma_wait3A_84] : memref<2x8x128xi32, #tpu.memory_space<vmem>> -> memref<1x8x128xi32, #tpu.memory_space<vmem>>
      %dma_wait3A_86 = tpu.memref_squeeze %dma_wait3A_85 : memref<1x8x128xi32, #tpu.memory_space<vmem>> -> memref<8x128xi32, #tpu.memory_space<vmem>>
      %dma_wait3A_87 = arith.constant 0 : i32
      %dma_wait3A_88 = tpu.memref_slice %arg4[%select_n3A, %dma_wait3A_87] : memref<2560x128xi32, #tpu.memory_space<hbm>> -> memref<8x128xi32, #tpu.memory_space<hbm>>
      tpu.wait_dma2 semaphore(%run_scoped3A_65 : memref<!tpu.dma_semaphore, #tpu.memory_space<semaphore_mem>>) src(%dma_wait3A_88 : memref<8x128xi32, #tpu.memory_space<hbm>>) dst(%dma_wait3A_86 : memref<8x128xi32, #tpu.memory_space<vmem>>)
      tpu.yield
    }) : () -> ()
    %dma_start3A = arith.constant 0 : i32
    %dma_start3A_28 = arith.constant 0 : i32
    %dma_start3A_29 = arith.constant 0 : i32
    %dma_start3A_30 = tpu.memref_slice %arg7[%dma_start3A, %dma_start3A_28, %dma_start3A_29] : memref<2x8x128xi32, #tpu.memory_space<vmem>> -> memref<1x1x128xi32, #tpu.memory_space<vmem>>
    %dma_start3A_31 = tpu.memref_squeeze %dma_start3A_30 : memref<1x1x128xi32, #tpu.memory_space<vmem>> -> memref<128xi32, #tpu.memory_space<vmem>>
    %dma_start3A_32 = arith.constant 0 : i32
    %dma_start3A_33 = arith.constant 0 : i32
    %dma_start3A_34 = tpu.memref_slice %arg2[%dma_start3A_32, %dma_start3A_33] : memref<10000x128xf32, #tpu.memory_space<hbm>> -> memref<10000x128xf32, #tpu.memory_space<hbm>>
    tpu.enqueue_indirect_dma source(%dma_start3A_34 : memref<10000x128xf32, #tpu.memory_space<hbm>>) target(%arg9 : memref<128x128xf32, #tpu.memory_space<vmem>>) offsets(%dma_start3A_31 : memref<128xi32, #tpu.memory_space<vmem>>) semaphore(%arg11 : memref<!tpu.dma_semaphore, #tpu.memory_space<semaphore_mem>>)
    %dma_start3A_35 = arith.constant 0 : i32
    %dma_start3A_36 = arith.constant 1 : i32
    %dma_start3A_37 = arith.constant 0 : i32
    %dma_start3A_38 = tpu.memref_slice %arg7[%dma_start3A_35, %dma_start3A_36, %dma_start3A_37] : memref<2x8x128xi32, #tpu.memory_space<vmem>> -> memref<1x1x128xi32, #tpu.memory_space<vmem>>
    %dma_start3A_39 = tpu.memref_squeeze %dma_start3A_38 : memref<1x1x128xi32, #tpu.memory_space<vmem>> -> memref<128xi32, #tpu.memory_space<vmem>>
    %dma_start3A_40 = arith.constant 0 : i32
    %dma_start3A_41 = arith.constant 0 : i32
    %dma_start3A_42 = tpu.memref_slice %arg2[%dma_start3A_40, %dma_start3A_41] : memref<10000x128xf32, #tpu.memory_space<hbm>> -> memref<10000x128xf32, #tpu.memory_space<hbm>>
    tpu.enqueue_indirect_dma source(%dma_start3A_42 : memref<10000x128xf32, #tpu.memory_space<hbm>>) target(%arg10 : memref<128x128xf32, #tpu.memory_space<vmem>>) offsets(%dma_start3A_39 : memref<128xi32, #tpu.memory_space<vmem>>) semaphore(%arg12 : memref<!tpu.dma_semaphore, #tpu.memory_space<semaphore_mem>>)
    %gt3A = arith.constant 1 : i32
    %gt3A_43 = arith.cmpi sgt, %select_n3A_26, %gt3A : i32
    %convert_element_type3A = arith.extui %gt3A_43 : i1 to i32
    %cond3A = arith.constant 0 : i32
    %cond3A_44 = arith.cmpi ne, %convert_element_type3A, %cond3A : i32
    scf.if %cond3A_44 {
      %add3A_65 = arith.constant 8 : i32
      %add3A_66 = arith.addi %select_n3A, %add3A_65 : i32
      %dma_start3A_67 = arith.constant 1 : i32
      %dma_start3A_68 = arith.constant 0 : i32
      %dma_start3A_69 = arith.constant 0 : i32
      %dma_start3A_70 = tpu.memref_slice %arg7[%dma_start3A_67, %dma_start3A_68, %dma_start3A_69] : memref<2x8x128xi32, #tpu.memory_space<vmem>> -> memref<1x8x128xi32, #tpu.memory_space<vmem>>
      %dma_start3A_71 = tpu.memref_squeeze %dma_start3A_70 : memref<1x8x128xi32, #tpu.memory_space<vmem>> -> memref<8x128xi32, #tpu.memory_space<vmem>>
      %dma_start3A_72 = arith.constant 0 : i32
      %dma_start3A_73 = tpu.memref_slice %arg3[%add3A_66, %dma_start3A_72] : memref<2560x128xi32, #tpu.memory_space<hbm>> -> memref<8x128xi32, #tpu.memory_space<hbm>>
      %dma_start3A_74 = arith.constant 0 : i32
      %dma_start3A_75 = arith.constant 0 : i32
      %dma_start3A_76 = tpu.memref_slice %arg7[%dma_start3A_67, %dma_start3A_74, %dma_start3A_75] : memref<2x8x128xi32, #tpu.memory_space<vmem>> -> memref<1x8x128xi32, #tpu.memory_space<vmem>>
      %dma_start3A_77 = tpu.memref_squeeze %dma_start3A_76 : memref<1x8x128xi32, #tpu.memory_space<vmem>> -> memref<8x128xi32, #tpu.memory_space<vmem>>
      %dma_start3A_78 = arith.constant 0 : i32
      %dma_start3A_79 = tpu.memref_slice %arg3[%add3A_66, %dma_start3A_78] : memref<2560x128xi32, #tpu.memory_space<hbm>> -> memref<8x128xi32, #tpu.memory_space<hbm>>
      tpu.enqueue_dma source(%dma_start3A_79 : memref<8x128xi32, #tpu.memory_space<hbm>>) target(%dma_start3A_77 : memref<8x128xi32, #tpu.memory_space<vmem>>) target_semaphore(%arg13 : memref<!tpu.dma_semaphore, #tpu.memory_space<semaphore_mem>>)
      %add3A_80 = arith.constant 8 : i32
      %add3A_81 = arith.addi %select_n3A, %add3A_80 : i32
      %dma_start3A_82 = arith.constant 1 : i32
      %dma_start3A_83 = arith.constant 0 : i32
      %dma_start3A_84 = arith.constant 0 : i32
      %dma_start3A_85 = tpu.memref_slice %arg8[%dma_start3A_82, %dma_start3A_83, %dma_start3A_84] : memref<2x8x128xi32, #tpu.memory_space<vmem>> -> memref<1x8x128xi32, #tpu.memory_space<vmem>>
      %dma_start3A_86 = tpu.memref_squeeze %dma_start3A_85 : memref<1x8x128xi32, #tpu.memory_space<vmem>> -> memref<8x128xi32, #tpu.memory_space<vmem>>
      %dma_start3A_87 = arith.constant 0 : i32
      %dma_start3A_88 = tpu.memref_slice %arg4[%add3A_81, %dma_start3A_87] : memref<2560x128xi32, #tpu.memory_space<hbm>> -> memref<8x128xi32, #tpu.memory_space<hbm>>
      %dma_start3A_89 = arith.constant 0 : i32
      %dma_start3A_90 = arith.constant 0 : i32
      %dma_start3A_91 = tpu.memref_slice %arg8[%dma_start3A_82, %dma_start3A_89, %dma_start3A_90] : memref<2x8x128xi32, #tpu.memory_space<vmem>> -> memref<1x8x128xi32, #tpu.memory_space<vmem>>
      %dma_start3A_92 = tpu.memref_squeeze %dma_start3A_91 : memref<1x8x128xi32, #tpu.memory_space<vmem>> -> memref<8x128xi32, #tpu.memory_space<vmem>>
      %dma_start3A_93 = arith.constant 0 : i32
      %dma_start3A_94 = tpu.memref_slice %arg4[%add3A_81, %dma_start3A_93] : memref<2560x128xi32, #tpu.memory_space<hbm>> -> memref<8x128xi32, #tpu.memory_space<hbm>>
      tpu.enqueue_dma source(%dma_start3A_94 : memref<8x128xi32, #tpu.memory_space<hbm>>) target(%dma_start3A_92 : memref<8x128xi32, #tpu.memory_space<vmem>>) target_semaphore(%arg13 : memref<!tpu.dma_semaphore, #tpu.memory_space<semaphore_mem>>)
    } else {
    }
    %mul3A_45 = arith.constant 640 : i32
    %mul3A_46 = arith.muli %arg1, %mul3A_45 : i32
    %mul3A_47 = arith.constant 640 : i32
    %mul3A_48 = arith.muli %arg1, %mul3A_47 : i32
    "tpu.region"() ({
      %run_scoped3A_65 = tpu.sem_alloc : memref<!tpu.dma_semaphore, #tpu.memory_space<semaphore_mem>>
      %dma_start3A_66 = arith.constant 0 : i32
      %dma_start3A_67 = tpu.memref_slice %arg14[%mul3A_48, %dma_start3A_66] : memref<10240x128xf32, #tpu.memory_space<vmem_shared>> -> memref<640x128xf32, #tpu.memory_space<vmem_shared>>
      %dma_start3A_68 = arith.constant 0 : i32
      %dma_start3A_69 = tpu.memref_slice %arg5[%mul3A_46, %dma_start3A_68] : memref<10240x128xf32, #tpu.memory_space<hbm>> -> memref<640x128xf32, #tpu.memory_space<hbm>>
      tpu.enqueue_dma source(%dma_start3A_69 : memref<640x128xf32, #tpu.memory_space<hbm>>) target(%dma_start3A_67 : memref<640x128xf32, #tpu.memory_space<vmem_shared>>) target_semaphore(%run_scoped3A_65 : memref<!tpu.dma_semaphore, #tpu.memory_space<semaphore_mem>>)
      %dma_wait3A = arith.constant 0 : i32
      %dma_wait3A_70 = tpu.memref_slice %arg14[%mul3A_48, %dma_wait3A] : memref<10240x128xf32, #tpu.memory_space<vmem_shared>> -> memref<640x128xf32, #tpu.memory_space<vmem_shared>>
      %dma_wait3A_71 = arith.constant 0 : i32
      %dma_wait3A_72 = tpu.memref_slice %arg5[%mul3A_46, %dma_wait3A_71] : memref<10240x128xf32, #tpu.memory_space<hbm>> -> memref<640x128xf32, #tpu.memory_space<hbm>>
      tpu.wait_dma2 semaphore(%run_scoped3A_65 : memref<!tpu.dma_semaphore, #tpu.memory_space<semaphore_mem>>) src(%dma_wait3A_72 : memref<640x128xf32, #tpu.memory_space<hbm>>) dst(%dma_wait3A_70 : memref<640x128xf32, #tpu.memory_space<vmem_shared>>)
      tpu.yield
    }) : () -> ()
    %barrier3A = arith.constant 0 : index
    tpu.barrier barrier_id(%barrier3A)
    %while3A = arith.constant 0 : i32
    %while3A_49 = arith.constant 0 : i32
    %while3A_50 = arith.subi %select_n3A_26, %while3A : i32
    %while3A_51 = arith.addi %while3A, %while3A_50 : i32
    %while3A_52 = arith.constant 1 : i32
    %while3A_53 = arith.divsi %while3A_50, %while3A_52 : i32
    %while3A_54 = arith.muli %while3A_53, %while3A_52 : i32
    %while3A_55 = arith.addi %while3A, %while3A_54 : i32
    %while3A_56 = arith.constant 1 : i32
    %while3A_57 = scf.for %while3A_65 = %while3A to %while3A_55 step %while3A_56 iter_args(%while3A_66 = %while3A_49) -> (i32)  : i32 {
      %rem3A_67 = arith.constant 2 : i32
      %rem3A_68 = arith.remsi %while3A_65, %rem3A_67 : i32
      %sub3A_69 = arith.constant 1 : i32
      %sub3A_70 = arith.subi %sub3A_69, %rem3A_68 : i32
      %add3A_71 = arith.constant 1 : i32
      %add3A_72 = arith.addi %while3A_65, %add3A_71 : i32
      %mul3A_73 = arith.constant 8 : i32
      %mul3A_74 = arith.muli %add3A_72, %mul3A_73 : i32
      %add3A_75 = arith.addi %select_n3A, %mul3A_74 : i32
      %scan3A = arith.constant 0 : i32
      %scan3A_76 = arith.constant 0 : i32
      %scan3A_77 = arith.constant 4 : i32
      %scan3A_78 = arith.addi %scan3A_76, %scan3A_77 : i32
      %scan3A_79 = arith.constant 1 : i32
      %scan3A_80 = scf.for %scan3A_88 = %scan3A_76 to %scan3A_78 step %scan3A_79 iter_args(%scan3A_89 = %scan3A) -> (i32)  : i32 {
        %eq3A_90 = arith.constant 3 : i32
        %eq3A_91 = arith.cmpi eq, %scan3A_88, %eq3A_90 : i32
        %add3A_92 = arith.constant 1 : i32
        %add3A_93 = arith.addi %while3A_65, %add3A_92 : i32
        %lt3A_94 = arith.cmpi slt, %add3A_93, %select_n3A_26 : i32
        %and3A_95 = arith.andi %eq3A_91, %lt3A_94 : i1
        %convert_element_type3A_96 = arith.extui %and3A_95 : i1 to i32
        %cond3A_97 = arith.constant 0 : i32
        %cond3A_98 = arith.cmpi ne, %convert_element_type3A_96, %cond3A_97 : i32
        scf.if %cond3A_98 {
          %dma_wait3A_150 = arith.constant 0 : i32
          %dma_wait3A_151 = arith.constant 0 : i32
          %dma_wait3A_152 = tpu.memref_slice %arg7[%sub3A_70, %dma_wait3A_150, %dma_wait3A_151] : memref<2x8x128xi32, #tpu.memory_space<vmem>> -> memref<1x8x128xi32, #tpu.memory_space<vmem>>
          %dma_wait3A_153 = tpu.memref_squeeze %dma_wait3A_152 : memref<1x8x128xi32, #tpu.memory_space<vmem>> -> memref<8x128xi32, #tpu.memory_space<vmem>>
          %dma_wait3A_154 = arith.constant 0 : i32
          %dma_wait3A_155 = tpu.memref_slice %arg3[%add3A_75, %dma_wait3A_154] : memref<2560x128xi32, #tpu.memory_space<hbm>> -> memref<8x128xi32, #tpu.memory_space<hbm>>
          %dma_wait3A_156 = arith.constant 0 : i32
          %dma_wait3A_157 = arith.constant 0 : i32
          %dma_wait3A_158 = tpu.memref_slice %arg7[%sub3A_70, %dma_wait3A_156, %dma_wait3A_157] : memref<2x8x128xi32, #tpu.memory_space<vmem>> -> memref<1x8x128xi32, #tpu.memory_space<vmem>>
          %dma_wait3A_159 = tpu.memref_squeeze %dma_wait3A_158 : memref<1x8x128xi32, #tpu.memory_space<vmem>> -> memref<8x128xi32, #tpu.memory_space<vmem>>
          %dma_wait3A_160 = arith.constant 0 : i32
          %dma_wait3A_161 = tpu.memref_slice %arg3[%add3A_75, %dma_wait3A_160] : memref<2560x128xi32, #tpu.memory_space<hbm>> -> memref<8x128xi32, #tpu.memory_space<hbm>>
          tpu.wait_dma2 semaphore(%arg13 : memref<!tpu.dma_semaphore, #tpu.memory_space<semaphore_mem>>) src(%dma_wait3A_161 : memref<8x128xi32, #tpu.memory_space<hbm>>) dst(%dma_wait3A_159 : memref<8x128xi32, #tpu.memory_space<vmem>>)
          %dma_wait3A_162 = arith.constant 0 : i32
          %dma_wait3A_163 = arith.constant 0 : i32
          %dma_wait3A_164 = tpu.memref_slice %arg8[%sub3A_70, %dma_wait3A_162, %dma_wait3A_163] : memref<2x8x128xi32, #tpu.memory_space<vmem>> -> memref<1x8x128xi32, #tpu.memory_space<vmem>>
          %dma_wait3A_165 = tpu.memref_squeeze %dma_wait3A_164 : memref<1x8x128xi32, #tpu.memory_space<vmem>> -> memref<8x128xi32, #tpu.memory_space<vmem>>
          %dma_wait3A_166 = arith.constant 0 : i32
          %dma_wait3A_167 = tpu.memref_slice %arg4[%add3A_75, %dma_wait3A_166] : memref<2560x128xi32, #tpu.memory_space<hbm>> -> memref<8x128xi32, #tpu.memory_space<hbm>>
          %dma_wait3A_168 = arith.constant 0 : i32
          %dma_wait3A_169 = arith.constant 0 : i32
          %dma_wait3A_170 = tpu.memref_slice %arg8[%sub3A_70, %dma_wait3A_168, %dma_wait3A_169] : memref<2x8x128xi32, #tpu.memory_space<vmem>> -> memref<1x8x128xi32, #tpu.memory_space<vmem>>
          %dma_wait3A_171 = tpu.memref_squeeze %dma_wait3A_170 : memref<1x8x128xi32, #tpu.memory_space<vmem>> -> memref<8x128xi32, #tpu.memory_space<vmem>>
          %dma_wait3A_172 = arith.constant 0 : i32
          %dma_wait3A_173 = tpu.memref_slice %arg4[%add3A_75, %dma_wait3A_172] : memref<2560x128xi32, #tpu.memory_space<hbm>> -> memref<8x128xi32, #tpu.memory_space<hbm>>
          tpu.wait_dma2 semaphore(%arg13 : memref<!tpu.dma_semaphore, #tpu.memory_space<semaphore_mem>>) src(%dma_wait3A_173 : memref<8x128xi32, #tpu.memory_space<hbm>>) dst(%dma_wait3A_171 : memref<8x128xi32, #tpu.memory_space<vmem>>)
        } else {
        }
        %mul3A_99 = arith.constant 2 : i32
        %mul3A_100 = arith.muli %scan3A_88, %mul3A_99 : i32
        %add3A_101 = arith.constant 0 : i32
        %add3A_102 = arith.addi %mul3A_100, %add3A_101 : i32
        %dma_wait3A = arith.constant 0 : i32
        %dma_wait3A_103 = tpu.memref_slice %arg7[%rem3A_68, %add3A_102, %dma_wait3A] : memref<2x8x128xi32, #tpu.memory_space<vmem>> -> memref<1x1x128xi32, #tpu.memory_space<vmem>>
        %dma_wait3A_104 = tpu.memref_squeeze %dma_wait3A_103 : memref<1x1x128xi32, #tpu.memory_space<vmem>> -> memref<128xi32, #tpu.memory_space<vmem>>
        %dma_wait3A_105 = arith.constant 0 : i32
        %dma_wait3A_106 = arith.constant 0 : i32
        %dma_wait3A_107 = tpu.memref_slice %arg2[%dma_wait3A_105, %dma_wait3A_106] : memref<10000x128xf32, #tpu.memory_space<hbm>> -> memref<10000x128xf32, #tpu.memory_space<hbm>>
        tpu.wait_indirect_dma semaphore(%arg11 : memref<!tpu.dma_semaphore, #tpu.memory_space<semaphore_mem>>) src(%dma_wait3A_107 : memref<10000x128xf32, #tpu.memory_space<hbm>>) dst(%arg9 : memref<128x128xf32, #tpu.memory_space<vmem>>)
        "tpu.region"() ({
          %run_scoped3A_150 = tpu.sem_alloc : memref<!tpu.dma_semaphore, #tpu.memory_space<semaphore_mem>>
          %dma_start3A_151 = arith.constant 0 : i32
          %dma_start3A_152 = tpu.memref_slice %arg8[%rem3A_68, %add3A_102, %dma_start3A_151] : memref<2x8x128xi32, #tpu.memory_space<vmem>> -> memref<1x1x128xi32, #tpu.memory_space<vmem>>
          %dma_start3A_153 = tpu.memref_squeeze %dma_start3A_152 : memref<1x1x128xi32, #tpu.memory_space<vmem>> -> memref<128xi32, #tpu.memory_space<vmem>>
          %dma_start3A_154 = arith.constant 0 : i32
          %dma_start3A_155 = arith.constant 0 : i32
          %dma_start3A_156 = tpu.memref_slice %arg14[%dma_start3A_154, %dma_start3A_155] : memref<10240x128xf32, #tpu.memory_space<vmem_shared>> -> memref<10240x128xf32, #tpu.memory_space<vmem_shared>>
          tpu.enqueue_indirect_dma source(%arg9 : memref<128x128xf32, #tpu.memory_space<vmem>>) target(%dma_start3A_156 : memref<10240x128xf32, #tpu.memory_space<vmem_shared>>) offsets(%dma_start3A_153 : memref<128xi32, #tpu.memory_space<vmem>>) semaphore(%run_scoped3A_150 : memref<!tpu.dma_semaphore, #tpu.memory_space<semaphore_mem>>) {add = true}
          %dma_wait3A_157 = arith.constant 0 : i32
          %dma_wait3A_158 = tpu.memref_slice %arg8[%rem3A_68, %add3A_102, %dma_wait3A_157] : memref<2x8x128xi32, #tpu.memory_space<vmem>> -> memref<1x1x128xi32, #tpu.memory_space<vmem>>
          %dma_wait3A_159 = tpu.memref_squeeze %dma_wait3A_158 : memref<1x1x128xi32, #tpu.memory_space<vmem>> -> memref<128xi32, #tpu.memory_space<vmem>>
          %dma_wait3A_160 = arith.constant 0 : i32
          %dma_wait3A_161 = arith.constant 0 : i32
          %dma_wait3A_162 = tpu.memref_slice %arg14[%dma_wait3A_160, %dma_wait3A_161] : memref<10240x128xf32, #tpu.memory_space<vmem_shared>> -> memref<10240x128xf32, #tpu.memory_space<vmem_shared>>
          tpu.wait_indirect_dma semaphore(%run_scoped3A_150 : memref<!tpu.dma_semaphore, #tpu.memory_space<semaphore_mem>>) src(%arg9 : memref<128x128xf32, #tpu.memory_space<vmem>>) dst(%dma_wait3A_162 : memref<10240x128xf32, #tpu.memory_space<vmem_shared>>)
          tpu.yield
        }) : () -> ()
        %add3A_108 = arith.constant 2 : i32
        %add3A_109 = arith.addi %add3A_102, %add3A_108 : i32
        %lt3A_110 = arith.constant 8 : i32
        %lt3A_111 = arith.cmpi slt, %add3A_109, %lt3A_110 : i32
        %convert_element_type3A_112 = arith.extui %lt3A_111 : i1 to i32
        %cond3A_113 = arith.constant 0 : i32
        %cond3A_114 = arith.cmpi ne, %convert_element_type3A_112, %cond3A_113 : i32
        scf.if %cond3A_114 {
          %dma_start3A_150 = arith.constant 0 : i32
          %dma_start3A_151 = tpu.memref_slice %arg7[%rem3A_68, %add3A_109, %dma_start3A_150] : memref<2x8x128xi32, #tpu.memory_space<vmem>> -> memref<1x1x128xi32, #tpu.memory_space<vmem>>
          %dma_start3A_152 = tpu.memref_squeeze %dma_start3A_151 : memref<1x1x128xi32, #tpu.memory_space<vmem>> -> memref<128xi32, #tpu.memory_space<vmem>>
          %dma_start3A_153 = arith.constant 0 : i32
          %dma_start3A_154 = arith.constant 0 : i32
          %dma_start3A_155 = tpu.memref_slice %arg2[%dma_start3A_153, %dma_start3A_154] : memref<10000x128xf32, #tpu.memory_space<hbm>> -> memref<10000x128xf32, #tpu.memory_space<hbm>>
          tpu.enqueue_indirect_dma source(%dma_start3A_155 : memref<10000x128xf32, #tpu.memory_space<hbm>>) target(%arg9 : memref<128x128xf32, #tpu.memory_space<vmem>>) offsets(%dma_start3A_152 : memref<128xi32, #tpu.memory_space<vmem>>) semaphore(%arg11 : memref<!tpu.dma_semaphore, #tpu.memory_space<semaphore_mem>>)
        } else {
        }
        %ge3A = arith.constant 8 : i32
        %ge3A_115 = arith.cmpi sge, %add3A_109, %ge3A : i32
        %add3A_116 = arith.constant 1 : i32
        %add3A_117 = arith.addi %while3A_65, %add3A_116 : i32
        %lt3A_118 = arith.cmpi slt, %add3A_117, %select_n3A_26 : i32
        %and3A_119 = arith.andi %ge3A_115, %lt3A_118 : i1
        %convert_element_type3A_120 = arith.extui %and3A_119 : i1 to i32
        %cond3A_121 = arith.constant 0 : i32
        %cond3A_122 = arith.cmpi ne, %convert_element_type3A_120, %cond3A_121 : i32
        scf.if %cond3A_122 {
          %sub3A_150 = arith.constant 8 : i32
          %sub3A_151 = arith.subi %add3A_109, %sub3A_150 : i32
          %dma_start3A_152 = arith.constant 0 : i32
          %dma_start3A_153 = tpu.memref_slice %arg7[%sub3A_70, %sub3A_151, %dma_start3A_152] : memref<2x8x128xi32, #tpu.memory_space<vmem>> -> memref<1x1x128xi32, #tpu.memory_space<vmem>>
          %dma_start3A_154 = tpu.memref_squeeze %dma_start3A_153 : memref<1x1x128xi32, #tpu.memory_space<vmem>> -> memref<128xi32, #tpu.memory_space<vmem>>
          %dma_start3A_155 = arith.constant 0 : i32
          %dma_start3A_156 = arith.constant 0 : i32
          %dma_start3A_157 = tpu.memref_slice %arg2[%dma_start3A_155, %dma_start3A_156] : memref<10000x128xf32, #tpu.memory_space<hbm>> -> memref<10000x128xf32, #tpu.memory_space<hbm>>
          tpu.enqueue_indirect_dma source(%dma_start3A_157 : memref<10000x128xf32, #tpu.memory_space<hbm>>) target(%arg9 : memref<128x128xf32, #tpu.memory_space<vmem>>) offsets(%dma_start3A_154 : memref<128xi32, #tpu.memory_space<vmem>>) semaphore(%arg11 : memref<!tpu.dma_semaphore, #tpu.memory_space<semaphore_mem>>)
        } else {
        }
        %mul3A_123 = arith.constant 2 : i32
        %mul3A_124 = arith.muli %scan3A_88, %mul3A_123 : i32
        %add3A_125 = arith.constant 1 : i32
        %add3A_126 = arith.addi %mul3A_124, %add3A_125 : i32
        %dma_wait3A_127 = arith.constant 0 : i32
        %dma_wait3A_128 = tpu.memref_slice %arg7[%rem3A_68, %add3A_126, %dma_wait3A_127] : memref<2x8x128xi32, #tpu.memory_space<vmem>> -> memref<1x1x128xi32, #tpu.memory_space<vmem>>
        %dma_wait3A_129 = tpu.memref_squeeze %dma_wait3A_128 : memref<1x1x128xi32, #tpu.memory_space<vmem>> -> memref<128xi32, #tpu.memory_space<vmem>>
        %dma_wait3A_130 = arith.constant 0 : i32
        %dma_wait3A_131 = arith.constant 0 : i32
        %dma_wait3A_132 = tpu.memref_slice %arg2[%dma_wait3A_130, %dma_wait3A_131] : memref<10000x128xf32, #tpu.memory_space<hbm>> -> memref<10000x128xf32, #tpu.memory_space<hbm>>
        tpu.wait_indirect_dma semaphore(%arg12 : memref<!tpu.dma_semaphore, #tpu.memory_space<semaphore_mem>>) src(%dma_wait3A_132 : memref<10000x128xf32, #tpu.memory_space<hbm>>) dst(%arg10 : memref<128x128xf32, #tpu.memory_space<vmem>>)
        "tpu.region"() ({
          %run_scoped3A_150 = tpu.sem_alloc : memref<!tpu.dma_semaphore, #tpu.memory_space<semaphore_mem>>
          %dma_start3A_151 = arith.constant 0 : i32
          %dma_start3A_152 = tpu.memref_slice %arg8[%rem3A_68, %add3A_126, %dma_start3A_151] : memref<2x8x128xi32, #tpu.memory_space<vmem>> -> memref<1x1x128xi32, #tpu.memory_space<vmem>>
          %dma_start3A_153 = tpu.memref_squeeze %dma_start3A_152 : memref<1x1x128xi32, #tpu.memory_space<vmem>> -> memref<128xi32, #tpu.memory_space<vmem>>
          %dma_start3A_154 = arith.constant 0 : i32
          %dma_start3A_155 = arith.constant 0 : i32
          %dma_start3A_156 = tpu.memref_slice %arg14[%dma_start3A_154, %dma_start3A_155] : memref<10240x128xf32, #tpu.memory_space<vmem_shared>> -> memref<10240x128xf32, #tpu.memory_space<vmem_shared>>
          tpu.enqueue_indirect_dma source(%arg10 : memref<128x128xf32, #tpu.memory_space<vmem>>) target(%dma_start3A_156 : memref<10240x128xf32, #tpu.memory_space<vmem_shared>>) offsets(%dma_start3A_153 : memref<128xi32, #tpu.memory_space<vmem>>) semaphore(%run_scoped3A_150 : memref<!tpu.dma_semaphore, #tpu.memory_space<semaphore_mem>>) {add = true}
          %dma_wait3A_157 = arith.constant 0 : i32
          %dma_wait3A_158 = tpu.memref_slice %arg8[%rem3A_68, %add3A_126, %dma_wait3A_157] : memref<2x8x128xi32, #tpu.memory_space<vmem>> -> memref<1x1x128xi32, #tpu.memory_space<vmem>>
          %dma_wait3A_159 = tpu.memref_squeeze %dma_wait3A_158 : memref<1x1x128xi32, #tpu.memory_space<vmem>> -> memref<128xi32, #tpu.memory_space<vmem>>
          %dma_wait3A_160 = arith.constant 0 : i32
          %dma_wait3A_161 = arith.constant 0 : i32
          %dma_wait3A_162 = tpu.memref_slice %arg14[%dma_wait3A_160, %dma_wait3A_161] : memref<10240x128xf32, #tpu.memory_space<vmem_shared>> -> memref<10240x128xf32, #tpu.memory_space<vmem_shared>>
          tpu.wait_indirect_dma semaphore(%run_scoped3A_150 : memref<!tpu.dma_semaphore, #tpu.memory_space<semaphore_mem>>) src(%arg10 : memref<128x128xf32, #tpu.memory_space<vmem>>) dst(%dma_wait3A_162 : memref<10240x128xf32, #tpu.memory_space<vmem_shared>>)
          tpu.yield
        }) : () -> ()
        %add3A_133 = arith.constant 2 : i32
        %add3A_134 = arith.addi %add3A_126, %add3A_133 : i32
        %lt3A_135 = arith.constant 8 : i32
        %lt3A_136 = arith.cmpi slt, %add3A_134, %lt3A_135 : i32
        %convert_element_type3A_137 = arith.extui %lt3A_136 : i1 to i32
        %cond3A_138 = arith.constant 0 : i32
        %cond3A_139 = arith.cmpi ne, %convert_element_type3A_137, %cond3A_138 : i32
        scf.if %cond3A_139 {
          %dma_start3A_150 = arith.constant 0 : i32
          %dma_start3A_151 = tpu.memref_slice %arg7[%rem3A_68, %add3A_134, %dma_start3A_150] : memref<2x8x128xi32, #tpu.memory_space<vmem>> -> memref<1x1x128xi32, #tpu.memory_space<vmem>>
          %dma_start3A_152 = tpu.memref_squeeze %dma_start3A_151 : memref<1x1x128xi32, #tpu.memory_space<vmem>> -> memref<128xi32, #tpu.memory_space<vmem>>
          %dma_start3A_153 = arith.constant 0 : i32
          %dma_start3A_154 = arith.constant 0 : i32
          %dma_start3A_155 = tpu.memref_slice %arg2[%dma_start3A_153, %dma_start3A_154] : memref<10000x128xf32, #tpu.memory_space<hbm>> -> memref<10000x128xf32, #tpu.memory_space<hbm>>
          tpu.enqueue_indirect_dma source(%dma_start3A_155 : memref<10000x128xf32, #tpu.memory_space<hbm>>) target(%arg10 : memref<128x128xf32, #tpu.memory_space<vmem>>) offsets(%dma_start3A_152 : memref<128xi32, #tpu.memory_space<vmem>>) semaphore(%arg12 : memref<!tpu.dma_semaphore, #tpu.memory_space<semaphore_mem>>)
        } else {
        }
        %ge3A_140 = arith.constant 8 : i32
        %ge3A_141 = arith.cmpi sge, %add3A_134, %ge3A_140 : i32
        %add3A_142 = arith.constant 1 : i32
        %add3A_143 = arith.addi %while3A_65, %add3A_142 : i32
        %lt3A_144 = arith.cmpi slt, %add3A_143, %select_n3A_26 : i32
        %and3A_145 = arith.andi %ge3A_141, %lt3A_144 : i1
        %convert_element_type3A_146 = arith.extui %and3A_145 : i1 to i32
        %cond3A_147 = arith.constant 0 : i32
        %cond3A_148 = arith.cmpi ne, %convert_element_type3A_146, %cond3A_147 : i32
        scf.if %cond3A_148 {
          %sub3A_150 = arith.constant 8 : i32
          %sub3A_151 = arith.subi %add3A_134, %sub3A_150 : i32
          %dma_start3A_152 = arith.constant 0 : i32
          %dma_start3A_153 = tpu.memref_slice %arg7[%sub3A_70, %sub3A_151, %dma_start3A_152] : memref<2x8x128xi32, #tpu.memory_space<vmem>> -> memref<1x1x128xi32, #tpu.memory_space<vmem>>
          %dma_start3A_154 = tpu.memref_squeeze %dma_start3A_153 : memref<1x1x128xi32, #tpu.memory_space<vmem>> -> memref<128xi32, #tpu.memory_space<vmem>>
          %dma_start3A_155 = arith.constant 0 : i32
          %dma_start3A_156 = arith.constant 0 : i32
          %dma_start3A_157 = tpu.memref_slice %arg2[%dma_start3A_155, %dma_start3A_156] : memref<10000x128xf32, #tpu.memory_space<hbm>> -> memref<10000x128xf32, #tpu.memory_space<hbm>>
          tpu.enqueue_indirect_dma source(%dma_start3A_157 : memref<10000x128xf32, #tpu.memory_space<hbm>>) target(%arg10 : memref<128x128xf32, #tpu.memory_space<vmem>>) offsets(%dma_start3A_154 : memref<128xi32, #tpu.memory_space<vmem>>) semaphore(%arg12 : memref<!tpu.dma_semaphore, #tpu.memory_space<semaphore_mem>>)
        } else {
        }
        %scan3A_149 = arith.constant 0 : i32
        scf.yield %scan3A_149 : i32
      }
      %scan3A_81 = arith.constant 4 : i32
      %add3A_82 = arith.constant 2 : i32
      %add3A_83 = arith.addi %while3A_65, %add3A_82 : i32
      %lt3A = arith.cmpi slt, %add3A_83, %select_n3A_26 : i32
      %convert_element_type3A_84 = arith.extui %lt3A : i1 to i32
      %cond3A_85 = arith.constant 0 : i32
      %cond3A_86 = arith.cmpi ne, %convert_element_type3A_84, %cond3A_85 : i32
      scf.if %cond3A_86 {
        %add3A_88 = arith.constant 8 : i32
        %add3A_89 = arith.addi %add3A_75, %add3A_88 : i32
        %dma_start3A_90 = arith.constant 0 : i32
        %dma_start3A_91 = arith.constant 0 : i32
        %dma_start3A_92 = tpu.memref_slice %arg7[%rem3A_68, %dma_start3A_90, %dma_start3A_91] : memref<2x8x128xi32, #tpu.memory_space<vmem>> -> memref<1x8x128xi32, #tpu.memory_space<vmem>>
        %dma_start3A_93 = tpu.memref_squeeze %dma_start3A_92 : memref<1x8x128xi32, #tpu.memory_space<vmem>> -> memref<8x128xi32, #tpu.memory_space<vmem>>
        %dma_start3A_94 = arith.constant 0 : i32
        %dma_start3A_95 = tpu.memref_slice %arg3[%add3A_89, %dma_start3A_94] : memref<2560x128xi32, #tpu.memory_space<hbm>> -> memref<8x128xi32, #tpu.memory_space<hbm>>
        %dma_start3A_96 = arith.constant 0 : i32
        %dma_start3A_97 = arith.constant 0 : i32
        %dma_start3A_98 = tpu.memref_slice %arg7[%rem3A_68, %dma_start3A_96, %dma_start3A_97] : memref<2x8x128xi32, #tpu.memory_space<vmem>> -> memref<1x8x128xi32, #tpu.memory_space<vmem>>
        %dma_start3A_99 = tpu.memref_squeeze %dma_start3A_98 : memref<1x8x128xi32, #tpu.memory_space<vmem>> -> memref<8x128xi32, #tpu.memory_space<vmem>>
        %dma_start3A_100 = arith.constant 0 : i32
        %dma_start3A_101 = tpu.memref_slice %arg3[%add3A_89, %dma_start3A_100] : memref<2560x128xi32, #tpu.memory_space<hbm>> -> memref<8x128xi32, #tpu.memory_space<hbm>>
        tpu.enqueue_dma source(%dma_start3A_101 : memref<8x128xi32, #tpu.memory_space<hbm>>) target(%dma_start3A_99 : memref<8x128xi32, #tpu.memory_space<vmem>>) target_semaphore(%arg13 : memref<!tpu.dma_semaphore, #tpu.memory_space<semaphore_mem>>)
        %add3A_102 = arith.constant 8 : i32
        %add3A_103 = arith.addi %add3A_75, %add3A_102 : i32
        %dma_start3A_104 = arith.constant 0 : i32
        %dma_start3A_105 = arith.constant 0 : i32
        %dma_start3A_106 = tpu.memref_slice %arg8[%rem3A_68, %dma_start3A_104, %dma_start3A_105] : memref<2x8x128xi32, #tpu.memory_space<vmem>> -> memref<1x8x128xi32, #tpu.memory_space<vmem>>
        %dma_start3A_107 = tpu.memref_squeeze %dma_start3A_106 : memref<1x8x128xi32, #tpu.memory_space<vmem>> -> memref<8x128xi32, #tpu.memory_space<vmem>>
        %dma_start3A_108 = arith.constant 0 : i32
        %dma_start3A_109 = tpu.memref_slice %arg4[%add3A_103, %dma_start3A_108] : memref<2560x128xi32, #tpu.memory_space<hbm>> -> memref<8x128xi32, #tpu.memory_space<hbm>>
        %dma_start3A_110 = arith.constant 0 : i32
        %dma_start3A_111 = arith.constant 0 : i32
        %dma_start3A_112 = tpu.memref_slice %arg8[%rem3A_68, %dma_start3A_110, %dma_start3A_111] : memref<2x8x128xi32, #tpu.memory_space<vmem>> -> memref<1x8x128xi32, #tpu.memory_space<vmem>>
        %dma_start3A_113 = tpu.memref_squeeze %dma_start3A_112 : memref<1x8x128xi32, #tpu.memory_space<vmem>> -> memref<8x128xi32, #tpu.memory_space<vmem>>
        %dma_start3A_114 = arith.constant 0 : i32
        %dma_start3A_115 = tpu.memref_slice %arg4[%add3A_103, %dma_start3A_114] : memref<2560x128xi32, #tpu.memory_space<hbm>> -> memref<8x128xi32, #tpu.memory_space<hbm>>
        tpu.enqueue_dma source(%dma_start3A_115 : memref<8x128xi32, #tpu.memory_space<hbm>>) target(%dma_start3A_113 : memref<8x128xi32, #tpu.memory_space<vmem>>) target_semaphore(%arg13 : memref<!tpu.dma_semaphore, #tpu.memory_space<semaphore_mem>>)
      } else {
      }
      %while3A_87 = arith.constant 0 : i32
      scf.yield %while3A_87 : i32
    }
    %while3A_58 = arith.constant 1 : i32
    %while3A_59 = scf.for %while3A_65 = %while3A_55 to %while3A_51 step %while3A_58 iter_args(%while3A_66 = %while3A_57) -> (i32)  : i32 {
      %rem3A_67 = arith.constant 2 : i32
      %rem3A_68 = arith.remsi %while3A_65, %rem3A_67 : i32
      %sub3A_69 = arith.constant 1 : i32
      %sub3A_70 = arith.subi %sub3A_69, %rem3A_68 : i32
      %add3A_71 = arith.constant 1 : i32
      %add3A_72 = arith.addi %while3A_65, %add3A_71 : i32
      %mul3A_73 = arith.constant 8 : i32
      %mul3A_74 = arith.muli %add3A_72, %mul3A_73 : i32
      %add3A_75 = arith.addi %select_n3A, %mul3A_74 : i32
      %scan3A = arith.constant 0 : i32
      %scan3A_76 = arith.constant 0 : i32
      %scan3A_77 = arith.constant 4 : i32
      %scan3A_78 = arith.addi %scan3A_76, %scan3A_77 : i32
      %scan3A_79 = arith.constant 1 : i32
      %scan3A_80 = scf.for %scan3A_88 = %scan3A_76 to %scan3A_78 step %scan3A_79 iter_args(%scan3A_89 = %scan3A) -> (i32)  : i32 {
        %eq3A_90 = arith.constant 3 : i32
        %eq3A_91 = arith.cmpi eq, %scan3A_88, %eq3A_90 : i32
        %add3A_92 = arith.constant 1 : i32
        %add3A_93 = arith.addi %while3A_65, %add3A_92 : i32
        %lt3A_94 = arith.cmpi slt, %add3A_93, %select_n3A_26 : i32
        %and3A_95 = arith.andi %eq3A_91, %lt3A_94 : i1
        %convert_element_type3A_96 = arith.extui %and3A_95 : i1 to i32
        %cond3A_97 = arith.constant 0 : i32
        %cond3A_98 = arith.cmpi ne, %convert_element_type3A_96, %cond3A_97 : i32
        scf.if %cond3A_98 {
          %dma_wait3A_150 = arith.constant 0 : i32
          %dma_wait3A_151 = arith.constant 0 : i32
          %dma_wait3A_152 = tpu.memref_slice %arg7[%sub3A_70, %dma_wait3A_150, %dma_wait3A_151] : memref<2x8x128xi32, #tpu.memory_space<vmem>> -> memref<1x8x128xi32, #tpu.memory_space<vmem>>
          %dma_wait3A_153 = tpu.memref_squeeze %dma_wait3A_152 : memref<1x8x128xi32, #tpu.memory_space<vmem>> -> memref<8x128xi32, #tpu.memory_space<vmem>>
          %dma_wait3A_154 = arith.constant 0 : i32
          %dma_wait3A_155 = tpu.memref_slice %arg3[%add3A_75, %dma_wait3A_154] : memref<2560x128xi32, #tpu.memory_space<hbm>> -> memref<8x128xi32, #tpu.memory_space<hbm>>
          %dma_wait3A_156 = arith.constant 0 : i32
          %dma_wait3A_157 = arith.constant 0 : i32
          %dma_wait3A_158 = tpu.memref_slice %arg7[%sub3A_70, %dma_wait3A_156, %dma_wait3A_157] : memref<2x8x128xi32, #tpu.memory_space<vmem>> -> memref<1x8x128xi32, #tpu.memory_space<vmem>>
          %dma_wait3A_159 = tpu.memref_squeeze %dma_wait3A_158 : memref<1x8x128xi32, #tpu.memory_space<vmem>> -> memref<8x128xi32, #tpu.memory_space<vmem>>
          %dma_wait3A_160 = arith.constant 0 : i32
          %dma_wait3A_161 = tpu.memref_slice %arg3[%add3A_75, %dma_wait3A_160] : memref<2560x128xi32, #tpu.memory_space<hbm>> -> memref<8x128xi32, #tpu.memory_space<hbm>>
          tpu.wait_dma2 semaphore(%arg13 : memref<!tpu.dma_semaphore, #tpu.memory_space<semaphore_mem>>) src(%dma_wait3A_161 : memref<8x128xi32, #tpu.memory_space<hbm>>) dst(%dma_wait3A_159 : memref<8x128xi32, #tpu.memory_space<vmem>>)
          %dma_wait3A_162 = arith.constant 0 : i32
          %dma_wait3A_163 = arith.constant 0 : i32
          %dma_wait3A_164 = tpu.memref_slice %arg8[%sub3A_70, %dma_wait3A_162, %dma_wait3A_163] : memref<2x8x128xi32, #tpu.memory_space<vmem>> -> memref<1x8x128xi32, #tpu.memory_space<vmem>>
          %dma_wait3A_165 = tpu.memref_squeeze %dma_wait3A_164 : memref<1x8x128xi32, #tpu.memory_space<vmem>> -> memref<8x128xi32, #tpu.memory_space<vmem>>
          %dma_wait3A_166 = arith.constant 0 : i32
          %dma_wait3A_167 = tpu.memref_slice %arg4[%add3A_75, %dma_wait3A_166] : memref<2560x128xi32, #tpu.memory_space<hbm>> -> memref<8x128xi32, #tpu.memory_space<hbm>>
          %dma_wait3A_168 = arith.constant 0 : i32
          %dma_wait3A_169 = arith.constant 0 : i32
          %dma_wait3A_170 = tpu.memref_slice %arg8[%sub3A_70, %dma_wait3A_168, %dma_wait3A_169] : memref<2x8x128xi32, #tpu.memory_space<vmem>> -> memref<1x8x128xi32, #tpu.memory_space<vmem>>
          %dma_wait3A_171 = tpu.memref_squeeze %dma_wait3A_170 : memref<1x8x128xi32, #tpu.memory_space<vmem>> -> memref<8x128xi32, #tpu.memory_space<vmem>>
          %dma_wait3A_172 = arith.constant 0 : i32
          %dma_wait3A_173 = tpu.memref_slice %arg4[%add3A_75, %dma_wait3A_172] : memref<2560x128xi32, #tpu.memory_space<hbm>> -> memref<8x128xi32, #tpu.memory_space<hbm>>
          tpu.wait_dma2 semaphore(%arg13 : memref<!tpu.dma_semaphore, #tpu.memory_space<semaphore_mem>>) src(%dma_wait3A_173 : memref<8x128xi32, #tpu.memory_space<hbm>>) dst(%dma_wait3A_171 : memref<8x128xi32, #tpu.memory_space<vmem>>)
        } else {
        }
        %mul3A_99 = arith.constant 2 : i32
        %mul3A_100 = arith.muli %scan3A_88, %mul3A_99 : i32
        %add3A_101 = arith.constant 0 : i32
        %add3A_102 = arith.addi %mul3A_100, %add3A_101 : i32
        %dma_wait3A = arith.constant 0 : i32
        %dma_wait3A_103 = tpu.memref_slice %arg7[%rem3A_68, %add3A_102, %dma_wait3A] : memref<2x8x128xi32, #tpu.memory_space<vmem>> -> memref<1x1x128xi32, #tpu.memory_space<vmem>>
        %dma_wait3A_104 = tpu.memref_squeeze %dma_wait3A_103 : memref<1x1x128xi32, #tpu.memory_space<vmem>> -> memref<128xi32, #tpu.memory_space<vmem>>
        %dma_wait3A_105 = arith.constant 0 : i32
        %dma_wait3A_106 = arith.constant 0 : i32
        %dma_wait3A_107 = tpu.memref_slice %arg2[%dma_wait3A_105, %dma_wait3A_106] : memref<10000x128xf32, #tpu.memory_space<hbm>> -> memref<10000x128xf32, #tpu.memory_space<hbm>>
        tpu.wait_indirect_dma semaphore(%arg11 : memref<!tpu.dma_semaphore, #tpu.memory_space<semaphore_mem>>) src(%dma_wait3A_107 : memref<10000x128xf32, #tpu.memory_space<hbm>>) dst(%arg9 : memref<128x128xf32, #tpu.memory_space<vmem>>)
        "tpu.region"() ({
          %run_scoped3A_150 = tpu.sem_alloc : memref<!tpu.dma_semaphore, #tpu.memory_space<semaphore_mem>>
          %dma_start3A_151 = arith.constant 0 : i32
          %dma_start3A_152 = tpu.memref_slice %arg8[%rem3A_68, %add3A_102, %dma_start3A_151] : memref<2x8x128xi32, #tpu.memory_space<vmem>> -> memref<1x1x128xi32, #tpu.memory_space<vmem>>
          %dma_start3A_153 = tpu.memref_squeeze %dma_start3A_152 : memref<1x1x128xi32, #tpu.memory_space<vmem>> -> memref<128xi32, #tpu.memory_space<vmem>>
          %dma_start3A_154 = arith.constant 0 : i32
          %dma_start3A_155 = arith.constant 0 : i32
          %dma_start3A_156 = tpu.memref_slice %arg14[%dma_start3A_154, %dma_start3A_155] : memref<10240x128xf32, #tpu.memory_space<vmem_shared>> -> memref<10240x128xf32, #tpu.memory_space<vmem_shared>>
          tpu.enqueue_indirect_dma source(%arg9 : memref<128x128xf32, #tpu.memory_space<vmem>>) target(%dma_start3A_156 : memref<10240x128xf32, #tpu.memory_space<vmem_shared>>) offsets(%dma_start3A_153 : memref<128xi32, #tpu.memory_space<vmem>>) semaphore(%run_scoped3A_150 : memref<!tpu.dma_semaphore, #tpu.memory_space<semaphore_mem>>) {add = true}
          %dma_wait3A_157 = arith.constant 0 : i32
          %dma_wait3A_158 = tpu.memref_slice %arg8[%rem3A_68, %add3A_102, %dma_wait3A_157] : memref<2x8x128xi32, #tpu.memory_space<vmem>> -> memref<1x1x128xi32, #tpu.memory_space<vmem>>
          %dma_wait3A_159 = tpu.memref_squeeze %dma_wait3A_158 : memref<1x1x128xi32, #tpu.memory_space<vmem>> -> memref<128xi32, #tpu.memory_space<vmem>>
          %dma_wait3A_160 = arith.constant 0 : i32
          %dma_wait3A_161 = arith.constant 0 : i32
          %dma_wait3A_162 = tpu.memref_slice %arg14[%dma_wait3A_160, %dma_wait3A_161] : memref<10240x128xf32, #tpu.memory_space<vmem_shared>> -> memref<10240x128xf32, #tpu.memory_space<vmem_shared>>
          tpu.wait_indirect_dma semaphore(%run_scoped3A_150 : memref<!tpu.dma_semaphore, #tpu.memory_space<semaphore_mem>>) src(%arg9 : memref<128x128xf32, #tpu.memory_space<vmem>>) dst(%dma_wait3A_162 : memref<10240x128xf32, #tpu.memory_space<vmem_shared>>)
          tpu.yield
        }) : () -> ()
        %add3A_108 = arith.constant 2 : i32
        %add3A_109 = arith.addi %add3A_102, %add3A_108 : i32
        %lt3A_110 = arith.constant 8 : i32
        %lt3A_111 = arith.cmpi slt, %add3A_109, %lt3A_110 : i32
        %convert_element_type3A_112 = arith.extui %lt3A_111 : i1 to i32
        %cond3A_113 = arith.constant 0 : i32
        %cond3A_114 = arith.cmpi ne, %convert_element_type3A_112, %cond3A_113 : i32
        scf.if %cond3A_114 {
          %dma_start3A_150 = arith.constant 0 : i32
          %dma_start3A_151 = tpu.memref_slice %arg7[%rem3A_68, %add3A_109, %dma_start3A_150] : memref<2x8x128xi32, #tpu.memory_space<vmem>> -> memref<1x1x128xi32, #tpu.memory_space<vmem>>
          %dma_start3A_152 = tpu.memref_squeeze %dma_start3A_151 : memref<1x1x128xi32, #tpu.memory_space<vmem>> -> memref<128xi32, #tpu.memory_space<vmem>>
          %dma_start3A_153 = arith.constant 0 : i32
          %dma_start3A_154 = arith.constant 0 : i32
          %dma_start3A_155 = tpu.memref_slice %arg2[%dma_start3A_153, %dma_start3A_154] : memref<10000x128xf32, #tpu.memory_space<hbm>> -> memref<10000x128xf32, #tpu.memory_space<hbm>>
          tpu.enqueue_indirect_dma source(%dma_start3A_155 : memref<10000x128xf32, #tpu.memory_space<hbm>>) target(%arg9 : memref<128x128xf32, #tpu.memory_space<vmem>>) offsets(%dma_start3A_152 : memref<128xi32, #tpu.memory_space<vmem>>) semaphore(%arg11 : memref<!tpu.dma_semaphore, #tpu.memory_space<semaphore_mem>>)
        } else {
        }
        %ge3A = arith.constant 8 : i32
        %ge3A_115 = arith.cmpi sge, %add3A_109, %ge3A : i32
        %add3A_116 = arith.constant 1 : i32
        %add3A_117 = arith.addi %while3A_65, %add3A_116 : i32
        %lt3A_118 = arith.cmpi slt, %add3A_117, %select_n3A_26 : i32
        %and3A_119 = arith.andi %ge3A_115, %lt3A_118 : i1
        %convert_element_type3A_120 = arith.extui %and3A_119 : i1 to i32
        %cond3A_121 = arith.constant 0 : i32
        %cond3A_122 = arith.cmpi ne, %convert_element_type3A_120, %cond3A_121 : i32
        scf.if %cond3A_122 {
          %sub3A_150 = arith.constant 8 : i32
          %sub3A_151 = arith.subi %add3A_109, %sub3A_150 : i32
          %dma_start3A_152 = arith.constant 0 : i32
          %dma_start3A_153 = tpu.memref_slice %arg7[%sub3A_70, %sub3A_151, %dma_start3A_152] : memref<2x8x128xi32, #tpu.memory_space<vmem>> -> memref<1x1x128xi32, #tpu.memory_space<vmem>>
          %dma_start3A_154 = tpu.memref_squeeze %dma_start3A_153 : memref<1x1x128xi32, #tpu.memory_space<vmem>> -> memref<128xi32, #tpu.memory_space<vmem>>
          %dma_start3A_155 = arith.constant 0 : i32
          %dma_start3A_156 = arith.constant 0 : i32
          %dma_start3A_157 = tpu.memref_slice %arg2[%dma_start3A_155, %dma_start3A_156] : memref<10000x128xf32, #tpu.memory_space<hbm>> -> memref<10000x128xf32, #tpu.memory_space<hbm>>
          tpu.enqueue_indirect_dma source(%dma_start3A_157 : memref<10000x128xf32, #tpu.memory_space<hbm>>) target(%arg9 : memref<128x128xf32, #tpu.memory_space<vmem>>) offsets(%dma_start3A_154 : memref<128xi32, #tpu.memory_space<vmem>>) semaphore(%arg11 : memref<!tpu.dma_semaphore, #tpu.memory_space<semaphore_mem>>)
        } else {
        }
        %mul3A_123 = arith.constant 2 : i32
        %mul3A_124 = arith.muli %scan3A_88, %mul3A_123 : i32
        %add3A_125 = arith.constant 1 : i32
        %add3A_126 = arith.addi %mul3A_124, %add3A_125 : i32
        %dma_wait3A_127 = arith.constant 0 : i32
        %dma_wait3A_128 = tpu.memref_slice %arg7[%rem3A_68, %add3A_126, %dma_wait3A_127] : memref<2x8x128xi32, #tpu.memory_space<vmem>> -> memref<1x1x128xi32, #tpu.memory_space<vmem>>
        %dma_wait3A_129 = tpu.memref_squeeze %dma_wait3A_128 : memref<1x1x128xi32, #tpu.memory_space<vmem>> -> memref<128xi32, #tpu.memory_space<vmem>>
        %dma_wait3A_130 = arith.constant 0 : i32
        %dma_wait3A_131 = arith.constant 0 : i32
        %dma_wait3A_132 = tpu.memref_slice %arg2[%dma_wait3A_130, %dma_wait3A_131] : memref<10000x128xf32, #tpu.memory_space<hbm>> -> memref<10000x128xf32, #tpu.memory_space<hbm>>
        tpu.wait_indirect_dma semaphore(%arg12 : memref<!tpu.dma_semaphore, #tpu.memory_space<semaphore_mem>>) src(%dma_wait3A_132 : memref<10000x128xf32, #tpu.memory_space<hbm>>) dst(%arg10 : memref<128x128xf32, #tpu.memory_space<vmem>>)
        "tpu.region"() ({
          %run_scoped3A_150 = tpu.sem_alloc : memref<!tpu.dma_semaphore, #tpu.memory_space<semaphore_mem>>
          %dma_start3A_151 = arith.constant 0 : i32
          %dma_start3A_152 = tpu.memref_slice %arg8[%rem3A_68, %add3A_126, %dma_start3A_151] : memref<2x8x128xi32, #tpu.memory_space<vmem>> -> memref<1x1x128xi32, #tpu.memory_space<vmem>>
          %dma_start3A_153 = tpu.memref_squeeze %dma_start3A_152 : memref<1x1x128xi32, #tpu.memory_space<vmem>> -> memref<128xi32, #tpu.memory_space<vmem>>
          %dma_start3A_154 = arith.constant 0 : i32
          %dma_start3A_155 = arith.constant 0 : i32
          %dma_start3A_156 = tpu.memref_slice %arg14[%dma_start3A_154, %dma_start3A_155] : memref<10240x128xf32, #tpu.memory_space<vmem_shared>> -> memref<10240x128xf32, #tpu.memory_space<vmem_shared>>
          tpu.enqueue_indirect_dma source(%arg10 : memref<128x128xf32, #tpu.memory_space<vmem>>) target(%dma_start3A_156 : memref<10240x128xf32, #tpu.memory_space<vmem_shared>>) offsets(%dma_start3A_153 : memref<128xi32, #tpu.memory_space<vmem>>) semaphore(%run_scoped3A_150 : memref<!tpu.dma_semaphore, #tpu.memory_space<semaphore_mem>>) {add = true}
          %dma_wait3A_157 = arith.constant 0 : i32
          %dma_wait3A_158 = tpu.memref_slice %arg8[%rem3A_68, %add3A_126, %dma_wait3A_157] : memref<2x8x128xi32, #tpu.memory_space<vmem>> -> memref<1x1x128xi32, #tpu.memory_space<vmem>>
          %dma_wait3A_159 = tpu.memref_squeeze %dma_wait3A_158 : memref<1x1x128xi32, #tpu.memory_space<vmem>> -> memref<128xi32, #tpu.memory_space<vmem>>
          %dma_wait3A_160 = arith.constant 0 : i32
          %dma_wait3A_161 = arith.constant 0 : i32
          %dma_wait3A_162 = tpu.memref_slice %arg14[%dma_wait3A_160, %dma_wait3A_161] : memref<10240x128xf32, #tpu.memory_space<vmem_shared>> -> memref<10240x128xf32, #tpu.memory_space<vmem_shared>>
          tpu.wait_indirect_dma semaphore(%run_scoped3A_150 : memref<!tpu.dma_semaphore, #tpu.memory_space<semaphore_mem>>) src(%arg10 : memref<128x128xf32, #tpu.memory_space<vmem>>) dst(%dma_wait3A_162 : memref<10240x128xf32, #tpu.memory_space<vmem_shared>>)
          tpu.yield
        }) : () -> ()
        %add3A_133 = arith.constant 2 : i32
        %add3A_134 = arith.addi %add3A_126, %add3A_133 : i32
        %lt3A_135 = arith.constant 8 : i32
        %lt3A_136 = arith.cmpi slt, %add3A_134, %lt3A_135 : i32
        %convert_element_type3A_137 = arith.extui %lt3A_136 : i1 to i32
        %cond3A_138 = arith.constant 0 : i32
        %cond3A_139 = arith.cmpi ne, %convert_element_type3A_137, %cond3A_138 : i32
        scf.if %cond3A_139 {
          %dma_start3A_150 = arith.constant 0 : i32
          %dma_start3A_151 = tpu.memref_slice %arg7[%rem3A_68, %add3A_134, %dma_start3A_150] : memref<2x8x128xi32, #tpu.memory_space<vmem>> -> memref<1x1x128xi32, #tpu.memory_space<vmem>>
          %dma_start3A_152 = tpu.memref_squeeze %dma_start3A_151 : memref<1x1x128xi32, #tpu.memory_space<vmem>> -> memref<128xi32, #tpu.memory_space<vmem>>
          %dma_start3A_153 = arith.constant 0 : i32
          %dma_start3A_154 = arith.constant 0 : i32
          %dma_start3A_155 = tpu.memref_slice %arg2[%dma_start3A_153, %dma_start3A_154] : memref<10000x128xf32, #tpu.memory_space<hbm>> -> memref<10000x128xf32, #tpu.memory_space<hbm>>
          tpu.enqueue_indirect_dma source(%dma_start3A_155 : memref<10000x128xf32, #tpu.memory_space<hbm>>) target(%arg10 : memref<128x128xf32, #tpu.memory_space<vmem>>) offsets(%dma_start3A_152 : memref<128xi32, #tpu.memory_space<vmem>>) semaphore(%arg12 : memref<!tpu.dma_semaphore, #tpu.memory_space<semaphore_mem>>)
        } else {
        }
        %ge3A_140 = arith.constant 8 : i32
        %ge3A_141 = arith.cmpi sge, %add3A_134, %ge3A_140 : i32
        %add3A_142 = arith.constant 1 : i32
        %add3A_143 = arith.addi %while3A_65, %add3A_142 : i32
        %lt3A_144 = arith.cmpi slt, %add3A_143, %select_n3A_26 : i32
        %and3A_145 = arith.andi %ge3A_141, %lt3A_144 : i1
        %convert_element_type3A_146 = arith.extui %and3A_145 : i1 to i32
        %cond3A_147 = arith.constant 0 : i32
        %cond3A_148 = arith.cmpi ne, %convert_element_type3A_146, %cond3A_147 : i32
        scf.if %cond3A_148 {
          %sub3A_150 = arith.constant 8 : i32
          %sub3A_151 = arith.subi %add3A_134, %sub3A_150 : i32
          %dma_start3A_152 = arith.constant 0 : i32
          %dma_start3A_153 = tpu.memref_slice %arg7[%sub3A_70, %sub3A_151, %dma_start3A_152] : memref<2x8x128xi32, #tpu.memory_space<vmem>> -> memref<1x1x128xi32, #tpu.memory_space<vmem>>
          %dma_start3A_154 = tpu.memref_squeeze %dma_start3A_153 : memref<1x1x128xi32, #tpu.memory_space<vmem>> -> memref<128xi32, #tpu.memory_space<vmem>>
          %dma_start3A_155 = arith.constant 0 : i32
          %dma_start3A_156 = arith.constant 0 : i32
          %dma_start3A_157 = tpu.memref_slice %arg2[%dma_start3A_155, %dma_start3A_156] : memref<10000x128xf32, #tpu.memory_space<hbm>> -> memref<10000x128xf32, #tpu.memory_space<hbm>>
          tpu.enqueue_indirect_dma source(%dma_start3A_157 : memref<10000x128xf32, #tpu.memory_space<hbm>>) target(%arg10 : memref<128x128xf32, #tpu.memory_space<vmem>>) offsets(%dma_start3A_154 : memref<128xi32, #tpu.memory_space<vmem>>) semaphore(%arg12 : memref<!tpu.dma_semaphore, #tpu.memory_space<semaphore_mem>>)
        } else {
        }
        %scan3A_149 = arith.constant 0 : i32
        scf.yield %scan3A_149 : i32
      }
      %scan3A_81 = arith.constant 4 : i32
      %add3A_82 = arith.constant 2 : i32
      %add3A_83 = arith.addi %while3A_65, %add3A_82 : i32
      %lt3A = arith.cmpi slt, %add3A_83, %select_n3A_26 : i32
      %convert_element_type3A_84 = arith.extui %lt3A : i1 to i32
      %cond3A_85 = arith.constant 0 : i32
      %cond3A_86 = arith.cmpi ne, %convert_element_type3A_84, %cond3A_85 : i32
      scf.if %cond3A_86 {
        %add3A_88 = arith.constant 8 : i32
        %add3A_89 = arith.addi %add3A_75, %add3A_88 : i32
        %dma_start3A_90 = arith.constant 0 : i32
        %dma_start3A_91 = arith.constant 0 : i32
        %dma_start3A_92 = tpu.memref_slice %arg7[%rem3A_68, %dma_start3A_90, %dma_start3A_91] : memref<2x8x128xi32, #tpu.memory_space<vmem>> -> memref<1x8x128xi32, #tpu.memory_space<vmem>>
        %dma_start3A_93 = tpu.memref_squeeze %dma_start3A_92 : memref<1x8x128xi32, #tpu.memory_space<vmem>> -> memref<8x128xi32, #tpu.memory_space<vmem>>
        %dma_start3A_94 = arith.constant 0 : i32
        %dma_start3A_95 = tpu.memref_slice %arg3[%add3A_89, %dma_start3A_94] : memref<2560x128xi32, #tpu.memory_space<hbm>> -> memref<8x128xi32, #tpu.memory_space<hbm>>
        %dma_start3A_96 = arith.constant 0 : i32
        %dma_start3A_97 = arith.constant 0 : i32
        %dma_start3A_98 = tpu.memref_slice %arg7[%rem3A_68, %dma_start3A_96, %dma_start3A_97] : memref<2x8x128xi32, #tpu.memory_space<vmem>> -> memref<1x8x128xi32, #tpu.memory_space<vmem>>
        %dma_start3A_99 = tpu.memref_squeeze %dma_start3A_98 : memref<1x8x128xi32, #tpu.memory_space<vmem>> -> memref<8x128xi32, #tpu.memory_space<vmem>>
        %dma_start3A_100 = arith.constant 0 : i32
        %dma_start3A_101 = tpu.memref_slice %arg3[%add3A_89, %dma_start3A_100] : memref<2560x128xi32, #tpu.memory_space<hbm>> -> memref<8x128xi32, #tpu.memory_space<hbm>>
        tpu.enqueue_dma source(%dma_start3A_101 : memref<8x128xi32, #tpu.memory_space<hbm>>) target(%dma_start3A_99 : memref<8x128xi32, #tpu.memory_space<vmem>>) target_semaphore(%arg13 : memref<!tpu.dma_semaphore, #tpu.memory_space<semaphore_mem>>)
        %add3A_102 = arith.constant 8 : i32
        %add3A_103 = arith.addi %add3A_75, %add3A_102 : i32
        %dma_start3A_104 = arith.constant 0 : i32
        %dma_start3A_105 = arith.constant 0 : i32
        %dma_start3A_106 = tpu.memref_slice %arg8[%rem3A_68, %dma_start3A_104, %dma_start3A_105] : memref<2x8x128xi32, #tpu.memory_space<vmem>> -> memref<1x8x128xi32, #tpu.memory_space<vmem>>
        %dma_start3A_107 = tpu.memref_squeeze %dma_start3A_106 : memref<1x8x128xi32, #tpu.memory_space<vmem>> -> memref<8x128xi32, #tpu.memory_space<vmem>>
        %dma_start3A_108 = arith.constant 0 : i32
        %dma_start3A_109 = tpu.memref_slice %arg4[%add3A_103, %dma_start3A_108] : memref<2560x128xi32, #tpu.memory_space<hbm>> -> memref<8x128xi32, #tpu.memory_space<hbm>>
        %dma_start3A_110 = arith.constant 0 : i32
        %dma_start3A_111 = arith.constant 0 : i32
        %dma_start3A_112 = tpu.memref_slice %arg8[%rem3A_68, %dma_start3A_110, %dma_start3A_111] : memref<2x8x128xi32, #tpu.memory_space<vmem>> -> memref<1x8x128xi32, #tpu.memory_space<vmem>>
        %dma_start3A_113 = tpu.memref_squeeze %dma_start3A_112 : memref<1x8x128xi32, #tpu.memory_space<vmem>> -> memref<8x128xi32, #tpu.memory_space<vmem>>
        %dma_start3A_114 = arith.constant 0 : i32
        %dma_start3A_115 = tpu.memref_slice %arg4[%add3A_103, %dma_start3A_114] : memref<2560x128xi32, #tpu.memory_space<hbm>> -> memref<8x128xi32, #tpu.memory_space<hbm>>
        tpu.enqueue_dma source(%dma_start3A_115 : memref<8x128xi32, #tpu.memory_space<hbm>>) target(%dma_start3A_113 : memref<8x128xi32, #tpu.memory_space<vmem>>) target_semaphore(%arg13 : memref<!tpu.dma_semaphore, #tpu.memory_space<semaphore_mem>>)
      } else {
      }
      %while3A_87 = arith.constant 0 : i32
      scf.yield %while3A_87 : i32
    }
    %barrier3A_60 = arith.constant 0 : index
    tpu.barrier barrier_id(%barrier3A_60)
    %mul3A_61 = arith.constant 640 : i32
    %mul3A_62 = arith.muli %arg1, %mul3A_61 : i32
    %mul3A_63 = arith.constant 640 : i32
    %mul3A_64 = arith.muli %arg1, %mul3A_63 : i32
    "tpu.region"() ({
      %run_scoped3A_65 = tpu.sem_alloc : memref<!tpu.dma_semaphore, #tpu.memory_space<semaphore_mem>>
      %dma_start3A_66 = arith.constant 0 : i32
      %dma_start3A_67 = tpu.memref_slice %arg6[%arg0, %mul3A_64, %dma_start3A_66] : memref<2x10240x128xf32, #tpu.memory_space<hbm>> -> memref<1x640x128xf32, #tpu.memory_space<hbm>>
      %dma_start3A_68 = tpu.memref_squeeze %dma_start3A_67 : memref<1x640x128xf32, #tpu.memory_space<hbm>> -> memref<640x128xf32, #tpu.memory_space<hbm>>
      %dma_start3A_69 = arith.constant 0 : i32
      %dma_start3A_70 = tpu.memref_slice %arg14[%mul3A_62, %dma_start3A_69] : memref<10240x128xf32, #tpu.memory_space<vmem_shared>> -> memref<640x128xf32, #tpu.memory_space<vmem_shared>>
      tpu.enqueue_dma source(%dma_start3A_70 : memref<640x128xf32, #tpu.memory_space<vmem_shared>>) target(%dma_start3A_68 : memref<640x128xf32, #tpu.memory_space<hbm>>) target_semaphore(%run_scoped3A_65 : memref<!tpu.dma_semaphore, #tpu.memory_space<semaphore_mem>>)
      %dma_wait3A = arith.constant 0 : i32
      %dma_wait3A_71 = tpu.memref_slice %arg6[%arg0, %mul3A_64, %dma_wait3A] : memref<2x10240x128xf32, #tpu.memory_space<hbm>> -> memref<1x640x128xf32, #tpu.memory_space<hbm>>
      %dma_wait3A_72 = tpu.memref_squeeze %dma_wait3A_71 : memref<1x640x128xf32, #tpu.memory_space<hbm>> -> memref<640x128xf32, #tpu.memory_space<hbm>>
      %dma_wait3A_73 = arith.constant 0 : i32
      %dma_wait3A_74 = tpu.memref_slice %arg14[%mul3A_62, %dma_wait3A_73] : memref<10240x128xf32, #tpu.memory_space<vmem_shared>> -> memref<640x128xf32, #tpu.memory_space<vmem_shared>>
      tpu.wait_dma2 semaphore(%run_scoped3A_65 : memref<!tpu.dma_semaphore, #tpu.memory_space<semaphore_mem>>) src(%dma_wait3A_74 : memref<640x128xf32, #tpu.memory_space<vmem_shared>>) dst(%dma_wait3A_72 : memref<640x128xf32, #tpu.memory_space<hbm>>)
      tpu.yield
    }) : () -> ()
    return
  }
}

#map = affine_map<(d0, d1) -> (0, 0)>
#map1 = affine_map<(d0, d1) -> (0, 0, 0)>
module attributes {stable_mosaic.version = 14 : i64} {
  func.func @_agg_body(%arg0: i32, %arg1: i32, %arg2: memref<10240x128xf32, #tpu.memory_space<hbm>>, %arg3: memref<2560x128xi32, #tpu.memory_space<hbm>>, %arg4: memref<2560x128xi32, #tpu.memory_space<hbm>>, %arg5: memref<10240x128xf32, #tpu.memory_space<hbm>>, %arg6: memref<2x10240x128xf32, #tpu.memory_space<hbm>>, %arg7: memref<2x8x128xi32, #tpu.memory_space<vmem>>, %arg8: memref<2x8x128xi32, #tpu.memory_space<vmem>>, %arg9: memref<128x128xf32, #tpu.memory_space<vmem>>, %arg10: memref<128x128xf32, #tpu.memory_space<vmem>>, %arg11: memref<!tpu.dma_semaphore, #tpu.memory_space<semaphore_mem>>, %arg12: memref<!tpu.dma_semaphore, #tpu.memory_space<semaphore_mem>>, %arg13: memref<!tpu.dma_semaphore, #tpu.memory_space<semaphore_mem>>, %arg14: memref<10240x128xf32, #tpu.memory_space<vmem_shared>>) attributes {dimension_semantics = [#tpu.dimension_semantics<core_parallel>, #tpu.dimension_semantics<subcore_parallel>], iteration_bounds = array<i64: 2, 16>, scalar_prefetch = 0 : i64, scratch_operands = 8 : i64, tpu.core_type = #tpu.core_type<sc_vector_subcore>, window_params = [{transform_indices = #map}, {transform_indices = #map}, {transform_indices = #map}, {transform_indices = #map}, {transform_indices = #map1}]} {
    %eq3A = arith.constant 0 : i32
    %eq3A_0 = arith.cmpi eq, %arg0, %eq3A : i32
    %mul3A = arith.constant 152 : i32
    %mul3A_1 = arith.muli %arg1, %mul3A : i32
    %mul3A_2 = arith.constant 8 : i32
    %mul3A_3 = arith.muli %arg1, %mul3A_2 : i32
    %add3A = arith.constant 2432 : i32
    %add3A_4 = arith.addi %add3A, %mul3A_3 : i32
    %select_n3A = arith.select %eq3A_0, %mul3A_1, %add3A_4 : i32
    %eq3A_5 = arith.constant 0 : i32
    %eq3A_6 = arith.cmpi eq, %arg0, %eq3A_5 : i32
    %jit3A = arith.constant 152 : i32
    %jit3A_7 = arith.constant 8 : i32
    %select_n3A_8 = arith.select %eq3A_6, %jit3A, %jit3A_7 : i32
    %jit3A_9 = arith.constant 8 : i32
    %div3A = arith.divsi %select_n3A_8, %jit3A_9 : i32
    %sign3A = arith.constant 0 : i32
    %sign3A_10 = arith.cmpi sgt, %select_n3A_8, %sign3A : i32
    %sign3A_11 = arith.extui %sign3A_10 : i1 to i32
    %sign3A_12 = arith.constant 0 : i32
    %sign3A_13 = arith.cmpi slt, %select_n3A_8, %sign3A_12 : i32
    %sign3A_14 = arith.extui %sign3A_13 : i1 to i32
    %sign3A_15 = arith.subi %sign3A_11, %sign3A_14 : i32
    %sign3A_16 = arith.constant 0 : i32
    %sign3A_17 = arith.cmpi sgt, %jit3A_9, %sign3A_16 : i32
    %sign3A_18 = arith.extui %sign3A_17 : i1 to i32
    %sign3A_19 = arith.constant 0 : i32
    %sign3A_20 = arith.cmpi slt, %jit3A_9, %sign3A_19 : i32
    %sign3A_21 = arith.extui %sign3A_20 : i1 to i32
    %sign3A_22 = arith.subi %sign3A_18, %sign3A_21 : i32
    %ne3A = arith.cmpi ne, %sign3A_15, %sign3A_22 : i32
    %rem3A = arith.remsi %select_n3A_8, %jit3A_9 : i32
    %ne3A_23 = arith.constant 0 : i32
    %ne3A_24 = arith.cmpi ne, %rem3A, %ne3A_23 : i32
    %and3A = arith.andi %ne3A, %ne3A_24 : i1
    %sub3A = arith.constant 1 : i32
    %sub3A_25 = arith.subi %div3A, %sub3A : i32
    %select_n3A_26 = arith.select %and3A, %sub3A_25, %div3A : i32
    %run_scoped3A = arith.constant 0 : i32
    "tpu.region"() ({
      %run_scoped3A_65 = tpu.sem_alloc : memref<!tpu.dma_semaphore, #tpu.memory_space<semaphore_mem>>
      %dma_start3A_66 = arith.constant 0 : i32
      %dma_start3A_67 = arith.constant 0 : i32
      %dma_start3A_68 = tpu.memref_slice %arg7[%run_scoped3A, %dma_start3A_66, %dma_start3A_67] : memref<2x8x128xi32, #tpu.memory_space<vmem>> -> memref<1x8x128xi32, #tpu.memory_space<vmem>>
      %dma_start3A_69 = tpu.memref_squeeze %dma_start3A_68 : memref<1x8x128xi32, #tpu.memory_space<vmem>> -> memref<8x128xi32, #tpu.memory_space<vmem>>
      %dma_start3A_70 = arith.constant 0 : i32
      %dma_start3A_71 = tpu.memref_slice %arg3[%select_n3A, %dma_start3A_70] : memref<2560x128xi32, #tpu.memory_space<hbm>> -> memref<8x128xi32, #tpu.memory_space<hbm>>
      %dma_start3A_72 = arith.constant 0 : i32
      %dma_start3A_73 = arith.constant 0 : i32
      %dma_start3A_74 = tpu.memref_slice %arg7[%run_scoped3A, %dma_start3A_72, %dma_start3A_73] : memref<2x8x128xi32, #tpu.memory_space<vmem>> -> memref<1x8x128xi32, #tpu.memory_space<vmem>>
      %dma_start3A_75 = tpu.memref_squeeze %dma_start3A_74 : memref<1x8x128xi32, #tpu.memory_space<vmem>> -> memref<8x128xi32, #tpu.memory_space<vmem>>
      %dma_start3A_76 = arith.constant 0 : i32
      %dma_start3A_77 = tpu.memref_slice %arg3[%select_n3A, %dma_start3A_76] : memref<2560x128xi32, #tpu.memory_space<hbm>> -> memref<8x128xi32, #tpu.memory_space<hbm>>
      tpu.enqueue_dma source(%dma_start3A_77 : memref<8x128xi32, #tpu.memory_space<hbm>>) target(%dma_start3A_75 : memref<8x128xi32, #tpu.memory_space<vmem>>) target_semaphore(%run_scoped3A_65 : memref<!tpu.dma_semaphore, #tpu.memory_space<semaphore_mem>>)
      %dma_wait3A = arith.constant 0 : i32
      %dma_wait3A_78 = arith.constant 0 : i32
      %dma_wait3A_79 = tpu.memref_slice %arg7[%run_scoped3A, %dma_wait3A, %dma_wait3A_78] : memref<2x8x128xi32, #tpu.memory_space<vmem>> -> memref<1x8x128xi32, #tpu.memory_space<vmem>>
      %dma_wait3A_80 = tpu.memref_squeeze %dma_wait3A_79 : memref<1x8x128xi32, #tpu.memory_space<vmem>> -> memref<8x128xi32, #tpu.memory_space<vmem>>
      %dma_wait3A_81 = arith.constant 0 : i32
      %dma_wait3A_82 = tpu.memref_slice %arg3[%select_n3A, %dma_wait3A_81] : memref<2560x128xi32, #tpu.memory_space<hbm>> -> memref<8x128xi32, #tpu.memory_space<hbm>>
      %dma_wait3A_83 = arith.constant 0 : i32
      %dma_wait3A_84 = arith.constant 0 : i32
      %dma_wait3A_85 = tpu.memref_slice %arg7[%run_scoped3A, %dma_wait3A_83, %dma_wait3A_84] : memref<2x8x128xi32, #tpu.memory_space<vmem>> -> memref<1x8x128xi32, #tpu.memory_space<vmem>>
      %dma_wait3A_86 = tpu.memref_squeeze %dma_wait3A_85 : memref<1x8x128xi32, #tpu.memory_space<vmem>> -> memref<8x128xi32, #tpu.memory_space<vmem>>
      %dma_wait3A_87 = arith.constant 0 : i32
      %dma_wait3A_88 = tpu.memref_slice %arg3[%select_n3A, %dma_wait3A_87] : memref<2560x128xi32, #tpu.memory_space<hbm>> -> memref<8x128xi32, #tpu.memory_space<hbm>>
      tpu.wait_dma2 semaphore(%run_scoped3A_65 : memref<!tpu.dma_semaphore, #tpu.memory_space<semaphore_mem>>) src(%dma_wait3A_88 : memref<8x128xi32, #tpu.memory_space<hbm>>) dst(%dma_wait3A_86 : memref<8x128xi32, #tpu.memory_space<vmem>>)
      tpu.yield
    }) : () -> ()
    %run_scoped3A_27 = arith.constant 0 : i32
    "tpu.region"() ({
      %run_scoped3A_65 = tpu.sem_alloc : memref<!tpu.dma_semaphore, #tpu.memory_space<semaphore_mem>>
      %dma_start3A_66 = arith.constant 0 : i32
      %dma_start3A_67 = arith.constant 0 : i32
      %dma_start3A_68 = tpu.memref_slice %arg8[%run_scoped3A_27, %dma_start3A_66, %dma_start3A_67] : memref<2x8x128xi32, #tpu.memory_space<vmem>> -> memref<1x8x128xi32, #tpu.memory_space<vmem>>
      %dma_start3A_69 = tpu.memref_squeeze %dma_start3A_68 : memref<1x8x128xi32, #tpu.memory_space<vmem>> -> memref<8x128xi32, #tpu.memory_space<vmem>>
      %dma_start3A_70 = arith.constant 0 : i32
      %dma_start3A_71 = tpu.memref_slice %arg4[%select_n3A, %dma_start3A_70] : memref<2560x128xi32, #tpu.memory_space<hbm>> -> memref<8x128xi32, #tpu.memory_space<hbm>>
      %dma_start3A_72 = arith.constant 0 : i32
      %dma_start3A_73 = arith.constant 0 : i32
      %dma_start3A_74 = tpu.memref_slice %arg8[%run_scoped3A_27, %dma_start3A_72, %dma_start3A_73] : memref<2x8x128xi32, #tpu.memory_space<vmem>> -> memref<1x8x128xi32, #tpu.memory_space<vmem>>
      %dma_start3A_75 = tpu.memref_squeeze %dma_start3A_74 : memref<1x8x128xi32, #tpu.memory_space<vmem>> -> memref<8x128xi32, #tpu.memory_space<vmem>>
      %dma_start3A_76 = arith.constant 0 : i32
      %dma_start3A_77 = tpu.memref_slice %arg4[%select_n3A, %dma_start3A_76] : memref<2560x128xi32, #tpu.memory_space<hbm>> -> memref<8x128xi32, #tpu.memory_space<hbm>>
      tpu.enqueue_dma source(%dma_start3A_77 : memref<8x128xi32, #tpu.memory_space<hbm>>) target(%dma_start3A_75 : memref<8x128xi32, #tpu.memory_space<vmem>>) target_semaphore(%run_scoped3A_65 : memref<!tpu.dma_semaphore, #tpu.memory_space<semaphore_mem>>)
      %dma_wait3A = arith.constant 0 : i32
      %dma_wait3A_78 = arith.constant 0 : i32
      %dma_wait3A_79 = tpu.memref_slice %arg8[%run_scoped3A_27, %dma_wait3A, %dma_wait3A_78] : memref<2x8x128xi32, #tpu.memory_space<vmem>> -> memref<1x8x128xi32, #tpu.memory_space<vmem>>
      %dma_wait3A_80 = tpu.memref_squeeze %dma_wait3A_79 : memref<1x8x128xi32, #tpu.memory_space<vmem>> -> memref<8x128xi32, #tpu.memory_space<vmem>>
      %dma_wait3A_81 = arith.constant 0 : i32
      %dma_wait3A_82 = tpu.memref_slice %arg4[%select_n3A, %dma_wait3A_81] : memref<2560x128xi32, #tpu.memory_space<hbm>> -> memref<8x128xi32, #tpu.memory_space<hbm>>
      %dma_wait3A_83 = arith.constant 0 : i32
      %dma_wait3A_84 = arith.constant 0 : i32
      %dma_wait3A_85 = tpu.memref_slice %arg8[%run_scoped3A_27, %dma_wait3A_83, %dma_wait3A_84] : memref<2x8x128xi32, #tpu.memory_space<vmem>> -> memref<1x8x128xi32, #tpu.memory_space<vmem>>
      %dma_wait3A_86 = tpu.memref_squeeze %dma_wait3A_85 : memref<1x8x128xi32, #tpu.memory_space<vmem>> -> memref<8x128xi32, #tpu.memory_space<vmem>>
      %dma_wait3A_87 = arith.constant 0 : i32
      %dma_wait3A_88 = tpu.memref_slice %arg4[%select_n3A, %dma_wait3A_87] : memref<2560x128xi32, #tpu.memory_space<hbm>> -> memref<8x128xi32, #tpu.memory_space<hbm>>
      tpu.wait_dma2 semaphore(%run_scoped3A_65 : memref<!tpu.dma_semaphore, #tpu.memory_space<semaphore_mem>>) src(%dma_wait3A_88 : memref<8x128xi32, #tpu.memory_space<hbm>>) dst(%dma_wait3A_86 : memref<8x128xi32, #tpu.memory_space<vmem>>)
      tpu.yield
    }) : () -> ()
    %dma_start3A = arith.constant 0 : i32
    %dma_start3A_28 = arith.constant 0 : i32
    %dma_start3A_29 = arith.constant 0 : i32
    %dma_start3A_30 = tpu.memref_slice %arg7[%dma_start3A, %dma_start3A_28, %dma_start3A_29] : memref<2x8x128xi32, #tpu.memory_space<vmem>> -> memref<1x1x128xi32, #tpu.memory_space<vmem>>
    %dma_start3A_31 = tpu.memref_squeeze %dma_start3A_30 : memref<1x1x128xi32, #tpu.memory_space<vmem>> -> memref<128xi32, #tpu.memory_space<vmem>>
    %dma_start3A_32 = arith.constant 0 : i32
    %dma_start3A_33 = arith.constant 0 : i32
    %dma_start3A_34 = tpu.memref_slice %arg2[%dma_start3A_32, %dma_start3A_33] : memref<10240x128xf32, #tpu.memory_space<hbm>> -> memref<10240x128xf32, #tpu.memory_space<hbm>>
    tpu.enqueue_indirect_dma source(%dma_start3A_34 : memref<10240x128xf32, #tpu.memory_space<hbm>>) target(%arg9 : memref<128x128xf32, #tpu.memory_space<vmem>>) offsets(%dma_start3A_31 : memref<128xi32, #tpu.memory_space<vmem>>) semaphore(%arg11 : memref<!tpu.dma_semaphore, #tpu.memory_space<semaphore_mem>>)
    %dma_start3A_35 = arith.constant 0 : i32
    %dma_start3A_36 = arith.constant 1 : i32
    %dma_start3A_37 = arith.constant 0 : i32
    %dma_start3A_38 = tpu.memref_slice %arg7[%dma_start3A_35, %dma_start3A_36, %dma_start3A_37] : memref<2x8x128xi32, #tpu.memory_space<vmem>> -> memref<1x1x128xi32, #tpu.memory_space<vmem>>
    %dma_start3A_39 = tpu.memref_squeeze %dma_start3A_38 : memref<1x1x128xi32, #tpu.memory_space<vmem>> -> memref<128xi32, #tpu.memory_space<vmem>>
    %dma_start3A_40 = arith.constant 0 : i32
    %dma_start3A_41 = arith.constant 0 : i32
    %dma_start3A_42 = tpu.memref_slice %arg2[%dma_start3A_40, %dma_start3A_41] : memref<10240x128xf32, #tpu.memory_space<hbm>> -> memref<10240x128xf32, #tpu.memory_space<hbm>>
    tpu.enqueue_indirect_dma source(%dma_start3A_42 : memref<10240x128xf32, #tpu.memory_space<hbm>>) target(%arg10 : memref<128x128xf32, #tpu.memory_space<vmem>>) offsets(%dma_start3A_39 : memref<128xi32, #tpu.memory_space<vmem>>) semaphore(%arg12 : memref<!tpu.dma_semaphore, #tpu.memory_space<semaphore_mem>>)
    %gt3A = arith.constant 1 : i32
    %gt3A_43 = arith.cmpi sgt, %select_n3A_26, %gt3A : i32
    %convert_element_type3A = arith.extui %gt3A_43 : i1 to i32
    %cond3A = arith.constant 0 : i32
    %cond3A_44 = arith.cmpi ne, %convert_element_type3A, %cond3A : i32
    scf.if %cond3A_44 {
      %add3A_65 = arith.constant 8 : i32
      %add3A_66 = arith.addi %select_n3A, %add3A_65 : i32
      %dma_start3A_67 = arith.constant 1 : i32
      %dma_start3A_68 = arith.constant 0 : i32
      %dma_start3A_69 = arith.constant 0 : i32
      %dma_start3A_70 = tpu.memref_slice %arg7[%dma_start3A_67, %dma_start3A_68, %dma_start3A_69] : memref<2x8x128xi32, #tpu.memory_space<vmem>> -> memref<1x8x128xi32, #tpu.memory_space<vmem>>
      %dma_start3A_71 = tpu.memref_squeeze %dma_start3A_70 : memref<1x8x128xi32, #tpu.memory_space<vmem>> -> memref<8x128xi32, #tpu.memory_space<vmem>>
      %dma_start3A_72 = arith.constant 0 : i32
      %dma_start3A_73 = tpu.memref_slice %arg3[%add3A_66, %dma_start3A_72] : memref<2560x128xi32, #tpu.memory_space<hbm>> -> memref<8x128xi32, #tpu.memory_space<hbm>>
      %dma_start3A_74 = arith.constant 0 : i32
      %dma_start3A_75 = arith.constant 0 : i32
      %dma_start3A_76 = tpu.memref_slice %arg7[%dma_start3A_67, %dma_start3A_74, %dma_start3A_75] : memref<2x8x128xi32, #tpu.memory_space<vmem>> -> memref<1x8x128xi32, #tpu.memory_space<vmem>>
      %dma_start3A_77 = tpu.memref_squeeze %dma_start3A_76 : memref<1x8x128xi32, #tpu.memory_space<vmem>> -> memref<8x128xi32, #tpu.memory_space<vmem>>
      %dma_start3A_78 = arith.constant 0 : i32
      %dma_start3A_79 = tpu.memref_slice %arg3[%add3A_66, %dma_start3A_78] : memref<2560x128xi32, #tpu.memory_space<hbm>> -> memref<8x128xi32, #tpu.memory_space<hbm>>
      tpu.enqueue_dma source(%dma_start3A_79 : memref<8x128xi32, #tpu.memory_space<hbm>>) target(%dma_start3A_77 : memref<8x128xi32, #tpu.memory_space<vmem>>) target_semaphore(%arg13 : memref<!tpu.dma_semaphore, #tpu.memory_space<semaphore_mem>>)
      %add3A_80 = arith.constant 8 : i32
      %add3A_81 = arith.addi %select_n3A, %add3A_80 : i32
      %dma_start3A_82 = arith.constant 1 : i32
      %dma_start3A_83 = arith.constant 0 : i32
      %dma_start3A_84 = arith.constant 0 : i32
      %dma_start3A_85 = tpu.memref_slice %arg8[%dma_start3A_82, %dma_start3A_83, %dma_start3A_84] : memref<2x8x128xi32, #tpu.memory_space<vmem>> -> memref<1x8x128xi32, #tpu.memory_space<vmem>>
      %dma_start3A_86 = tpu.memref_squeeze %dma_start3A_85 : memref<1x8x128xi32, #tpu.memory_space<vmem>> -> memref<8x128xi32, #tpu.memory_space<vmem>>
      %dma_start3A_87 = arith.constant 0 : i32
      %dma_start3A_88 = tpu.memref_slice %arg4[%add3A_81, %dma_start3A_87] : memref<2560x128xi32, #tpu.memory_space<hbm>> -> memref<8x128xi32, #tpu.memory_space<hbm>>
      %dma_start3A_89 = arith.constant 0 : i32
      %dma_start3A_90 = arith.constant 0 : i32
      %dma_start3A_91 = tpu.memref_slice %arg8[%dma_start3A_82, %dma_start3A_89, %dma_start3A_90] : memref<2x8x128xi32, #tpu.memory_space<vmem>> -> memref<1x8x128xi32, #tpu.memory_space<vmem>>
      %dma_start3A_92 = tpu.memref_squeeze %dma_start3A_91 : memref<1x8x128xi32, #tpu.memory_space<vmem>> -> memref<8x128xi32, #tpu.memory_space<vmem>>
      %dma_start3A_93 = arith.constant 0 : i32
      %dma_start3A_94 = tpu.memref_slice %arg4[%add3A_81, %dma_start3A_93] : memref<2560x128xi32, #tpu.memory_space<hbm>> -> memref<8x128xi32, #tpu.memory_space<hbm>>
      tpu.enqueue_dma source(%dma_start3A_94 : memref<8x128xi32, #tpu.memory_space<hbm>>) target(%dma_start3A_92 : memref<8x128xi32, #tpu.memory_space<vmem>>) target_semaphore(%arg13 : memref<!tpu.dma_semaphore, #tpu.memory_space<semaphore_mem>>)
    } else {
    }
    %mul3A_45 = arith.constant 640 : i32
    %mul3A_46 = arith.muli %arg1, %mul3A_45 : i32
    %mul3A_47 = arith.constant 640 : i32
    %mul3A_48 = arith.muli %arg1, %mul3A_47 : i32
    "tpu.region"() ({
      %run_scoped3A_65 = tpu.sem_alloc : memref<!tpu.dma_semaphore, #tpu.memory_space<semaphore_mem>>
      %dma_start3A_66 = arith.constant 0 : i32
      %dma_start3A_67 = tpu.memref_slice %arg14[%mul3A_48, %dma_start3A_66] : memref<10240x128xf32, #tpu.memory_space<vmem_shared>> -> memref<640x128xf32, #tpu.memory_space<vmem_shared>>
      %dma_start3A_68 = arith.constant 0 : i32
      %dma_start3A_69 = tpu.memref_slice %arg5[%mul3A_46, %dma_start3A_68] : memref<10240x128xf32, #tpu.memory_space<hbm>> -> memref<640x128xf32, #tpu.memory_space<hbm>>
      tpu.enqueue_dma source(%dma_start3A_69 : memref<640x128xf32, #tpu.memory_space<hbm>>) target(%dma_start3A_67 : memref<640x128xf32, #tpu.memory_space<vmem_shared>>) target_semaphore(%run_scoped3A_65 : memref<!tpu.dma_semaphore, #tpu.memory_space<semaphore_mem>>)
      %dma_wait3A = arith.constant 0 : i32
      %dma_wait3A_70 = tpu.memref_slice %arg14[%mul3A_48, %dma_wait3A] : memref<10240x128xf32, #tpu.memory_space<vmem_shared>> -> memref<640x128xf32, #tpu.memory_space<vmem_shared>>
      %dma_wait3A_71 = arith.constant 0 : i32
      %dma_wait3A_72 = tpu.memref_slice %arg5[%mul3A_46, %dma_wait3A_71] : memref<10240x128xf32, #tpu.memory_space<hbm>> -> memref<640x128xf32, #tpu.memory_space<hbm>>
      tpu.wait_dma2 semaphore(%run_scoped3A_65 : memref<!tpu.dma_semaphore, #tpu.memory_space<semaphore_mem>>) src(%dma_wait3A_72 : memref<640x128xf32, #tpu.memory_space<hbm>>) dst(%dma_wait3A_70 : memref<640x128xf32, #tpu.memory_space<vmem_shared>>)
      tpu.yield
    }) : () -> ()
    %barrier3A = arith.constant 0 : index
    tpu.barrier barrier_id(%barrier3A)
    %while3A = arith.constant 0 : i32
    %while3A_49 = arith.constant 0 : i32
    %while3A_50 = arith.subi %select_n3A_26, %while3A : i32
    %while3A_51 = arith.addi %while3A, %while3A_50 : i32
    %while3A_52 = arith.constant 1 : i32
    %while3A_53 = arith.divsi %while3A_50, %while3A_52 : i32
    %while3A_54 = arith.muli %while3A_53, %while3A_52 : i32
    %while3A_55 = arith.addi %while3A, %while3A_54 : i32
    %while3A_56 = arith.constant 1 : i32
    %while3A_57 = scf.for %while3A_65 = %while3A to %while3A_55 step %while3A_56 iter_args(%while3A_66 = %while3A_49) -> (i32)  : i32 {
      %rem3A_67 = arith.constant 2 : i32
      %rem3A_68 = arith.remsi %while3A_65, %rem3A_67 : i32
      %sub3A_69 = arith.constant 1 : i32
      %sub3A_70 = arith.subi %sub3A_69, %rem3A_68 : i32
      %add3A_71 = arith.constant 1 : i32
      %add3A_72 = arith.addi %while3A_65, %add3A_71 : i32
      %mul3A_73 = arith.constant 8 : i32
      %mul3A_74 = arith.muli %add3A_72, %mul3A_73 : i32
      %add3A_75 = arith.addi %select_n3A, %mul3A_74 : i32
      %scan3A = arith.constant 0 : i32
      %scan3A_76 = arith.constant 0 : i32
      %scan3A_77 = arith.constant 4 : i32
      %scan3A_78 = arith.addi %scan3A_76, %scan3A_77 : i32
      %scan3A_79 = arith.constant 1 : i32
      %scan3A_80 = scf.for %scan3A_88 = %scan3A_76 to %scan3A_78 step %scan3A_79 iter_args(%scan3A_89 = %scan3A) -> (i32)  : i32 {
        %eq3A_90 = arith.constant 3 : i32
        %eq3A_91 = arith.cmpi eq, %scan3A_88, %eq3A_90 : i32
        %add3A_92 = arith.constant 1 : i32
        %add3A_93 = arith.addi %while3A_65, %add3A_92 : i32
        %lt3A_94 = arith.cmpi slt, %add3A_93, %select_n3A_26 : i32
        %and3A_95 = arith.andi %eq3A_91, %lt3A_94 : i1
        %convert_element_type3A_96 = arith.extui %and3A_95 : i1 to i32
        %cond3A_97 = arith.constant 0 : i32
        %cond3A_98 = arith.cmpi ne, %convert_element_type3A_96, %cond3A_97 : i32
        scf.if %cond3A_98 {
          %dma_wait3A_150 = arith.constant 0 : i32
          %dma_wait3A_151 = arith.constant 0 : i32
          %dma_wait3A_152 = tpu.memref_slice %arg7[%sub3A_70, %dma_wait3A_150, %dma_wait3A_151] : memref<2x8x128xi32, #tpu.memory_space<vmem>> -> memref<1x8x128xi32, #tpu.memory_space<vmem>>
          %dma_wait3A_153 = tpu.memref_squeeze %dma_wait3A_152 : memref<1x8x128xi32, #tpu.memory_space<vmem>> -> memref<8x128xi32, #tpu.memory_space<vmem>>
          %dma_wait3A_154 = arith.constant 0 : i32
          %dma_wait3A_155 = tpu.memref_slice %arg3[%add3A_75, %dma_wait3A_154] : memref<2560x128xi32, #tpu.memory_space<hbm>> -> memref<8x128xi32, #tpu.memory_space<hbm>>
          %dma_wait3A_156 = arith.constant 0 : i32
          %dma_wait3A_157 = arith.constant 0 : i32
          %dma_wait3A_158 = tpu.memref_slice %arg7[%sub3A_70, %dma_wait3A_156, %dma_wait3A_157] : memref<2x8x128xi32, #tpu.memory_space<vmem>> -> memref<1x8x128xi32, #tpu.memory_space<vmem>>
          %dma_wait3A_159 = tpu.memref_squeeze %dma_wait3A_158 : memref<1x8x128xi32, #tpu.memory_space<vmem>> -> memref<8x128xi32, #tpu.memory_space<vmem>>
          %dma_wait3A_160 = arith.constant 0 : i32
          %dma_wait3A_161 = tpu.memref_slice %arg3[%add3A_75, %dma_wait3A_160] : memref<2560x128xi32, #tpu.memory_space<hbm>> -> memref<8x128xi32, #tpu.memory_space<hbm>>
          tpu.wait_dma2 semaphore(%arg13 : memref<!tpu.dma_semaphore, #tpu.memory_space<semaphore_mem>>) src(%dma_wait3A_161 : memref<8x128xi32, #tpu.memory_space<hbm>>) dst(%dma_wait3A_159 : memref<8x128xi32, #tpu.memory_space<vmem>>)
          %dma_wait3A_162 = arith.constant 0 : i32
          %dma_wait3A_163 = arith.constant 0 : i32
          %dma_wait3A_164 = tpu.memref_slice %arg8[%sub3A_70, %dma_wait3A_162, %dma_wait3A_163] : memref<2x8x128xi32, #tpu.memory_space<vmem>> -> memref<1x8x128xi32, #tpu.memory_space<vmem>>
          %dma_wait3A_165 = tpu.memref_squeeze %dma_wait3A_164 : memref<1x8x128xi32, #tpu.memory_space<vmem>> -> memref<8x128xi32, #tpu.memory_space<vmem>>
          %dma_wait3A_166 = arith.constant 0 : i32
          %dma_wait3A_167 = tpu.memref_slice %arg4[%add3A_75, %dma_wait3A_166] : memref<2560x128xi32, #tpu.memory_space<hbm>> -> memref<8x128xi32, #tpu.memory_space<hbm>>
          %dma_wait3A_168 = arith.constant 0 : i32
          %dma_wait3A_169 = arith.constant 0 : i32
          %dma_wait3A_170 = tpu.memref_slice %arg8[%sub3A_70, %dma_wait3A_168, %dma_wait3A_169] : memref<2x8x128xi32, #tpu.memory_space<vmem>> -> memref<1x8x128xi32, #tpu.memory_space<vmem>>
          %dma_wait3A_171 = tpu.memref_squeeze %dma_wait3A_170 : memref<1x8x128xi32, #tpu.memory_space<vmem>> -> memref<8x128xi32, #tpu.memory_space<vmem>>
          %dma_wait3A_172 = arith.constant 0 : i32
          %dma_wait3A_173 = tpu.memref_slice %arg4[%add3A_75, %dma_wait3A_172] : memref<2560x128xi32, #tpu.memory_space<hbm>> -> memref<8x128xi32, #tpu.memory_space<hbm>>
          tpu.wait_dma2 semaphore(%arg13 : memref<!tpu.dma_semaphore, #tpu.memory_space<semaphore_mem>>) src(%dma_wait3A_173 : memref<8x128xi32, #tpu.memory_space<hbm>>) dst(%dma_wait3A_171 : memref<8x128xi32, #tpu.memory_space<vmem>>)
        } else {
        }
        %mul3A_99 = arith.constant 2 : i32
        %mul3A_100 = arith.muli %scan3A_88, %mul3A_99 : i32
        %add3A_101 = arith.constant 0 : i32
        %add3A_102 = arith.addi %mul3A_100, %add3A_101 : i32
        %dma_wait3A = arith.constant 0 : i32
        %dma_wait3A_103 = tpu.memref_slice %arg7[%rem3A_68, %add3A_102, %dma_wait3A] : memref<2x8x128xi32, #tpu.memory_space<vmem>> -> memref<1x1x128xi32, #tpu.memory_space<vmem>>
        %dma_wait3A_104 = tpu.memref_squeeze %dma_wait3A_103 : memref<1x1x128xi32, #tpu.memory_space<vmem>> -> memref<128xi32, #tpu.memory_space<vmem>>
        %dma_wait3A_105 = arith.constant 0 : i32
        %dma_wait3A_106 = arith.constant 0 : i32
        %dma_wait3A_107 = tpu.memref_slice %arg2[%dma_wait3A_105, %dma_wait3A_106] : memref<10240x128xf32, #tpu.memory_space<hbm>> -> memref<10240x128xf32, #tpu.memory_space<hbm>>
        tpu.wait_indirect_dma semaphore(%arg11 : memref<!tpu.dma_semaphore, #tpu.memory_space<semaphore_mem>>) src(%dma_wait3A_107 : memref<10240x128xf32, #tpu.memory_space<hbm>>) dst(%arg9 : memref<128x128xf32, #tpu.memory_space<vmem>>)
        "tpu.region"() ({
          %run_scoped3A_150 = tpu.sem_alloc : memref<!tpu.dma_semaphore, #tpu.memory_space<semaphore_mem>>
          %dma_start3A_151 = arith.constant 0 : i32
          %dma_start3A_152 = tpu.memref_slice %arg8[%rem3A_68, %add3A_102, %dma_start3A_151] : memref<2x8x128xi32, #tpu.memory_space<vmem>> -> memref<1x1x128xi32, #tpu.memory_space<vmem>>
          %dma_start3A_153 = tpu.memref_squeeze %dma_start3A_152 : memref<1x1x128xi32, #tpu.memory_space<vmem>> -> memref<128xi32, #tpu.memory_space<vmem>>
          %dma_start3A_154 = arith.constant 0 : i32
          %dma_start3A_155 = arith.constant 0 : i32
          %dma_start3A_156 = tpu.memref_slice %arg14[%dma_start3A_154, %dma_start3A_155] : memref<10240x128xf32, #tpu.memory_space<vmem_shared>> -> memref<10240x128xf32, #tpu.memory_space<vmem_shared>>
          tpu.enqueue_indirect_dma source(%arg9 : memref<128x128xf32, #tpu.memory_space<vmem>>) target(%dma_start3A_156 : memref<10240x128xf32, #tpu.memory_space<vmem_shared>>) offsets(%dma_start3A_153 : memref<128xi32, #tpu.memory_space<vmem>>) semaphore(%run_scoped3A_150 : memref<!tpu.dma_semaphore, #tpu.memory_space<semaphore_mem>>) {add = true}
          %dma_wait3A_157 = arith.constant 0 : i32
          %dma_wait3A_158 = tpu.memref_slice %arg8[%rem3A_68, %add3A_102, %dma_wait3A_157] : memref<2x8x128xi32, #tpu.memory_space<vmem>> -> memref<1x1x128xi32, #tpu.memory_space<vmem>>
          %dma_wait3A_159 = tpu.memref_squeeze %dma_wait3A_158 : memref<1x1x128xi32, #tpu.memory_space<vmem>> -> memref<128xi32, #tpu.memory_space<vmem>>
          %dma_wait3A_160 = arith.constant 0 : i32
          %dma_wait3A_161 = arith.constant 0 : i32
          %dma_wait3A_162 = tpu.memref_slice %arg14[%dma_wait3A_160, %dma_wait3A_161] : memref<10240x128xf32, #tpu.memory_space<vmem_shared>> -> memref<10240x128xf32, #tpu.memory_space<vmem_shared>>
          tpu.wait_indirect_dma semaphore(%run_scoped3A_150 : memref<!tpu.dma_semaphore, #tpu.memory_space<semaphore_mem>>) src(%arg9 : memref<128x128xf32, #tpu.memory_space<vmem>>) dst(%dma_wait3A_162 : memref<10240x128xf32, #tpu.memory_space<vmem_shared>>)
          tpu.yield
        }) : () -> ()
        %add3A_108 = arith.constant 2 : i32
        %add3A_109 = arith.addi %add3A_102, %add3A_108 : i32
        %lt3A_110 = arith.constant 8 : i32
        %lt3A_111 = arith.cmpi slt, %add3A_109, %lt3A_110 : i32
        %convert_element_type3A_112 = arith.extui %lt3A_111 : i1 to i32
        %cond3A_113 = arith.constant 0 : i32
        %cond3A_114 = arith.cmpi ne, %convert_element_type3A_112, %cond3A_113 : i32
        scf.if %cond3A_114 {
          %dma_start3A_150 = arith.constant 0 : i32
          %dma_start3A_151 = tpu.memref_slice %arg7[%rem3A_68, %add3A_109, %dma_start3A_150] : memref<2x8x128xi32, #tpu.memory_space<vmem>> -> memref<1x1x128xi32, #tpu.memory_space<vmem>>
          %dma_start3A_152 = tpu.memref_squeeze %dma_start3A_151 : memref<1x1x128xi32, #tpu.memory_space<vmem>> -> memref<128xi32, #tpu.memory_space<vmem>>
          %dma_start3A_153 = arith.constant 0 : i32
          %dma_start3A_154 = arith.constant 0 : i32
          %dma_start3A_155 = tpu.memref_slice %arg2[%dma_start3A_153, %dma_start3A_154] : memref<10240x128xf32, #tpu.memory_space<hbm>> -> memref<10240x128xf32, #tpu.memory_space<hbm>>
          tpu.enqueue_indirect_dma source(%dma_start3A_155 : memref<10240x128xf32, #tpu.memory_space<hbm>>) target(%arg9 : memref<128x128xf32, #tpu.memory_space<vmem>>) offsets(%dma_start3A_152 : memref<128xi32, #tpu.memory_space<vmem>>) semaphore(%arg11 : memref<!tpu.dma_semaphore, #tpu.memory_space<semaphore_mem>>)
        } else {
        }
        %ge3A = arith.constant 8 : i32
        %ge3A_115 = arith.cmpi sge, %add3A_109, %ge3A : i32
        %add3A_116 = arith.constant 1 : i32
        %add3A_117 = arith.addi %while3A_65, %add3A_116 : i32
        %lt3A_118 = arith.cmpi slt, %add3A_117, %select_n3A_26 : i32
        %and3A_119 = arith.andi %ge3A_115, %lt3A_118 : i1
        %convert_element_type3A_120 = arith.extui %and3A_119 : i1 to i32
        %cond3A_121 = arith.constant 0 : i32
        %cond3A_122 = arith.cmpi ne, %convert_element_type3A_120, %cond3A_121 : i32
        scf.if %cond3A_122 {
          %sub3A_150 = arith.constant 8 : i32
          %sub3A_151 = arith.subi %add3A_109, %sub3A_150 : i32
          %dma_start3A_152 = arith.constant 0 : i32
          %dma_start3A_153 = tpu.memref_slice %arg7[%sub3A_70, %sub3A_151, %dma_start3A_152] : memref<2x8x128xi32, #tpu.memory_space<vmem>> -> memref<1x1x128xi32, #tpu.memory_space<vmem>>
          %dma_start3A_154 = tpu.memref_squeeze %dma_start3A_153 : memref<1x1x128xi32, #tpu.memory_space<vmem>> -> memref<128xi32, #tpu.memory_space<vmem>>
          %dma_start3A_155 = arith.constant 0 : i32
          %dma_start3A_156 = arith.constant 0 : i32
          %dma_start3A_157 = tpu.memref_slice %arg2[%dma_start3A_155, %dma_start3A_156] : memref<10240x128xf32, #tpu.memory_space<hbm>> -> memref<10240x128xf32, #tpu.memory_space<hbm>>
          tpu.enqueue_indirect_dma source(%dma_start3A_157 : memref<10240x128xf32, #tpu.memory_space<hbm>>) target(%arg9 : memref<128x128xf32, #tpu.memory_space<vmem>>) offsets(%dma_start3A_154 : memref<128xi32, #tpu.memory_space<vmem>>) semaphore(%arg11 : memref<!tpu.dma_semaphore, #tpu.memory_space<semaphore_mem>>)
        } else {
        }
        %mul3A_123 = arith.constant 2 : i32
        %mul3A_124 = arith.muli %scan3A_88, %mul3A_123 : i32
        %add3A_125 = arith.constant 1 : i32
        %add3A_126 = arith.addi %mul3A_124, %add3A_125 : i32
        %dma_wait3A_127 = arith.constant 0 : i32
        %dma_wait3A_128 = tpu.memref_slice %arg7[%rem3A_68, %add3A_126, %dma_wait3A_127] : memref<2x8x128xi32, #tpu.memory_space<vmem>> -> memref<1x1x128xi32, #tpu.memory_space<vmem>>
        %dma_wait3A_129 = tpu.memref_squeeze %dma_wait3A_128 : memref<1x1x128xi32, #tpu.memory_space<vmem>> -> memref<128xi32, #tpu.memory_space<vmem>>
        %dma_wait3A_130 = arith.constant 0 : i32
        %dma_wait3A_131 = arith.constant 0 : i32
        %dma_wait3A_132 = tpu.memref_slice %arg2[%dma_wait3A_130, %dma_wait3A_131] : memref<10240x128xf32, #tpu.memory_space<hbm>> -> memref<10240x128xf32, #tpu.memory_space<hbm>>
        tpu.wait_indirect_dma semaphore(%arg12 : memref<!tpu.dma_semaphore, #tpu.memory_space<semaphore_mem>>) src(%dma_wait3A_132 : memref<10240x128xf32, #tpu.memory_space<hbm>>) dst(%arg10 : memref<128x128xf32, #tpu.memory_space<vmem>>)
        "tpu.region"() ({
          %run_scoped3A_150 = tpu.sem_alloc : memref<!tpu.dma_semaphore, #tpu.memory_space<semaphore_mem>>
          %dma_start3A_151 = arith.constant 0 : i32
          %dma_start3A_152 = tpu.memref_slice %arg8[%rem3A_68, %add3A_126, %dma_start3A_151] : memref<2x8x128xi32, #tpu.memory_space<vmem>> -> memref<1x1x128xi32, #tpu.memory_space<vmem>>
          %dma_start3A_153 = tpu.memref_squeeze %dma_start3A_152 : memref<1x1x128xi32, #tpu.memory_space<vmem>> -> memref<128xi32, #tpu.memory_space<vmem>>
          %dma_start3A_154 = arith.constant 0 : i32
          %dma_start3A_155 = arith.constant 0 : i32
          %dma_start3A_156 = tpu.memref_slice %arg14[%dma_start3A_154, %dma_start3A_155] : memref<10240x128xf32, #tpu.memory_space<vmem_shared>> -> memref<10240x128xf32, #tpu.memory_space<vmem_shared>>
          tpu.enqueue_indirect_dma source(%arg10 : memref<128x128xf32, #tpu.memory_space<vmem>>) target(%dma_start3A_156 : memref<10240x128xf32, #tpu.memory_space<vmem_shared>>) offsets(%dma_start3A_153 : memref<128xi32, #tpu.memory_space<vmem>>) semaphore(%run_scoped3A_150 : memref<!tpu.dma_semaphore, #tpu.memory_space<semaphore_mem>>) {add = true}
          %dma_wait3A_157 = arith.constant 0 : i32
          %dma_wait3A_158 = tpu.memref_slice %arg8[%rem3A_68, %add3A_126, %dma_wait3A_157] : memref<2x8x128xi32, #tpu.memory_space<vmem>> -> memref<1x1x128xi32, #tpu.memory_space<vmem>>
          %dma_wait3A_159 = tpu.memref_squeeze %dma_wait3A_158 : memref<1x1x128xi32, #tpu.memory_space<vmem>> -> memref<128xi32, #tpu.memory_space<vmem>>
          %dma_wait3A_160 = arith.constant 0 : i32
          %dma_wait3A_161 = arith.constant 0 : i32
          %dma_wait3A_162 = tpu.memref_slice %arg14[%dma_wait3A_160, %dma_wait3A_161] : memref<10240x128xf32, #tpu.memory_space<vmem_shared>> -> memref<10240x128xf32, #tpu.memory_space<vmem_shared>>
          tpu.wait_indirect_dma semaphore(%run_scoped3A_150 : memref<!tpu.dma_semaphore, #tpu.memory_space<semaphore_mem>>) src(%arg10 : memref<128x128xf32, #tpu.memory_space<vmem>>) dst(%dma_wait3A_162 : memref<10240x128xf32, #tpu.memory_space<vmem_shared>>)
          tpu.yield
        }) : () -> ()
        %add3A_133 = arith.constant 2 : i32
        %add3A_134 = arith.addi %add3A_126, %add3A_133 : i32
        %lt3A_135 = arith.constant 8 : i32
        %lt3A_136 = arith.cmpi slt, %add3A_134, %lt3A_135 : i32
        %convert_element_type3A_137 = arith.extui %lt3A_136 : i1 to i32
        %cond3A_138 = arith.constant 0 : i32
        %cond3A_139 = arith.cmpi ne, %convert_element_type3A_137, %cond3A_138 : i32
        scf.if %cond3A_139 {
          %dma_start3A_150 = arith.constant 0 : i32
          %dma_start3A_151 = tpu.memref_slice %arg7[%rem3A_68, %add3A_134, %dma_start3A_150] : memref<2x8x128xi32, #tpu.memory_space<vmem>> -> memref<1x1x128xi32, #tpu.memory_space<vmem>>
          %dma_start3A_152 = tpu.memref_squeeze %dma_start3A_151 : memref<1x1x128xi32, #tpu.memory_space<vmem>> -> memref<128xi32, #tpu.memory_space<vmem>>
          %dma_start3A_153 = arith.constant 0 : i32
          %dma_start3A_154 = arith.constant 0 : i32
          %dma_start3A_155 = tpu.memref_slice %arg2[%dma_start3A_153, %dma_start3A_154] : memref<10240x128xf32, #tpu.memory_space<hbm>> -> memref<10240x128xf32, #tpu.memory_space<hbm>>
          tpu.enqueue_indirect_dma source(%dma_start3A_155 : memref<10240x128xf32, #tpu.memory_space<hbm>>) target(%arg10 : memref<128x128xf32, #tpu.memory_space<vmem>>) offsets(%dma_start3A_152 : memref<128xi32, #tpu.memory_space<vmem>>) semaphore(%arg12 : memref<!tpu.dma_semaphore, #tpu.memory_space<semaphore_mem>>)
        } else {
        }
        %ge3A_140 = arith.constant 8 : i32
        %ge3A_141 = arith.cmpi sge, %add3A_134, %ge3A_140 : i32
        %add3A_142 = arith.constant 1 : i32
        %add3A_143 = arith.addi %while3A_65, %add3A_142 : i32
        %lt3A_144 = arith.cmpi slt, %add3A_143, %select_n3A_26 : i32
        %and3A_145 = arith.andi %ge3A_141, %lt3A_144 : i1
        %convert_element_type3A_146 = arith.extui %and3A_145 : i1 to i32
        %cond3A_147 = arith.constant 0 : i32
        %cond3A_148 = arith.cmpi ne, %convert_element_type3A_146, %cond3A_147 : i32
        scf.if %cond3A_148 {
          %sub3A_150 = arith.constant 8 : i32
          %sub3A_151 = arith.subi %add3A_134, %sub3A_150 : i32
          %dma_start3A_152 = arith.constant 0 : i32
          %dma_start3A_153 = tpu.memref_slice %arg7[%sub3A_70, %sub3A_151, %dma_start3A_152] : memref<2x8x128xi32, #tpu.memory_space<vmem>> -> memref<1x1x128xi32, #tpu.memory_space<vmem>>
          %dma_start3A_154 = tpu.memref_squeeze %dma_start3A_153 : memref<1x1x128xi32, #tpu.memory_space<vmem>> -> memref<128xi32, #tpu.memory_space<vmem>>
          %dma_start3A_155 = arith.constant 0 : i32
          %dma_start3A_156 = arith.constant 0 : i32
          %dma_start3A_157 = tpu.memref_slice %arg2[%dma_start3A_155, %dma_start3A_156] : memref<10240x128xf32, #tpu.memory_space<hbm>> -> memref<10240x128xf32, #tpu.memory_space<hbm>>
          tpu.enqueue_indirect_dma source(%dma_start3A_157 : memref<10240x128xf32, #tpu.memory_space<hbm>>) target(%arg10 : memref<128x128xf32, #tpu.memory_space<vmem>>) offsets(%dma_start3A_154 : memref<128xi32, #tpu.memory_space<vmem>>) semaphore(%arg12 : memref<!tpu.dma_semaphore, #tpu.memory_space<semaphore_mem>>)
        } else {
        }
        %scan3A_149 = arith.constant 0 : i32
        scf.yield %scan3A_149 : i32
      }
      %scan3A_81 = arith.constant 4 : i32
      %add3A_82 = arith.constant 2 : i32
      %add3A_83 = arith.addi %while3A_65, %add3A_82 : i32
      %lt3A = arith.cmpi slt, %add3A_83, %select_n3A_26 : i32
      %convert_element_type3A_84 = arith.extui %lt3A : i1 to i32
      %cond3A_85 = arith.constant 0 : i32
      %cond3A_86 = arith.cmpi ne, %convert_element_type3A_84, %cond3A_85 : i32
      scf.if %cond3A_86 {
        %add3A_88 = arith.constant 8 : i32
        %add3A_89 = arith.addi %add3A_75, %add3A_88 : i32
        %dma_start3A_90 = arith.constant 0 : i32
        %dma_start3A_91 = arith.constant 0 : i32
        %dma_start3A_92 = tpu.memref_slice %arg7[%rem3A_68, %dma_start3A_90, %dma_start3A_91] : memref<2x8x128xi32, #tpu.memory_space<vmem>> -> memref<1x8x128xi32, #tpu.memory_space<vmem>>
        %dma_start3A_93 = tpu.memref_squeeze %dma_start3A_92 : memref<1x8x128xi32, #tpu.memory_space<vmem>> -> memref<8x128xi32, #tpu.memory_space<vmem>>
        %dma_start3A_94 = arith.constant 0 : i32
        %dma_start3A_95 = tpu.memref_slice %arg3[%add3A_89, %dma_start3A_94] : memref<2560x128xi32, #tpu.memory_space<hbm>> -> memref<8x128xi32, #tpu.memory_space<hbm>>
        %dma_start3A_96 = arith.constant 0 : i32
        %dma_start3A_97 = arith.constant 0 : i32
        %dma_start3A_98 = tpu.memref_slice %arg7[%rem3A_68, %dma_start3A_96, %dma_start3A_97] : memref<2x8x128xi32, #tpu.memory_space<vmem>> -> memref<1x8x128xi32, #tpu.memory_space<vmem>>
        %dma_start3A_99 = tpu.memref_squeeze %dma_start3A_98 : memref<1x8x128xi32, #tpu.memory_space<vmem>> -> memref<8x128xi32, #tpu.memory_space<vmem>>
        %dma_start3A_100 = arith.constant 0 : i32
        %dma_start3A_101 = tpu.memref_slice %arg3[%add3A_89, %dma_start3A_100] : memref<2560x128xi32, #tpu.memory_space<hbm>> -> memref<8x128xi32, #tpu.memory_space<hbm>>
        tpu.enqueue_dma source(%dma_start3A_101 : memref<8x128xi32, #tpu.memory_space<hbm>>) target(%dma_start3A_99 : memref<8x128xi32, #tpu.memory_space<vmem>>) target_semaphore(%arg13 : memref<!tpu.dma_semaphore, #tpu.memory_space<semaphore_mem>>)
        %add3A_102 = arith.constant 8 : i32
        %add3A_103 = arith.addi %add3A_75, %add3A_102 : i32
        %dma_start3A_104 = arith.constant 0 : i32
        %dma_start3A_105 = arith.constant 0 : i32
        %dma_start3A_106 = tpu.memref_slice %arg8[%rem3A_68, %dma_start3A_104, %dma_start3A_105] : memref<2x8x128xi32, #tpu.memory_space<vmem>> -> memref<1x8x128xi32, #tpu.memory_space<vmem>>
        %dma_start3A_107 = tpu.memref_squeeze %dma_start3A_106 : memref<1x8x128xi32, #tpu.memory_space<vmem>> -> memref<8x128xi32, #tpu.memory_space<vmem>>
        %dma_start3A_108 = arith.constant 0 : i32
        %dma_start3A_109 = tpu.memref_slice %arg4[%add3A_103, %dma_start3A_108] : memref<2560x128xi32, #tpu.memory_space<hbm>> -> memref<8x128xi32, #tpu.memory_space<hbm>>
        %dma_start3A_110 = arith.constant 0 : i32
        %dma_start3A_111 = arith.constant 0 : i32
        %dma_start3A_112 = tpu.memref_slice %arg8[%rem3A_68, %dma_start3A_110, %dma_start3A_111] : memref<2x8x128xi32, #tpu.memory_space<vmem>> -> memref<1x8x128xi32, #tpu.memory_space<vmem>>
        %dma_start3A_113 = tpu.memref_squeeze %dma_start3A_112 : memref<1x8x128xi32, #tpu.memory_space<vmem>> -> memref<8x128xi32, #tpu.memory_space<vmem>>
        %dma_start3A_114 = arith.constant 0 : i32
        %dma_start3A_115 = tpu.memref_slice %arg4[%add3A_103, %dma_start3A_114] : memref<2560x128xi32, #tpu.memory_space<hbm>> -> memref<8x128xi32, #tpu.memory_space<hbm>>
        tpu.enqueue_dma source(%dma_start3A_115 : memref<8x128xi32, #tpu.memory_space<hbm>>) target(%dma_start3A_113 : memref<8x128xi32, #tpu.memory_space<vmem>>) target_semaphore(%arg13 : memref<!tpu.dma_semaphore, #tpu.memory_space<semaphore_mem>>)
      } else {
      }
      %while3A_87 = arith.constant 0 : i32
      scf.yield %while3A_87 : i32
    }
    %while3A_58 = arith.constant 1 : i32
    %while3A_59 = scf.for %while3A_65 = %while3A_55 to %while3A_51 step %while3A_58 iter_args(%while3A_66 = %while3A_57) -> (i32)  : i32 {
      %rem3A_67 = arith.constant 2 : i32
      %rem3A_68 = arith.remsi %while3A_65, %rem3A_67 : i32
      %sub3A_69 = arith.constant 1 : i32
      %sub3A_70 = arith.subi %sub3A_69, %rem3A_68 : i32
      %add3A_71 = arith.constant 1 : i32
      %add3A_72 = arith.addi %while3A_65, %add3A_71 : i32
      %mul3A_73 = arith.constant 8 : i32
      %mul3A_74 = arith.muli %add3A_72, %mul3A_73 : i32
      %add3A_75 = arith.addi %select_n3A, %mul3A_74 : i32
      %scan3A = arith.constant 0 : i32
      %scan3A_76 = arith.constant 0 : i32
      %scan3A_77 = arith.constant 4 : i32
      %scan3A_78 = arith.addi %scan3A_76, %scan3A_77 : i32
      %scan3A_79 = arith.constant 1 : i32
      %scan3A_80 = scf.for %scan3A_88 = %scan3A_76 to %scan3A_78 step %scan3A_79 iter_args(%scan3A_89 = %scan3A) -> (i32)  : i32 {
        %eq3A_90 = arith.constant 3 : i32
        %eq3A_91 = arith.cmpi eq, %scan3A_88, %eq3A_90 : i32
        %add3A_92 = arith.constant 1 : i32
        %add3A_93 = arith.addi %while3A_65, %add3A_92 : i32
        %lt3A_94 = arith.cmpi slt, %add3A_93, %select_n3A_26 : i32
        %and3A_95 = arith.andi %eq3A_91, %lt3A_94 : i1
        %convert_element_type3A_96 = arith.extui %and3A_95 : i1 to i32
        %cond3A_97 = arith.constant 0 : i32
        %cond3A_98 = arith.cmpi ne, %convert_element_type3A_96, %cond3A_97 : i32
        scf.if %cond3A_98 {
          %dma_wait3A_150 = arith.constant 0 : i32
          %dma_wait3A_151 = arith.constant 0 : i32
          %dma_wait3A_152 = tpu.memref_slice %arg7[%sub3A_70, %dma_wait3A_150, %dma_wait3A_151] : memref<2x8x128xi32, #tpu.memory_space<vmem>> -> memref<1x8x128xi32, #tpu.memory_space<vmem>>
          %dma_wait3A_153 = tpu.memref_squeeze %dma_wait3A_152 : memref<1x8x128xi32, #tpu.memory_space<vmem>> -> memref<8x128xi32, #tpu.memory_space<vmem>>
          %dma_wait3A_154 = arith.constant 0 : i32
          %dma_wait3A_155 = tpu.memref_slice %arg3[%add3A_75, %dma_wait3A_154] : memref<2560x128xi32, #tpu.memory_space<hbm>> -> memref<8x128xi32, #tpu.memory_space<hbm>>
          %dma_wait3A_156 = arith.constant 0 : i32
          %dma_wait3A_157 = arith.constant 0 : i32
          %dma_wait3A_158 = tpu.memref_slice %arg7[%sub3A_70, %dma_wait3A_156, %dma_wait3A_157] : memref<2x8x128xi32, #tpu.memory_space<vmem>> -> memref<1x8x128xi32, #tpu.memory_space<vmem>>
          %dma_wait3A_159 = tpu.memref_squeeze %dma_wait3A_158 : memref<1x8x128xi32, #tpu.memory_space<vmem>> -> memref<8x128xi32, #tpu.memory_space<vmem>>
          %dma_wait3A_160 = arith.constant 0 : i32
          %dma_wait3A_161 = tpu.memref_slice %arg3[%add3A_75, %dma_wait3A_160] : memref<2560x128xi32, #tpu.memory_space<hbm>> -> memref<8x128xi32, #tpu.memory_space<hbm>>
          tpu.wait_dma2 semaphore(%arg13 : memref<!tpu.dma_semaphore, #tpu.memory_space<semaphore_mem>>) src(%dma_wait3A_161 : memref<8x128xi32, #tpu.memory_space<hbm>>) dst(%dma_wait3A_159 : memref<8x128xi32, #tpu.memory_space<vmem>>)
          %dma_wait3A_162 = arith.constant 0 : i32
          %dma_wait3A_163 = arith.constant 0 : i32
          %dma_wait3A_164 = tpu.memref_slice %arg8[%sub3A_70, %dma_wait3A_162, %dma_wait3A_163] : memref<2x8x128xi32, #tpu.memory_space<vmem>> -> memref<1x8x128xi32, #tpu.memory_space<vmem>>
          %dma_wait3A_165 = tpu.memref_squeeze %dma_wait3A_164 : memref<1x8x128xi32, #tpu.memory_space<vmem>> -> memref<8x128xi32, #tpu.memory_space<vmem>>
          %dma_wait3A_166 = arith.constant 0 : i32
          %dma_wait3A_167 = tpu.memref_slice %arg4[%add3A_75, %dma_wait3A_166] : memref<2560x128xi32, #tpu.memory_space<hbm>> -> memref<8x128xi32, #tpu.memory_space<hbm>>
          %dma_wait3A_168 = arith.constant 0 : i32
          %dma_wait3A_169 = arith.constant 0 : i32
          %dma_wait3A_170 = tpu.memref_slice %arg8[%sub3A_70, %dma_wait3A_168, %dma_wait3A_169] : memref<2x8x128xi32, #tpu.memory_space<vmem>> -> memref<1x8x128xi32, #tpu.memory_space<vmem>>
          %dma_wait3A_171 = tpu.memref_squeeze %dma_wait3A_170 : memref<1x8x128xi32, #tpu.memory_space<vmem>> -> memref<8x128xi32, #tpu.memory_space<vmem>>
          %dma_wait3A_172 = arith.constant 0 : i32
          %dma_wait3A_173 = tpu.memref_slice %arg4[%add3A_75, %dma_wait3A_172] : memref<2560x128xi32, #tpu.memory_space<hbm>> -> memref<8x128xi32, #tpu.memory_space<hbm>>
          tpu.wait_dma2 semaphore(%arg13 : memref<!tpu.dma_semaphore, #tpu.memory_space<semaphore_mem>>) src(%dma_wait3A_173 : memref<8x128xi32, #tpu.memory_space<hbm>>) dst(%dma_wait3A_171 : memref<8x128xi32, #tpu.memory_space<vmem>>)
        } else {
        }
        %mul3A_99 = arith.constant 2 : i32
        %mul3A_100 = arith.muli %scan3A_88, %mul3A_99 : i32
        %add3A_101 = arith.constant 0 : i32
        %add3A_102 = arith.addi %mul3A_100, %add3A_101 : i32
        %dma_wait3A = arith.constant 0 : i32
        %dma_wait3A_103 = tpu.memref_slice %arg7[%rem3A_68, %add3A_102, %dma_wait3A] : memref<2x8x128xi32, #tpu.memory_space<vmem>> -> memref<1x1x128xi32, #tpu.memory_space<vmem>>
        %dma_wait3A_104 = tpu.memref_squeeze %dma_wait3A_103 : memref<1x1x128xi32, #tpu.memory_space<vmem>> -> memref<128xi32, #tpu.memory_space<vmem>>
        %dma_wait3A_105 = arith.constant 0 : i32
        %dma_wait3A_106 = arith.constant 0 : i32
        %dma_wait3A_107 = tpu.memref_slice %arg2[%dma_wait3A_105, %dma_wait3A_106] : memref<10240x128xf32, #tpu.memory_space<hbm>> -> memref<10240x128xf32, #tpu.memory_space<hbm>>
        tpu.wait_indirect_dma semaphore(%arg11 : memref<!tpu.dma_semaphore, #tpu.memory_space<semaphore_mem>>) src(%dma_wait3A_107 : memref<10240x128xf32, #tpu.memory_space<hbm>>) dst(%arg9 : memref<128x128xf32, #tpu.memory_space<vmem>>)
        "tpu.region"() ({
          %run_scoped3A_150 = tpu.sem_alloc : memref<!tpu.dma_semaphore, #tpu.memory_space<semaphore_mem>>
          %dma_start3A_151 = arith.constant 0 : i32
          %dma_start3A_152 = tpu.memref_slice %arg8[%rem3A_68, %add3A_102, %dma_start3A_151] : memref<2x8x128xi32, #tpu.memory_space<vmem>> -> memref<1x1x128xi32, #tpu.memory_space<vmem>>
          %dma_start3A_153 = tpu.memref_squeeze %dma_start3A_152 : memref<1x1x128xi32, #tpu.memory_space<vmem>> -> memref<128xi32, #tpu.memory_space<vmem>>
          %dma_start3A_154 = arith.constant 0 : i32
          %dma_start3A_155 = arith.constant 0 : i32
          %dma_start3A_156 = tpu.memref_slice %arg14[%dma_start3A_154, %dma_start3A_155] : memref<10240x128xf32, #tpu.memory_space<vmem_shared>> -> memref<10240x128xf32, #tpu.memory_space<vmem_shared>>
          tpu.enqueue_indirect_dma source(%arg9 : memref<128x128xf32, #tpu.memory_space<vmem>>) target(%dma_start3A_156 : memref<10240x128xf32, #tpu.memory_space<vmem_shared>>) offsets(%dma_start3A_153 : memref<128xi32, #tpu.memory_space<vmem>>) semaphore(%run_scoped3A_150 : memref<!tpu.dma_semaphore, #tpu.memory_space<semaphore_mem>>) {add = true}
          %dma_wait3A_157 = arith.constant 0 : i32
          %dma_wait3A_158 = tpu.memref_slice %arg8[%rem3A_68, %add3A_102, %dma_wait3A_157] : memref<2x8x128xi32, #tpu.memory_space<vmem>> -> memref<1x1x128xi32, #tpu.memory_space<vmem>>
          %dma_wait3A_159 = tpu.memref_squeeze %dma_wait3A_158 : memref<1x1x128xi32, #tpu.memory_space<vmem>> -> memref<128xi32, #tpu.memory_space<vmem>>
          %dma_wait3A_160 = arith.constant 0 : i32
          %dma_wait3A_161 = arith.constant 0 : i32
          %dma_wait3A_162 = tpu.memref_slice %arg14[%dma_wait3A_160, %dma_wait3A_161] : memref<10240x128xf32, #tpu.memory_space<vmem_shared>> -> memref<10240x128xf32, #tpu.memory_space<vmem_shared>>
          tpu.wait_indirect_dma semaphore(%run_scoped3A_150 : memref<!tpu.dma_semaphore, #tpu.memory_space<semaphore_mem>>) src(%arg9 : memref<128x128xf32, #tpu.memory_space<vmem>>) dst(%dma_wait3A_162 : memref<10240x128xf32, #tpu.memory_space<vmem_shared>>)
          tpu.yield
        }) : () -> ()
        %add3A_108 = arith.constant 2 : i32
        %add3A_109 = arith.addi %add3A_102, %add3A_108 : i32
        %lt3A_110 = arith.constant 8 : i32
        %lt3A_111 = arith.cmpi slt, %add3A_109, %lt3A_110 : i32
        %convert_element_type3A_112 = arith.extui %lt3A_111 : i1 to i32
        %cond3A_113 = arith.constant 0 : i32
        %cond3A_114 = arith.cmpi ne, %convert_element_type3A_112, %cond3A_113 : i32
        scf.if %cond3A_114 {
          %dma_start3A_150 = arith.constant 0 : i32
          %dma_start3A_151 = tpu.memref_slice %arg7[%rem3A_68, %add3A_109, %dma_start3A_150] : memref<2x8x128xi32, #tpu.memory_space<vmem>> -> memref<1x1x128xi32, #tpu.memory_space<vmem>>
          %dma_start3A_152 = tpu.memref_squeeze %dma_start3A_151 : memref<1x1x128xi32, #tpu.memory_space<vmem>> -> memref<128xi32, #tpu.memory_space<vmem>>
          %dma_start3A_153 = arith.constant 0 : i32
          %dma_start3A_154 = arith.constant 0 : i32
          %dma_start3A_155 = tpu.memref_slice %arg2[%dma_start3A_153, %dma_start3A_154] : memref<10240x128xf32, #tpu.memory_space<hbm>> -> memref<10240x128xf32, #tpu.memory_space<hbm>>
          tpu.enqueue_indirect_dma source(%dma_start3A_155 : memref<10240x128xf32, #tpu.memory_space<hbm>>) target(%arg9 : memref<128x128xf32, #tpu.memory_space<vmem>>) offsets(%dma_start3A_152 : memref<128xi32, #tpu.memory_space<vmem>>) semaphore(%arg11 : memref<!tpu.dma_semaphore, #tpu.memory_space<semaphore_mem>>)
        } else {
        }
        %ge3A = arith.constant 8 : i32
        %ge3A_115 = arith.cmpi sge, %add3A_109, %ge3A : i32
        %add3A_116 = arith.constant 1 : i32
        %add3A_117 = arith.addi %while3A_65, %add3A_116 : i32
        %lt3A_118 = arith.cmpi slt, %add3A_117, %select_n3A_26 : i32
        %and3A_119 = arith.andi %ge3A_115, %lt3A_118 : i1
        %convert_element_type3A_120 = arith.extui %and3A_119 : i1 to i32
        %cond3A_121 = arith.constant 0 : i32
        %cond3A_122 = arith.cmpi ne, %convert_element_type3A_120, %cond3A_121 : i32
        scf.if %cond3A_122 {
          %sub3A_150 = arith.constant 8 : i32
          %sub3A_151 = arith.subi %add3A_109, %sub3A_150 : i32
          %dma_start3A_152 = arith.constant 0 : i32
          %dma_start3A_153 = tpu.memref_slice %arg7[%sub3A_70, %sub3A_151, %dma_start3A_152] : memref<2x8x128xi32, #tpu.memory_space<vmem>> -> memref<1x1x128xi32, #tpu.memory_space<vmem>>
          %dma_start3A_154 = tpu.memref_squeeze %dma_start3A_153 : memref<1x1x128xi32, #tpu.memory_space<vmem>> -> memref<128xi32, #tpu.memory_space<vmem>>
          %dma_start3A_155 = arith.constant 0 : i32
          %dma_start3A_156 = arith.constant 0 : i32
          %dma_start3A_157 = tpu.memref_slice %arg2[%dma_start3A_155, %dma_start3A_156] : memref<10240x128xf32, #tpu.memory_space<hbm>> -> memref<10240x128xf32, #tpu.memory_space<hbm>>
          tpu.enqueue_indirect_dma source(%dma_start3A_157 : memref<10240x128xf32, #tpu.memory_space<hbm>>) target(%arg9 : memref<128x128xf32, #tpu.memory_space<vmem>>) offsets(%dma_start3A_154 : memref<128xi32, #tpu.memory_space<vmem>>) semaphore(%arg11 : memref<!tpu.dma_semaphore, #tpu.memory_space<semaphore_mem>>)
        } else {
        }
        %mul3A_123 = arith.constant 2 : i32
        %mul3A_124 = arith.muli %scan3A_88, %mul3A_123 : i32
        %add3A_125 = arith.constant 1 : i32
        %add3A_126 = arith.addi %mul3A_124, %add3A_125 : i32
        %dma_wait3A_127 = arith.constant 0 : i32
        %dma_wait3A_128 = tpu.memref_slice %arg7[%rem3A_68, %add3A_126, %dma_wait3A_127] : memref<2x8x128xi32, #tpu.memory_space<vmem>> -> memref<1x1x128xi32, #tpu.memory_space<vmem>>
        %dma_wait3A_129 = tpu.memref_squeeze %dma_wait3A_128 : memref<1x1x128xi32, #tpu.memory_space<vmem>> -> memref<128xi32, #tpu.memory_space<vmem>>
        %dma_wait3A_130 = arith.constant 0 : i32
        %dma_wait3A_131 = arith.constant 0 : i32
        %dma_wait3A_132 = tpu.memref_slice %arg2[%dma_wait3A_130, %dma_wait3A_131] : memref<10240x128xf32, #tpu.memory_space<hbm>> -> memref<10240x128xf32, #tpu.memory_space<hbm>>
        tpu.wait_indirect_dma semaphore(%arg12 : memref<!tpu.dma_semaphore, #tpu.memory_space<semaphore_mem>>) src(%dma_wait3A_132 : memref<10240x128xf32, #tpu.memory_space<hbm>>) dst(%arg10 : memref<128x128xf32, #tpu.memory_space<vmem>>)
        "tpu.region"() ({
          %run_scoped3A_150 = tpu.sem_alloc : memref<!tpu.dma_semaphore, #tpu.memory_space<semaphore_mem>>
          %dma_start3A_151 = arith.constant 0 : i32
          %dma_start3A_152 = tpu.memref_slice %arg8[%rem3A_68, %add3A_126, %dma_start3A_151] : memref<2x8x128xi32, #tpu.memory_space<vmem>> -> memref<1x1x128xi32, #tpu.memory_space<vmem>>
          %dma_start3A_153 = tpu.memref_squeeze %dma_start3A_152 : memref<1x1x128xi32, #tpu.memory_space<vmem>> -> memref<128xi32, #tpu.memory_space<vmem>>
          %dma_start3A_154 = arith.constant 0 : i32
          %dma_start3A_155 = arith.constant 0 : i32
          %dma_start3A_156 = tpu.memref_slice %arg14[%dma_start3A_154, %dma_start3A_155] : memref<10240x128xf32, #tpu.memory_space<vmem_shared>> -> memref<10240x128xf32, #tpu.memory_space<vmem_shared>>
          tpu.enqueue_indirect_dma source(%arg10 : memref<128x128xf32, #tpu.memory_space<vmem>>) target(%dma_start3A_156 : memref<10240x128xf32, #tpu.memory_space<vmem_shared>>) offsets(%dma_start3A_153 : memref<128xi32, #tpu.memory_space<vmem>>) semaphore(%run_scoped3A_150 : memref<!tpu.dma_semaphore, #tpu.memory_space<semaphore_mem>>) {add = true}
          %dma_wait3A_157 = arith.constant 0 : i32
          %dma_wait3A_158 = tpu.memref_slice %arg8[%rem3A_68, %add3A_126, %dma_wait3A_157] : memref<2x8x128xi32, #tpu.memory_space<vmem>> -> memref<1x1x128xi32, #tpu.memory_space<vmem>>
          %dma_wait3A_159 = tpu.memref_squeeze %dma_wait3A_158 : memref<1x1x128xi32, #tpu.memory_space<vmem>> -> memref<128xi32, #tpu.memory_space<vmem>>
          %dma_wait3A_160 = arith.constant 0 : i32
          %dma_wait3A_161 = arith.constant 0 : i32
          %dma_wait3A_162 = tpu.memref_slice %arg14[%dma_wait3A_160, %dma_wait3A_161] : memref<10240x128xf32, #tpu.memory_space<vmem_shared>> -> memref<10240x128xf32, #tpu.memory_space<vmem_shared>>
          tpu.wait_indirect_dma semaphore(%run_scoped3A_150 : memref<!tpu.dma_semaphore, #tpu.memory_space<semaphore_mem>>) src(%arg10 : memref<128x128xf32, #tpu.memory_space<vmem>>) dst(%dma_wait3A_162 : memref<10240x128xf32, #tpu.memory_space<vmem_shared>>)
          tpu.yield
        }) : () -> ()
        %add3A_133 = arith.constant 2 : i32
        %add3A_134 = arith.addi %add3A_126, %add3A_133 : i32
        %lt3A_135 = arith.constant 8 : i32
        %lt3A_136 = arith.cmpi slt, %add3A_134, %lt3A_135 : i32
        %convert_element_type3A_137 = arith.extui %lt3A_136 : i1 to i32
        %cond3A_138 = arith.constant 0 : i32
        %cond3A_139 = arith.cmpi ne, %convert_element_type3A_137, %cond3A_138 : i32
        scf.if %cond3A_139 {
          %dma_start3A_150 = arith.constant 0 : i32
          %dma_start3A_151 = tpu.memref_slice %arg7[%rem3A_68, %add3A_134, %dma_start3A_150] : memref<2x8x128xi32, #tpu.memory_space<vmem>> -> memref<1x1x128xi32, #tpu.memory_space<vmem>>
          %dma_start3A_152 = tpu.memref_squeeze %dma_start3A_151 : memref<1x1x128xi32, #tpu.memory_space<vmem>> -> memref<128xi32, #tpu.memory_space<vmem>>
          %dma_start3A_153 = arith.constant 0 : i32
          %dma_start3A_154 = arith.constant 0 : i32
          %dma_start3A_155 = tpu.memref_slice %arg2[%dma_start3A_153, %dma_start3A_154] : memref<10240x128xf32, #tpu.memory_space<hbm>> -> memref<10240x128xf32, #tpu.memory_space<hbm>>
          tpu.enqueue_indirect_dma source(%dma_start3A_155 : memref<10240x128xf32, #tpu.memory_space<hbm>>) target(%arg10 : memref<128x128xf32, #tpu.memory_space<vmem>>) offsets(%dma_start3A_152 : memref<128xi32, #tpu.memory_space<vmem>>) semaphore(%arg12 : memref<!tpu.dma_semaphore, #tpu.memory_space<semaphore_mem>>)
        } else {
        }
        %ge3A_140 = arith.constant 8 : i32
        %ge3A_141 = arith.cmpi sge, %add3A_134, %ge3A_140 : i32
        %add3A_142 = arith.constant 1 : i32
        %add3A_143 = arith.addi %while3A_65, %add3A_142 : i32
        %lt3A_144 = arith.cmpi slt, %add3A_143, %select_n3A_26 : i32
        %and3A_145 = arith.andi %ge3A_141, %lt3A_144 : i1
        %convert_element_type3A_146 = arith.extui %and3A_145 : i1 to i32
        %cond3A_147 = arith.constant 0 : i32
        %cond3A_148 = arith.cmpi ne, %convert_element_type3A_146, %cond3A_147 : i32
        scf.if %cond3A_148 {
          %sub3A_150 = arith.constant 8 : i32
          %sub3A_151 = arith.subi %add3A_134, %sub3A_150 : i32
          %dma_start3A_152 = arith.constant 0 : i32
          %dma_start3A_153 = tpu.memref_slice %arg7[%sub3A_70, %sub3A_151, %dma_start3A_152] : memref<2x8x128xi32, #tpu.memory_space<vmem>> -> memref<1x1x128xi32, #tpu.memory_space<vmem>>
          %dma_start3A_154 = tpu.memref_squeeze %dma_start3A_153 : memref<1x1x128xi32, #tpu.memory_space<vmem>> -> memref<128xi32, #tpu.memory_space<vmem>>
          %dma_start3A_155 = arith.constant 0 : i32
          %dma_start3A_156 = arith.constant 0 : i32
          %dma_start3A_157 = tpu.memref_slice %arg2[%dma_start3A_155, %dma_start3A_156] : memref<10240x128xf32, #tpu.memory_space<hbm>> -> memref<10240x128xf32, #tpu.memory_space<hbm>>
          tpu.enqueue_indirect_dma source(%dma_start3A_157 : memref<10240x128xf32, #tpu.memory_space<hbm>>) target(%arg10 : memref<128x128xf32, #tpu.memory_space<vmem>>) offsets(%dma_start3A_154 : memref<128xi32, #tpu.memory_space<vmem>>) semaphore(%arg12 : memref<!tpu.dma_semaphore, #tpu.memory_space<semaphore_mem>>)
        } else {
        }
        %scan3A_149 = arith.constant 0 : i32
        scf.yield %scan3A_149 : i32
      }
      %scan3A_81 = arith.constant 4 : i32
      %add3A_82 = arith.constant 2 : i32
      %add3A_83 = arith.addi %while3A_65, %add3A_82 : i32
      %lt3A = arith.cmpi slt, %add3A_83, %select_n3A_26 : i32
      %convert_element_type3A_84 = arith.extui %lt3A : i1 to i32
      %cond3A_85 = arith.constant 0 : i32
      %cond3A_86 = arith.cmpi ne, %convert_element_type3A_84, %cond3A_85 : i32
      scf.if %cond3A_86 {
        %add3A_88 = arith.constant 8 : i32
        %add3A_89 = arith.addi %add3A_75, %add3A_88 : i32
        %dma_start3A_90 = arith.constant 0 : i32
        %dma_start3A_91 = arith.constant 0 : i32
        %dma_start3A_92 = tpu.memref_slice %arg7[%rem3A_68, %dma_start3A_90, %dma_start3A_91] : memref<2x8x128xi32, #tpu.memory_space<vmem>> -> memref<1x8x128xi32, #tpu.memory_space<vmem>>
        %dma_start3A_93 = tpu.memref_squeeze %dma_start3A_92 : memref<1x8x128xi32, #tpu.memory_space<vmem>> -> memref<8x128xi32, #tpu.memory_space<vmem>>
        %dma_start3A_94 = arith.constant 0 : i32
        %dma_start3A_95 = tpu.memref_slice %arg3[%add3A_89, %dma_start3A_94] : memref<2560x128xi32, #tpu.memory_space<hbm>> -> memref<8x128xi32, #tpu.memory_space<hbm>>
        %dma_start3A_96 = arith.constant 0 : i32
        %dma_start3A_97 = arith.constant 0 : i32
        %dma_start3A_98 = tpu.memref_slice %arg7[%rem3A_68, %dma_start3A_96, %dma_start3A_97] : memref<2x8x128xi32, #tpu.memory_space<vmem>> -> memref<1x8x128xi32, #tpu.memory_space<vmem>>
        %dma_start3A_99 = tpu.memref_squeeze %dma_start3A_98 : memref<1x8x128xi32, #tpu.memory_space<vmem>> -> memref<8x128xi32, #tpu.memory_space<vmem>>
        %dma_start3A_100 = arith.constant 0 : i32
        %dma_start3A_101 = tpu.memref_slice %arg3[%add3A_89, %dma_start3A_100] : memref<2560x128xi32, #tpu.memory_space<hbm>> -> memref<8x128xi32, #tpu.memory_space<hbm>>
        tpu.enqueue_dma source(%dma_start3A_101 : memref<8x128xi32, #tpu.memory_space<hbm>>) target(%dma_start3A_99 : memref<8x128xi32, #tpu.memory_space<vmem>>) target_semaphore(%arg13 : memref<!tpu.dma_semaphore, #tpu.memory_space<semaphore_mem>>)
        %add3A_102 = arith.constant 8 : i32
        %add3A_103 = arith.addi %add3A_75, %add3A_102 : i32
        %dma_start3A_104 = arith.constant 0 : i32
        %dma_start3A_105 = arith.constant 0 : i32
        %dma_start3A_106 = tpu.memref_slice %arg8[%rem3A_68, %dma_start3A_104, %dma_start3A_105] : memref<2x8x128xi32, #tpu.memory_space<vmem>> -> memref<1x8x128xi32, #tpu.memory_space<vmem>>
        %dma_start3A_107 = tpu.memref_squeeze %dma_start3A_106 : memref<1x8x128xi32, #tpu.memory_space<vmem>> -> memref<8x128xi32, #tpu.memory_space<vmem>>
        %dma_start3A_108 = arith.constant 0 : i32
        %dma_start3A_109 = tpu.memref_slice %arg4[%add3A_103, %dma_start3A_108] : memref<2560x128xi32, #tpu.memory_space<hbm>> -> memref<8x128xi32, #tpu.memory_space<hbm>>
        %dma_start3A_110 = arith.constant 0 : i32
        %dma_start3A_111 = arith.constant 0 : i32
        %dma_start3A_112 = tpu.memref_slice %arg8[%rem3A_68, %dma_start3A_110, %dma_start3A_111] : memref<2x8x128xi32, #tpu.memory_space<vmem>> -> memref<1x8x128xi32, #tpu.memory_space<vmem>>
        %dma_start3A_113 = tpu.memref_squeeze %dma_start3A_112 : memref<1x8x128xi32, #tpu.memory_space<vmem>> -> memref<8x128xi32, #tpu.memory_space<vmem>>
        %dma_start3A_114 = arith.constant 0 : i32
        %dma_start3A_115 = tpu.memref_slice %arg4[%add3A_103, %dma_start3A_114] : memref<2560x128xi32, #tpu.memory_space<hbm>> -> memref<8x128xi32, #tpu.memory_space<hbm>>
        tpu.enqueue_dma source(%dma_start3A_115 : memref<8x128xi32, #tpu.memory_space<hbm>>) target(%dma_start3A_113 : memref<8x128xi32, #tpu.memory_space<vmem>>) target_semaphore(%arg13 : memref<!tpu.dma_semaphore, #tpu.memory_space<semaphore_mem>>)
      } else {
      }
      %while3A_87 = arith.constant 0 : i32
      scf.yield %while3A_87 : i32
    }
    %barrier3A_60 = arith.constant 0 : index
    tpu.barrier barrier_id(%barrier3A_60)
    %mul3A_61 = arith.constant 640 : i32
    %mul3A_62 = arith.muli %arg1, %mul3A_61 : i32
    %mul3A_63 = arith.constant 640 : i32
    %mul3A_64 = arith.muli %arg1, %mul3A_63 : i32
    "tpu.region"() ({
      %run_scoped3A_65 = tpu.sem_alloc : memref<!tpu.dma_semaphore, #tpu.memory_space<semaphore_mem>>
      %dma_start3A_66 = arith.constant 0 : i32
      %dma_start3A_67 = tpu.memref_slice %arg6[%arg0, %mul3A_64, %dma_start3A_66] : memref<2x10240x128xf32, #tpu.memory_space<hbm>> -> memref<1x640x128xf32, #tpu.memory_space<hbm>>
      %dma_start3A_68 = tpu.memref_squeeze %dma_start3A_67 : memref<1x640x128xf32, #tpu.memory_space<hbm>> -> memref<640x128xf32, #tpu.memory_space<hbm>>
      %dma_start3A_69 = arith.constant 0 : i32
      %dma_start3A_70 = tpu.memref_slice %arg14[%mul3A_62, %dma_start3A_69] : memref<10240x128xf32, #tpu.memory_space<vmem_shared>> -> memref<640x128xf32, #tpu.memory_space<vmem_shared>>
      tpu.enqueue_dma source(%dma_start3A_70 : memref<640x128xf32, #tpu.memory_space<vmem_shared>>) target(%dma_start3A_68 : memref<640x128xf32, #tpu.memory_space<hbm>>) target_semaphore(%run_scoped3A_65 : memref<!tpu.dma_semaphore, #tpu.memory_space<semaphore_mem>>)
      %dma_wait3A = arith.constant 0 : i32
      %dma_wait3A_71 = tpu.memref_slice %arg6[%arg0, %mul3A_64, %dma_wait3A] : memref<2x10240x128xf32, #tpu.memory_space<hbm>> -> memref<1x640x128xf32, #tpu.memory_space<hbm>>
      %dma_wait3A_72 = tpu.memref_squeeze %dma_wait3A_71 : memref<1x640x128xf32, #tpu.memory_space<hbm>> -> memref<640x128xf32, #tpu.memory_space<hbm>>
      %dma_wait3A_73 = arith.constant 0 : i32
      %dma_wait3A_74 = tpu.memref_slice %arg14[%mul3A_62, %dma_wait3A_73] : memref<10240x128xf32, #tpu.memory_space<vmem_shared>> -> memref<640x128xf32, #tpu.memory_space<vmem_shared>>
      tpu.wait_dma2 semaphore(%run_scoped3A_65 : memref<!tpu.dma_semaphore, #tpu.memory_space<semaphore_mem>>) src(%dma_wait3A_74 : memref<640x128xf32, #tpu.memory_space<vmem_shared>>) dst(%dma_wait3A_72 : memref<640x128xf32, #tpu.memory_space<hbm>>)
      tpu.yield
    }) : () -> ()
    return
  }
}

module attributes {stable_mosaic.version = 14 : i64} {
  func.func @_mlp_body(%arg0: i32, %arg1: memref<1000x128xf32, #tpu.memory_space<vmem>>, %arg2: memref<2x1000x128xf32, #tpu.memory_space<vmem>>, %arg3: memref<128x128xf32, #tpu.memory_space<vmem>>, %arg4: memref<1x128xf32, #tpu.memory_space<vmem>>, %arg5: memref<128x128xf32, #tpu.memory_space<vmem>>, %arg6: memref<1x128xf32, #tpu.memory_space<vmem>>, %arg7: memref<1000x128xf32, #tpu.memory_space<vmem>>) attributes {dimension_semantics = [#tpu.dimension_semantics<arbitrary>], iteration_bounds = array<i64: 10>, scalar_prefetch = 0 : i64, scratch_operands = 0 : i64, tpu.core_type = #tpu.core_type<tc>, window_params = [{transform_indices = @transform_0, window_bounds = array<i64: 1000, 128>}, {transform_indices = @transform_1, window_bounds = array<i64: 2, 1000, 128>}, {pipeline_mode = #tpu.pipeline_mode<synchronous>, transform_indices = @transform_2, window_bounds = array<i64: 128, 128>}, {pipeline_mode = #tpu.pipeline_mode<synchronous>, transform_indices = @transform_3, window_bounds = array<i64: 1, 128>}, {pipeline_mode = #tpu.pipeline_mode<synchronous>, transform_indices = @transform_4, window_bounds = array<i64: 128, 128>}, {pipeline_mode = #tpu.pipeline_mode<synchronous>, transform_indices = @transform_5, window_bounds = array<i64: 1, 128>}, {transform_indices = @transform_6, window_bounds = array<i64: 1000, 128>}]} {
    %get3A = arith.constant 0 : index
    %get3A_0 = arith.constant 0 : index
    %get3A_1 = vector.load %arg1[%get3A, %get3A_0] : memref<1000x128xf32, #tpu.memory_space<vmem>>, vector<1000x128xf32>
    %get3A_2 = arith.constant 0 : index
    %get3A_3 = arith.constant 0 : index
    %get3A_4 = arith.constant 0 : index
    %get3A_5 = vector.load %arg2[%get3A_2, %get3A_3, %get3A_4] : memref<2x1000x128xf32, #tpu.memory_space<vmem>>, vector<1x1000x128xf32>
    %get3A_6 = vector.shape_cast %get3A_5 : vector<1x1000x128xf32> to vector<1000x128xf32>
    %add3A = arith.addf %get3A_1, %get3A_6 : vector<1000x128xf32>
    %get3A_7 = arith.constant 1 : index
    %get3A_8 = arith.constant 0 : index
    %get3A_9 = arith.constant 0 : index
    %get3A_10 = vector.load %arg2[%get3A_7, %get3A_8, %get3A_9] : memref<2x1000x128xf32, #tpu.memory_space<vmem>>, vector<1x1000x128xf32>
    %get3A_11 = vector.shape_cast %get3A_10 : vector<1x1000x128xf32> to vector<1000x128xf32>
    %add3A_12 = arith.addf %add3A, %get3A_11 : vector<1000x128xf32>
    %get3A_13 = arith.constant 0 : index
    %get3A_14 = arith.constant 0 : index
    %get3A_15 = vector.load %arg3[%get3A_13, %get3A_14] : memref<128x128xf32, #tpu.memory_space<vmem>>, vector<128x128xf32>
    %dot_general3A = arith.constant dense<0.000000e+00> : vector<1000x128xf32>
    %dot_general3A_16 = tpu.matmul %add3A_12, %get3A_15, %dot_general3A {dimension_numbers = #tpu.dot_dimension_numbers<[1], [0], [0], [1], [0, 0, 1, 1], [], []>, transpose_lhs_hint = false} : vector<1000x128xf32>, vector<128x128xf32>, vector<1000x128xf32> -> vector<1000x128xf32>
    %get3A_17 = arith.constant 0 : index
    %get3A_18 = arith.constant 0 : index
    %get3A_19 = vector.load %arg4[%get3A_17, %get3A_18] : memref<1x128xf32, #tpu.memory_space<vmem>>, vector<1x128xf32>
    %add3A_20 = vector.broadcast %get3A_19 : vector<1x128xf32> to vector<1000x128xf32>
    %add3A_21 = arith.addf %dot_general3A_16, %add3A_20 : vector<1000x128xf32>
    %max3A = arith.constant 0.000000e+00 : f32
    %max3A_22 = vector.broadcast %max3A : f32 to vector<1000x128xf32>
    %max3A_23 = arith.maximumf %add3A_21, %max3A_22 : vector<1000x128xf32>
    %get3A_24 = arith.constant 0 : index
    %get3A_25 = arith.constant 0 : index
    %get3A_26 = vector.load %arg5[%get3A_24, %get3A_25] : memref<128x128xf32, #tpu.memory_space<vmem>>, vector<128x128xf32>
    %dot_general3A_27 = arith.constant dense<0.000000e+00> : vector<1000x128xf32>
    %dot_general3A_28 = tpu.matmul %max3A_23, %get3A_26, %dot_general3A_27 {dimension_numbers = #tpu.dot_dimension_numbers<[1], [0], [0], [1], [0, 0, 1, 1], [], []>, transpose_lhs_hint = false} : vector<1000x128xf32>, vector<128x128xf32>, vector<1000x128xf32> -> vector<1000x128xf32>
    %get3A_29 = arith.constant 0 : index
    %get3A_30 = arith.constant 0 : index
    %get3A_31 = vector.load %arg6[%get3A_29, %get3A_30] : memref<1x128xf32, #tpu.memory_space<vmem>>, vector<1x128xf32>
    %add3A_32 = vector.broadcast %get3A_31 : vector<1x128xf32> to vector<1000x128xf32>
    %add3A_33 = arith.addf %dot_general3A_28, %add3A_32 : vector<1000x128xf32>
    %swap3A = arith.constant 0 : index
    %swap3A_34 = arith.constant 0 : index
    %swap3A_35 = vector.load %arg7[%swap3A, %swap3A_34] : memref<1000x128xf32, #tpu.memory_space<vmem>>, vector<1000x128xf32>
    tpu.vector_store %arg7[%swap3A, %swap3A_34], %add3A_33 {strides = array<i32>} : memref<1000x128xf32, #tpu.memory_space<vmem>>, vector<1000x128xf32>,
    return
  }
  func.func @transform_0(%arg0: i32) -> (i32, i32) {
    %c0_i32 = arith.constant 0 : i32
    %c0_i32_0 = arith.constant 0 : i32
    return %arg0, %c0_i32 : i32, i32
  }
  func.func @transform_1(%arg0: i32) -> (i32, i32, i32) {
    %c0_i32 = arith.constant 0 : i32
    %c0_i32_0 = arith.constant 0 : i32
    %c0_i32_1 = arith.constant 0 : i32
    return %c0_i32, %arg0, %c0_i32_0 : i32, i32, i32
  }
  func.func @transform_2(%arg0: i32) -> (i32, i32) {
    %c0_i32 = arith.constant 0 : i32
    %c0_i32_0 = arith.constant 0 : i32
    %c0_i32_1 = arith.constant 0 : i32
    return %c0_i32, %c0_i32_0 : i32, i32
  }
  func.func @transform_3(%arg0: i32) -> (i32, i32) {
    %c0_i32 = arith.constant 0 : i32
    %c0_i32_0 = arith.constant 0 : i32
    %c0_i32_1 = arith.constant 0 : i32
    return %c0_i32, %c0_i32_0 : i32, i32
  }
  func.func @transform_4(%arg0: i32) -> (i32, i32) {
    %c0_i32 = arith.constant 0 : i32
    %c0_i32_0 = arith.constant 0 : i32
    %c0_i32_1 = arith.constant 0 : i32
    return %c0_i32, %c0_i32_0 : i32, i32
  }
  func.func @transform_5(%arg0: i32) -> (i32, i32) {
    %c0_i32 = arith.constant 0 : i32
    %c0_i32_0 = arith.constant 0 : i32
    %c0_i32_1 = arith.constant 0 : i32
    return %c0_i32, %c0_i32_0 : i32, i32
  }
  func.func @transform_6(%arg0: i32) -> (i32, i32) {
    %c0_i32 = arith.constant 0 : i32
    %c0_i32_0 = arith.constant 0 : i32
    return %arg0, %c0_i32 : i32, i32
  }
}

module attributes {stable_mosaic.version = 14 : i64} {
  func.func @_mlp_cls_body(%arg0: i32, %arg1: memref<1000x128xf32, #tpu.memory_space<vmem>>, %arg2: memref<2x1000x128xf32, #tpu.memory_space<vmem>>, %arg3: memref<128x128xf32, #tpu.memory_space<vmem>>, %arg4: memref<1x128xf32, #tpu.memory_space<vmem>>, %arg5: memref<128x128xf32, #tpu.memory_space<vmem>>, %arg6: memref<1x128xf32, #tpu.memory_space<vmem>>, %arg7: memref<128x1xf32, #tpu.memory_space<vmem>>, %arg8: memref<1000x1xf32, #tpu.memory_space<vmem>>) attributes {dimension_semantics = [#tpu.dimension_semantics<arbitrary>], iteration_bounds = array<i64: 10>, scalar_prefetch = 0 : i64, scratch_operands = 0 : i64, tpu.core_type = #tpu.core_type<tc>, window_params = [{transform_indices = @transform_0, window_bounds = array<i64: 1000, 128>}, {transform_indices = @transform_1, window_bounds = array<i64: 2, 1000, 128>}, {pipeline_mode = #tpu.pipeline_mode<synchronous>, transform_indices = @transform_2, window_bounds = array<i64: 128, 128>}, {pipeline_mode = #tpu.pipeline_mode<synchronous>, transform_indices = @transform_3, window_bounds = array<i64: 1, 128>}, {pipeline_mode = #tpu.pipeline_mode<synchronous>, transform_indices = @transform_4, window_bounds = array<i64: 128, 128>}, {pipeline_mode = #tpu.pipeline_mode<synchronous>, transform_indices = @transform_5, window_bounds = array<i64: 1, 128>}, {pipeline_mode = #tpu.pipeline_mode<synchronous>, transform_indices = @transform_6, window_bounds = array<i64: 128, 1>}, {transform_indices = @transform_7, window_bounds = array<i64: 1000, 1>}]} {
    %get3A = arith.constant 0 : index
    %get3A_0 = arith.constant 0 : index
    %get3A_1 = vector.load %arg1[%get3A, %get3A_0] : memref<1000x128xf32, #tpu.memory_space<vmem>>, vector<1000x128xf32>
    %get3A_2 = arith.constant 0 : index
    %get3A_3 = arith.constant 0 : index
    %get3A_4 = arith.constant 0 : index
    %get3A_5 = vector.load %arg2[%get3A_2, %get3A_3, %get3A_4] : memref<2x1000x128xf32, #tpu.memory_space<vmem>>, vector<1x1000x128xf32>
    %get3A_6 = vector.shape_cast %get3A_5 : vector<1x1000x128xf32> to vector<1000x128xf32>
    %add3A = arith.addf %get3A_1, %get3A_6 : vector<1000x128xf32>
    %get3A_7 = arith.constant 1 : index
    %get3A_8 = arith.constant 0 : index
    %get3A_9 = arith.constant 0 : index
    %get3A_10 = vector.load %arg2[%get3A_7, %get3A_8, %get3A_9] : memref<2x1000x128xf32, #tpu.memory_space<vmem>>, vector<1x1000x128xf32>
    %get3A_11 = vector.shape_cast %get3A_10 : vector<1x1000x128xf32> to vector<1000x128xf32>
    %add3A_12 = arith.addf %add3A, %get3A_11 : vector<1000x128xf32>
    %get3A_13 = arith.constant 0 : index
    %get3A_14 = arith.constant 0 : index
    %get3A_15 = vector.load %arg3[%get3A_13, %get3A_14] : memref<128x128xf32, #tpu.memory_space<vmem>>, vector<128x128xf32>
    %dot_general3A = arith.constant dense<0.000000e+00> : vector<1000x128xf32>
    %dot_general3A_16 = tpu.matmul %add3A_12, %get3A_15, %dot_general3A {dimension_numbers = #tpu.dot_dimension_numbers<[1], [0], [0], [1], [0, 0, 1, 1], [], []>, transpose_lhs_hint = false} : vector<1000x128xf32>, vector<128x128xf32>, vector<1000x128xf32> -> vector<1000x128xf32>
    %get3A_17 = arith.constant 0 : index
    %get3A_18 = arith.constant 0 : index
    %get3A_19 = vector.load %arg4[%get3A_17, %get3A_18] : memref<1x128xf32, #tpu.memory_space<vmem>>, vector<1x128xf32>
    %add3A_20 = vector.broadcast %get3A_19 : vector<1x128xf32> to vector<1000x128xf32>
    %add3A_21 = arith.addf %dot_general3A_16, %add3A_20 : vector<1000x128xf32>
    %max3A = arith.constant 0.000000e+00 : f32
    %max3A_22 = vector.broadcast %max3A : f32 to vector<1000x128xf32>
    %max3A_23 = arith.maximumf %add3A_21, %max3A_22 : vector<1000x128xf32>
    %get3A_24 = arith.constant 0 : index
    %get3A_25 = arith.constant 0 : index
    %get3A_26 = vector.load %arg5[%get3A_24, %get3A_25] : memref<128x128xf32, #tpu.memory_space<vmem>>, vector<128x128xf32>
    %dot_general3A_27 = arith.constant dense<0.000000e+00> : vector<1000x128xf32>
    %dot_general3A_28 = tpu.matmul %max3A_23, %get3A_26, %dot_general3A_27 {dimension_numbers = #tpu.dot_dimension_numbers<[1], [0], [0], [1], [0, 0, 1, 1], [], []>, transpose_lhs_hint = false} : vector<1000x128xf32>, vector<128x128xf32>, vector<1000x128xf32> -> vector<1000x128xf32>
    %get3A_29 = arith.constant 0 : index
    %get3A_30 = arith.constant 0 : index
    %get3A_31 = vector.load %arg6[%get3A_29, %get3A_30] : memref<1x128xf32, #tpu.memory_space<vmem>>, vector<1x128xf32>
    %add3A_32 = vector.broadcast %get3A_31 : vector<1x128xf32> to vector<1000x128xf32>
    %add3A_33 = arith.addf %dot_general3A_28, %add3A_32 : vector<1000x128xf32>
    %get3A_34 = arith.constant 0 : index
    %get3A_35 = arith.constant 0 : index
    %get3A_36 = vector.load %arg7[%get3A_34, %get3A_35] : memref<128x1xf32, #tpu.memory_space<vmem>>, vector<128x1xf32>
    %dot_general3A_37 = arith.constant dense<0.000000e+00> : vector<1000x1xf32>
    %dot_general3A_38 = tpu.matmul %add3A_33, %get3A_36, %dot_general3A_37 {dimension_numbers = #tpu.dot_dimension_numbers<[1], [0], [0], [1], [0, 0, 1, 1], [], []>, transpose_lhs_hint = false} : vector<1000x128xf32>, vector<128x1xf32>, vector<1000x1xf32> -> vector<1000x1xf32>
    %swap3A = arith.constant 0 : index
    %swap3A_39 = arith.constant 0 : index
    %swap3A_40 = vector.load %arg8[%swap3A, %swap3A_39] : memref<1000x1xf32, #tpu.memory_space<vmem>>, vector<1000x1xf32>
    tpu.vector_store %arg8[%swap3A, %swap3A_39], %dot_general3A_38 {strides = array<i32>} : memref<1000x1xf32, #tpu.memory_space<vmem>>, vector<1000x1xf32>,
    return
  }
  func.func @transform_0(%arg0: i32) -> (i32, i32) {
    %c0_i32 = arith.constant 0 : i32
    %c0_i32_0 = arith.constant 0 : i32
    return %arg0, %c0_i32 : i32, i32
  }
  func.func @transform_1(%arg0: i32) -> (i32, i32, i32) {
    %c0_i32 = arith.constant 0 : i32
    %c0_i32_0 = arith.constant 0 : i32
    %c0_i32_1 = arith.constant 0 : i32
    return %c0_i32, %arg0, %c0_i32_0 : i32, i32, i32
  }
  func.func @transform_2(%arg0: i32) -> (i32, i32) {
    %c0_i32 = arith.constant 0 : i32
    %c0_i32_0 = arith.constant 0 : i32
    %c0_i32_1 = arith.constant 0 : i32
    return %c0_i32, %c0_i32_0 : i32, i32
  }
  func.func @transform_3(%arg0: i32) -> (i32, i32) {
    %c0_i32 = arith.constant 0 : i32
    %c0_i32_0 = arith.constant 0 : i32
    %c0_i32_1 = arith.constant 0 : i32
    return %c0_i32, %c0_i32_0 : i32, i32
  }
  func.func @transform_4(%arg0: i32) -> (i32, i32) {
    %c0_i32 = arith.constant 0 : i32
    %c0_i32_0 = arith.constant 0 : i32
    %c0_i32_1 = arith.constant 0 : i32
    return %c0_i32, %c0_i32_0 : i32, i32
  }
  func.func @transform_5(%arg0: i32) -> (i32, i32) {
    %c0_i32 = arith.constant 0 : i32
    %c0_i32_0 = arith.constant 0 : i32
    %c0_i32_1 = arith.constant 0 : i32
    return %c0_i32, %c0_i32_0 : i32, i32
  }
  func.func @transform_6(%arg0: i32) -> (i32, i32) {
    %c0_i32 = arith.constant 0 : i32
    %c0_i32_0 = arith.constant 0 : i32
    %c0_i32_1 = arith.constant 0 : i32
    return %c0_i32, %c0_i32_0 : i32, i32
  }
  func.func @transform_7(%arg0: i32) -> (i32, i32) {
    %c0_i32 = arith.constant 0 : i32
    %c0_i32_0 = arith.constant 0 : i32
    return %arg0, %c0_i32 : i32, i32
  }
}

</mosaic_0001>

<sc_bundles>
// kernel: kernel.10.cloned.1.call-start
scs
__scs_entry_jumppad:
0x0: {  	(pc) =	sbr.rel $0x88, $3  }
0x1: {  	(tag) =	ssettag $0x0;
	lr =	simm.s32 $0x1  }
0x2: {  	[smem:$0x3F94] =	sst lr;
	_ =	strace $0xD0000000  }
0x3: {  	_ = 	snop  }
0x4: {  	_ = 	snop  }
0x5: {  	_ = 	snop  }
0x6: {  	_ = 	snop  }
0x7: {  	_ = 	snop  }
__scs_overlays_trampoline_lowered:
0x8: {  	[smem:$0x3FA3] =	sst s0  }
0x9: {  	[smem:$0x3FA4] =	sst s1  }
0xa: {  	[smem:$0x3FA5] =	sst s2  }
0xb: {  	[smem:$0x3FA6] =	sst s3  }
0xc: {  	[smem:$0x3FA7] =	sst s4  }
0xd: {  	[smem:$0x3FA8] =	sst s5  }
0xe: {  	[smem:$0x3FA9] =	sst s6  }
0xf: {  	[smem:$0x3FAA] =	sst s7  }
0x10: {  	[smem:$0x3FAB] =	sst s8  }
0x11: {  	[smem:$0x3FAC] =	sst s9;
	s0 =	simm.s32 @!p0 $0x0  }
0x12: {  	s1 =	sld [smem:$0x3F92];
	s0 =	simm.s32 @p0 $0x1  }
0x13: {  	[smem:$0x3FAD] =	sst s0;
	s0 =	simm.s32 @!p1 $0x0  }
0x14: {  	s2 =	sld [smem:$0x3F91];
	s0 =	simm.s32 @p1 $0x1  }
0x15: {  	[smem:$0x3FAE] =	sst s0;
	s0 =	simm.s32 @!p2 $0x0  }
0x16: {  	s3 =	sld [smem:$0x3FDB];
	s0 =	simm.s32 @p2 $0x1  }
0x17: {  	s4 =	simm.s32 $0x1BF5;
	[smem:$0x3FB0] =	sst s0  }
0x18: {  	s0 =	sld [smem:$0x3F93];
	_ =	swait.ge [sflag:s4], $0x0  }
0x19: {  	s7 =	sld [smem:$0x3F94]  }
0x1a: {  	s8 =	sadd.s32 $0xFFFFE003, lr  }
0x1b: {  	s9 =	sadd.s32 $0xFFFFFEF7, lr;
	s5 =	simm.s32 $0xFFFFFFFF;
	p2 =	slt.u32 s8, $0xFFFFF086  }
0x1c: {  	p1 =	slt.u32 s9, $0xF7A;
	s5 =	simm.s32 @!p2 $0x0  }
0x1d: {  	s5 =	simm.s32 @p1 $0x1;
	p0 =	seq.s32 s7, s2  }
0x1e: {  	s7 =	smul.u32 @!p0 $0xF7A, s2;
	p2 =	seq.s32 @!p0 s5, $0x0  }
0x1f: {  	s9 =	smul.u32 $0xF7A, s1;
	s8 =	simm.s32 @!p0 $0x1BF5;
	p2 =	por !p2, p0  }
0x20: {  	[sflag:s8] =	ssyncset.s32 @!p0 $0xFFFFF086;
	s6 =	sadd.s32 @!p0 s3, s7;
	s7 =	simm.s32 @!p0 $0x108  }
0x21: {  	s3 =	sadd.s32 s3, s9;
	s6 =	sadd.s32 @!p0 $0x88, s6;
	s7 =	simm.s32 @p2 $0x1082  }
0x22: {  	[simem:s7], [sflag:s8] =	dma.local @!p0 [hbm:s6], $0xF7A  }
0x23: {  	s9 =	sor.u32 $0xD0000000, s2;
	s6 =	simm.s32 $0x108;
	_ =	swait.ge @!p0 [sflag:s8], $0x0  }
0x24: {  	s3 =	sadd.s32 $0x88, s3;
	s6 =	simm.s32 @!p1 $0x1082;
	[sflag:s4] =	ssyncset.s32 $0xFFFFF086  }
0x25: {  	[simem:s6], [sflag:s4] =	dma.local [hbm:s3], $0xF7A  }
0x26: {  	[smem:$0x3F94] =	sst s1;
	(tag) =	ssettag s2;
	_ =	strace s9  }
0x27: {  	s1 =	sld [smem:$0x3FA4]  }
0x28: {  	s2 =	sld [smem:$0x3FA5]  }
0x29: {  	s4 =	sld [smem:$0x3FA7]  }
0x2a: {  	p0 =	seq.s32 s5, $0x0;
	s5 =	sld [smem:$0x3FA8]  }
0x2b: {  	s6 =	sld [smem:$0x3FA9]  }
0x2c: {  	s7 =	sld [smem:$0x3FAA]  }
0x2d: {  	s3 =	simm.s32 $0x108;
	s8 =	sld [smem:$0x3FAB]  }
0x2e: {  	s3 =	simm.s32 @!p0 $0x1082;
	s9 =	sld [smem:$0x3FAC]  }
0x2f: {  	lr =	sadd.s32 s0, s3;
	s0 =	sld [smem:$0x3FA3]  }
0x30: {  	s3 =	sld [smem:$0x3FA6]  }
0x31: {  	[smem:$0x3FAF] =	sst s10  }
0x32: {  	s10 =	sld [smem:$0x3FAD];
	_ =	sdelay $0x3  }
0x33: {  	p0 =	seq.s32 s10, $0x1;
	s10 =	sld [smem:$0x3FAF];
	_ =	sdelay $0x3  }
0x34: {  	[smem:$0x3FAF] =	sst s10  }
0x35: {  	s10 =	sld [smem:$0x3FAE];
	_ =	sdelay $0x3  }
0x36: {  	p1 =	seq.s32 s10, $0x1;
	s10 =	sld [smem:$0x3FAF];
	_ =	sdelay $0x3  }
0x37: {  	[smem:$0x3FAF] =	sst s10  }
0x38: {  	s10 =	sld [smem:$0x3FB0]  }
0x39: {  	_ = 	snop;
	(pc) =	sbr.ind lr, $3  }
0x3a: {  	_ = 	snop  }
0x3b: {  	_ = 	snop  }
0x3c: {  	p2 =	seq.s32 s10, $0x1;
	s10 =	sld [smem:$0x3FAF]  }
0x3d: {  	_ =	shalt  }
0x3e: {  	_ =	shalt  }
0x3f: {  	_ =	shalt  }
0x40: {  	_ =	shalt  }
0x41: {  	_ =	shalt  }
0x42: {  	_ =	shalt  }
0x43: {  	_ =	shalt  }
0x44: {  	_ =	shalt  }
0x45: {  	_ =	shalt  }
0x46: {  	_ =	shalt  }
0x47: {  	_ =	shalt  }
0x48: {  	_ =	shalt  }
0x49: {  	_ =	shalt  }
0x4a: {  	_ =	shalt  }
0x4b: {  	_ =	shalt  }
0x4c: {  	_ =	shalt  }
0x4d: {  	_ =	shalt  }
0x4e: {  	_ =	shalt  }
0x4f: {  	_ =	shalt  }
0x50: {  	_ =	shalt  }
0x51: {  	_ =	shalt  }
0x52: {  	_ =	shalt  }
0x53: {  	_ =	shalt  }
0x54: {  	_ =	shalt  }
0x55: {  	_ =	shalt  }
0x56: {  	_ =	shalt  }
0x57: {  	_ =	shalt  }
0x58: {  	_ =	shalt  }
0x59: {  	_ =	shalt  }
0x5a: {  	_ =	shalt  }
0x5b: {  	_ =	shalt  }
0x5c: {  	_ =	shalt  }
0x5d: {  	_ =	shalt  }
0x5e: {  	_ =	shalt  }
0x5f: {  	_ =	shalt  }
0x60: {  	_ =	shalt  }
0x61: {  	_ =	shalt  }
0x62: {  	_ =	shalt  }
0x63: {  	_ =	shalt  }
0x64: {  	_ =	shalt  }
0x65: {  	_ =	shalt  }
0x66: {  	_ =	shalt  }
0x67: {  	_ =	shalt  }
0x68: {  	_ =	shalt  }
0x69: {  	_ =	shalt  }
0x6a: {  	_ =	shalt  }
0x6b: {  	_ =	shalt  }
0x6c: {  	_ =	shalt  }
0x6d: {  	_ =	shalt  }
0x6e: {  	_ =	shalt  }
0x6f: {  	_ =	shalt  }
0x70: {  	_ =	shalt  }
0x71: {  	_ =	shalt  }
0x72: {  	_ =	shalt  }
0x73: {  	_ =	shalt  }
0x74: {  	_ =	shalt  }
0x75: {  	_ =	shalt  }
0x76: {  	_ =	shalt  }
0x77: {  	_ =	shalt  }
0x78: {  	_ =	shalt  }
0x79: {  	_ =	shalt  }
0x7a: {  	_ =	shalt  }
0x7b: {  	_ =	shalt  }
0x7c: {  	_ =	shalt  }
0x7d: {  	_ =	shalt  }
0x7e: {  	_ =	shalt  }
0x7f: {  	_ =	shalt  }
0x80: {  	_ =	shalt  }
0x81: {  	_ =	shalt  }
0x82: {  	_ =	shalt  }
0x83: {  	_ =	shalt  }
0x84: {  	_ =	shalt  }
0x85: {  	_ =	shalt  }
0x86: {  	_ =	shalt  }
0x87: {  	_ =	shalt  }
.Lfunc_end0:
.L_simem_size_0:
called_computation.1_lowered:
.L_overlay_start_0:
0x88: {  	s2 =	sld [smem:$0x3FD9]  }
0x89: {  	s3 =	sld [smem:$0x3FFE];
	_ =	sdelay $0x1  }
0x8a: {  	s1 =	srdreg.scid  }
0x8b: {  	s0 =	sand.u32 $0x1, s1  }
0x8c: {  	s16 =	sshll.u32 s0, $0xA;
	s2 =	sadd.s32 s3, s2  }
0x8d: {  	s2 =	sadd.s32 s2, s16  }
0x8e: {  	[smem:$0x3FBB] =	sst s2  }
0x8f: {  	_ = 	snop  }
0x90: {  	(tm) =	ssettm $0x1  }
0x91: {  	s17 =	sld [smem:$0x3FFB];
	_ =	sdelay $0x3  }
0x92: {  	_ =	strace s17  }
0x93: {  	s2 =	sld [smem:$0x3FFC];
	_ =	sdelay $0x3  }
0x94: {  	_ =	strace s2  }
0x95: {  	s2 =	sld [smem:$0x3FFD];
	_ =	sdelay $0x3  }
0x96: {  	_ =	strace s2  }
0x97: {  	_ =	strace $0x8FFFFFFF  }
0x98: {  	s18 =	sld [smem:$0x3FDB];
	_ =	sdelay $0x1  }
0x99: {  	s19 =	simm.s32 $_scs_section_size  }
0x9a: {  	s4 =	simm.s32 $_size__tile_overlayer_lowered;
	s5 =	simm.s32 $_tile_overlayer_lowered  }
0x9b: {  	s22 =	simm.s32 $0x1BFF;
	s21 =	sshll.u32 s5, $0x1;
	s2 =	sadd.s32 s19, s18  }
0x9c: {  	s6 =	simm.s32 $0x0;
	s20 =	sshll.u32 s4, $0x1;
	s4 =	sadd.s32 s21, s2  }
0x9d: {  	[timem:s6], [sflag:s22] =	dma.local [hbm:s4], s20  }
0x9e: {  	_ =	swait.ge [sflag:s22], s20  }
0x9f: {  	s3 =	ssub.s32 $0x0, s20;
	[sflag:s22] =	ssyncset.done $0x0  }
0xa0: {  	[sflag:s22] =	ssyncadd.s32 s3;
	_ =	sdelay $0x1  }
0xa1: {  	s23 =	simm.s32 $0x1B8B  }
0xa2: {  	_ =	swait.ge [sflag:s23], $0x1  }
0xa3: {  	[sflag:s23] =	ssyncset.done $0x0  }
0xa4: {  	s25 =	simm.s32 $0x1B8E;
	s24 =	sld [smem:$0x3FFE];
	[sflag:s23] =	ssyncadd.s32 $0xFFFFFFFF  }
0xa5: {  	s26 =	simm.s32 $execute0_lowered;
	[smem:$0x3FD2] =	sst s25  }
0xa6: {  	s4 =	sshll.u32 s26, $0x1;
	_ =	strace $0x80000049;
	[dreg:$0x1] =	wrdreg $0xFFFFFFFF  }
0xa7: {  	s28 =	simm.s32 $_size_execute0_lowered;
	s2 =	sadd.s32 s2, s4;
	[dreg:$0x0] =	wrdreg $0x0  }
0xa8: {  	s4 =	sshll.u32 s28, $0x1;
	[dreg:$0x2] =	wrdreg s2  }
0xa9: {  	[dreg:$0x3] =	wrdreg s4  }
0xaa: {  	[dreg:$0x4] =	wrdreg $0xC0  }
0xab: {  	_ =	task [dreg:s6], $0x5FFFF  }
0xac: {  	[dreg:$0x1] =	wrdreg $0xFFFFFFFF  }
0xad: {  	[dreg:$0x0] =	wrdreg $0x60  }
0xae: {  	[dreg:$0x2] =	wrdreg s24  }
0xaf: {  	[dreg:$0x3] =	wrdreg $0x90000  }
0xb0: {  	[dreg:$0x4] =	wrdreg $0x9  }
0xb1: {  	_ =	task.clear_ibuf [dreg:s6], $0x5FFFF;
	_ =	strace $0x90000049  }
0xb2: {  	s29 =	simm.s32 $0x9;
	_ =	strace $0x8000004B  }
0xb3: {  	_ =	swait.ge [sflag:s29], $0x1  }
0xb4: {  	[sflag:s29] =	ssyncadd.s32 $0xFFFFFFFF  }
0xb5: {  	_ =	strace $0x9000004B  }
0xb6: {  	_ =	sfence  }
0xb7: {  	s30 =	sld [smem:$0x0];
	_ =	sdelay $0x2  }
0xb8: {  	s31 =	sshll.u32 s1, $0xD;
	s1 =	sshrl.u32 s1, $0x2  }
0xb9: {  	s3 =	sand.u32 $0x4000, s31;
	s1 =	sadd.s32 s1, s30  }
0xba: {  	s0 =	sor.u32 s3, s0;
	s1 =	sshll.u32 s1, $0x11  }
0xbb: {  	s0 =	sor.u32 s1, s0  }
0xbc: {  	s0 =	sadd.s32 $0x8F2B, s0  }
0xbd: {  	[sflag:s0] =	ssyncadd.remote.s32 $0x1  }
0xbe: {  	_ =	sfence.sel $0xFFFF  }
0xbf: {  	[dreg:$0x0] =	wrdreg $0xFFFFFFFF;
	(pc) =	sbr.abs _section_cstart, $3  }
0xc0: {  	[dreg:$0x1] =	wrdreg $0xFFFFFFFF  }
0xc1: {  	_ =	task.clear_ibuf [dreg:s6], $0x2FFFF;
	_ =	strace $0x9FFFFFFF  }
0xc2: {  	(tm) =	ssettm $0x7FFFFFFF  }
0xc3: {  	_ =	shalt  }
tec
execute0_lowered:
.L_overlay_start_1:
0x0: {  	(tag) =	ssettag $0x1  }
0x1: {  	s0 =	rddreg [dreg:$0x0]  }
0x2: {  	s2 =	rddreg [dreg:$0x1]  }
0x3: {  	s19 =	stileid.u32;
	s1 =	srdreg.scid;
	s3 =	simm.s32 $0x0  }
0x4: {  	s15 =	simm.s32 $0x4;
	s17 =	simm.s32 $0x80;
	s18 =	simm.s32 $0x1000  }
0x5: {  	s5 =	smul.u32 $0x14000, s19;
	s1 =	sand.u32 $0x1, s1;
	[smem:$0x7FF] =	sst s3  }
0x6: {  	s4 =	sadd.s32 $0x2C00, s0;
	s8 =	sadd.s32 $0x34C00, s0;
	s11 =	smul.u32 $0x98, s19  }
0x7: {  	s9 =	sadd.s32 $0x2AC00, s0;
	s23 =	sshll.u32 s19, $0x3;
	s13 =	smul.u32 $0x4C00, s19  }
0x8: {  	s26 =	smul.u32 $0x50000, s19;
	s31 =	sshll.u32 s19, $0x6;
	s19 =	simm.s32 $0x5000  }
0x9: {  	s6 =	smul.u32 $0x140000, s1;
	_ =	strace $0x8000004A;
	s7 =	ssub.s32 $0x2, s1  }
0xa: {  	p0 =	seq.s32 s1, $0x0;
	s12 =	sor.u32 $0x980, s23;
	s20 =	sor.u32 $0x1C04, s31  }
0xb: {  	s23 =	simm.s32 $0x2;
	s22 =	sshrl.u32 s7, $0x1;
	s12 =	smov.u32 @p0 s11  }
0xc: {  	s25 =	sshrl.u32 s13, $0x3;
	s29 =	sshrl.u32 s26, $0x2;
	s6 =	sadd.s32 s5, s6  }
0xd: {  	s5 =	sshrl.u32 s5, $0x3;
	s14 =	ssub.s32 s7, s22;
	s24 =	sshll.u32 s12, $0x4  }
0xe: {  	s11 =	sadd.s32 $0x80, s25;
	s16 =	sadd.s32 s29, s2;
	s22 =	simm.s32 $0x1  }
0xf: {  	s6 =	sshrl.u32 s6, $0x3;
	s10 =	sadd.s32 s5, s0;
	s5 =	simm.s32 $0x13  }
0x10: {  	s7 =	sadd.s32 s9, s24;
	s28 =	sadd.s32 s9, s11;
	s12 =	smax.u32 s14, $0x1  }
0x11: {  	s21 =	sshrl.u32 s16, $0x3;
	s0 =	sadd.s32 s6, s0;
	s5 =	simm.s32 @!p0 $0x1  }
0x12: {  	s6 =	sadd.s32 s8, s24;
	s8 =	sadd.s32 s8, s11;
	[dreg:$0x4] =	wrdreg s28  }
0x13: {  	s30 =	sadd.s32 $0x3EC00, s10;
	s13 =	sadd.s32 $0x100, s7;
	[dreg:$0x3] =	wrdreg s8  }
0x14: {  	p0 =	sne.s32 s1, $0x0;
	[dreg:$0x5] =	wrdreg s30;
	s0 =	sadd.s32 $0x66C00, s0  }
0x15: {  	s24 =	simm.s32 $0x0;
	s14 =	sadd.s32 $0x100, s6;
	[dreg:$0x6] =	wrdreg s0  }
.LBB2_1:
0x16: {  	[tilespmem:s3], [sflag:$0x4] =	stream.linear.gather [hbm4b:s6+s3], $0x400, $0x38;
	[tilespmem:$0x1D000] =	vst v63  }
0x17: {  	_ =	swait.ge [sflag:s15], $0x400  }
0x18: {  	[sflag:s15] =	ssyncset.done $0x0  }
0x19: {  	s0 =	simm.s32 $0x800;
	[sflag:s15] =	ssyncadd.s32 $0xFFFFFC00  }
0x1a: {  	[tilespmem:s0], [sflag:$0x4] =	stream.linear.gather [hbm4b:s7+s3], $0x400, $0x38;
	[tilespmem:$0x1D000] =	vst v63  }
0x1b: {  	_ =	swait.ge [sflag:s15], $0x400  }
0x1c: {  	[sflag:s15] =	ssyncset.done $0x0  }
0x1d: {  	[sflag:s15] =	ssyncadd.s32 $0xFFFFFC00  }
0x1e: {  	[tilespmem:s18], [sflag:$0x1] =	stream.indirect.gather [hbm4b:s4+s17], $0x80, s3, s17, $0xb8;
	[tilespmem:$0x1D000] =	vst v63  }
0x1f: {  	_ = 	snop  }
0x20: {  	[tilespmem:s19], [sflag:$0x2] =	stream.indirect.gather [hbm4b:s4+s17], $0x80, s17, s17, $0xb8;
	[tilespmem:$0x1D000] =	vst v63  }
0x21: {  	s1 =	simm.s32 @!p0 $0x400;
	s0 =	simm.s32 @!p0 $0x0;
	s8 =	rddreg [dreg:$0x3]  }
0x22: {  	[tilespmem:s1], [sflag:$0x3] =	stream.linear.gather @!p0 [hbm4b:s8+s0], $0x400, $0x38;
	[tilespmem:$0x1D000] =	vst v63  }
0x23: {  	s1 =	simm.s32 @!p0 $0xC00;
	s8 =	rddreg [dreg:$0x4]  }
0x24: {  	[tilespmem:s1], [sflag:$0x3] =	stream.linear.gather @!p0 [hbm4b:s8+s0], $0x400, $0x38;
	[tilespmem:$0x1D000] =	vst v63  }
0x25: {  	s8 =	rddreg [dreg:$0x5]  }
0x26: {  	[spmem:s21], [sflag:s20] =	dma.local [hbm:s8], $0x2800  }
0x27: {  	_ =	swait.ge [sflag:s15], $0x2800  }
0x28: {  	[sflag:s15] =	ssyncset.done $0x0  }
0x29: {  	[sflag:s15] =	ssyncadd.s32 $0xFFFFD800  }
0x2a: {  	[bflag:$0x0] =	sbarrier.arrive $0xFFFF  }
0x2b: {  	s9 =	simm.s32 $0x0;
	_ =	swait.ge [sflag:s22], $0x4000  }
0x2c: {  	s0 =	sand.u32 $0x400, s9;
	[sflag:s22] =	ssyncset.done $0x0  }
0x2d: {  	s25 =	sor.u32 $0x800, s0;
	[sflag:s22] =	ssyncadd.s32 $0xFFFFC000  }
0x2e: {  	[spmem:s2] =	stream.indirect.scatter.add.f32 [tilespmem:s18], [sflag:$0x4], $0x80, s25, s17, $0xb8;
	[tilespmem:$0x1D000] =	vst v63  }
0x2f: {  	_ =	swait.ge [sflag:s15], $0x4000  }
0x30: {  	[sflag:s15] =	ssyncset.done $0x0  }
0x31: {  	s10 =	sor.u32 $0x100, s0;
	[sflag:s15] =	ssyncadd.s32 $0xFFFFC000  }
0x32: {  	[tilespmem:s18], [sflag:$0x1] =	stream.indirect.gather [hbm4b:s4+s17], $0x80, s10, s17, $0xb8;
	[tilespmem:$0x1D000] =	vst v63  }
0x33: {  	_ =	swait.ge [sflag:s23], $0x4000  }
0x34: {  	[sflag:s23] =	ssyncset.done $0x0  }
0x35: {  	s11 =	sor.u32 $0x880, s0;
	[sflag:s23] =	ssyncadd.s32 $0xFFFFC000  }
0x36: {  	[spmem:s2] =	stream.indirect.scatter.add.f32 [tilespmem:s19], [sflag:$0x4], $0x80, s11, s17, $0xb8;
	[tilespmem:$0x1D000] =	vst v63  }
0x37: {  	_ =	swait.ge [sflag:s15], $0x4000  }
0x38: {  	[sflag:s15] =	ssyncset.done $0x0  }
0x39: {  	s16 =	sor.u32 $0x180, s0;
	[sflag:s15] =	ssyncadd.s32 $0xFFFFC000  }
0x3a: {  	[tilespmem:s19], [sflag:$0x2] =	stream.indirect.gather [hbm4b:s4+s17], $0x80, s16, s17, $0xb8;
	[tilespmem:$0x1D000] =	vst v63  }
0x3b: {  	_ =	swait.ge [sflag:s22], $0x4000  }
0x3c: {  	[sflag:s22] =	ssyncset.done $0x0  }
0x3d: {  	s26 =	sor.u32 $0x900, s0;
	[sflag:s22] =	ssyncadd.s32 $0xFFFFC000  }
0x3e: {  	[spmem:s2] =	stream.indirect.scatter.add.f32 [tilespmem:s18], [sflag:$0x4], $0x80, s26, s17, $0xb8;
	[tilespmem:$0x1D000] =	vst v63  }
0x3f: {  	_ =	swait.ge [sflag:s15], $0x4000  }
0x40: {  	[sflag:s15] =	ssyncset.done $0x0  }
0x41: {  	s31 =	sor.u32 $0x200, s0;
	[sflag:s15] =	ssyncadd.s32 $0xFFFFC000  }
0x42: {  	[tilespmem:s18], [sflag:$0x1] =	stream.indirect.gather [hbm4b:s4+s17], $0x80, s31, s17, $0xb8;
	[tilespmem:$0x1D000] =	vst v63  }
0x43: {  	_ =	swait.ge [sflag:s23], $0x4000  }
0x44: {  	[sflag:s23] =	ssyncset.done $0x0  }
0x45: {  	s8 =	sor.u32 $0x980, s0;
	[sflag:s23] =	ssyncadd.s32 $0xFFFFC000  }
0x46: {  	[spmem:s2] =	stream.indirect.scatter.add.f32 [tilespmem:s19], [sflag:$0x4], $0x80, s8, s17, $0xb8;
	[tilespmem:$0x1D000] =	vst v63  }
0x47: {  	_ =	swait.ge [sflag:s15], $0x4000  }
0x48: {  	[sflag:s15] =	ssyncset.done $0x0  }
0x49: {  	s9 =	sor.u32 $0x280, s0;
	[sflag:s15] =	ssyncadd.s32 $0xFFFFC000  }
0x4a: {  	[tilespmem:s19], [sflag:$0x2] =	stream.indirect.gather [hbm4b:s4+s17], $0x80, s9, s17, $0xb8;
	[tilespmem:$0x1D000] =	vst v63  }
0x4b: {  	_ =	swait.ge [sflag:s22], $0x4000  }
0x4c: {  	[sflag:s22] =	ssyncset.done $0x0  }
0x4d: {  	s10 =	sor.u32 $0xA00, s0;
	[sflag:s22] =	ssyncadd.s32 $0xFFFFC000  }
0x4e: {  	[spmem:s2] =	stream.indirect.scatter.add.f32 [tilespmem:s18], [sflag:$0x4], $0x80, s10, s17, $0xb8;
	[tilespmem:$0x1D000] =	vst v63  }
0x4f: {  	_ =	swait.ge [sflag:s15], $0x4000  }
0x50: {  	[sflag:s15] =	ssyncset.done $0x0  }
0x51: {  	s11 =	sor.u32 $0x300, s0;
	[sflag:s15] =	ssyncadd.s32 $0xFFFFC000  }
0x52: {  	[tilespmem:s18], [sflag:$0x1] =	stream.indirect.gather [hbm4b:s4+s17], $0x80, s11, s17, $0xb8;
	[tilespmem:$0x1D000] =	vst v63  }
0x53: {  	_ =	swait.ge [sflag:s23], $0x4000  }
0x54: {  	[sflag:s23] =	ssyncset.done $0x0  }
0x55: {  	s16 =	sor.u32 $0xA80, s0;
	[sflag:s23] =	ssyncadd.s32 $0xFFFFC000  }
0x56: {  	[spmem:s2] =	stream.indirect.scatter.add.f32 [tilespmem:s19], [sflag:$0x4], $0x80, s16, s17, $0xb8;
	[tilespmem:$0x1D000] =	vst v63  }
0x57: {  	_ =	swait.ge [sflag:s15], $0x4000  }
0x58: {  	p1 =	sle.u32 s5, $0x1;
	[sflag:s15] =	ssyncset.done $0x0  }
0x59: {  	s26 =	sor.u32 $0x380, s0;
	s16 =	simm.s32 @p1 $0x1;
	[sflag:s15] =	ssyncadd.s32 $0xFFFFC000  }
0x5a: {  	[tilespmem:s19], [sflag:$0x2] =	stream.indirect.gather [hbm4b:s4+s17], $0x80, s26, s17, $0xb8;
	[tilespmem:$0x1D000] =	vst v63  }
0x5b: {  	_ =	swait.ge @p1 [sflag:s16], $0x4000  }
0x5c: {  	s28 =	simm.s32 @p1 $0x1000;
	s1 =	sadd.s32 @p1 $0xB00, s0;
	[sflag:s16] =	ssyncset.done @p1 $0x0  }
0x5d: {  	s26 =	simm.s32 @p1 $0x80;
	[sflag:s16] =	ssyncadd.s32 @p1 $0xFFFFC000;
	s16 =	simm.s32 @p1 $0x4  }
0x5e: {  	[spmem:s2] =	stream.indirect.scatter.add.f32 @p1 [tilespmem:s28], [sflag:$0x4], $0x80, s1, s26, $0xb8;
	[tilespmem:$0x1D000] =	vst v63  }
0x5f: {  	_ =	swait.ge @p1 [sflag:s16], $0x4000  }
0x60: {  	[sflag:s16] =	ssyncset.done @p1 $0x0  }
0x61: {  	s1 =	simm.s32 @!p1 $0x3;
	[sflag:s16] =	ssyncadd.s32 @p1 $0xFFFFC000  }
0x62: {  	_ =	swait.ge @!p1 [sflag:s1], $0x400  }
0x63: {  	[sflag:s1] =	ssyncset.done @!p1 $0x0  }
0x64: {  	[sflag:s1] =	ssyncadd.s32 @!p1 $0xFFFFFC00  }
0x65: {  	_ =	swait.ge @!p1 [sflag:s1], $0x400  }
0x66: {  	[sflag:s1] =	ssyncset.done @!p1 $0x0  }
0x67: {  	s16 =	simm.s32 @!p1 $0x1;
	[sflag:s1] =	ssyncadd.s32 @!p1 $0xFFFFFC00  }
0x68: {  	_ =	swait.ge @!p1 [sflag:s16], $0x4000  }
0x69: {  	s26 =	simm.s32 @!p1 $0x80;
	s28 =	simm.s32 @!p1 $0x1000;
	[sflag:s16] =	ssyncset.done @!p1 $0x0  }
0x6a: {  	s1 =	sadd.s32 @!p1 $0xB00, s0;
	[sflag:s16] =	ssyncadd.s32 @!p1 $0xFFFFC000;
	s16 =	simm.s32 @!p1 $0x4  }
0x6b: {  	[spmem:s2] =	stream.indirect.scatter.add.f32 @!p1 [tilespmem:s28], [sflag:$0x4], $0x80, s1, s26, $0xb8;
	[tilespmem:$0x1D000] =	vst v63  }
0x6c: {  	_ =	swait.ge @!p1 [sflag:s16], $0x4000  }
0x6d: {  	[sflag:s16] =	ssyncset.done @!p1 $0x0  }
0x6e: {  	s1 =	sxor.u32 $0x400, s0;
	[sflag:s16] =	ssyncadd.s32 @!p1 $0xFFFFC000  }
0x6f: {  	[tilespmem:s28], [sflag:$0x1] =	stream.indirect.gather @!p1 [hbm4b:s4+s26], $0x80, s1, s26, $0xb8;
	[tilespmem:$0x1D000] =	vst v63  }
0x70: {  	_ =	swait.ge [sflag:s23], $0x4000  }
0x71: {  	[sflag:s23] =	ssyncset.done $0x0  }
0x72: {  	s31 =	sadd.s32 $0xB80, s0;
	[sflag:s23] =	ssyncadd.s32 $0xFFFFC000  }
0x73: {  	[spmem:s2] =	stream.indirect.scatter.add.f32 [tilespmem:s19], [sflag:$0x4], $0x80, s31, s17, $0xb8;
	[tilespmem:$0x1D000] =	vst v63  }
0x74: {  	_ =	swait.ge [sflag:s15], $0x4000  }
0x75: {  	[sflag:s15] =	ssyncset.done $0x0  }
0x76: {  	s16 =	simm.s32 @!p1 $0x5000;
	s1 =	sor.u32 $0x80, s1;
	[sflag:s15] =	ssyncadd.s32 $0xFFFFC000  }
0x77: {  	[tilespmem:s16], [sflag:$0x2] =	stream.indirect.gather @!p1 [hbm4b:s4+s26], $0x80, s1, s26, $0xb8;
	[tilespmem:$0x1D000] =	vst v63  }
0x78: {  	p1 =	sne.s32 s5, $0x1  }
.Ltmp0:
0x79: {  	_ = 	snop;
	(pc) =	sbr.rel @!p1 .LBB2_3-.Ltmp0, $4  }
0x7a: {  	_ = 	snop  }
0x7b: {  	p3 =	sle.u32 s5, $0x2;
	s29 =	smov.u32 s13;
	s30 =	smov.u32 s13  }
0x7c: {  	s28 =	sadd.s32 $0x80, s14;
	s16 =	simm.s32 @!p3 $0x0;
	s26 =	simm.s32 $0x1  }
0x7d: {  	[tilespmem:s0], [sflag:$0x3] =	stream.linear.gather @!p3 [hbm4b:s14+s16], $0x400, $0x38;
	[tilespmem:$0x1D000] =	vst v63  }
.LBB2_2:
0x7e: {  	s0 =	sshll.u32 s26, $0xA;
	s29 =	sadd.s32 $0x80, s29  }
0x7f: {  	s1 =	smov.u32 s26;
	s26 =	sadd.s32 $0x1, s26;
	s31 =	smov.u32 s28  }
0x80: {  	[tilespmem:s25], [sflag:$0x3] =	stream.linear.gather @!p3 [hbm4b:s30+s16], $0x400, $0x38;
	[tilespmem:$0x1D000] =	vst v63  }
0x81: {  	s0 =	sand.u32 $0x400, s0;
	p1 =	sne.s32 s5, s26;
	_ =	swait.ge [sflag:s22], $0x4000  }
0x82: {  	s30 =	smov.u32 s29;
	s25 =	sor.u32 $0x800, s0;
	[sflag:s22] =	ssyncset.done $0x0  }
0x83: {  	[sflag:s22] =	ssyncadd.s32 $0xFFFFC000  }
0x84: {  	[spmem:s2] =	stream.indirect.scatter.add.f32 [tilespmem:s18], [sflag:$0x4], $0x80, s25, s17, $0xb8;
	[tilespmem:$0x1D000] =	vst v63  }
0x85: {  	_ =	swait.ge [sflag:s15], $0x4000  }
0x86: {  	s16 =	sor.u32 $0x100, s0;
	[sflag:s15] =	ssyncset.done $0x0  }
0x87: {  	[sflag:s15] =	ssyncadd.s32 $0xFFFFC000  }
0x88: {  	[tilespmem:s18], [sflag:$0x1] =	stream.indirect.gather [hbm4b:s4+s17], $0x80, s16, s17, $0xb8;
	[tilespmem:$0x1D000] =	vst v63  }
0x89: {  	_ =	swait.ge [sflag:s23], $0x4000  }
0x8a: {  	s16 =	sor.u32 $0x880, s0;
	[sflag:s23] =	ssyncset.done $0x0  }
0x8b: {  	[sflag:s23] =	ssyncadd.s32 $0xFFFFC000  }
0x8c: {  	[spmem:s2] =	stream.indirect.scatter.add.f32 [tilespmem:s19], [sflag:$0x4], $0x80, s16, s17, $0xb8;
	[tilespmem:$0x1D000] =	vst v63  }
0x8d: {  	_ =	swait.ge [sflag:s15], $0x4000  }
0x8e: {  	s16 =	sor.u32 $0x180, s0;
	[sflag:s15] =	ssyncset.done $0x0  }
0x8f: {  	[sflag:s15] =	ssyncadd.s32 $0xFFFFC000  }
0x90: {  	[tilespmem:s19], [sflag:$0x2] =	stream.indirect.gather [hbm4b:s4+s17], $0x80, s16, s17, $0xb8;
	[tilespmem:$0x1D000] =	vst v63  }
0x91: {  	_ =	swait.ge [sflag:s22], $0x4000  }
0x92: {  	s16 =	sor.u32 $0x900, s0;
	[sflag:s22] =	ssyncset.done $0x0  }
0x93: {  	[sflag:s22] =	ssyncadd.s32 $0xFFFFC000  }
0x94: {  	[spmem:s2] =	stream.indirect.scatter.add.f32 [tilespmem:s18], [sflag:$0x4], $0x80, s16, s17, $0xb8;
	[tilespmem:$0x1D000] =	vst v63  }
0x95: {  	_ =	swait.ge [sflag:s15], $0x4000  }
0x96: {  	s16 =	sor.u32 $0x200, s0;
	[sflag:s15] =	ssyncset.done $0x0  }
0x97: {  	[sflag:s15] =	ssyncadd.s32 $0xFFFFC000  }
0x98: {  	[tilespmem:s18], [sflag:$0x1] =	stream.indirect.gather [hbm4b:s4+s17], $0x80, s16, s17, $0xb8;
	[tilespmem:$0x1D000] =	vst v63  }
0x99: {  	_ =	swait.ge [sflag:s23], $0x4000  }
0x9a: {  	s16 =	sor.u32 $0x980, s0;
	[sflag:s23] =	ssyncset.done $0x0  }
0x9b: {  	[sflag:s23] =	ssyncadd.s32 $0xFFFFC000  }
0x9c: {  	[spmem:s2] =	stream.indirect.scatter.add.f32 [tilespmem:s19], [sflag:$0x4], $0x80, s16, s17, $0xb8;
	[tilespmem:$0x1D000] =	vst v63  }
0x9d: {  	_ =	swait.ge [sflag:s15], $0x4000  }
0x9e: {  	s16 =	sor.u32 $0x280, s0;
	[sflag:s15] =	ssyncset.done $0x0  }
0x9f: {  	[sflag:s15] =	ssyncadd.s32 $0xFFFFC000  }
0xa0: {  	[tilespmem:s19], [sflag:$0x2] =	stream.indirect.gather [hbm4b:s4+s17], $0x80, s16, s17, $0xb8;
	[tilespmem:$0x1D000] =	vst v63  }
0xa1: {  	_ =	swait.ge [sflag:s22], $0x4000  }
0xa2: {  	s16 =	sor.u32 $0xA00, s0;
	[sflag:s22] =	ssyncset.done $0x0  }
0xa3: {  	[sflag:s22] =	ssyncadd.s32 $0xFFFFC000  }
0xa4: {  	[spmem:s2] =	stream.indirect.scatter.add.f32 [tilespmem:s18], [sflag:$0x4], $0x80, s16, s17, $0xb8;
	[tilespmem:$0x1D000] =	vst v63  }
0xa5: {  	_ =	swait.ge [sflag:s15], $0x4000  }
0xa6: {  	s16 =	sor.u32 $0x300, s0;
	[sflag:s15] =	ssyncset.done $0x0  }
0xa7: {  	[sflag:s15] =	ssyncadd.s32 $0xFFFFC000  }
0xa8: {  	[tilespmem:s18], [sflag:$0x1] =	stream.indirect.gather [hbm4b:s4+s17], $0x80, s16, s17, $0xb8;
	[tilespmem:$0x1D000] =	vst v63  }
0xa9: {  	_ =	swait.ge [sflag:s23], $0x4000  }
0xaa: {  	s16 =	sor.u32 $0xA80, s0;
	[sflag:s23] =	ssyncset.done $0x0  }
0xab: {  	[sflag:s23] =	ssyncadd.s32 $0xFFFFC000  }
0xac: {  	[spmem:s2] =	stream.indirect.scatter.add.f32 [tilespmem:s19], [sflag:$0x4], $0x80, s16, s17, $0xb8;
	[tilespmem:$0x1D000] =	vst v63  }
0xad: {  	_ =	swait.ge [sflag:s15], $0x4000  }
0xae: {  	p2 =	sge.u32 s26, s5;
	s16 =	sor.u32 $0x380, s0;
	[sflag:s15] =	ssyncset.done $0x0  }
0xaf: {  	s8 =	simm.s32 @p2 $0x1;
	s9 =	sadd.s32 @p2 $0xB00, s0;
	[sflag:s15] =	ssyncadd.s32 $0xFFFFC000  }
0xb0: {  	[tilespmem:s19], [sflag:$0x2] =	stream.indirect.gather [hbm4b:s4+s17], $0x80, s16, s17, $0xb8;
	[tilespmem:$0x1D000] =	vst v63  }
0xb1: {  	s16 =	sadd.s32 @!p2 $0xB00, s0;
	_ =	swait.ge @p2 [sflag:s8], $0x4000  }
0xb2: {  	s10 =	simm.s32 @p2 $0x80;
	s11 =	simm.s32 @p2 $0x1000;
	[sflag:s8] =	ssyncset.done @p2 $0x0  }
0xb3: {  	[sflag:s8] =	ssyncadd.s32 @p2 $0xFFFFC000;
	s8 =	simm.s32 @p2 $0x4  }
0xb4: {  	[spmem:s2] =	stream.indirect.scatter.add.f32 @p2 [tilespmem:s11], [sflag:$0x4], $0x80, s9, s10, $0xb8;
	[tilespmem:$0x1D000] =	vst v63  }
0xb5: {  	_ =	swait.ge @p2 [sflag:s8], $0x4000  }
0xb6: {  	s9 =	simm.s32 @!p2 $0x3;
	[sflag:s8] =	ssyncset.done @p2 $0x0  }
0xb7: {  	[sflag:s8] =	ssyncadd.s32 @p2 $0xFFFFC000  }
0xb8: {  	_ =	swait.ge @!p2 [sflag:s9], $0x400  }
0xb9: {  	[sflag:s9] =	ssyncset.done @!p2 $0x0  }
0xba: {  	[sflag:s9] =	ssyncadd.s32 @!p2 $0xFFFFFC00  }
0xbb: {  	_ =	swait.ge @!p2 [sflag:s9], $0x400  }
0xbc: {  	s8 =	simm.s32 @!p2 $0x1;
	[sflag:s9] =	ssyncset.done @!p2 $0x0  }
0xbd: {  	[sflag:s9] =	ssyncadd.s32 @!p2 $0xFFFFFC00  }
0xbe: {  	_ =	swait.ge @!p2 [sflag:s8], $0x4000  }
0xbf: {  	s10 =	simm.s32 @!p2 $0x1000;
	s9 =	simm.s32 @!p2 $0x80;
	[sflag:s8] =	ssyncset.done @!p2 $0x0  }
0xc0: {  	[sflag:s8] =	ssyncadd.s32 @!p2 $0xFFFFC000;
	s8 =	simm.s32 @!p2 $0x4  }
0xc1: {  	[spmem:s2] =	stream.indirect.scatter.add.f32 @!p2 [tilespmem:s10], [sflag:$0x4], $0x80, s16, s9, $0xb8;
	[tilespmem:$0x1D000] =	vst v63  }
0xc2: {  	_ =	swait.ge @!p2 [sflag:s8], $0x4000  }
0xc3: {  	s11 =	sxor.u32 $0x400, s0;
	[sflag:s8] =	ssyncset.done @!p2 $0x0  }
0xc4: {  	[sflag:s8] =	ssyncadd.s32 @!p2 $0xFFFFC000  }
0xc5: {  	[tilespmem:s10], [sflag:$0x1] =	stream.indirect.gather @!p2 [hbm4b:s4+s9], $0x80, s11, s9, $0xb8;
	[tilespmem:$0x1D000] =	vst v63  }
0xc6: {  	_ =	swait.ge [sflag:s23], $0x4000  }
0xc7: {  	s8 =	sadd.s32 $0xB80, s0;
	[sflag:s23] =	ssyncset.done $0x0  }
0xc8: {  	[sflag:s23] =	ssyncadd.s32 $0xFFFFC000  }
0xc9: {  	[spmem:s2] =	stream.indirect.scatter.add.f32 [tilespmem:s19], [sflag:$0x4], $0x80, s8, s17, $0xb8;
	[tilespmem:$0x1D000] =	vst v63  }
0xca: {  	s1 =	sadd.s32 $0x2, s1;
	s8 =	sor.u32 $0x80, s11;
	_ =	swait.ge [sflag:s15], $0x4000  }
.Ltmp1:
0xcb: {  	s10 =	simm.s32 @!p2 $0x5000;
	[sflag:s15] =	ssyncset.done $0x0;
	(pc) =	sbr.rel @p1 .LBB2_2-.Ltmp1, $4  }
0xcc: {  	p3 =	sge.u32 s1, s5;
	[sflag:s15] =	ssyncadd.s32 $0xFFFFC000  }
0xcd: {  	[tilespmem:s10], [sflag:$0x2] =	stream.indirect.gather @!p2 [hbm4b:s4+s9], $0x80, s8, s9, $0xb8;
	[tilespmem:$0x1D000] =	vst v63  }
0xce: {  	s28 =	sadd.s32 $0x80, s28;
	s16 =	simm.s32 @!p3 $0x0  }
0xcf: {  	[tilespmem:s0], [sflag:$0x3] =	stream.linear.gather @!p3 [hbm4b:s31+s16], $0x400, $0x38;
	[tilespmem:$0x1D000] =	vst v63  }
.LBB2_3:
0xd0: {  	[tilespmem:s25], [sflag:$0x3] =	stream.linear.gather @!p3 [hbm4b:s30+s16], $0x400, $0x38;
	[tilespmem:$0x1D000] =	vst v63  }
0xd1: {  	s24 =	sadd.s32 $0x1, s24  }
0xd2: {  	[bflag:$0x0] =	sbarrier.arrive $0xFFFF;
	p1 =	sne.s32 s24, s12  }
.Ltmp2:
0xd3: {  	s0 =	rddreg [dreg:$0x6];
	(pc) =	sbr.rel @p1 .LBB2_1-.Ltmp2, $4  }
0xd4: {  	[hbm:s0], [sflag:s20] =	dma.local [spmem:s21], $0x2800  }
0xd5: {  	_ =	swait.ge [sflag:s15], $0x2800  }
0xd6: {  	[sflag:s15] =	ssyncset.done $0x0  }
0xd7: {  	[sflag:s15] =	ssyncadd.s32 $0xFFFFD800  }
0xd8: {  	_ =	sfence.sel $0x180000  }
0xd9: {  	[bflag:$0x0] =	sbarrier.arrive $0xFFFF  }
0xda: {  	_ =	strace $0x9000004A  }
0xdb: {  	s0 =	stileid.u32;
	[bflag:$0x2] =	sbarrier.arrive $0xFFFF  }
0xdc: {  	p0 =	sne.s32 s0, $0x0;
	s0 =	rddreg [dreg:$0x2]  }
0xdd: {  	s0 =	sadd.s32 @!p0 $0x100000, s0  }
0xde: {  	[sflag:s0] =	ssyncadd.tile.s32 @!p0 $0x1;
	_ =	shalt  }
.Lfunc_end2:
_tile_overlayer_lowered:
.L_overlay_start_2:
0xdf: {  	(tag) =	ssettag $0x2  }
0xe0: {  	s0 =	rddreg [dreg:$0x0];
	s2 =	stileid.u32  }
0xe1: {  	s1 =	rddreg [dreg:$0x1];
	p0 =	sne.s32 s2, $0x0  }
0xe2: {  	s3 =	rddreg [dreg:$0x2];
	[bflag:$0x3] =	sbarrier.arrive $0xFFFF;
	s2 =	simm.s32 @!p0 $0x1C04  }
0xe3: {  	[timem:s3], [sflag:s2] =	dma.local @!p0 [hbm:s0], s1  }
0xe4: {  	s0 =	simm.s32 @!p0 $0x4  }
0xe5: {  	_ =	swait.ge @!p0 [sflag:s0], s1  }
0xe6: {  	s1 =	ssub.s32 @!p0 $0x0, s1;
	[sflag:s0] =	ssyncset.done @!p0 $0x0  }
0xe7: {  	[sflag:s0] =	ssyncadd.s32 @!p0 s1  }
0xe8: {  	[bflag:$0x3] =	sbarrier.arrive $0xFFFF  }
0xe9: {  	_ =	shalt  }

// kernel: kernel.13.cloned.1.call-start
scs
__scs_entry_jumppad:
0x0: {  	(pc) =	sbr.rel $0x88, $3  }
0x1: {  	(tag) =	ssettag $0x0;
	lr =	simm.s32 $0x1  }
0x2: {  	[smem:$0x3F94] =	sst lr;
	_ =	strace $0xD0000000  }
0x3: {  	_ = 	snop  }
0x4: {  	_ = 	snop  }
0x5: {  	_ = 	snop  }
0x6: {  	_ = 	snop  }
0x7: {  	_ = 	snop  }
__scs_overlays_trampoline_lowered:
0x8: {  	[smem:$0x3FA3] =	sst s0  }
0x9: {  	[smem:$0x3FA4] =	sst s1  }
0xa: {  	[smem:$0x3FA5] =	sst s2  }
0xb: {  	[smem:$0x3FA6] =	sst s3  }
0xc: {  	[smem:$0x3FA7] =	sst s4  }
0xd: {  	[smem:$0x3FA8] =	sst s5  }
0xe: {  	[smem:$0x3FA9] =	sst s6  }
0xf: {  	[smem:$0x3FAA] =	sst s7  }
0x10: {  	[smem:$0x3FAB] =	sst s8  }
0x11: {  	[smem:$0x3FAC] =	sst s9;
	s0 =	simm.s32 @!p0 $0x0  }
0x12: {  	s1 =	sld [smem:$0x3F92];
	s0 =	simm.s32 @p0 $0x1  }
0x13: {  	[smem:$0x3FAD] =	sst s0;
	s0 =	simm.s32 @!p1 $0x0  }
0x14: {  	s2 =	sld [smem:$0x3F91];
	s0 =	simm.s32 @p1 $0x1  }
0x15: {  	[smem:$0x3FAE] =	sst s0;
	s0 =	simm.s32 @!p2 $0x0  }
0x16: {  	s3 =	sld [smem:$0x3FDB];
	s0 =	simm.s32 @p2 $0x1  }
0x17: {  	s4 =	simm.s32 $0x1BF5;
	[smem:$0x3FB0] =	sst s0  }
0x18: {  	s0 =	sld [smem:$0x3F93];
	_ =	swait.ge [sflag:s4], $0x0  }
0x19: {  	s7 =	sld [smem:$0x3F94]  }
0x1a: {  	s8 =	sadd.s32 $0xFFFFE003, lr  }
0x1b: {  	s9 =	sadd.s32 $0xFFFFFEF7, lr;
	s5 =	simm.s32 $0xFFFFFFFF;
	p2 =	slt.u32 s8, $0xFFFFF086  }
0x1c: {  	p1 =	slt.u32 s9, $0xF7A;
	s5 =	simm.s32 @!p2 $0x0  }
0x1d: {  	s5 =	simm.s32 @p1 $0x1;
	p0 =	seq.s32 s7, s2  }
0x1e: {  	s7 =	smul.u32 @!p0 $0xF7A, s2;
	p2 =	seq.s32 @!p0 s5, $0x0  }
0x1f: {  	s9 =	smul.u32 $0xF7A, s1;
	s8 =	simm.s32 @!p0 $0x1BF5;
	p2 =	por !p2, p0  }
0x20: {  	[sflag:s8] =	ssyncset.s32 @!p0 $0xFFFFF086;
	s6 =	sadd.s32 @!p0 s3, s7;
	s7 =	simm.s32 @!p0 $0x108  }
0x21: {  	s3 =	sadd.s32 s3, s9;
	s6 =	sadd.s32 @!p0 $0x88, s6;
	s7 =	simm.s32 @p2 $0x1082  }
0x22: {  	[simem:s7], [sflag:s8] =	dma.local @!p0 [hbm:s6], $0xF7A  }
0x23: {  	s9 =	sor.u32 $0xD0000000, s2;
	s6 =	simm.s32 $0x108;
	_ =	swait.ge @!p0 [sflag:s8], $0x0  }
0x24: {  	s3 =	sadd.s32 $0x88, s3;
	s6 =	simm.s32 @!p1 $0x1082;
	[sflag:s4] =	ssyncset.s32 $0xFFFFF086  }
0x25: {  	[simem:s6], [sflag:s4] =	dma.local [hbm:s3], $0xF7A  }
0x26: {  	[smem:$0x3F94] =	sst s1;
	(tag) =	ssettag s2;
	_ =	strace s9  }
0x27: {  	s1 =	sld [smem:$0x3FA4]  }
0x28: {  	s2 =	sld [smem:$0x3FA5]  }
0x29: {  	s4 =	sld [smem:$0x3FA7]  }
0x2a: {  	p0 =	seq.s32 s5, $0x0;
	s5 =	sld [smem:$0x3FA8]  }
0x2b: {  	s6 =	sld [smem:$0x3FA9]  }
0x2c: {  	s7 =	sld [smem:$0x3FAA]  }
0x2d: {  	s3 =	simm.s32 $0x108;
	s8 =	sld [smem:$0x3FAB]  }
0x2e: {  	s3 =	simm.s32 @!p0 $0x1082;
	s9 =	sld [smem:$0x3FAC]  }
0x2f: {  	lr =	sadd.s32 s0, s3;
	s0 =	sld [smem:$0x3FA3]  }
0x30: {  	s3 =	sld [smem:$0x3FA6]  }
0x31: {  	[smem:$0x3FAF] =	sst s10  }
0x32: {  	s10 =	sld [smem:$0x3FAD];
	_ =	sdelay $0x3  }
0x33: {  	p0 =	seq.s32 s10, $0x1;
	s10 =	sld [smem:$0x3FAF];
	_ =	sdelay $0x3  }
0x34: {  	[smem:$0x3FAF] =	sst s10  }
0x35: {  	s10 =	sld [smem:$0x3FAE];
	_ =	sdelay $0x3  }
0x36: {  	p1 =	seq.s32 s10, $0x1;
	s10 =	sld [smem:$0x3FAF];
	_ =	sdelay $0x3  }
0x37: {  	[smem:$0x3FAF] =	sst s10  }
0x38: {  	s10 =	sld [smem:$0x3FB0]  }
0x39: {  	_ = 	snop;
	(pc) =	sbr.ind lr, $3  }
0x3a: {  	_ = 	snop  }
0x3b: {  	_ = 	snop  }
0x3c: {  	p2 =	seq.s32 s10, $0x1;
	s10 =	sld [smem:$0x3FAF]  }
0x3d: {  	_ =	shalt  }
0x3e: {  	_ =	shalt  }
0x3f: {  	_ =	shalt  }
0x40: {  	_ =	shalt  }
0x41: {  	_ =	shalt  }
0x42: {  	_ =	shalt  }
0x43: {  	_ =	shalt  }
0x44: {  	_ =	shalt  }
0x45: {  	_ =	shalt  }
0x46: {  	_ =	shalt  }
0x47: {  	_ =	shalt  }
0x48: {  	_ =	shalt  }
0x49: {  	_ =	shalt  }
0x4a: {  	_ =	shalt  }
0x4b: {  	_ =	shalt  }
0x4c: {  	_ =	shalt  }
0x4d: {  	_ =	shalt  }
0x4e: {  	_ =	shalt  }
0x4f: {  	_ =	shalt  }
0x50: {  	_ =	shalt  }
0x51: {  	_ =	shalt  }
0x52: {  	_ =	shalt  }
0x53: {  	_ =	shalt  }
0x54: {  	_ =	shalt  }
0x55: {  	_ =	shalt  }
0x56: {  	_ =	shalt  }
0x57: {  	_ =	shalt  }
0x58: {  	_ =	shalt  }
0x59: {  	_ =	shalt  }
0x5a: {  	_ =	shalt  }
0x5b: {  	_ =	shalt  }
0x5c: {  	_ =	shalt  }
0x5d: {  	_ =	shalt  }
0x5e: {  	_ =	shalt  }
0x5f: {  	_ =	shalt  }
0x60: {  	_ =	shalt  }
0x61: {  	_ =	shalt  }
0x62: {  	_ =	shalt  }
0x63: {  	_ =	shalt  }
0x64: {  	_ =	shalt  }
0x65: {  	_ =	shalt  }
0x66: {  	_ =	shalt  }
0x67: {  	_ =	shalt  }
0x68: {  	_ =	shalt  }
0x69: {  	_ =	shalt  }
0x6a: {  	_ =	shalt  }
0x6b: {  	_ =	shalt  }
0x6c: {  	_ =	shalt  }
0x6d: {  	_ =	shalt  }
0x6e: {  	_ =	shalt  }
0x6f: {  	_ =	shalt  }
0x70: {  	_ =	shalt  }
0x71: {  	_ =	shalt  }
0x72: {  	_ =	shalt  }
0x73: {  	_ =	shalt  }
0x74: {  	_ =	shalt  }
0x75: {  	_ =	shalt  }
0x76: {  	_ =	shalt  }
0x77: {  	_ =	shalt  }
0x78: {  	_ =	shalt  }
0x79: {  	_ =	shalt  }
0x7a: {  	_ =	shalt  }
0x7b: {  	_ =	shalt  }
0x7c: {  	_ =	shalt  }
0x7d: {  	_ =	shalt  }
0x7e: {  	_ =	shalt  }
0x7f: {  	_ =	shalt  }
0x80: {  	_ =	shalt  }
0x81: {  	_ =	shalt  }
0x82: {  	_ =	shalt  }
0x83: {  	_ =	shalt  }
0x84: {  	_ =	shalt  }
0x85: {  	_ =	shalt  }
0x86: {  	_ =	shalt  }
0x87: {  	_ =	shalt  }
.Lfunc_end0:
.L_simem_size_0:
called_computation.2_lowered:
.L_overlay_start_0:
0x88: {  	s2 =	sld [smem:$0x3FD9]  }
0x89: {  	s3 =	sld [smem:$0x3FFE];
	_ =	sdelay $0x1  }
0x8a: {  	s1 =	srdreg.scid  }
0x8b: {  	s0 =	sand.u32 $0x1, s1  }
0x8c: {  	s16 =	sshll.u32 s0, $0xA;
	s2 =	sadd.s32 s3, s2  }
0x8d: {  	s2 =	sadd.s32 s2, s16  }
0x8e: {  	[smem:$0x3FBB] =	sst s2  }
0x8f: {  	_ = 	snop  }
0x90: {  	(tm) =	ssettm $0x1  }
0x91: {  	s17 =	sld [smem:$0x3FFB];
	_ =	sdelay $0x3  }
0x92: {  	_ =	strace s17  }
0x93: {  	s2 =	sld [smem:$0x3FFC];
	_ =	sdelay $0x3  }
0x94: {  	_ =	strace s2  }
0x95: {  	s2 =	sld [smem:$0x3FFD];
	_ =	sdelay $0x3  }
0x96: {  	_ =	strace s2  }
0x97: {  	_ =	strace $0x8FFFFFFF  }
0x98: {  	s18 =	sld [smem:$0x3FDB];
	_ =	sdelay $0x1  }
0x99: {  	s19 =	simm.s32 $_scs_section_size  }
0x9a: {  	s4 =	simm.s32 $_size__tile_overlayer_lowered;
	s5 =	simm.s32 $_tile_overlayer_lowered  }
0x9b: {  	s22 =	simm.s32 $0x1BFF;
	s21 =	sshll.u32 s5, $0x1;
	s2 =	sadd.s32 s19, s18  }
0x9c: {  	s6 =	simm.s32 $0x0;
	s20 =	sshll.u32 s4, $0x1;
	s4 =	sadd.s32 s21, s2  }
0x9d: {  	[timem:s6], [sflag:s22] =	dma.local [hbm:s4], s20  }
0x9e: {  	_ =	swait.ge [sflag:s22], s20  }
0x9f: {  	s3 =	ssub.s32 $0x0, s20;
	[sflag:s22] =	ssyncset.done $0x0  }
0xa0: {  	[sflag:s22] =	ssyncadd.s32 s3;
	_ =	sdelay $0x1  }
0xa1: {  	s23 =	simm.s32 $0x1B8B  }
0xa2: {  	_ =	swait.ge [sflag:s23], $0x1  }
0xa3: {  	[sflag:s23] =	ssyncset.done $0x0  }
0xa4: {  	s25 =	simm.s32 $0x1B8E;
	s24 =	sld [smem:$0x3FFE];
	[sflag:s23] =	ssyncadd.s32 $0xFFFFFFFF  }
0xa5: {  	s26 =	simm.s32 $execute0_lowered;
	[smem:$0x3FD2] =	sst s25  }
0xa6: {  	s4 =	sshll.u32 s26, $0x1;
	_ =	strace $0x8000004C;
	[dreg:$0x1] =	wrdreg $0xFFFFFFFF  }
0xa7: {  	s28 =	simm.s32 $_size_execute0_lowered;
	s2 =	sadd.s32 s2, s4;
	[dreg:$0x0] =	wrdreg $0x0  }
0xa8: {  	s4 =	sshll.u32 s28, $0x1;
	[dreg:$0x2] =	wrdreg s2  }
0xa9: {  	[dreg:$0x3] =	wrdreg s4  }
0xaa: {  	[dreg:$0x4] =	wrdreg $0xC0  }
0xab: {  	_ =	task [dreg:s6], $0x5FFFF  }
0xac: {  	[dreg:$0x1] =	wrdreg $0xFFFFFFFF  }
0xad: {  	[dreg:$0x0] =	wrdreg $0x60  }
0xae: {  	[dreg:$0x2] =	wrdreg s24  }
0xaf: {  	[dreg:$0x3] =	wrdreg $0x90000  }
0xb0: {  	[dreg:$0x4] =	wrdreg $0x9  }
0xb1: {  	_ =	task.clear_ibuf [dreg:s6], $0x5FFFF;
	_ =	strace $0x9000004C  }
0xb2: {  	s29 =	simm.s32 $0x9;
	_ =	strace $0x8000004E  }
0xb3: {  	_ =	swait.ge [sflag:s29], $0x1  }
0xb4: {  	[sflag:s29] =	ssyncadd.s32 $0xFFFFFFFF  }
0xb5: {  	_ =	strace $0x9000004E  }
0xb6: {  	_ =	sfence  }
0xb7: {  	s30 =	sld [smem:$0x0];
	_ =	sdelay $0x2  }
0xb8: {  	s31 =	sshll.u32 s1, $0xD;
	s1 =	sshrl.u32 s1, $0x2  }
0xb9: {  	s3 =	sand.u32 $0x4000, s31;
	s1 =	sadd.s32 s1, s30  }
0xba: {  	s0 =	sor.u32 s3, s0;
	s1 =	sshll.u32 s1, $0x11  }
0xbb: {  	s0 =	sor.u32 s1, s0  }
0xbc: {  	s0 =	sadd.s32 $0x8F2B, s0  }
0xbd: {  	[sflag:s0] =	ssyncadd.remote.s32 $0x1  }
0xbe: {  	_ =	sfence.sel $0xFFFF  }
0xbf: {  	[dreg:$0x0] =	wrdreg $0xFFFFFFFF;
	(pc) =	sbr.abs _section_cstart, $3  }
0xc0: {  	[dreg:$0x1] =	wrdreg $0xFFFFFFFF  }
0xc1: {  	_ =	task.clear_ibuf [dreg:s6], $0x2FFFF;
	_ =	strace $0x9FFFFFFF  }
0xc2: {  	(tm) =	ssettm $0x7FFFFFFF  }
0xc3: {  	_ =	shalt  }
tec
execute0_lowered:
.L_overlay_start_1:
0x0: {  	(tag) =	ssettag $0x1  }
0x1: {  	s0 =	rddreg [dreg:$0x0]  }
0x2: {  	s2 =	rddreg [dreg:$0x1]  }
0x3: {  	s19 =	stileid.u32;
	s1 =	srdreg.scid;
	s3 =	simm.s32 $0x0  }
0x4: {  	s15 =	simm.s32 $0x4;
	s17 =	simm.s32 $0x80;
	s18 =	simm.s32 $0x1000  }
0x5: {  	s5 =	smul.u32 $0x14000, s19;
	s1 =	sand.u32 $0x1, s1;
	[smem:$0x7FF] =	sst s3  }
0x6: {  	s4 =	sadd.s32 $0x2000, s0;
	s8 =	sadd.s32 $0x34C00, s0;
	s11 =	smul.u32 $0x98, s19  }
0x7: {  	s9 =	sadd.s32 $0x2AC00, s0;
	s23 =	sshll.u32 s19, $0x3;
	s13 =	smul.u32 $0x4C00, s19  }
0x8: {  	s26 =	smul.u32 $0x50000, s19;
	s31 =	sshll.u32 s19, $0x6;
	s19 =	simm.s32 $0x5000  }
0x9: {  	s6 =	smul.u32 $0x140000, s1;
	_ =	strace $0x8000004D;
	s7 =	ssub.s32 $0x2, s1  }
0xa: {  	p0 =	seq.s32 s1, $0x0;
	s12 =	sor.u32 $0x980, s23;
	s20 =	sor.u32 $0x1C04, s31  }
0xb: {  	s23 =	simm.s32 $0x2;
	s22 =	sshrl.u32 s7, $0x1;
	s12 =	smov.u32 @p0 s11  }
0xc: {  	s25 =	sshrl.u32 s13, $0x3;
	s29 =	sshrl.u32 s26, $0x2;
	s6 =	sadd.s32 s5, s6  }
0xd: {  	s5 =	sshrl.u32 s5, $0x3;
	s14 =	ssub.s32 s7, s22;
	s24 =	sshll.u32 s12, $0x4  }
0xe: {  	s11 =	sadd.s32 $0x80, s25;
	s16 =	sadd.s32 s29, s2;
	s22 =	simm.s32 $0x1  }
0xf: {  	s6 =	sshrl.u32 s6, $0x3;
	s10 =	sadd.s32 s5, s0;
	s5 =	simm.s32 $0x13  }
0x10: {  	s7 =	sadd.s32 s9, s24;
	s28 =	sadd.s32 s9, s11;
	s12 =	smax.u32 s14, $0x1  }
0x11: {  	s21 =	sshrl.u32 s16, $0x3;
	s0 =	sadd.s32 s6, s0;
	s5 =	simm.s32 @!p0 $0x1  }
0x12: {  	s6 =	sadd.s32 s8, s24;
	s8 =	sadd.s32 s8, s11;
	[dreg:$0x4] =	wrdreg s28  }
0x13: {  	s30 =	sadd.s32 $0x3EC00, s10;
	s13 =	sadd.s32 $0x100, s7;
	[dreg:$0x3] =	wrdreg s8  }
0x14: {  	p0 =	sne.s32 s1, $0x0;
	[dreg:$0x5] =	wrdreg s30;
	s0 =	sadd.s32 $0x66C00, s0  }
0x15: {  	s24 =	simm.s32 $0x0;
	s14 =	sadd.s32 $0x100, s6;
	[dreg:$0x6] =	wrdreg s0  }
.LBB2_1:
0x16: {  	[tilespmem:s3], [sflag:$0x4] =	stream.linear.gather [hbm4b:s6+s3], $0x400, $0x38;
	[tilespmem:$0x1D000] =	vst v63  }
0x17: {  	_ =	swait.ge [sflag:s15], $0x400  }
0x18: {  	[sflag:s15] =	ssyncset.done $0x0  }
0x19: {  	s0 =	simm.s32 $0x800;
	[sflag:s15] =	ssyncadd.s32 $0xFFFFFC00  }
0x1a: {  	[tilespmem:s0], [sflag:$0x4] =	stream.linear.gather [hbm4b:s7+s3], $0x400, $0x38;
	[tilespmem:$0x1D000] =	vst v63  }
0x1b: {  	_ =	swait.ge [sflag:s15], $0x400  }
0x1c: {  	[sflag:s15] =	ssyncset.done $0x0  }
0x1d: {  	[sflag:s15] =	ssyncadd.s32 $0xFFFFFC00  }
0x1e: {  	[tilespmem:s18], [sflag:$0x1] =	stream.indirect.gather [hbm4b:s4+s17], $0x80, s3, s17, $0xb8;
	[tilespmem:$0x1D000] =	vst v63  }
0x1f: {  	_ = 	snop  }
0x20: {  	[tilespmem:s19], [sflag:$0x2] =	stream.indirect.gather [hbm4b:s4+s17], $0x80, s17, s17, $0xb8;
	[tilespmem:$0x1D000] =	vst v63  }
0x21: {  	s1 =	simm.s32 @!p0 $0x400;
	s0 =	simm.s32 @!p0 $0x0;
	s8 =	rddreg [dreg:$0x3]  }
0x22: {  	[tilespmem:s1], [sflag:$0x3] =	stream.linear.gather @!p0 [hbm4b:s8+s0], $0x400, $0x38;
	[tilespmem:$0x1D000] =	vst v63  }
0x23: {  	s1 =	simm.s32 @!p0 $0xC00;
	s8 =	rddreg [dreg:$0x4]  }
0x24: {  	[tilespmem:s1], [sflag:$0x3] =	stream.linear.gather @!p0 [hbm4b:s8+s0], $0x400, $0x38;
	[tilespmem:$0x1D000] =	vst v63  }
0x25: {  	s8 =	rddreg [dreg:$0x5]  }
0x26: {  	[spmem:s21], [sflag:s20] =	dma.local [hbm:s8], $0x2800  }
0x27: {  	_ =	swait.ge [sflag:s15], $0x2800  }
0x28: {  	[sflag:s15] =	ssyncset.done $0x0  }
0x29: {  	[sflag:s15] =	ssyncadd.s32 $0xFFFFD800  }
0x2a: {  	[bflag:$0x0] =	sbarrier.arrive $0xFFFF  }
0x2b: {  	s9 =	simm.s32 $0x0;
	_ =	swait.ge [sflag:s22], $0x4000  }
0x2c: {  	s0 =	sand.u32 $0x400, s9;
	[sflag:s22] =	ssyncset.done $0x0  }
0x2d: {  	s25 =	sor.u32 $0x800, s0;
	[sflag:s22] =	ssyncadd.s32 $0xFFFFC000  }
0x2e: {  	[spmem:s2] =	stream.indirect.scatter.add.f32 [tilespmem:s18], [sflag:$0x4], $0x80, s25, s17, $0xb8;
	[tilespmem:$0x1D000] =	vst v63  }
0x2f: {  	_ =	swait.ge [sflag:s15], $0x4000  }
0x30: {  	[sflag:s15] =	ssyncset.done $0x0  }
0x31: {  	s10 =	sor.u32 $0x100, s0;
	[sflag:s15] =	ssyncadd.s32 $0xFFFFC000  }
0x32: {  	[tilespmem:s18], [sflag:$0x1] =	stream.indirect.gather [hbm4b:s4+s17], $0x80, s10, s17, $0xb8;
	[tilespmem:$0x1D000] =	vst v63  }
0x33: {  	_ =	swait.ge [sflag:s23], $0x4000  }
0x34: {  	[sflag:s23] =	ssyncset.done $0x0  }
0x35: {  	s11 =	sor.u32 $0x880, s0;
	[sflag:s23] =	ssyncadd.s32 $0xFFFFC000  }
0x36: {  	[spmem:s2] =	stream.indirect.scatter.add.f32 [tilespmem:s19], [sflag:$0x4], $0x80, s11, s17, $0xb8;
	[tilespmem:$0x1D000] =	vst v63  }
0x37: {  	_ =	swait.ge [sflag:s15], $0x4000  }
0x38: {  	[sflag:s15] =	ssyncset.done $0x0  }
0x39: {  	s16 =	sor.u32 $0x180, s0;
	[sflag:s15] =	ssyncadd.s32 $0xFFFFC000  }
0x3a: {  	[tilespmem:s19], [sflag:$0x2] =	stream.indirect.gather [hbm4b:s4+s17], $0x80, s16, s17, $0xb8;
	[tilespmem:$0x1D000] =	vst v63  }
0x3b: {  	_ =	swait.ge [sflag:s22], $0x4000  }
0x3c: {  	[sflag:s22] =	ssyncset.done $0x0  }
0x3d: {  	s26 =	sor.u32 $0x900, s0;
	[sflag:s22] =	ssyncadd.s32 $0xFFFFC000  }
0x3e: {  	[spmem:s2] =	stream.indirect.scatter.add.f32 [tilespmem:s18], [sflag:$0x4], $0x80, s26, s17, $0xb8;
	[tilespmem:$0x1D000] =	vst v63  }
0x3f: {  	_ =	swait.ge [sflag:s15], $0x4000  }
0x40: {  	[sflag:s15] =	ssyncset.done $0x0  }
0x41: {  	s31 =	sor.u32 $0x200, s0;
	[sflag:s15] =	ssyncadd.s32 $0xFFFFC000  }
0x42: {  	[tilespmem:s18], [sflag:$0x1] =	stream.indirect.gather [hbm4b:s4+s17], $0x80, s31, s17, $0xb8;
	[tilespmem:$0x1D000] =	vst v63  }
0x43: {  	_ =	swait.ge [sflag:s23], $0x4000  }
0x44: {  	[sflag:s23] =	ssyncset.done $0x0  }
0x45: {  	s8 =	sor.u32 $0x980, s0;
	[sflag:s23] =	ssyncadd.s32 $0xFFFFC000  }
0x46: {  	[spmem:s2] =	stream.indirect.scatter.add.f32 [tilespmem:s19], [sflag:$0x4], $0x80, s8, s17, $0xb8;
	[tilespmem:$0x1D000] =	vst v63  }
0x47: {  	_ =	swait.ge [sflag:s15], $0x4000  }
0x48: {  	[sflag:s15] =	ssyncset.done $0x0  }
0x49: {  	s9 =	sor.u32 $0x280, s0;
	[sflag:s15] =	ssyncadd.s32 $0xFFFFC000  }
0x4a: {  	[tilespmem:s19], [sflag:$0x2] =	stream.indirect.gather [hbm4b:s4+s17], $0x80, s9, s17, $0xb8;
	[tilespmem:$0x1D000] =	vst v63  }
0x4b: {  	_ =	swait.ge [sflag:s22], $0x4000  }
0x4c: {  	[sflag:s22] =	ssyncset.done $0x0  }
0x4d: {  	s10 =	sor.u32 $0xA00, s0;
	[sflag:s22] =	ssyncadd.s32 $0xFFFFC000  }
0x4e: {  	[spmem:s2] =	stream.indirect.scatter.add.f32 [tilespmem:s18], [sflag:$0x4], $0x80, s10, s17, $0xb8;
	[tilespmem:$0x1D000] =	vst v63  }
0x4f: {  	_ =	swait.ge [sflag:s15], $0x4000  }
0x50: {  	[sflag:s15] =	ssyncset.done $0x0  }
0x51: {  	s11 =	sor.u32 $0x300, s0;
	[sflag:s15] =	ssyncadd.s32 $0xFFFFC000  }
0x52: {  	[tilespmem:s18], [sflag:$0x1] =	stream.indirect.gather [hbm4b:s4+s17], $0x80, s11, s17, $0xb8;
	[tilespmem:$0x1D000] =	vst v63  }
0x53: {  	_ =	swait.ge [sflag:s23], $0x4000  }
0x54: {  	[sflag:s23] =	ssyncset.done $0x0  }
0x55: {  	s16 =	sor.u32 $0xA80, s0;
	[sflag:s23] =	ssyncadd.s32 $0xFFFFC000  }
0x56: {  	[spmem:s2] =	stream.indirect.scatter.add.f32 [tilespmem:s19], [sflag:$0x4], $0x80, s16, s17, $0xb8;
	[tilespmem:$0x1D000] =	vst v63  }
0x57: {  	_ =	swait.ge [sflag:s15], $0x4000  }
0x58: {  	p1 =	sle.u32 s5, $0x1;
	[sflag:s15] =	ssyncset.done $0x0  }
0x59: {  	s26 =	sor.u32 $0x380, s0;
	s16 =	simm.s32 @p1 $0x1;
	[sflag:s15] =	ssyncadd.s32 $0xFFFFC000  }
0x5a: {  	[tilespmem:s19], [sflag:$0x2] =	stream.indirect.gather [hbm4b:s4+s17], $0x80, s26, s17, $0xb8;
	[tilespmem:$0x1D000] =	vst v63  }
0x5b: {  	_ =	swait.ge @p1 [sflag:s16], $0x4000  }
0x5c: {  	s28 =	simm.s32 @p1 $0x1000;
	s1 =	sadd.s32 @p1 $0xB00, s0;
	[sflag:s16] =	ssyncset.done @p1 $0x0  }
0x5d: {  	s26 =	simm.s32 @p1 $0x80;
	[sflag:s16] =	ssyncadd.s32 @p1 $0xFFFFC000;
	s16 =	simm.s32 @p1 $0x4  }
0x5e: {  	[spmem:s2] =	stream.indirect.scatter.add.f32 @p1 [tilespmem:s28], [sflag:$0x4], $0x80, s1, s26, $0xb8;
	[tilespmem:$0x1D000] =	vst v63  }
0x5f: {  	_ =	swait.ge @p1 [sflag:s16], $0x4000  }
0x60: {  	[sflag:s16] =	ssyncset.done @p1 $0x0  }
0x61: {  	s1 =	simm.s32 @!p1 $0x3;
	[sflag:s16] =	ssyncadd.s32 @p1 $0xFFFFC000  }
0x62: {  	_ =	swait.ge @!p1 [sflag:s1], $0x400  }
0x63: {  	[sflag:s1] =	ssyncset.done @!p1 $0x0  }
0x64: {  	[sflag:s1] =	ssyncadd.s32 @!p1 $0xFFFFFC00  }
0x65: {  	_ =	swait.ge @!p1 [sflag:s1], $0x400  }
0x66: {  	[sflag:s1] =	ssyncset.done @!p1 $0x0  }
0x67: {  	s16 =	simm.s32 @!p1 $0x1;
	[sflag:s1] =	ssyncadd.s32 @!p1 $0xFFFFFC00  }
0x68: {  	_ =	swait.ge @!p1 [sflag:s16], $0x4000  }
0x69: {  	s26 =	simm.s32 @!p1 $0x80;
	s28 =	simm.s32 @!p1 $0x1000;
	[sflag:s16] =	ssyncset.done @!p1 $0x0  }
0x6a: {  	s1 =	sadd.s32 @!p1 $0xB00, s0;
	[sflag:s16] =	ssyncadd.s32 @!p1 $0xFFFFC000;
	s16 =	simm.s32 @!p1 $0x4  }
0x6b: {  	[spmem:s2] =	stream.indirect.scatter.add.f32 @!p1 [tilespmem:s28], [sflag:$0x4], $0x80, s1, s26, $0xb8;
	[tilespmem:$0x1D000] =	vst v63  }
0x6c: {  	_ =	swait.ge @!p1 [sflag:s16], $0x4000  }
0x6d: {  	[sflag:s16] =	ssyncset.done @!p1 $0x0  }
0x6e: {  	s1 =	sxor.u32 $0x400, s0;
	[sflag:s16] =	ssyncadd.s32 @!p1 $0xFFFFC000  }
0x6f: {  	[tilespmem:s28], [sflag:$0x1] =	stream.indirect.gather @!p1 [hbm4b:s4+s26], $0x80, s1, s26, $0xb8;
	[tilespmem:$0x1D000] =	vst v63  }
0x70: {  	_ =	swait.ge [sflag:s23], $0x4000  }
0x71: {  	[sflag:s23] =	ssyncset.done $0x0  }
0x72: {  	s31 =	sadd.s32 $0xB80, s0;
	[sflag:s23] =	ssyncadd.s32 $0xFFFFC000  }
0x73: {  	[spmem:s2] =	stream.indirect.scatter.add.f32 [tilespmem:s19], [sflag:$0x4], $0x80, s31, s17, $0xb8;
	[tilespmem:$0x1D000] =	vst v63  }
0x74: {  	_ =	swait.ge [sflag:s15], $0x4000  }
0x75: {  	[sflag:s15] =	ssyncset.done $0x0  }
0x76: {  	s16 =	simm.s32 @!p1 $0x5000;
	s1 =	sor.u32 $0x80, s1;
	[sflag:s15] =	ssyncadd.s32 $0xFFFFC000  }
0x77: {  	[tilespmem:s16], [sflag:$0x2] =	stream.indirect.gather @!p1 [hbm4b:s4+s26], $0x80, s1, s26, $0xb8;
	[tilespmem:$0x1D000] =	vst v63  }
0x78: {  	p1 =	sne.s32 s5, $0x1  }
.Ltmp0:
0x79: {  	_ = 	snop;
	(pc) =	sbr.rel @!p1 .LBB2_3-.Ltmp0, $4  }
0x7a: {  	_ = 	snop  }
0x7b: {  	p3 =	sle.u32 s5, $0x2;
	s29 =	smov.u32 s13;
	s30 =	smov.u32 s13  }
0x7c: {  	s28 =	sadd.s32 $0x80, s14;
	s16 =	simm.s32 @!p3 $0x0;
	s26 =	simm.s32 $0x1  }
0x7d: {  	[tilespmem:s0], [sflag:$0x3] =	stream.linear.gather @!p3 [hbm4b:s14+s16], $0x400, $0x38;
	[tilespmem:$0x1D000] =	vst v63  }
.LBB2_2:
0x7e: {  	s0 =	sshll.u32 s26, $0xA;
	s29 =	sadd.s32 $0x80, s29  }
0x7f: {  	s1 =	smov.u32 s26;
	s26 =	sadd.s32 $0x1, s26;
	s31 =	smov.u32 s28  }
0x80: {  	[tilespmem:s25], [sflag:$0x3] =	stream.linear.gather @!p3 [hbm4b:s30+s16], $0x400, $0x38;
	[tilespmem:$0x1D000] =	vst v63  }
0x81: {  	s0 =	sand.u32 $0x400, s0;
	p1 =	sne.s32 s5, s26;
	_ =	swait.ge [sflag:s22], $0x4000  }
0x82: {  	s30 =	smov.u32 s29;
	s25 =	sor.u32 $0x800, s0;
	[sflag:s22] =	ssyncset.done $0x0  }
0x83: {  	[sflag:s22] =	ssyncadd.s32 $0xFFFFC000  }
0x84: {  	[spmem:s2] =	stream.indirect.scatter.add.f32 [tilespmem:s18], [sflag:$0x4], $0x80, s25, s17, $0xb8;
	[tilespmem:$0x1D000] =	vst v63  }
0x85: {  	_ =	swait.ge [sflag:s15], $0x4000  }
0x86: {  	s16 =	sor.u32 $0x100, s0;
	[sflag:s15] =	ssyncset.done $0x0  }
0x87: {  	[sflag:s15] =	ssyncadd.s32 $0xFFFFC000  }
0x88: {  	[tilespmem:s18], [sflag:$0x1] =	stream.indirect.gather [hbm4b:s4+s17], $0x80, s16, s17, $0xb8;
	[tilespmem:$0x1D000] =	vst v63  }
0x89: {  	_ =	swait.ge [sflag:s23], $0x4000  }
0x8a: {  	s16 =	sor.u32 $0x880, s0;
	[sflag:s23] =	ssyncset.done $0x0  }
0x8b: {  	[sflag:s23] =	ssyncadd.s32 $0xFFFFC000  }
0x8c: {  	[spmem:s2] =	stream.indirect.scatter.add.f32 [tilespmem:s19], [sflag:$0x4], $0x80, s16, s17, $0xb8;
	[tilespmem:$0x1D000] =	vst v63  }
0x8d: {  	_ =	swait.ge [sflag:s15], $0x4000  }
0x8e: {  	s16 =	sor.u32 $0x180, s0;
	[sflag:s15] =	ssyncset.done $0x0  }
0x8f: {  	[sflag:s15] =	ssyncadd.s32 $0xFFFFC000  }
0x90: {  	[tilespmem:s19], [sflag:$0x2] =	stream.indirect.gather [hbm4b:s4+s17], $0x80, s16, s17, $0xb8;
	[tilespmem:$0x1D000] =	vst v63  }
0x91: {  	_ =	swait.ge [sflag:s22], $0x4000  }
0x92: {  	s16 =	sor.u32 $0x900, s0;
	[sflag:s22] =	ssyncset.done $0x0  }
0x93: {  	[sflag:s22] =	ssyncadd.s32 $0xFFFFC000  }
0x94: {  	[spmem:s2] =	stream.indirect.scatter.add.f32 [tilespmem:s18], [sflag:$0x4], $0x80, s16, s17, $0xb8;
	[tilespmem:$0x1D000] =	vst v63  }
0x95: {  	_ =	swait.ge [sflag:s15], $0x4000  }
0x96: {  	s16 =	sor.u32 $0x200, s0;
	[sflag:s15] =	ssyncset.done $0x0  }
0x97: {  	[sflag:s15] =	ssyncadd.s32 $0xFFFFC000  }
0x98: {  	[tilespmem:s18], [sflag:$0x1] =	stream.indirect.gather [hbm4b:s4+s17], $0x80, s16, s17, $0xb8;
	[tilespmem:$0x1D000] =	vst v63  }
0x99: {  	_ =	swait.ge [sflag:s23], $0x4000  }
0x9a: {  	s16 =	sor.u32 $0x980, s0;
	[sflag:s23] =	ssyncset.done $0x0  }
0x9b: {  	[sflag:s23] =	ssyncadd.s32 $0xFFFFC000  }
0x9c: {  	[spmem:s2] =	stream.indirect.scatter.add.f32 [tilespmem:s19], [sflag:$0x4], $0x80, s16, s17, $0xb8;
	[tilespmem:$0x1D000] =	vst v63  }
0x9d: {  	_ =	swait.ge [sflag:s15], $0x4000  }
0x9e: {  	s16 =	sor.u32 $0x280, s0;
	[sflag:s15] =	ssyncset.done $0x0  }
0x9f: {  	[sflag:s15] =	ssyncadd.s32 $0xFFFFC000  }
0xa0: {  	[tilespmem:s19], [sflag:$0x2] =	stream.indirect.gather [hbm4b:s4+s17], $0x80, s16, s17, $0xb8;
	[tilespmem:$0x1D000] =	vst v63  }
0xa1: {  	_ =	swait.ge [sflag:s22], $0x4000  }
0xa2: {  	s16 =	sor.u32 $0xA00, s0;
	[sflag:s22] =	ssyncset.done $0x0  }
0xa3: {  	[sflag:s22] =	ssyncadd.s32 $0xFFFFC000  }
0xa4: {  	[spmem:s2] =	stream.indirect.scatter.add.f32 [tilespmem:s18], [sflag:$0x4], $0x80, s16, s17, $0xb8;
	[tilespmem:$0x1D000] =	vst v63  }
0xa5: {  	_ =	swait.ge [sflag:s15], $0x4000  }
0xa6: {  	s16 =	sor.u32 $0x300, s0;
	[sflag:s15] =	ssyncset.done $0x0  }
0xa7: {  	[sflag:s15] =	ssyncadd.s32 $0xFFFFC000  }
0xa8: {  	[tilespmem:s18], [sflag:$0x1] =	stream.indirect.gather [hbm4b:s4+s17], $0x80, s16, s17, $0xb8;
	[tilespmem:$0x1D000] =	vst v63  }
0xa9: {  	_ =	swait.ge [sflag:s23], $0x4000  }
0xaa: {  	s16 =	sor.u32 $0xA80, s0;
	[sflag:s23] =	ssyncset.done $0x0  }
0xab: {  	[sflag:s23] =	ssyncadd.s32 $0xFFFFC000  }
0xac: {  	[spmem:s2] =	stream.indirect.scatter.add.f32 [tilespmem:s19], [sflag:$0x4], $0x80, s16, s17, $0xb8;
	[tilespmem:$0x1D000] =	vst v63  }
0xad: {  	_ =	swait.ge [sflag:s15], $0x4000  }
0xae: {  	p2 =	sge.u32 s26, s5;
	s16 =	sor.u32 $0x380, s0;
	[sflag:s15] =	ssyncset.done $0x0  }
0xaf: {  	s8 =	simm.s32 @p2 $0x1;
	s9 =	sadd.s32 @p2 $0xB00, s0;
	[sflag:s15] =	ssyncadd.s32 $0xFFFFC000  }
0xb0: {  	[tilespmem:s19], [sflag:$0x2] =	stream.indirect.gather [hbm4b:s4+s17], $0x80, s16, s17, $0xb8;
	[tilespmem:$0x1D000] =	vst v63  }
0xb1: {  	s16 =	sadd.s32 @!p2 $0xB00, s0;
	_ =	swait.ge @p2 [sflag:s8], $0x4000  }
0xb2: {  	s10 =	simm.s32 @p2 $0x80;
	s11 =	simm.s32 @p2 $0x1000;
	[sflag:s8] =	ssyncset.done @p2 $0x0  }
0xb3: {  	[sflag:s8] =	ssyncadd.s32 @p2 $0xFFFFC000;
	s8 =	simm.s32 @p2 $0x4  }
0xb4: {  	[spmem:s2] =	stream.indirect.scatter.add.f32 @p2 [tilespmem:s11], [sflag:$0x4], $0x80, s9, s10, $0xb8;
	[tilespmem:$0x1D000] =	vst v63  }
0xb5: {  	_ =	swait.ge @p2 [sflag:s8], $0x4000  }
0xb6: {  	s9 =	simm.s32 @!p2 $0x3;
	[sflag:s8] =	ssyncset.done @p2 $0x0  }
0xb7: {  	[sflag:s8] =	ssyncadd.s32 @p2 $0xFFFFC000  }
0xb8: {  	_ =	swait.ge @!p2 [sflag:s9], $0x400  }
0xb9: {  	[sflag:s9] =	ssyncset.done @!p2 $0x0  }
0xba: {  	[sflag:s9] =	ssyncadd.s32 @!p2 $0xFFFFFC00  }
0xbb: {  	_ =	swait.ge @!p2 [sflag:s9], $0x400  }
0xbc: {  	s8 =	simm.s32 @!p2 $0x1;
	[sflag:s9] =	ssyncset.done @!p2 $0x0  }
0xbd: {  	[sflag:s9] =	ssyncadd.s32 @!p2 $0xFFFFFC00  }
0xbe: {  	_ =	swait.ge @!p2 [sflag:s8], $0x4000  }
0xbf: {  	s10 =	simm.s32 @!p2 $0x1000;
	s9 =	simm.s32 @!p2 $0x80;
	[sflag:s8] =	ssyncset.done @!p2 $0x0  }
0xc0: {  	[sflag:s8] =	ssyncadd.s32 @!p2 $0xFFFFC000;
	s8 =	simm.s32 @!p2 $0x4  }
0xc1: {  	[spmem:s2] =	stream.indirect.scatter.add.f32 @!p2 [tilespmem:s10], [sflag:$0x4], $0x80, s16, s9, $0xb8;
	[tilespmem:$0x1D000] =	vst v63  }
0xc2: {  	_ =	swait.ge @!p2 [sflag:s8], $0x4000  }
0xc3: {  	s11 =	sxor.u32 $0x400, s0;
	[sflag:s8] =	ssyncset.done @!p2 $0x0  }
0xc4: {  	[sflag:s8] =	ssyncadd.s32 @!p2 $0xFFFFC000  }
0xc5: {  	[tilespmem:s10], [sflag:$0x1] =	stream.indirect.gather @!p2 [hbm4b:s4+s9], $0x80, s11, s9, $0xb8;
	[tilespmem:$0x1D000] =	vst v63  }
0xc6: {  	_ =	swait.ge [sflag:s23], $0x4000  }
0xc7: {  	s8 =	sadd.s32 $0xB80, s0;
	[sflag:s23] =	ssyncset.done $0x0  }
0xc8: {  	[sflag:s23] =	ssyncadd.s32 $0xFFFFC000  }
0xc9: {  	[spmem:s2] =	stream.indirect.scatter.add.f32 [tilespmem:s19], [sflag:$0x4], $0x80, s8, s17, $0xb8;
	[tilespmem:$0x1D000] =	vst v63  }
0xca: {  	s1 =	sadd.s32 $0x2, s1;
	s8 =	sor.u32 $0x80, s11;
	_ =	swait.ge [sflag:s15], $0x4000  }
.Ltmp1:
0xcb: {  	s10 =	simm.s32 @!p2 $0x5000;
	[sflag:s15] =	ssyncset.done $0x0;
	(pc) =	sbr.rel @p1 .LBB2_2-.Ltmp1, $4  }
0xcc: {  	p3 =	sge.u32 s1, s5;
	[sflag:s15] =	ssyncadd.s32 $0xFFFFC000  }
0xcd: {  	[tilespmem:s10], [sflag:$0x2] =	stream.indirect.gather @!p2 [hbm4b:s4+s9], $0x80, s8, s9, $0xb8;
	[tilespmem:$0x1D000] =	vst v63  }
0xce: {  	s28 =	sadd.s32 $0x80, s28;
	s16 =	simm.s32 @!p3 $0x0  }
0xcf: {  	[tilespmem:s0], [sflag:$0x3] =	stream.linear.gather @!p3 [hbm4b:s31+s16], $0x400, $0x38;
	[tilespmem:$0x1D000] =	vst v63  }
.LBB2_3:
0xd0: {  	[tilespmem:s25], [sflag:$0x3] =	stream.linear.gather @!p3 [hbm4b:s30+s16], $0x400, $0x38;
	[tilespmem:$0x1D000] =	vst v63  }
0xd1: {  	s24 =	sadd.s32 $0x1, s24  }
0xd2: {  	[bflag:$0x0] =	sbarrier.arrive $0xFFFF;
	p1 =	sne.s32 s24, s12  }
.Ltmp2:
0xd3: {  	s0 =	rddreg [dreg:$0x6];
	(pc) =	sbr.rel @p1 .LBB2_1-.Ltmp2, $4  }
0xd4: {  	[hbm:s0], [sflag:s20] =	dma.local [spmem:s21], $0x2800  }
0xd5: {  	_ =	swait.ge [sflag:s15], $0x2800  }
0xd6: {  	[sflag:s15] =	ssyncset.done $0x0  }
0xd7: {  	[sflag:s15] =	ssyncadd.s32 $0xFFFFD800  }
0xd8: {  	_ =	sfence.sel $0x180000  }
0xd9: {  	[bflag:$0x0] =	sbarrier.arrive $0xFFFF  }
0xda: {  	_ =	strace $0x9000004D  }
0xdb: {  	s0 =	stileid.u32;
	[bflag:$0x2] =	sbarrier.arrive $0xFFFF  }
0xdc: {  	p0 =	sne.s32 s0, $0x0;
	s0 =	rddreg [dreg:$0x2]  }
0xdd: {  	s0 =	sadd.s32 @!p0 $0x100000, s0  }
0xde: {  	[sflag:s0] =	ssyncadd.tile.s32 @!p0 $0x1;
	_ =	shalt  }
.Lfunc_end2:
_tile_overlayer_lowered:
.L_overlay_start_2:
0xdf: {  	(tag) =	ssettag $0x2  }
0xe0: {  	s0 =	rddreg [dreg:$0x0];
	s2 =	stileid.u32  }
0xe1: {  	s1 =	rddreg [dreg:$0x1];
	p0 =	sne.s32 s2, $0x0  }
0xe2: {  	s3 =	rddreg [dreg:$0x2];
	[bflag:$0x3] =	sbarrier.arrive $0xFFFF;
	s2 =	simm.s32 @!p0 $0x1C04  }
0xe3: {  	[timem:s3], [sflag:s2] =	dma.local @!p0 [hbm:s0], s1  }
0xe4: {  	s0 =	simm.s32 @!p0 $0x4  }
0xe5: {  	_ =	swait.ge @!p0 [sflag:s0], s1  }
0xe6: {  	s1 =	ssub.s32 @!p0 $0x0, s1;
	[sflag:s0] =	ssyncset.done @!p0 $0x0  }
0xe7: {  	[sflag:s0] =	ssyncadd.s32 @!p0 s1  }
0xe8: {  	[bflag:$0x3] =	sbarrier.arrive $0xFFFF  }
0xe9: {  	_ =	shalt  }

// kernel: kernel.7.cloned.1.call-start
scs
__scs_entry_jumppad:
0x0: {  	(pc) =	sbr.rel $0x88, $3  }
0x1: {  	(tag) =	ssettag $0x0;
	lr =	simm.s32 $0x1  }
0x2: {  	[smem:$0x3F94] =	sst lr;
	_ =	strace $0xD0000000  }
0x3: {  	_ = 	snop  }
0x4: {  	_ = 	snop  }
0x5: {  	_ = 	snop  }
0x6: {  	_ = 	snop  }
0x7: {  	_ = 	snop  }
__scs_overlays_trampoline_lowered:
0x8: {  	[smem:$0x3FA3] =	sst s0  }
0x9: {  	[smem:$0x3FA4] =	sst s1  }
0xa: {  	[smem:$0x3FA5] =	sst s2  }
0xb: {  	[smem:$0x3FA6] =	sst s3  }
0xc: {  	[smem:$0x3FA7] =	sst s4  }
0xd: {  	[smem:$0x3FA8] =	sst s5  }
0xe: {  	[smem:$0x3FA9] =	sst s6  }
0xf: {  	[smem:$0x3FAA] =	sst s7  }
0x10: {  	[smem:$0x3FAB] =	sst s8  }
0x11: {  	[smem:$0x3FAC] =	sst s9;
	s0 =	simm.s32 @!p0 $0x0  }
0x12: {  	s1 =	sld [smem:$0x3F92];
	s0 =	simm.s32 @p0 $0x1  }
0x13: {  	[smem:$0x3FAD] =	sst s0;
	s0 =	simm.s32 @!p1 $0x0  }
0x14: {  	s2 =	sld [smem:$0x3F91];
	s0 =	simm.s32 @p1 $0x1  }
0x15: {  	[smem:$0x3FAE] =	sst s0;
	s0 =	simm.s32 @!p2 $0x0  }
0x16: {  	s3 =	sld [smem:$0x3FDB];
	s0 =	simm.s32 @p2 $0x1  }
0x17: {  	s4 =	simm.s32 $0x1BF5;
	[smem:$0x3FB0] =	sst s0  }
0x18: {  	s0 =	sld [smem:$0x3F93];
	_ =	swait.ge [sflag:s4], $0x0  }
0x19: {  	s7 =	sld [smem:$0x3F94]  }
0x1a: {  	s8 =	sadd.s32 $0xFFFFE003, lr  }
0x1b: {  	s9 =	sadd.s32 $0xFFFFFEF7, lr;
	s5 =	simm.s32 $0xFFFFFFFF;
	p2 =	slt.u32 s8, $0xFFFFF086  }
0x1c: {  	p1 =	slt.u32 s9, $0xF7A;
	s5 =	simm.s32 @!p2 $0x0  }
0x1d: {  	s5 =	simm.s32 @p1 $0x1;
	p0 =	seq.s32 s7, s2  }
0x1e: {  	s7 =	smul.u32 @!p0 $0xF7A, s2;
	p2 =	seq.s32 @!p0 s5, $0x0  }
0x1f: {  	s9 =	smul.u32 $0xF7A, s1;
	s8 =	simm.s32 @!p0 $0x1BF5;
	p2 =	por !p2, p0  }
0x20: {  	[sflag:s8] =	ssyncset.s32 @!p0 $0xFFFFF086;
	s6 =	sadd.s32 @!p0 s3, s7;
	s7 =	simm.s32 @!p0 $0x108  }
0x21: {  	s3 =	sadd.s32 s3, s9;
	s6 =	sadd.s32 @!p0 $0x88, s6;
	s7 =	simm.s32 @p2 $0x1082  }
0x22: {  	[simem:s7], [sflag:s8] =	dma.local @!p0 [hbm:s6], $0xF7A  }
0x23: {  	s9 =	sor.u32 $0xD0000000, s2;
	s6 =	simm.s32 $0x108;
	_ =	swait.ge @!p0 [sflag:s8], $0x0  }
0x24: {  	s3 =	sadd.s32 $0x88, s3;
	s6 =	simm.s32 @!p1 $0x1082;
	[sflag:s4] =	ssyncset.s32 $0xFFFFF086  }
0x25: {  	[simem:s6], [sflag:s4] =	dma.local [hbm:s3], $0xF7A  }
0x26: {  	[smem:$0x3F94] =	sst s1;
	(tag) =	ssettag s2;
	_ =	strace s9  }
0x27: {  	s1 =	sld [smem:$0x3FA4]  }
0x28: {  	s2 =	sld [smem:$0x3FA5]  }
0x29: {  	s4 =	sld [smem:$0x3FA7]  }
0x2a: {  	p0 =	seq.s32 s5, $0x0;
	s5 =	sld [smem:$0x3FA8]  }
0x2b: {  	s6 =	sld [smem:$0x3FA9]  }
0x2c: {  	s7 =	sld [smem:$0x3FAA]  }
0x2d: {  	s3 =	simm.s32 $0x108;
	s8 =	sld [smem:$0x3FAB]  }
0x2e: {  	s3 =	simm.s32 @!p0 $0x1082;
	s9 =	sld [smem:$0x3FAC]  }
0x2f: {  	lr =	sadd.s32 s0, s3;
	s0 =	sld [smem:$0x3FA3]  }
0x30: {  	s3 =	sld [smem:$0x3FA6]  }
0x31: {  	[smem:$0x3FAF] =	sst s10  }
0x32: {  	s10 =	sld [smem:$0x3FAD];
	_ =	sdelay $0x3  }
0x33: {  	p0 =	seq.s32 s10, $0x1;
	s10 =	sld [smem:$0x3FAF];
	_ =	sdelay $0x3  }
0x34: {  	[smem:$0x3FAF] =	sst s10  }
0x35: {  	s10 =	sld [smem:$0x3FAE];
	_ =	sdelay $0x3  }
0x36: {  	p1 =	seq.s32 s10, $0x1;
	s10 =	sld [smem:$0x3FAF];
	_ =	sdelay $0x3  }
0x37: {  	[smem:$0x3FAF] =	sst s10  }
0x38: {  	s10 =	sld [smem:$0x3FB0]  }
0x39: {  	_ = 	snop;
	(pc) =	sbr.ind lr, $3  }
0x3a: {  	_ = 	snop  }
0x3b: {  	_ = 	snop  }
0x3c: {  	p2 =	seq.s32 s10, $0x1;
	s10 =	sld [smem:$0x3FAF]  }
0x3d: {  	_ =	shalt  }
0x3e: {  	_ =	shalt  }
0x3f: {  	_ =	shalt  }
0x40: {  	_ =	shalt  }
0x41: {  	_ =	shalt  }
0x42: {  	_ =	shalt  }
0x43: {  	_ =	shalt  }
0x44: {  	_ =	shalt  }
0x45: {  	_ =	shalt  }
0x46: {  	_ =	shalt  }
0x47: {  	_ =	shalt  }
0x48: {  	_ =	shalt  }
0x49: {  	_ =	shalt  }
0x4a: {  	_ =	shalt  }
0x4b: {  	_ =	shalt  }
0x4c: {  	_ =	shalt  }
0x4d: {  	_ =	shalt  }
0x4e: {  	_ =	shalt  }
0x4f: {  	_ =	shalt  }
0x50: {  	_ =	shalt  }
0x51: {  	_ =	shalt  }
0x52: {  	_ =	shalt  }
0x53: {  	_ =	shalt  }
0x54: {  	_ =	shalt  }
0x55: {  	_ =	shalt  }
0x56: {  	_ =	shalt  }
0x57: {  	_ =	shalt  }
0x58: {  	_ =	shalt  }
0x59: {  	_ =	shalt  }
0x5a: {  	_ =	shalt  }
0x5b: {  	_ =	shalt  }
0x5c: {  	_ =	shalt  }
0x5d: {  	_ =	shalt  }
0x5e: {  	_ =	shalt  }
0x5f: {  	_ =	shalt  }
0x60: {  	_ =	shalt  }
0x61: {  	_ =	shalt  }
0x62: {  	_ =	shalt  }
0x63: {  	_ =	shalt  }
0x64: {  	_ =	shalt  }
0x65: {  	_ =	shalt  }
0x66: {  	_ =	shalt  }
0x67: {  	_ =	shalt  }
0x68: {  	_ =	shalt  }
0x69: {  	_ =	shalt  }
0x6a: {  	_ =	shalt  }
0x6b: {  	_ =	shalt  }
0x6c: {  	_ =	shalt  }
0x6d: {  	_ =	shalt  }
0x6e: {  	_ =	shalt  }
0x6f: {  	_ =	shalt  }
0x70: {  	_ =	shalt  }
0x71: {  	_ =	shalt  }
0x72: {  	_ =	shalt  }
0x73: {  	_ =	shalt  }
0x74: {  	_ =	shalt  }
0x75: {  	_ =	shalt  }
0x76: {  	_ =	shalt  }
0x77: {  	_ =	shalt  }
0x78: {  	_ =	shalt  }
0x79: {  	_ =	shalt  }
0x7a: {  	_ =	shalt  }
0x7b: {  	_ =	shalt  }
0x7c: {  	_ =	shalt  }
0x7d: {  	_ =	shalt  }
0x7e: {  	_ =	shalt  }
0x7f: {  	_ =	shalt  }
0x80: {  	_ =	shalt  }
0x81: {  	_ =	shalt  }
0x82: {  	_ =	shalt  }
0x83: {  	_ =	shalt  }
0x84: {  	_ =	shalt  }
0x85: {  	_ =	shalt  }
0x86: {  	_ =	shalt  }
0x87: {  	_ =	shalt  }
.Lfunc_end0:
.L_simem_size_0:
called_computation_lowered:
.L_overlay_start_0:
0x88: {  	s2 =	sld [smem:$0x3FD9]  }
0x89: {  	s3 =	sld [smem:$0x3FFE];
	_ =	sdelay $0x1  }
0x8a: {  	s1 =	srdreg.scid  }
0x8b: {  	s0 =	sand.u32 $0x1, s1  }
0x8c: {  	s17 =	sshll.u32 s0, $0xA;
	s2 =	sadd.s32 s3, s2  }
0x8d: {  	s2 =	sadd.s32 s2, s17  }
0x8e: {  	[smem:$0x3FBB] =	sst s2  }
0x8f: {  	_ = 	snop  }
0x90: {  	s2 =	sld [smem:$0x3FC7]  }
0x91: {  	s18 =	sld [smem:$0x3FC6];
	(tm) =	ssettm $0x1  }
0x92: {  	s4 =	sld [smem:$0x3FFB];
	_ =	sdelay $0x3  }
0x93: {  	_ =	strace s4  }
0x94: {  	s4 =	sld [smem:$0x3FFC];
	_ =	sdelay $0x3  }
0x95: {  	_ =	strace s4  }
0x96: {  	s4 =	sld [smem:$0x3FFD];
	_ =	sdelay $0x3  }
0x97: {  	_ =	strace s4  }
0x98: {  	_ =	strace $0x8FFFFFFF  }
0x99: {  	s19 =	sld [smem:$0x3FDB];
	_ =	sdelay $0x1  }
0x9a: {  	s5 =	simm.s32 $_scs_section_size  }
0x9b: {  	s6 =	simm.s32 $_size__tile_overlayer_lowered;
	s7 =	simm.s32 $_tile_overlayer_lowered  }
0x9c: {  	s22 =	simm.s32 $0x1BFF;
	s21 =	sshll.u32 s7, $0x1;
	s4 =	sadd.s32 s5, s19  }
0x9d: {  	s8 =	simm.s32 $0x0;
	s20 =	sshll.u32 s6, $0x1;
	s6 =	sadd.s32 s21, s4  }
0x9e: {  	[timem:s8], [sflag:s22] =	dma.local [hbm:s6], s20  }
0x9f: {  	_ =	swait.ge [sflag:s22], s20  }
0xa0: {  	s5 =	ssub.s32 $0x0, s20;
	[sflag:s22] =	ssyncset.done $0x0  }
0xa1: {  	[sflag:s22] =	ssyncadd.s32 s5;
	_ =	sdelay $0x1  }
0xa2: {  	s23 =	simm.s32 $0x1B8B  }
0xa3: {  	_ =	swait.ge [sflag:s23], $0x1  }
0xa4: {  	[sflag:s23] =	ssyncset.done $0x0  }
0xa5: {  	s25 =	simm.s32 $0x1B8E;
	s24 =	sld [smem:$0x3FFE];
	[sflag:s23] =	ssyncadd.s32 $0xFFFFFFFF  }
0xa6: {  	s26 =	simm.s32 $execute0_lowered;
	[smem:$0x3FD2] =	sst s25  }
0xa7: {  	s6 =	sshll.u32 s26, $0x1;
	_ =	strace $0x80000046;
	[dreg:$0x1] =	wrdreg $0xFFFFFFFF  }
0xa8: {  	s28 =	simm.s32 $_size_execute0_lowered;
	s4 =	sadd.s32 s4, s6;
	[dreg:$0x0] =	wrdreg $0x0  }
0xa9: {  	s6 =	sshll.u32 s28, $0x1;
	[dreg:$0x2] =	wrdreg s4  }
0xaa: {  	[dreg:$0x3] =	wrdreg s6  }
0xab: {  	[dreg:$0x4] =	wrdreg $0xC0  }
0xac: {  	_ =	task [dreg:s8], $0x5FFFF  }
0xad: {  	[dreg:$0x1] =	wrdreg $0xFFFFFFFF  }
0xae: {  	[dreg:$0x0] =	wrdreg $0x60  }
0xaf: {  	[dreg:$0x2] =	wrdreg s24  }
0xb0: {  	[dreg:$0x3] =	wrdreg s2  }
0xb1: {  	[dreg:$0x4] =	wrdreg s18  }
0xb2: {  	[dreg:$0x5] =	wrdreg $0x9  }
0xb3: {  	_ =	task.clear_ibuf [dreg:s8], $0x6FFFF;
	_ =	strace $0x90000046  }
0xb4: {  	s29 =	simm.s32 $0x9;
	_ =	strace $0x80000048  }
0xb5: {  	_ =	swait.ge [sflag:s29], $0x1  }
0xb6: {  	[sflag:s29] =	ssyncadd.s32 $0xFFFFFFFF  }
0xb7: {  	_ =	strace $0x90000048  }
0xb8: {  	_ =	sfence  }
0xb9: {  	s30 =	sld [smem:$0x0];
	_ =	sdelay $0x2  }
0xba: {  	s31 =	sshll.u32 s1, $0xD;
	s1 =	sshrl.u32 s1, $0x2  }
0xbb: {  	s3 =	sand.u32 $0x4000, s31;
	s1 =	sadd.s32 s1, s30  }
0xbc: {  	s0 =	sor.u32 s3, s0;
	s1 =	sshll.u32 s1, $0x11  }
0xbd: {  	s0 =	sor.u32 s1, s0  }
0xbe: {  	s0 =	sadd.s32 $0x8F2B, s0  }
0xbf: {  	[sflag:s0] =	ssyncadd.remote.s32 $0x1  }
0xc0: {  	_ =	sfence.sel $0xFFFF  }
0xc1: {  	[dreg:$0x0] =	wrdreg $0xFFFFFFFF;
	(pc) =	sbr.abs _section_cstart, $3  }
0xc2: {  	[dreg:$0x1] =	wrdreg $0xFFFFFFFF  }
0xc3: {  	_ =	task.clear_ibuf [dreg:s8], $0x2FFFF;
	_ =	strace $0x9FFFFFFF  }
0xc4: {  	(tm) =	ssettm $0x7FFFFFFF  }
0xc5: {  	_ =	shalt  }
tec
execute0_lowered:
.L_overlay_start_1:
0x0: {  	(tag) =	ssettag $0x1  }
0x1: {  	s5 =	rddreg [dreg:$0x0]  }
0x2: {  	s2 =	rddreg [dreg:$0x1];
	s1 =	srdreg.scid  }
0x3: {  	s0 =	stileid.u32;
	s3 =	rddreg [dreg:$0x2];
	s4 =	simm.s32 $0x0  }
0x4: {  	s13 =	simm.s32 $0x180;
	s14 =	simm.s32 $0x50;
	s15 =	simm.s32 $0x300  }
0x5: {  	s16 =	simm.s32 $0x2B00;
	s17 =	simm.s32 $0x1;
	s18 =	simm.s32 $0x2  }
0x6: {  	s19 =	simm.s32 $0x1D0;
	s20 =	simm.s32 $0xA0;
	s21 =	simm.s32 $0x220  }
0x7: {  	s22 =	simm.s32 $0xF0;
	s6 =	sand.u32 $0x1, s1;
	s7 =	sshll.u32 s0, $0x1  }
0x8: {  	s23 =	simm.s32 $0x270;
	s1 =	rddreg [dreg:$0x3];
	s7 =	sor.u32 s6, s7  }
0x9: {  	s24 =	simm.s32 $0x0;
	[smem:$0x7FF] =	sst s4;
	s8 =	smul.u32 $0x28, s7  }
0xa: {  	s10 =	sadd.s32 $0x2C00, s5;
	s6 =	ssub.s32 $0x2, s6;
	s9 =	smul.u32 $0xA000, s7  }
0xb: {  	_ =	strace $0x80000047;
	s31 =	sshrl.u32 s6, $0x1;
	s7 =	smul.u32 $0x1400, s7  }
0xc: {  	s11 =	ssub.s32 s6, s31;
	s8 =	sadd.s32 s8, s5;
	s9 =	sshrl.u32 s9, $0x3  }
0xd: {  	s7 =	sadd.s32 s10, s7;
	s11 =	smax.u32 s11, $0x1;
	s12 =	sadd.s32 s10, s9  }
0xe: {  	s5 =	sadd.s32 $0x2000, s8;
	s6 =	sadd.s32 $0x2600, s8;
	s8 =	sadd.s32 $0x500, s12  }
0xf: {  	s9 =	sadd.s32 $0xA00, s12;
	s10 =	sadd.s32 $0xF00, s12;
	s12 =	simm.s32 $0x3  }
.LBB2_1:
0x10: {  	[tilespmem:s4], [sflag:$0x3] =	stream.linear.gather [hbm4b:s5+s4], $0x140, $0x38;
	[tilespmem:$0x5300] =	vst v63  }
0x11: {  	_ =	swait.ge [sflag:s12], $0x140  }
0x12: {  	[sflag:s12] =	ssyncset.done $0x0  }
0x13: {  	[sflag:s12] =	ssyncadd.s32 $0xFFFFFEC0  }
0x14: {  	[tilespmem:s13], [sflag:$0x3] =	stream.linear.gather [hbm4b:s6+s4], $0x140, $0x38;
	[tilespmem:$0x5300] =	vst v63  }
0x15: {  	_ =	swait.ge [sflag:s12], $0x140  }
0x16: {  	[sflag:s12] =	ssyncset.done $0x0  }
0x17: {  	[sflag:s12] =	ssyncadd.s32 $0xFFFFFEC0  }
0x18: {  	[tilespmem:s15], [sflag:$0x1] =	stream.indirect.gather [hbm4b:s2+s14], $0x80, s4, s14, $0xb8;
	[tilespmem:$0x5300] =	vst v63  }
0x19: {  	_ = 	snop  }
0x1a: {  	[tilespmem:s16], [sflag:$0x2] =	stream.indirect.gather [hbm4b:s3+s14], $0x80, s13, s14, $0xb8;
	[tilespmem:$0x5300] =	vst v63  }
0x1b: {  	_ =	swait.ge [sflag:s17], $0x2800  }
0x1c: {  	[sflag:s17] =	ssyncset.done $0x0  }
0x1d: {  	[sflag:s17] =	ssyncadd.s32 $0xFFFFD800  }
0x1e: {  	_ =	swait.ge [sflag:s18], $0x2800  }
0x1f: {  	[sflag:s18] =	ssyncset.done $0x0  }
0x20: {  	s25 =	simm.s32 $0x400;
	[sflag:s18] =	ssyncadd.s32 $0xFFFFD800  }
0x21: {  	s26 =	simm.s32 $0x2C00;
	v0 =	vld [tilespmem:s25+$0x80]  }
0x22: {  	v1 =	vld [tilespmem:s26+$0x80]  }
0x23: {  	v2 =	vld [tilespmem:s25+$0xFFFFFF80]  }
0x24: {  	v3 =	vld [tilespmem:s26+$0xFFFFFF80]  }
0x25: {  	v4 =	vld [tilespmem:s25+$0x0]  }
0x26: {  	v5 =	vld [tilespmem:s26+$0x0]  }
0x27: {  	v6 =	vld [tilespmem:s25+$0xFFFFFF00];
	v0 =	vadd.f32 v1, v0  }
0x28: {  	v1 =	vld [tilespmem:s26+$0xFFFFFF00]  }
0x29: {  	[tilespmem:s25+$0x80] =	vst v0;
	v0 =	vld [tilespmem:s25+$0x90]  }
0x2a: {  	v2 =	vadd.f32 v3, v2;
	v3 =	vld [tilespmem:s26+$0x90]  }
0x2b: {  	v7 =	vld [tilespmem:s25+$0xFFFFFF10]  }
0x2c: {  	[tilespmem:s25+$0xFFFFFF80] =	vst v2;
	v2 =	vadd.f32 v5, v4;
	v4 =	vld [tilespmem:s25+$0xFFFFFF90]  }
0x2d: {  	v5 =	vld [tilespmem:s26+$0xFFFFFF90];
	v1 =	vadd.f32 v1, v6  }
0x2e: {  	[tilespmem:s25+$0x0] =	vst v2;
	v2 =	vld [tilespmem:s25+$0x10]  }
0x2f: {  	v6 =	vld [tilespmem:s26+$0x10];
	[tilespmem:s25+$0xFFFFFF00] =	vst v1;
	v0 =	vadd.f32 v3, v0  }
0x30: {  	v1 =	vld [tilespmem:s26+$0xFFFFFF10]  }
0x31: {  	[tilespmem:s25+$0x90] =	vst v0;
	v0 =	vld [tilespmem:s25+$0xA0]  }
0x32: {  	v3 =	vadd.f32 v5, v4;
	v4 =	vld [tilespmem:s26+$0xA0]  }
0x33: {  	v5 =	vld [tilespmem:s25+$0xFFFFFF20]  }
0x34: {  	[tilespmem:s25+$0xFFFFFF90] =	vst v3;
	v2 =	vadd.f32 v6, v2;
	v3 =	vld [tilespmem:s25+$0xFFFFFFA0]  }
0x35: {  	v6 =	vld [tilespmem:s26+$0xFFFFFFA0];
	v1 =	vadd.f32 v1, v7  }
0x36: {  	[tilespmem:s25+$0x10] =	vst v2;
	v2 =	vld [tilespmem:s25+$0x20]  }
0x37: {  	v7 =	vld [tilespmem:s26+$0x20];
	[tilespmem:s25+$0xFFFFFF10] =	vst v1;
	v0 =	vadd.f32 v4, v0  }
0x38: {  	v1 =	vld [tilespmem:s26+$0xFFFFFF20]  }
0x39: {  	[tilespmem:s25+$0xA0] =	vst v0;
	v0 =	vld [tilespmem:s25+$0xB0]  }
0x3a: {  	v3 =	vadd.f32 v6, v3;
	v4 =	vld [tilespmem:s26+$0xB0]  }
0x3b: {  	v6 =	vld [tilespmem:s25+$0xFFFFFF30]  }
0x3c: {  	[tilespmem:s25+$0xFFFFFFA0] =	vst v3;
	v2 =	vadd.f32 v7, v2;
	v3 =	vld [tilespmem:s25+$0xFFFFFFB0]  }
0x3d: {  	v7 =	vld [tilespmem:s26+$0xFFFFFFB0];
	v1 =	vadd.f32 v1, v5  }
0x3e: {  	[tilespmem:s25+$0x20] =	vst v2;
	v2 =	vld [tilespmem:s25+$0x30]  }
0x3f: {  	v5 =	vld [tilespmem:s26+$0x30];
	[tilespmem:s25+$0xFFFFFF20] =	vst v1;
	v0 =	vadd.f32 v4, v0  }
0x40: {  	v1 =	vld [tilespmem:s26+$0xFFFFFF30]  }
0x41: {  	[tilespmem:s25+$0xB0] =	vst v0;
	v0 =	vld [tilespmem:s25+$0xC0]  }
0x42: {  	v3 =	vadd.f32 v7, v3;
	v4 =	vld [tilespmem:s26+$0xC0]  }
0x43: {  	v7 =	vld [tilespmem:s25+$0xFFFFFF40]  }
0x44: {  	[tilespmem:s25+$0xFFFFFFB0] =	vst v3;
	v2 =	vadd.f32 v5, v2;
	v3 =	vld [tilespmem:s25+$0xFFFFFFC0]  }
0x45: {  	v5 =	vld [tilespmem:s26+$0xFFFFFFC0];
	v1 =	vadd.f32 v1, v6  }
0x46: {  	[tilespmem:s25+$0x30] =	vst v2;
	v2 =	vld [tilespmem:s25+$0x40]  }
0x47: {  	v6 =	vld [tilespmem:s26+$0x40];
	[tilespmem:s25+$0xFFFFFF30] =	vst v1;
	v0 =	vadd.f32 v4, v0  }
0x48: {  	v1 =	vld [tilespmem:s26+$0xFFFFFF40]  }
0x49: {  	[tilespmem:s25+$0xC0] =	vst v0;
	v0 =	vld [tilespmem:s25+$0xD0]  }
0x4a: {  	v3 =	vadd.f32 v5, v3;
	v4 =	vld [tilespmem:s26+$0xD0]  }
0x4b: {  	v5 =	vld [tilespmem:s25+$0xFFFFFF50]  }
0x4c: {  	[tilespmem:s25+$0xFFFFFFC0] =	vst v3;
	v2 =	vadd.f32 v6, v2;
	v3 =	vld [tilespmem:s25+$0xFFFFFFD0]  }
0x4d: {  	v6 =	vld [tilespmem:s26+$0xFFFFFFD0];
	v1 =	vadd.f32 v1, v7  }
0x4e: {  	[tilespmem:s25+$0x40] =	vst v2;
	v2 =	vld [tilespmem:s25+$0x50]  }
0x4f: {  	v7 =	vld [tilespmem:s26+$0x50];
	[tilespmem:s25+$0xFFFFFF40] =	vst v1;
	v0 =	vadd.f32 v4, v0  }
0x50: {  	v1 =	vld [tilespmem:s26+$0xFFFFFF50]  }
0x51: {  	[tilespmem:s25+$0xD0] =	vst v0;
	v0 =	vld [tilespmem:s25+$0xE0]  }
0x52: {  	v3 =	vadd.f32 v6, v3;
	v4 =	vld [tilespmem:s26+$0xE0]  }
0x53: {  	v6 =	vld [tilespmem:s25+$0xFFFFFF60]  }
0x54: {  	[tilespmem:s25+$0xFFFFFFD0] =	vst v3;
	v2 =	vadd.f32 v7, v2;
	v3 =	vld [tilespmem:s25+$0xFFFFFFE0]  }
0x55: {  	v7 =	vld [tilespmem:s26+$0xFFFFFFE0];
	v1 =	vadd.f32 v1, v5  }
0x56: {  	[tilespmem:s25+$0x50] =	vst v2;
	v2 =	vld [tilespmem:s25+$0x60]  }
0x57: {  	v5 =	vld [tilespmem:s26+$0x60];
	[tilespmem:s25+$0xFFFFFF50] =	vst v1;
	v0 =	vadd.f32 v4, v0  }
0x58: {  	v4 =	vld [tilespmem:s26+$0xFFFFFF60]  }
0x59: {  	v8 =	vld [tilespmem:s25+$0xF0];
	[tilespmem:s25+$0xE0] =	vst v0  }
0x5a: {  	v1 =	vadd.f32 v7, v3;
	v7 =	vld [tilespmem:s26+$0xF0]  }
0x5b: {  	v0 =	vld [tilespmem:s25+$0xFFFFFF70]  }
0x5c: {  	[tilespmem:s25+$0xFFFFFFE0] =	vst v1;
	v2 =	vadd.f32 v5, v2;
	v1 =	vld [tilespmem:s25+$0xFFFFFFF0]  }
0x5d: {  	v3 =	vld [tilespmem:s26+$0xFFFFFFF0];
	v4 =	vadd.f32 v4, v6  }
0x5e: {  	[tilespmem:s25+$0x60] =	vst v2;
	v2 =	vld [tilespmem:s25+$0x70]  }
0x5f: {  	[tilespmem:s25+$0xFFFFFF60] =	vst v4;
	v4 =	vld [tilespmem:s26+$0x70];
	v6 =	vadd.f32 v7, v8  }
0x60: {  	s28 =	simm.s32 $0x0;
	s29 =	simm.s32 $0x600;
	v5 =	vld [tilespmem:s26+$0xFFFFFF70]  }
.LBB2_2:
0x61: {  	v7 =	vld [tilespmem:s29+$0x80];
	[tilespmem:s25+$0xF0] =	vst v6;
	s26 =	sadd.s32 $0x200, s26  }
0x62: {  	s28 =	sadd.s32 $0x4, s28;
	v6 =	vld [tilespmem:s26+$0x80];
	v1 =	vadd.f32 v3, v1  }
0x63: {  	p0 =	slt.u32 s28, $0x4C;
	v3 =	vld [tilespmem:s26+$0xFFFFFF00]  }
0x64: {  	v8 =	vld [tilespmem:s29+$0xFFFFFF80];
	[tilespmem:s25+$0xFFFFFFF0] =	vst v1;
	v1 =	vadd.f32 v4, v2  }
0x65: {  	v2 =	vld [tilespmem:s26+$0xFFFFFF80];
	v0 =	vadd.f32 v5, v0  }
0x66: {  	v4 =	vld [tilespmem:s29+$0x0];
	[tilespmem:s25+$0x70] =	vst v1  }
0x67: {  	v1 =	vld [tilespmem:s26+$0x0];
	v5 =	vadd.f32 v6, v7;
	[tilespmem:s25+$0xFFFFFF70] =	vst v0;
	s25 =	smov.u32 s29  }
0x68: {  	v0 =	vld [tilespmem:s29+$0xFFFFFF00]  }
0x69: {  	[tilespmem:s29+$0x80] =	vst v5;
	v5 =	vld [tilespmem:s29+$0x90]  }
0x6a: {  	v2 =	vadd.f32 v2, v8;
	v6 =	vld [tilespmem:s26+$0x90]  }
0x6b: {  	v7 =	vld [tilespmem:s29+$0xFFFFFF10]  }
0x6c: {  	[tilespmem:s29+$0xFFFFFF80] =	vst v2;
	v2 =	vld [tilespmem:s29+$0xFFFFFF90];
	v1 =	vadd.f32 v1, v4  }
0x6d: {  	v0 =	vadd.f32 v3, v0;
	v3 =	vld [tilespmem:s26+$0xFFFFFF90]  }
0x6e: {  	[tilespmem:s29+$0x0] =	vst v1;
	v1 =	vld [tilespmem:s29+$0x10]  }
0x6f: {  	[tilespmem:s29+$0xFFFFFF00] =	vst v0;
	v0 =	vld [tilespmem:s26+$0x10];
	v4 =	vadd.f32 v6, v5  }
0x70: {  	v5 =	vld [tilespmem:s26+$0xFFFFFF10]  }
0x71: {  	[tilespmem:s29+$0x90] =	vst v4;
	v4 =	vld [tilespmem:s29+$0xA0]  }
0x72: {  	v2 =	vadd.f32 v3, v2;
	v3 =	vld [tilespmem:s26+$0xA0]  }
0x73: {  	v6 =	vld [tilespmem:s29+$0xFFFFFF20]  }
0x74: {  	[tilespmem:s29+$0xFFFFFF90] =	vst v2;
	v2 =	vld [tilespmem:s29+$0xFFFFFFA0];
	v0 =	vadd.f32 v0, v1  }
0x75: {  	v1 =	vadd.f32 v5, v7;
	v5 =	vld [tilespmem:s26+$0xFFFFFFA0]  }
0x76: {  	[tilespmem:s29+$0x10] =	vst v0;
	v0 =	vld [tilespmem:s29+$0x20]  }
0x77: {  	[tilespmem:s29+$0xFFFFFF10] =	vst v1;
	v1 =	vld [tilespmem:s26+$0x20];
	v3 =	vadd.f32 v3, v4  }
0x78: {  	v4 =	vld [tilespmem:s26+$0xFFFFFF20]  }
0x79: {  	[tilespmem:s29+$0xA0] =	vst v3;
	v3 =	vld [tilespmem:s29+$0xB0]  }
0x7a: {  	v2 =	vadd.f32 v5, v2;
	v5 =	vld [tilespmem:s26+$0xB0]  }
0x7b: {  	v7 =	vld [tilespmem:s29+$0xFFFFFF30]  }
0x7c: {  	[tilespmem:s29+$0xFFFFFFA0] =	vst v2;
	v2 =	vld [tilespmem:s29+$0xFFFFFFB0];
	v0 =	vadd.f32 v1, v0  }
0x7d: {  	v1 =	vadd.f32 v4, v6;
	v4 =	vld [tilespmem:s26+$0xFFFFFFB0]  }
0x7e: {  	[tilespmem:s29+$0x20] =	vst v0;
	v0 =	vld [tilespmem:s29+$0x30]  }
0x7f: {  	[tilespmem:s29+$0xFFFFFF20] =	vst v1;
	v1 =	vld [tilespmem:s26+$0x30];
	v3 =	vadd.f32 v5, v3  }
0x80: {  	v5 =	vld [tilespmem:s26+$0xFFFFFF30]  }
0x81: {  	[tilespmem:s29+$0xB0] =	vst v3;
	v3 =	vld [tilespmem:s29+$0xC0]  }
0x82: {  	v2 =	vadd.f32 v4, v2;
	v4 =	vld [tilespmem:s26+$0xC0]  }
0x83: {  	v6 =	vld [tilespmem:s29+$0xFFFFFF40]  }
0x84: {  	[tilespmem:s29+$0xFFFFFFB0] =	vst v2;
	v2 =	vld [tilespmem:s29+$0xFFFFFFC0];
	v0 =	vadd.f32 v1, v0  }
0x85: {  	v1 =	vadd.f32 v5, v7;
	v5 =	vld [tilespmem:s26+$0xFFFFFFC0]  }
0x86: {  	[tilespmem:s29+$0x30] =	vst v0;
	v0 =	vld [tilespmem:s29+$0x40]  }
0x87: {  	[tilespmem:s29+$0xFFFFFF30] =	vst v1;
	v1 =	vld [tilespmem:s26+$0x40];
	v3 =	vadd.f32 v4, v3  }
0x88: {  	v4 =	vld [tilespmem:s26+$0xFFFFFF40]  }
0x89: {  	[tilespmem:s29+$0xC0] =	vst v3;
	v3 =	vld [tilespmem:s29+$0xD0]  }
0x8a: {  	v2 =	vadd.f32 v5, v2;
	v5 =	vld [tilespmem:s26+$0xD0]  }
0x8b: {  	v7 =	vld [tilespmem:s29+$0xFFFFFF50]  }
0x8c: {  	[tilespmem:s29+$0xFFFFFFC0] =	vst v2;
	v2 =	vld [tilespmem:s29+$0xFFFFFFD0];
	v0 =	vadd.f32 v1, v0  }
0x8d: {  	v1 =	vadd.f32 v4, v6;
	v4 =	vld [tilespmem:s26+$0xFFFFFFD0]  }
0x8e: {  	[tilespmem:s29+$0x40] =	vst v0;
	v0 =	vld [tilespmem:s29+$0x50]  }
0x8f: {  	[tilespmem:s29+$0xFFFFFF40] =	vst v1;
	v1 =	vld [tilespmem:s26+$0x50];
	v3 =	vadd.f32 v5, v3  }
0x90: {  	v5 =	vld [tilespmem:s26+$0xFFFFFF50]  }
0x91: {  	[tilespmem:s29+$0xD0] =	vst v3;
	v3 =	vld [tilespmem:s29+$0xE0]  }
0x92: {  	v2 =	vadd.f32 v4, v2;
	v4 =	vld [tilespmem:s26+$0xE0]  }
0x93: {  	v6 =	vld [tilespmem:s29+$0xFFFFFF60]  }
0x94: {  	[tilespmem:s29+$0xFFFFFFD0] =	vst v2;
	v2 =	vld [tilespmem:s29+$0xFFFFFFE0];
	v0 =	vadd.f32 v1, v0  }
0x95: {  	v1 =	vadd.f32 v5, v7;
	v5 =	vld [tilespmem:s26+$0xFFFFFFE0]  }
0x96: {  	[tilespmem:s29+$0x50] =	vst v0;
	v7 =	vld [tilespmem:s29+$0x60]  }
0x97: {  	[tilespmem:s29+$0xFFFFFF50] =	vst v1;
	v8 =	vld [tilespmem:s26+$0x60];
	v0 =	vadd.f32 v4, v3  }
0x98: {  	v3 =	vld [tilespmem:s26+$0xFFFFFF60]  }
0x99: {  	[tilespmem:s29+$0xE0] =	vst v0;
	v9 =	vld [tilespmem:s29+$0xF0]  }
0x9a: {  	v1 =	vadd.f32 v5, v2;
	v5 =	vld [tilespmem:s26+$0xF0]  }
0x9b: {  	v0 =	vld [tilespmem:s29+$0xFFFFFF70]  }
.Ltmp0:
0x9c: {  	[tilespmem:s29+$0xFFFFFFE0] =	vst v1;
	v1 =	vld [tilespmem:s29+$0xFFFFFFF0];
	v2 =	vadd.f32 v8, v7;
	(pc) =	sbr.rel @p0 .LBB2_2-.Ltmp0, $4  }
0x9d: {  	v4 =	vadd.f32 v3, v6;
	v3 =	vld [tilespmem:s26+$0xFFFFFFF0]  }
0x9e: {  	[tilespmem:s29+$0x60] =	vst v2;
	v2 =	vld [tilespmem:s29+$0x70]  }
0x9f: {  	[tilespmem:s29+$0xFFFFFF60] =	vst v4;
	v4 =	vld [tilespmem:s26+$0x70];
	v6 =	vadd.f32 v5, v9  }
0xa0: {  	s29 =	sadd.s32 $0x200, s29;
	v5 =	vld [tilespmem:s26+$0xFFFFFF70]  }
0xa1: {  	_ =	sdelay $0x1  }
0xa2: {  	v1 =	vadd.f32 v3, v1  }
0xa3: {  	[tilespmem:s25+$0xF0] =	vst v6;
	v2 =	vadd.f32 v4, v2  }
0xa4: {  	[tilespmem:s25+$0xFFFFFFF0] =	vst v1;
	v0 =	vadd.f32 v5, v0  }
0xa5: {  	[tilespmem:s25+$0x70] =	vst v2  }
0xa6: {  	[tilespmem:s25+$0xFFFFFF70] =	vst v0  }
0xa7: {  	[hbm4b:s7+s4] =	stream.linear.scatter [tilespmem:s15], [sflag:$0x3], $0x2800, $0x38;
	[tilespmem:$0x5300] =	vst v63  }
0xa8: {  	_ =	swait.ge [sflag:s12], $0x2800  }
0xa9: {  	[sflag:s12] =	ssyncset.done $0x0  }
0xaa: {  	[sflag:s12] =	ssyncadd.s32 $0xFFFFD800  }
0xab: {  	[tilespmem:s15], [sflag:$0x1] =	stream.indirect.gather [hbm4b:s2+s14], $0x80, s14, s14, $0xb8;
	[tilespmem:$0x5300] =	vst v63  }
0xac: {  	_ = 	snop  }
0xad: {  	[tilespmem:s16], [sflag:$0x2] =	stream.indirect.gather [hbm4b:s3+s14], $0x80, s19, s14, $0xb8;
	[tilespmem:$0x5300] =	vst v63  }
0xae: {  	_ =	swait.ge [sflag:s17], $0x2800  }
0xaf: {  	[sflag:s17] =	ssyncset.done $0x0  }
0xb0: {  	[sflag:s17] =	ssyncadd.s32 $0xFFFFD800  }
0xb1: {  	_ =	swait.ge [sflag:s18], $0x2800  }
0xb2: {  	[sflag:s18] =	ssyncset.done $0x0  }
0xb3: {  	s25 =	simm.s32 $0x400;
	[sflag:s18] =	ssyncadd.s32 $0xFFFFD800  }
0xb4: {  	s26 =	simm.s32 $0x2C00;
	v0 =	vld [tilespmem:s25+$0x80]  }
0xb5: {  	v1 =	vld [tilespmem:s26+$0x80]  }
0xb6: {  	v2 =	vld [tilespmem:s25+$0xFFFFFF80]  }
0xb7: {  	v3 =	vld [tilespmem:s26+$0xFFFFFF80]  }
0xb8: {  	v4 =	vld [tilespmem:s25+$0x0]  }
0xb9: {  	v5 =	vld [tilespmem:s26+$0x0]  }
0xba: {  	v6 =	vld [tilespmem:s25+$0xFFFFFF00];
	v0 =	vadd.f32 v1, v0  }
0xbb: {  	v1 =	vld [tilespmem:s26+$0xFFFFFF00]  }
0xbc: {  	[tilespmem:s25+$0x80] =	vst v0;
	v0 =	vld [tilespmem:s25+$0x90]  }
0xbd: {  	v2 =	vadd.f32 v3, v2;
	v3 =	vld [tilespmem:s26+$0x90]  }
0xbe: {  	v7 =	vld [tilespmem:s25+$0xFFFFFF10]  }
0xbf: {  	[tilespmem:s25+$0xFFFFFF80] =	vst v2;
	v2 =	vadd.f32 v5, v4;
	v4 =	vld [tilespmem:s25+$0xFFFFFF90]  }
0xc0: {  	v5 =	vld [tilespmem:s26+$0xFFFFFF90];
	v1 =	vadd.f32 v1, v6  }
0xc1: {  	[tilespmem:s25+$0x0] =	vst v2;
	v2 =	vld [tilespmem:s25+$0x10]  }
0xc2: {  	v6 =	vld [tilespmem:s26+$0x10];
	[tilespmem:s25+$0xFFFFFF00] =	vst v1;
	v0 =	vadd.f32 v3, v0  }
0xc3: {  	v1 =	vld [tilespmem:s26+$0xFFFFFF10]  }
0xc4: {  	[tilespmem:s25+$0x90] =	vst v0;
	v0 =	vld [tilespmem:s25+$0xA0]  }
0xc5: {  	v3 =	vadd.f32 v5, v4;
	v4 =	vld [tilespmem:s26+$0xA0]  }
0xc6: {  	v5 =	vld [tilespmem:s25+$0xFFFFFF20]  }
0xc7: {  	[tilespmem:s25+$0xFFFFFF90] =	vst v3;
	v2 =	vadd.f32 v6, v2;
	v3 =	vld [tilespmem:s25+$0xFFFFFFA0]  }
0xc8: {  	v6 =	vld [tilespmem:s26+$0xFFFFFFA0];
	v1 =	vadd.f32 v1, v7  }
0xc9: {  	[tilespmem:s25+$0x10] =	vst v2;
	v2 =	vld [tilespmem:s25+$0x20]  }
0xca: {  	v7 =	vld [tilespmem:s26+$0x20];
	[tilespmem:s25+$0xFFFFFF10] =	vst v1;
	v0 =	vadd.f32 v4, v0  }
0xcb: {  	v1 =	vld [tilespmem:s26+$0xFFFFFF20]  }
0xcc: {  	[tilespmem:s25+$0xA0] =	vst v0;
	v0 =	vld [tilespmem:s25+$0xB0]  }
0xcd: {  	v3 =	vadd.f32 v6, v3;
	v4 =	vld [tilespmem:s26+$0xB0]  }
0xce: {  	v6 =	vld [tilespmem:s25+$0xFFFFFF30]  }
0xcf: {  	[tilespmem:s25+$0xFFFFFFA0] =	vst v3;
	v2 =	vadd.f32 v7, v2;
	v3 =	vld [tilespmem:s25+$0xFFFFFFB0]  }
0xd0: {  	v7 =	vld [tilespmem:s26+$0xFFFFFFB0];
	v1 =	vadd.f32 v1, v5  }
0xd1: {  	[tilespmem:s25+$0x20] =	vst v2;
	v2 =	vld [tilespmem:s25+$0x30]  }
0xd2: {  	v5 =	vld [tilespmem:s26+$0x30];
	[tilespmem:s25+$0xFFFFFF20] =	vst v1;
	v0 =	vadd.f32 v4, v0  }
0xd3: {  	v1 =	vld [tilespmem:s26+$0xFFFFFF30]  }
0xd4: {  	[tilespmem:s25+$0xB0] =	vst v0;
	v0 =	vld [tilespmem:s25+$0xC0]  }
0xd5: {  	v3 =	vadd.f32 v7, v3;
	v4 =	vld [tilespmem:s26+$0xC0]  }
0xd6: {  	v7 =	vld [tilespmem:s25+$0xFFFFFF40]  }
0xd7: {  	[tilespmem:s25+$0xFFFFFFB0] =	vst v3;
	v2 =	vadd.f32 v5, v2;
	v3 =	vld [tilespmem:s25+$0xFFFFFFC0]  }
0xd8: {  	v5 =	vld [tilespmem:s26+$0xFFFFFFC0];
	v1 =	vadd.f32 v1, v6  }
0xd9: {  	[tilespmem:s25+$0x30] =	vst v2;
	v2 =	vld [tilespmem:s25+$0x40]  }
0xda: {  	v6 =	vld [tilespmem:s26+$0x40];
	[tilespmem:s25+$0xFFFFFF30] =	vst v1;
	v0 =	vadd.f32 v4, v0  }
0xdb: {  	v1 =	vld [tilespmem:s26+$0xFFFFFF40]  }
0xdc: {  	[tilespmem:s25+$0xC0] =	vst v0;
	v0 =	vld [tilespmem:s25+$0xD0]  }
0xdd: {  	v3 =	vadd.f32 v5, v3;
	v4 =	vld [tilespmem:s26+$0xD0]  }
0xde: {  	v5 =	vld [tilespmem:s25+$0xFFFFFF50]  }
0xdf: {  	[tilespmem:s25+$0xFFFFFFC0] =	vst v3;
	v2 =	vadd.f32 v6, v2;
	v3 =	vld [tilespmem:s25+$0xFFFFFFD0]  }
0xe0: {  	v6 =	vld [tilespmem:s26+$0xFFFFFFD0];
	v1 =	vadd.f32 v1, v7  }
0xe1: {  	[tilespmem:s25+$0x40] =	vst v2;
	v2 =	vld [tilespmem:s25+$0x50]  }
0xe2: {  	v7 =	vld [tilespmem:s26+$0x50];
	[tilespmem:s25+$0xFFFFFF40] =	vst v1;
	v0 =	vadd.f32 v4, v0  }
0xe3: {  	v1 =	vld [tilespmem:s26+$0xFFFFFF50]  }
0xe4: {  	[tilespmem:s25+$0xD0] =	vst v0;
	v0 =	vld [tilespmem:s25+$0xE0]  }
0xe5: {  	v3 =	vadd.f32 v6, v3;
	v4 =	vld [tilespmem:s26+$0xE0]  }
0xe6: {  	v6 =	vld [tilespmem:s25+$0xFFFFFF60]  }
0xe7: {  	[tilespmem:s25+$0xFFFFFFD0] =	vst v3;
	v2 =	vadd.f32 v7, v2;
	v3 =	vld [tilespmem:s25+$0xFFFFFFE0]  }
0xe8: {  	v7 =	vld [tilespmem:s26+$0xFFFFFFE0];
	v1 =	vadd.f32 v1, v5  }
0xe9: {  	[tilespmem:s25+$0x50] =	vst v2;
	v2 =	vld [tilespmem:s25+$0x60]  }
0xea: {  	v5 =	vld [tilespmem:s26+$0x60];
	[tilespmem:s25+$0xFFFFFF50] =	vst v1;
	v0 =	vadd.f32 v4, v0  }
0xeb: {  	v4 =	vld [tilespmem:s26+$0xFFFFFF60]  }
0xec: {  	v8 =	vld [tilespmem:s25+$0xF0];
	[tilespmem:s25+$0xE0] =	vst v0  }
0xed: {  	v1 =	vadd.f32 v7, v3;
	v7 =	vld [tilespmem:s26+$0xF0]  }
0xee: {  	v0 =	vld [tilespmem:s25+$0xFFFFFF70]  }
0xef: {  	[tilespmem:s25+$0xFFFFFFE0] =	vst v1;
	v2 =	vadd.f32 v5, v2;
	v1 =	vld [tilespmem:s25+$0xFFFFFFF0]  }
0xf0: {  	v3 =	vld [tilespmem:s26+$0xFFFFFFF0];
	v4 =	vadd.f32 v4, v6  }
0xf1: {  	[tilespmem:s25+$0x60] =	vst v2;
	v2 =	vld [tilespmem:s25+$0x70]  }
0xf2: {  	[tilespmem:s25+$0xFFFFFF60] =	vst v4;
	v4 =	vld [tilespmem:s26+$0x70];
	v6 =	vadd.f32 v7, v8  }
0xf3: {  	s28 =	simm.s32 $0x0;
	s29 =	simm.s32 $0x600;
	v5 =	vld [tilespmem:s26+$0xFFFFFF70]  }
.LBB2_4:
0xf4: {  	v7 =	vld [tilespmem:s29+$0x80];
	[tilespmem:s25+$0xF0] =	vst v6;
	s26 =	sadd.s32 $0x200, s26  }
0xf5: {  	s28 =	sadd.s32 $0x4, s28;
	v6 =	vld [tilespmem:s26+$0x80];
	v1 =	vadd.f32 v3, v1  }
0xf6: {  	p0 =	slt.u32 s28, $0x4C;
	v3 =	vld [tilespmem:s26+$0xFFFFFF00]  }
0xf7: {  	v8 =	vld [tilespmem:s29+$0xFFFFFF80];
	[tilespmem:s25+$0xFFFFFFF0] =	vst v1;
	v1 =	vadd.f32 v4, v2  }
0xf8: {  	v2 =	vld [tilespmem:s26+$0xFFFFFF80];
	v0 =	vadd.f32 v5, v0  }
0xf9: {  	v4 =	vld [tilespmem:s29+$0x0];
	[tilespmem:s25+$0x70] =	vst v1  }
0xfa: {  	v1 =	vld [tilespmem:s26+$0x0];
	v5 =	vadd.f32 v6, v7;
	[tilespmem:s25+$0xFFFFFF70] =	vst v0;
	s25 =	smov.u32 s29  }
0xfb: {  	v0 =	vld [tilespmem:s29+$0xFFFFFF00]  }
0xfc: {  	[tilespmem:s29+$0x80] =	vst v5;
	v5 =	vld [tilespmem:s29+$0x90]  }
0xfd: {  	v2 =	vadd.f32 v2, v8;
	v6 =	vld [tilespmem:s26+$0x90]  }
0xfe: {  	v7 =	vld [tilespmem:s29+$0xFFFFFF10]  }
0xff: {  	[tilespmem:s29+$0xFFFFFF80] =	vst v2;
	v2 =	vld [tilespmem:s29+$0xFFFFFF90];
	v1 =	vadd.f32 v1, v4  }
0x100: {  	v0 =	vadd.f32 v3, v0;
	v3 =	vld [tilespmem:s26+$0xFFFFFF90]  }
0x101: {  	[tilespmem:s29+$0x0] =	vst v1;
	v1 =	vld [tilespmem:s29+$0x10]  }
0x102: {  	[tilespmem:s29+$0xFFFFFF00] =	vst v0;
	v0 =	vld [tilespmem:s26+$0x10];
	v4 =	vadd.f32 v6, v5  }
0x103: {  	v5 =	vld [tilespmem:s26+$0xFFFFFF10]  }
0x104: {  	[tilespmem:s29+$0x90] =	vst v4;
	v4 =	vld [tilespmem:s29+$0xA0]  }
0x105: {  	v2 =	vadd.f32 v3, v2;
	v3 =	vld [tilespmem:s26+$0xA0]  }
0x106: {  	v6 =	vld [tilespmem:s29+$0xFFFFFF20]  }
0x107: {  	[tilespmem:s29+$0xFFFFFF90] =	vst v2;
	v2 =	vld [tilespmem:s29+$0xFFFFFFA0];
	v0 =	vadd.f32 v0, v1  }
0x108: {  	v1 =	vadd.f32 v5, v7;
	v5 =	vld [tilespmem:s26+$0xFFFFFFA0]  }
0x109: {  	[tilespmem:s29+$0x10] =	vst v0;
	v0 =	vld [tilespmem:s29+$0x20]  }
0x10a: {  	[tilespmem:s29+$0xFFFFFF10] =	vst v1;
	v1 =	vld [tilespmem:s26+$0x20];
	v3 =	vadd.f32 v3, v4  }
0x10b: {  	v4 =	vld [tilespmem:s26+$0xFFFFFF20]  }
0x10c: {  	[tilespmem:s29+$0xA0] =	vst v3;
	v3 =	vld [tilespmem:s29+$0xB0]  }
0x10d: {  	v2 =	vadd.f32 v5, v2;
	v5 =	vld [tilespmem:s26+$0xB0]  }
0x10e: {  	v7 =	vld [tilespmem:s29+$0xFFFFFF30]  }
0x10f: {  	[tilespmem:s29+$0xFFFFFFA0] =	vst v2;
	v2 =	vld [tilespmem:s29+$0xFFFFFFB0];
	v0 =	vadd.f32 v1, v0  }
0x110: {  	v1 =	vadd.f32 v4, v6;
	v4 =	vld [tilespmem:s26+$0xFFFFFFB0]  }
0x111: {  	[tilespmem:s29+$0x20] =	vst v0;
	v0 =	vld [tilespmem:s29+$0x30]  }
0x112: {  	[tilespmem:s29+$0xFFFFFF20] =	vst v1;
	v1 =	vld [tilespmem:s26+$0x30];
	v3 =	vadd.f32 v5, v3  }
0x113: {  	v5 =	vld [tilespmem:s26+$0xFFFFFF30]  }
0x114: {  	[tilespmem:s29+$0xB0] =	vst v3;
	v3 =	vld [tilespmem:s29+$0xC0]  }
0x115: {  	v2 =	vadd.f32 v4, v2;
	v4 =	vld [tilespmem:s26+$0xC0]  }
0x116: {  	v6 =	vld [tilespmem:s29+$0xFFFFFF40]  }
0x117: {  	[tilespmem:s29+$0xFFFFFFB0] =	vst v2;
	v2 =	vld [tilespmem:s29+$0xFFFFFFC0];
	v0 =	vadd.f32 v1, v0  }
0x118: {  	v1 =	vadd.f32 v5, v7;
	v5 =	vld [tilespmem:s26+$0xFFFFFFC0]  }
0x119: {  	[tilespmem:s29+$0x30] =	vst v0;
	v0 =	vld [tilespmem:s29+$0x40]  }
0x11a: {  	[tilespmem:s29+$0xFFFFFF30] =	vst v1;
	v1 =	vld [tilespmem:s26+$0x40];
	v3 =	vadd.f32 v4, v3  }
0x11b: {  	v4 =	vld [tilespmem:s26+$0xFFFFFF40]  }
0x11c: {  	[tilespmem:s29+$0xC0] =	vst v3;
	v3 =	vld [tilespmem:s29+$0xD0]  }
0x11d: {  	v2 =	vadd.f32 v5, v2;
	v5 =	vld [tilespmem:s26+$0xD0]  }
0x11e: {  	v7 =	vld [tilespmem:s29+$0xFFFFFF50]  }
0x11f: {  	[tilespmem:s29+$0xFFFFFFC0] =	vst v2;
	v2 =	vld [tilespmem:s29+$0xFFFFFFD0];
	v0 =	vadd.f32 v1, v0  }
0x120: {  	v1 =	vadd.f32 v4, v6;
	v4 =	vld [tilespmem:s26+$0xFFFFFFD0]  }
0x121: {  	[tilespmem:s29+$0x40] =	vst v0;
	v0 =	vld [tilespmem:s29+$0x50]  }
0x122: {  	[tilespmem:s29+$0xFFFFFF40] =	vst v1;
	v1 =	vld [tilespmem:s26+$0x50];
	v3 =	vadd.f32 v5, v3  }
0x123: {  	v5 =	vld [tilespmem:s26+$0xFFFFFF50]  }
0x124: {  	[tilespmem:s29+$0xD0] =	vst v3;
	v3 =	vld [tilespmem:s29+$0xE0]  }
0x125: {  	v2 =	vadd.f32 v4, v2;
	v4 =	vld [tilespmem:s26+$0xE0]  }
0x126: {  	v6 =	vld [tilespmem:s29+$0xFFFFFF60]  }
0x127: {  	[tilespmem:s29+$0xFFFFFFD0] =	vst v2;
	v2 =	vld [tilespmem:s29+$0xFFFFFFE0];
	v0 =	vadd.f32 v1, v0  }
0x128: {  	v1 =	vadd.f32 v5, v7;
	v5 =	vld [tilespmem:s26+$0xFFFFFFE0]  }
0x129: {  	[tilespmem:s29+$0x50] =	vst v0;
	v7 =	vld [tilespmem:s29+$0x60]  }
0x12a: {  	[tilespmem:s29+$0xFFFFFF50] =	vst v1;
	v8 =	vld [tilespmem:s26+$0x60];
	v0 =	vadd.f32 v4, v3  }
0x12b: {  	v3 =	vld [tilespmem:s26+$0xFFFFFF60]  }
0x12c: {  	[tilespmem:s29+$0xE0] =	vst v0;
	v9 =	vld [tilespmem:s29+$0xF0]  }
0x12d: {  	v1 =	vadd.f32 v5, v2;
	v5 =	vld [tilespmem:s26+$0xF0]  }
0x12e: {  	v0 =	vld [tilespmem:s29+$0xFFFFFF70]  }
.Ltmp1:
0x12f: {  	[tilespmem:s29+$0xFFFFFFE0] =	vst v1;
	v1 =	vld [tilespmem:s29+$0xFFFFFFF0];
	v2 =	vadd.f32 v8, v7;
	(pc) =	sbr.rel @p0 .LBB2_4-.Ltmp1, $4  }
0x130: {  	v4 =	vadd.f32 v3, v6;
	v3 =	vld [tilespmem:s26+$0xFFFFFFF0]  }
0x131: {  	[tilespmem:s29+$0x60] =	vst v2;
	v2 =	vld [tilespmem:s29+$0x70]  }
0x132: {  	[tilespmem:s29+$0xFFFFFF60] =	vst v4;
	v4 =	vld [tilespmem:s26+$0x70];
	v6 =	vadd.f32 v5, v9  }
0x133: {  	s29 =	sadd.s32 $0x200, s29;
	v5 =	vld [tilespmem:s26+$0xFFFFFF70]  }
0x134: {  	_ =	sdelay $0x1  }
0x135: {  	v1 =	vadd.f32 v3, v1  }
0x136: {  	[tilespmem:s25+$0xF0] =	vst v6;
	v2 =	vadd.f32 v4, v2  }
0x137: {  	[tilespmem:s25+$0xFFFFFFF0] =	vst v1;
	v0 =	vadd.f32 v5, v0  }
0x138: {  	[tilespmem:s25+$0x70] =	vst v2  }
0x139: {  	[tilespmem:s25+$0xFFFFFF70] =	vst v0  }
0x13a: {  	[hbm4b:s8+s4] =	stream.linear.scatter [tilespmem:s15], [sflag:$0x3], $0x2800, $0x38;
	[tilespmem:$0x5300] =	vst v63  }
0x13b: {  	_ =	swait.ge [sflag:s12], $0x2800  }
0x13c: {  	[sflag:s12] =	ssyncset.done $0x0  }
0x13d: {  	[sflag:s12] =	ssyncadd.s32 $0xFFFFD800  }
0x13e: {  	[tilespmem:s15], [sflag:$0x1] =	stream.indirect.gather [hbm4b:s2+s14], $0x80, s20, s14, $0xb8;
	[tilespmem:$0x5300] =	vst v63  }
0x13f: {  	_ = 	snop  }
0x140: {  	[tilespmem:s16], [sflag:$0x2] =	stream.indirect.gather [hbm4b:s3+s14], $0x80, s21, s14, $0xb8;
	[tilespmem:$0x5300] =	vst v63  }
0x141: {  	_ =	swait.ge [sflag:s17], $0x2800  }
0x142: {  	[sflag:s17] =	ssyncset.done $0x0  }
0x143: {  	[sflag:s17] =	ssyncadd.s32 $0xFFFFD800  }
0x144: {  	_ =	swait.ge [sflag:s18], $0x2800  }
0x145: {  	[sflag:s18] =	ssyncset.done $0x0  }
0x146: {  	s25 =	simm.s32 $0x400;
	[sflag:s18] =	ssyncadd.s32 $0xFFFFD800  }
0x147: {  	s26 =	simm.s32 $0x2C00;
	v0 =	vld [tilespmem:s25+$0x80]  }
0x148: {  	v1 =	vld [tilespmem:s26+$0x80]  }
0x149: {  	v2 =	vld [tilespmem:s25+$0xFFFFFF80]  }
0x14a: {  	v3 =	vld [tilespmem:s26+$0xFFFFFF80]  }
0x14b: {  	v4 =	vld [tilespmem:s25+$0x0]  }
0x14c: {  	v5 =	vld [tilespmem:s26+$0x0]  }
0x14d: {  	v6 =	vld [tilespmem:s25+$0xFFFFFF00];
	v0 =	vadd.f32 v1, v0  }
0x14e: {  	v1 =	vld [tilespmem:s26+$0xFFFFFF00]  }
0x14f: {  	[tilespmem:s25+$0x80] =	vst v0;
	v0 =	vld [tilespmem:s25+$0x90]  }
0x150: {  	v2 =	vadd.f32 v3, v2;
	v3 =	vld [tilespmem:s26+$0x90]  }
0x151: {  	v7 =	vld [tilespmem:s25+$0xFFFFFF10]  }
0x152: {  	[tilespmem:s25+$0xFFFFFF80] =	vst v2;
	v2 =	vadd.f32 v5, v4;
	v4 =	vld [tilespmem:s25+$0xFFFFFF90]  }
0x153: {  	v5 =	vld [tilespmem:s26+$0xFFFFFF90];
	v1 =	vadd.f32 v1, v6  }
0x154: {  	[tilespmem:s25+$0x0] =	vst v2;
	v2 =	vld [tilespmem:s25+$0x10]  }
0x155: {  	v6 =	vld [tilespmem:s26+$0x10];
	[tilespmem:s25+$0xFFFFFF00] =	vst v1;
	v0 =	vadd.f32 v3, v0  }
0x156: {  	v1 =	vld [tilespmem:s26+$0xFFFFFF10]  }
0x157: {  	[tilespmem:s25+$0x90] =	vst v0;
	v0 =	vld [tilespmem:s25+$0xA0]  }
0x158: {  	v3 =	vadd.f32 v5, v4;
	v4 =	vld [tilespmem:s26+$0xA0]  }
0x159: {  	v5 =	vld [tilespmem:s25+$0xFFFFFF20]  }
0x15a: {  	[tilespmem:s25+$0xFFFFFF90] =	vst v3;
	v2 =	vadd.f32 v6, v2;
	v3 =	vld [tilespmem:s25+$0xFFFFFFA0]  }
0x15b: {  	v6 =	vld [tilespmem:s26+$0xFFFFFFA0];
	v1 =	vadd.f32 v1, v7  }
0x15c: {  	[tilespmem:s25+$0x10] =	vst v2;
	v2 =	vld [tilespmem:s25+$0x20]  }
0x15d: {  	v7 =	vld [tilespmem:s26+$0x20];
	[tilespmem:s25+$0xFFFFFF10] =	vst v1;
	v0 =	vadd.f32 v4, v0  }
0x15e: {  	v1 =	vld [tilespmem:s26+$0xFFFFFF20]  }
0x15f: {  	[tilespmem:s25+$0xA0] =	vst v0;
	v0 =	vld [tilespmem:s25+$0xB0]  }
0x160: {  	v3 =	vadd.f32 v6, v3;
	v4 =	vld [tilespmem:s26+$0xB0]  }
0x161: {  	v6 =	vld [tilespmem:s25+$0xFFFFFF30]  }
0x162: {  	[tilespmem:s25+$0xFFFFFFA0] =	vst v3;
	v2 =	vadd.f32 v7, v2;
	v3 =	vld [tilespmem:s25+$0xFFFFFFB0]  }
0x163: {  	v7 =	vld [tilespmem:s26+$0xFFFFFFB0];
	v1 =	vadd.f32 v1, v5  }
0x164: {  	[tilespmem:s25+$0x20] =	vst v2;
	v2 =	vld [tilespmem:s25+$0x30]  }
0x165: {  	v5 =	vld [tilespmem:s26+$0x30];
	[tilespmem:s25+$0xFFFFFF20] =	vst v1;
	v0 =	vadd.f32 v4, v0  }
0x166: {  	v1 =	vld [tilespmem:s26+$0xFFFFFF30]  }
0x167: {  	[tilespmem:s25+$0xB0] =	vst v0;
	v0 =	vld [tilespmem:s25+$0xC0]  }
0x168: {  	v3 =	vadd.f32 v7, v3;
	v4 =	vld [tilespmem:s26+$0xC0]  }
0x169: {  	v7 =	vld [tilespmem:s25+$0xFFFFFF40]  }
0x16a: {  	[tilespmem:s25+$0xFFFFFFB0] =	vst v3;
	v2 =	vadd.f32 v5, v2;
	v3 =	vld [tilespmem:s25+$0xFFFFFFC0]  }
0x16b: {  	v5 =	vld [tilespmem:s26+$0xFFFFFFC0];
	v1 =	vadd.f32 v1, v6  }
0x16c: {  	[tilespmem:s25+$0x30] =	vst v2;
	v2 =	vld [tilespmem:s25+$0x40]  }
0x16d: {  	v6 =	vld [tilespmem:s26+$0x40];
	[tilespmem:s25+$0xFFFFFF30] =	vst v1;
	v0 =	vadd.f32 v4, v0  }
0x16e: {  	v1 =	vld [tilespmem:s26+$0xFFFFFF40]  }
0x16f: {  	[tilespmem:s25+$0xC0] =	vst v0;
	v0 =	vld [tilespmem:s25+$0xD0]  }
0x170: {  	v3 =	vadd.f32 v5, v3;
	v4 =	vld [tilespmem:s26+$0xD0]  }
0x171: {  	v5 =	vld [tilespmem:s25+$0xFFFFFF50]  }
0x172: {  	[tilespmem:s25+$0xFFFFFFC0] =	vst v3;
	v2 =	vadd.f32 v6, v2;
	v3 =	vld [tilespmem:s25+$0xFFFFFFD0]  }
0x173: {  	v6 =	vld [tilespmem:s26+$0xFFFFFFD0];
	v1 =	vadd.f32 v1, v7  }
0x174: {  	[tilespmem:s25+$0x40] =	vst v2;
	v2 =	vld [tilespmem:s25+$0x50]  }
0x175: {  	v7 =	vld [tilespmem:s26+$0x50];
	[tilespmem:s25+$0xFFFFFF40] =	vst v1;
	v0 =	vadd.f32 v4, v0  }
0x176: {  	v1 =	vld [tilespmem:s26+$0xFFFFFF50]  }
0x177: {  	[tilespmem:s25+$0xD0] =	vst v0;
	v0 =	vld [tilespmem:s25+$0xE0]  }
0x178: {  	v3 =	vadd.f32 v6, v3;
	v4 =	vld [tilespmem:s26+$0xE0]  }
0x179: {  	v6 =	vld [tilespmem:s25+$0xFFFFFF60]  }
0x17a: {  	[tilespmem:s25+$0xFFFFFFD0] =	vst v3;
	v2 =	vadd.f32 v7, v2;
	v3 =	vld [tilespmem:s25+$0xFFFFFFE0]  }
0x17b: {  	v7 =	vld [tilespmem:s26+$0xFFFFFFE0];
	v1 =	vadd.f32 v1, v5  }
0x17c: {  	[tilespmem:s25+$0x50] =	vst v2;
	v2 =	vld [tilespmem:s25+$0x60]  }
0x17d: {  	v5 =	vld [tilespmem:s26+$0x60];
	[tilespmem:s25+$0xFFFFFF50] =	vst v1;
	v0 =	vadd.f32 v4, v0  }
0x17e: {  	v4 =	vld [tilespmem:s26+$0xFFFFFF60]  }
0x17f: {  	v8 =	vld [tilespmem:s25+$0xF0];
	[tilespmem:s25+$0xE0] =	vst v0  }
0x180: {  	v1 =	vadd.f32 v7, v3;
	v7 =	vld [tilespmem:s26+$0xF0]  }
0x181: {  	v0 =	vld [tilespmem:s25+$0xFFFFFF70]  }
0x182: {  	[tilespmem:s25+$0xFFFFFFE0] =	vst v1;
	v2 =	vadd.f32 v5, v2;
	v1 =	vld [tilespmem:s25+$0xFFFFFFF0]  }
0x183: {  	v3 =	vld [tilespmem:s26+$0xFFFFFFF0];
	v4 =	vadd.f32 v4, v6  }
0x184: {  	[tilespmem:s25+$0x60] =	vst v2;
	v2 =	vld [tilespmem:s25+$0x70]  }
0x185: {  	[tilespmem:s25+$0xFFFFFF60] =	vst v4;
	v4 =	vld [tilespmem:s26+$0x70];
	v6 =	vadd.f32 v7, v8  }
0x186: {  	s28 =	simm.s32 $0x0;
	s29 =	simm.s32 $0x600;
	v5 =	vld [tilespmem:s26+$0xFFFFFF70]  }
.LBB2_6:
0x187: {  	v7 =	vld [tilespmem:s29+$0x80];
	[tilespmem:s25+$0xF0] =	vst v6;
	s26 =	sadd.s32 $0x200, s26  }
0x188: {  	s28 =	sadd.s32 $0x4, s28;
	v6 =	vld [tilespmem:s26+$0x80];
	v1 =	vadd.f32 v3, v1  }
0x189: {  	p0 =	slt.u32 s28, $0x4C;
	v3 =	vld [tilespmem:s26+$0xFFFFFF00]  }
0x18a: {  	v8 =	vld [tilespmem:s29+$0xFFFFFF80];
	[tilespmem:s25+$0xFFFFFFF0] =	vst v1;
	v1 =	vadd.f32 v4, v2  }
0x18b: {  	v2 =	vld [tilespmem:s26+$0xFFFFFF80];
	v0 =	vadd.f32 v5, v0  }
0x18c: {  	v4 =	vld [tilespmem:s29+$0x0];
	[tilespmem:s25+$0x70] =	vst v1  }
0x18d: {  	v1 =	vld [tilespmem:s26+$0x0];
	v5 =	vadd.f32 v6, v7;
	[tilespmem:s25+$0xFFFFFF70] =	vst v0;
	s25 =	smov.u32 s29  }
0x18e: {  	v0 =	vld [tilespmem:s29+$0xFFFFFF00]  }
0x18f: {  	[tilespmem:s29+$0x80] =	vst v5;
	v5 =	vld [tilespmem:s29+$0x90]  }
0x190: {  	v2 =	vadd.f32 v2, v8;
	v6 =	vld [tilespmem:s26+$0x90]  }
0x191: {  	v7 =	vld [tilespmem:s29+$0xFFFFFF10]  }
0x192: {  	[tilespmem:s29+$0xFFFFFF80] =	vst v2;
	v2 =	vld [tilespmem:s29+$0xFFFFFF90];
	v1 =	vadd.f32 v1, v4  }
0x193: {  	v0 =	vadd.f32 v3, v0;
	v3 =	vld [tilespmem:s26+$0xFFFFFF90]  }
0x194: {  	[tilespmem:s29+$0x0] =	vst v1;
	v1 =	vld [tilespmem:s29+$0x10]  }
0x195: {  	[tilespmem:s29+$0xFFFFFF00] =	vst v0;
	v0 =	vld [tilespmem:s26+$0x10];
	v4 =	vadd.f32 v6, v5  }
0x196: {  	v5 =	vld [tilespmem:s26+$0xFFFFFF10]  }
0x197: {  	[tilespmem:s29+$0x90] =	vst v4;
	v4 =	vld [tilespmem:s29+$0xA0]  }
0x198: {  	v2 =	vadd.f32 v3, v2;
	v3 =	vld [tilespmem:s26+$0xA0]  }
0x199: {  	v6 =	vld [tilespmem:s29+$0xFFFFFF20]  }
0x19a: {  	[tilespmem:s29+$0xFFFFFF90] =	vst v2;
	v2 =	vld [tilespmem:s29+$0xFFFFFFA0];
	v0 =	vadd.f32 v0, v1  }
0x19b: {  	v1 =	vadd.f32 v5, v7;
	v5 =	vld [tilespmem:s26+$0xFFFFFFA0]  }
0x19c: {  	[tilespmem:s29+$0x10] =	vst v0;
	v0 =	vld [tilespmem:s29+$0x20]  }
0x19d: {  	[tilespmem:s29+$0xFFFFFF10] =	vst v1;
	v1 =	vld [tilespmem:s26+$0x20];
	v3 =	vadd.f32 v3, v4  }
0x19e: {  	v4 =	vld [tilespmem:s26+$0xFFFFFF20]  }
0x19f: {  	[tilespmem:s29+$0xA0] =	vst v3;
	v3 =	vld [tilespmem:s29+$0xB0]  }
0x1a0: {  	v2 =	vadd.f32 v5, v2;
	v5 =	vld [tilespmem:s26+$0xB0]  }
0x1a1: {  	v7 =	vld [tilespmem:s29+$0xFFFFFF30]  }
0x1a2: {  	[tilespmem:s29+$0xFFFFFFA0] =	vst v2;
	v2 =	vld [tilespmem:s29+$0xFFFFFFB0];
	v0 =	vadd.f32 v1, v0  }
0x1a3: {  	v1 =	vadd.f32 v4, v6;
	v4 =	vld [tilespmem:s26+$0xFFFFFFB0]  }
0x1a4: {  	[tilespmem:s29+$0x20] =	vst v0;
	v0 =	vld [tilespmem:s29+$0x30]  }
0x1a5: {  	[tilespmem:s29+$0xFFFFFF20] =	vst v1;
	v1 =	vld [tilespmem:s26+$0x30];
	v3 =	vadd.f32 v5, v3  }
0x1a6: {  	v5 =	vld [tilespmem:s26+$0xFFFFFF30]  }
0x1a7: {  	[tilespmem:s29+$0xB0] =	vst v3;
	v3 =	vld [tilespmem:s29+$0xC0]  }
0x1a8: {  	v2 =	vadd.f32 v4, v2;
	v4 =	vld [tilespmem:s26+$0xC0]  }
0x1a9: {  	v6 =	vld [tilespmem:s29+$0xFFFFFF40]  }
0x1aa: {  	[tilespmem:s29+$0xFFFFFFB0] =	vst v2;
	v2 =	vld [tilespmem:s29+$0xFFFFFFC0];
	v0 =	vadd.f32 v1, v0  }
0x1ab: {  	v1 =	vadd.f32 v5, v7;
	v5 =	vld [tilespmem:s26+$0xFFFFFFC0]  }
0x1ac: {  	[tilespmem:s29+$0x30] =	vst v0;
	v0 =	vld [tilespmem:s29+$0x40]  }
0x1ad: {  	[tilespmem:s29+$0xFFFFFF30] =	vst v1;
	v1 =	vld [tilespmem:s26+$0x40];
	v3 =	vadd.f32 v4, v3  }
0x1ae: {  	v4 =	vld [tilespmem:s26+$0xFFFFFF40]  }
0x1af: {  	[tilespmem:s29+$0xC0] =	vst v3;
	v3 =	vld [tilespmem:s29+$0xD0]  }
0x1b0: {  	v2 =	vadd.f32 v5, v2;
	v5 =	vld [tilespmem:s26+$0xD0]  }
0x1b1: {  	v7 =	vld [tilespmem:s29+$0xFFFFFF50]  }
0x1b2: {  	[tilespmem:s29+$0xFFFFFFC0] =	vst v2;
	v2 =	vld [tilespmem:s29+$0xFFFFFFD0];
	v0 =	vadd.f32 v1, v0  }
0x1b3: {  	v1 =	vadd.f32 v4, v6;
	v4 =	vld [tilespmem:s26+$0xFFFFFFD0]  }
0x1b4: {  	[tilespmem:s29+$0x40] =	vst v0;
	v0 =	vld [tilespmem:s29+$0x50]  }
0x1b5: {  	[tilespmem:s29+$0xFFFFFF40] =	vst v1;
	v1 =	vld [tilespmem:s26+$0x50];
	v3 =	vadd.f32 v5, v3  }
0x1b6: {  	v5 =	vld [tilespmem:s26+$0xFFFFFF50]  }
0x1b7: {  	[tilespmem:s29+$0xD0] =	vst v3;
	v3 =	vld [tilespmem:s29+$0xE0]  }
0x1b8: {  	v2 =	vadd.f32 v4, v2;
	v4 =	vld [tilespmem:s26+$0xE0]  }
0x1b9: {  	v6 =	vld [tilespmem:s29+$0xFFFFFF60]  }
0x1ba: {  	[tilespmem:s29+$0xFFFFFFD0] =	vst v2;
	v2 =	vld [tilespmem:s29+$0xFFFFFFE0];
	v0 =	vadd.f32 v1, v0  }
0x1bb: {  	v1 =	vadd.f32 v5, v7;
	v5 =	vld [tilespmem:s26+$0xFFFFFFE0]  }
0x1bc: {  	[tilespmem:s29+$0x50] =	vst v0;
	v7 =	vld [tilespmem:s29+$0x60]  }
0x1bd: {  	[tilespmem:s29+$0xFFFFFF50] =	vst v1;
	v8 =	vld [tilespmem:s26+$0x60];
	v0 =	vadd.f32 v4, v3  }
0x1be: {  	v3 =	vld [tilespmem:s26+$0xFFFFFF60]  }
0x1bf: {  	[tilespmem:s29+$0xE0] =	vst v0;
	v9 =	vld [tilespmem:s29+$0xF0]  }
0x1c0: {  	v1 =	vadd.f32 v5, v2;
	v5 =	vld [tilespmem:s26+$0xF0]  }
0x1c1: {  	v0 =	vld [tilespmem:s29+$0xFFFFFF70]  }
.Ltmp2:
0x1c2: {  	[tilespmem:s29+$0xFFFFFFE0] =	vst v1;
	v1 =	vld [tilespmem:s29+$0xFFFFFFF0];
	v2 =	vadd.f32 v8, v7;
	(pc) =	sbr.rel @p0 .LBB2_6-.Ltmp2, $4  }
0x1c3: {  	v4 =	vadd.f32 v3, v6;
	v3 =	vld [tilespmem:s26+$0xFFFFFFF0]  }
0x1c4: {  	[tilespmem:s29+$0x60] =	vst v2;
	v2 =	vld [tilespmem:s29+$0x70]  }
0x1c5: {  	[tilespmem:s29+$0xFFFFFF60] =	vst v4;
	v4 =	vld [tilespmem:s26+$0x70];
	v6 =	vadd.f32 v5, v9  }
0x1c6: {  	s29 =	sadd.s32 $0x200, s29;
	v5 =	vld [tilespmem:s26+$0xFFFFFF70]  }
0x1c7: {  	_ =	sdelay $0x1  }
0x1c8: {  	v1 =	vadd.f32 v3, v1  }
0x1c9: {  	[tilespmem:s25+$0xF0] =	vst v6;
	v2 =	vadd.f32 v4, v2  }
0x1ca: {  	[tilespmem:s25+$0xFFFFFFF0] =	vst v1;
	v0 =	vadd.f32 v5, v0  }
0x1cb: {  	[tilespmem:s25+$0x70] =	vst v2  }
0x1cc: {  	[tilespmem:s25+$0xFFFFFF70] =	vst v0  }
0x1cd: {  	[hbm4b:s9+s4] =	stream.linear.scatter [tilespmem:s15], [sflag:$0x3], $0x2800, $0x38;
	[tilespmem:$0x5300] =	vst v63  }
0x1ce: {  	_ =	swait.ge [sflag:s12], $0x2800  }
0x1cf: {  	[sflag:s12] =	ssyncset.done $0x0  }
0x1d0: {  	[sflag:s12] =	ssyncadd.s32 $0xFFFFD800  }
0x1d1: {  	[tilespmem:s15], [sflag:$0x1] =	stream.indirect.gather [hbm4b:s2+s14], $0x80, s22, s14, $0xb8;
	[tilespmem:$0x5300] =	vst v63  }
0x1d2: {  	_ = 	snop  }
0x1d3: {  	[tilespmem:s16], [sflag:$0x2] =	stream.indirect.gather [hbm4b:s3+s14], $0x80, s23, s14, $0xb8;
	[tilespmem:$0x5300] =	vst v63  }
0x1d4: {  	_ =	swait.ge [sflag:s17], $0x2800  }
0x1d5: {  	[sflag:s17] =	ssyncset.done $0x0  }
0x1d6: {  	[sflag:s17] =	ssyncadd.s32 $0xFFFFD800  }
0x1d7: {  	_ =	swait.ge [sflag:s18], $0x2800  }
0x1d8: {  	[sflag:s18] =	ssyncset.done $0x0  }
0x1d9: {  	s25 =	simm.s32 $0x400;
	[sflag:s18] =	ssyncadd.s32 $0xFFFFD800  }
0x1da: {  	s26 =	simm.s32 $0x2C00;
	v0 =	vld [tilespmem:s25+$0x80]  }
0x1db: {  	v1 =	vld [tilespmem:s26+$0x80]  }
0x1dc: {  	v2 =	vld [tilespmem:s25+$0xFFFFFF80]  }
0x1dd: {  	v3 =	vld [tilespmem:s26+$0xFFFFFF80]  }
0x1de: {  	v4 =	vld [tilespmem:s25+$0x0]  }
0x1df: {  	v5 =	vld [tilespmem:s26+$0x0]  }
0x1e0: {  	v6 =	vld [tilespmem:s25+$0xFFFFFF00];
	v0 =	vadd.f32 v1, v0  }
0x1e1: {  	v1 =	vld [tilespmem:s26+$0xFFFFFF00]  }
0x1e2: {  	[tilespmem:s25+$0x80] =	vst v0;
	v0 =	vld [tilespmem:s25+$0x90]  }
0x1e3: {  	v2 =	vadd.f32 v3, v2;
	v3 =	vld [tilespmem:s26+$0x90]  }
0x1e4: {  	v7 =	vld [tilespmem:s25+$0xFFFFFF10]  }
0x1e5: {  	[tilespmem:s25+$0xFFFFFF80] =	vst v2;
	v2 =	vadd.f32 v5, v4;
	v4 =	vld [tilespmem:s25+$0xFFFFFF90]  }
0x1e6: {  	v5 =	vld [tilespmem:s26+$0xFFFFFF90];
	v1 =	vadd.f32 v1, v6  }
0x1e7: {  	[tilespmem:s25+$0x0] =	vst v2;
	v2 =	vld [tilespmem:s25+$0x10]  }
0x1e8: {  	v6 =	vld [tilespmem:s26+$0x10];
	[tilespmem:s25+$0xFFFFFF00] =	vst v1;
	v0 =	vadd.f32 v3, v0  }
0x1e9: {  	v1 =	vld [tilespmem:s26+$0xFFFFFF10]  }
0x1ea: {  	[tilespmem:s25+$0x90] =	vst v0;
	v0 =	vld [tilespmem:s25+$0xA0]  }
0x1eb: {  	v3 =	vadd.f32 v5, v4;
	v4 =	vld [tilespmem:s26+$0xA0]  }
0x1ec: {  	v5 =	vld [tilespmem:s25+$0xFFFFFF20]  }
0x1ed: {  	[tilespmem:s25+$0xFFFFFF90] =	vst v3;
	v2 =	vadd.f32 v6, v2;
	v3 =	vld [tilespmem:s25+$0xFFFFFFA0]  }
0x1ee: {  	v6 =	vld [tilespmem:s26+$0xFFFFFFA0];
	v1 =	vadd.f32 v1, v7  }
0x1ef: {  	[tilespmem:s25+$0x10] =	vst v2;
	v2 =	vld [tilespmem:s25+$0x20]  }
0x1f0: {  	v7 =	vld [tilespmem:s26+$0x20];
	[tilespmem:s25+$0xFFFFFF10] =	vst v1;
	v0 =	vadd.f32 v4, v0  }
0x1f1: {  	v1 =	vld [tilespmem:s26+$0xFFFFFF20]  }
0x1f2: {  	[tilespmem:s25+$0xA0] =	vst v0;
	v0 =	vld [tilespmem:s25+$0xB0]  }
0x1f3: {  	v3 =	vadd.f32 v6, v3;
	v4 =	vld [tilespmem:s26+$0xB0]  }
0x1f4: {  	v6 =	vld [tilespmem:s25+$0xFFFFFF30]  }
0x1f5: {  	[tilespmem:s25+$0xFFFFFFA0] =	vst v3;
	v2 =	vadd.f32 v7, v2;
	v3 =	vld [tilespmem:s25+$0xFFFFFFB0]  }
0x1f6: {  	v7 =	vld [tilespmem:s26+$0xFFFFFFB0];
	v1 =	vadd.f32 v1, v5  }
0x1f7: {  	[tilespmem:s25+$0x20] =	vst v2;
	v2 =	vld [tilespmem:s25+$0x30]  }
0x1f8: {  	v5 =	vld [tilespmem:s26+$0x30];
	[tilespmem:s25+$0xFFFFFF20] =	vst v1;
	v0 =	vadd.f32 v4, v0  }
0x1f9: {  	v1 =	vld [tilespmem:s26+$0xFFFFFF30]  }
0x1fa: {  	[tilespmem:s25+$0xB0] =	vst v0;
	v0 =	vld [tilespmem:s25+$0xC0]  }
0x1fb: {  	v3 =	vadd.f32 v7, v3;
	v4 =	vld [tilespmem:s26+$0xC0]  }
0x1fc: {  	v7 =	vld [tilespmem:s25+$0xFFFFFF40]  }
0x1fd: {  	[tilespmem:s25+$0xFFFFFFB0] =	vst v3;
	v2 =	vadd.f32 v5, v2;
	v3 =	vld [tilespmem:s25+$0xFFFFFFC0]  }
0x1fe: {  	v5 =	vld [tilespmem:s26+$0xFFFFFFC0];
	v1 =	vadd.f32 v1, v6  }
0x1ff: {  	[tilespmem:s25+$0x30] =	vst v2;
	v2 =	vld [tilespmem:s25+$0x40]  }
0x200: {  	v6 =	vld [tilespmem:s26+$0x40];
	[tilespmem:s25+$0xFFFFFF30] =	vst v1;
	v0 =	vadd.f32 v4, v0  }
0x201: {  	v1 =	vld [tilespmem:s26+$0xFFFFFF40]  }
0x202: {  	[tilespmem:s25+$0xC0] =	vst v0;
	v0 =	vld [tilespmem:s25+$0xD0]  }
0x203: {  	v3 =	vadd.f32 v5, v3;
	v4 =	vld [tilespmem:s26+$0xD0]  }
0x204: {  	v5 =	vld [tilespmem:s25+$0xFFFFFF50]  }
0x205: {  	[tilespmem:s25+$0xFFFFFFC0] =	vst v3;
	v2 =	vadd.f32 v6, v2;
	v3 =	vld [tilespmem:s25+$0xFFFFFFD0]  }
0x206: {  	v6 =	vld [tilespmem:s26+$0xFFFFFFD0];
	v1 =	vadd.f32 v1, v7  }
0x207: {  	[tilespmem:s25+$0x40] =	vst v2;
	v2 =	vld [tilespmem:s25+$0x50]  }
0x208: {  	v7 =	vld [tilespmem:s26+$0x50];
	[tilespmem:s25+$0xFFFFFF40] =	vst v1;
	v0 =	vadd.f32 v4, v0  }
0x209: {  	v1 =	vld [tilespmem:s26+$0xFFFFFF50]  }
0x20a: {  	[tilespmem:s25+$0xD0] =	vst v0;
	v0 =	vld [tilespmem:s25+$0xE0]  }
0x20b: {  	v3 =	vadd.f32 v6, v3;
	v4 =	vld [tilespmem:s26+$0xE0]  }
0x20c: {  	v6 =	vld [tilespmem:s25+$0xFFFFFF60]  }
0x20d: {  	[tilespmem:s25+$0xFFFFFFD0] =	vst v3;
	v2 =	vadd.f32 v7, v2;
	v3 =	vld [tilespmem:s25+$0xFFFFFFE0]  }
0x20e: {  	v7 =	vld [tilespmem:s26+$0xFFFFFFE0];
	v1 =	vadd.f32 v1, v5  }
0x20f: {  	[tilespmem:s25+$0x50] =	vst v2;
	v2 =	vld [tilespmem:s25+$0x60]  }
0x210: {  	v5 =	vld [tilespmem:s26+$0x60];
	[tilespmem:s25+$0xFFFFFF50] =	vst v1;
	v0 =	vadd.f32 v4, v0  }
0x211: {  	v4 =	vld [tilespmem:s26+$0xFFFFFF60]  }
0x212: {  	v8 =	vld [tilespmem:s25+$0xF0];
	[tilespmem:s25+$0xE0] =	vst v0  }
0x213: {  	v1 =	vadd.f32 v7, v3;
	v7 =	vld [tilespmem:s26+$0xF0]  }
0x214: {  	v0 =	vld [tilespmem:s25+$0xFFFFFF70]  }
0x215: {  	[tilespmem:s25+$0xFFFFFFE0] =	vst v1;
	v2 =	vadd.f32 v5, v2;
	v1 =	vld [tilespmem:s25+$0xFFFFFFF0]  }
0x216: {  	v3 =	vld [tilespmem:s26+$0xFFFFFFF0];
	v4 =	vadd.f32 v4, v6  }
0x217: {  	[tilespmem:s25+$0x60] =	vst v2;
	v2 =	vld [tilespmem:s25+$0x70]  }
0x218: {  	[tilespmem:s25+$0xFFFFFF60] =	vst v4;
	v4 =	vld [tilespmem:s26+$0x70];
	v6 =	vadd.f32 v7, v8  }
0x219: {  	s28 =	simm.s32 $0x0;
	s29 =	simm.s32 $0x600;
	v5 =	vld [tilespmem:s26+$0xFFFFFF70]  }
.LBB2_8:
0x21a: {  	v7 =	vld [tilespmem:s29+$0x80];
	[tilespmem:s25+$0xF0] =	vst v6;
	s26 =	sadd.s32 $0x200, s26  }
0x21b: {  	s28 =	sadd.s32 $0x4, s28;
	v6 =	vld [tilespmem:s26+$0x80];
	v1 =	vadd.f32 v3, v1  }
0x21c: {  	p0 =	slt.u32 s28, $0x4C;
	v3 =	vld [tilespmem:s26+$0xFFFFFF00]  }
0x21d: {  	v8 =	vld [tilespmem:s29+$0xFFFFFF80];
	[tilespmem:s25+$0xFFFFFFF0] =	vst v1;
	v1 =	vadd.f32 v4, v2  }
0x21e: {  	v2 =	vld [tilespmem:s26+$0xFFFFFF80];
	v0 =	vadd.f32 v5, v0  }
0x21f: {  	v4 =	vld [tilespmem:s29+$0x0];
	[tilespmem:s25+$0x70] =	vst v1  }
0x220: {  	v1 =	vld [tilespmem:s26+$0x0];
	v5 =	vadd.f32 v6, v7;
	[tilespmem:s25+$0xFFFFFF70] =	vst v0;
	s25 =	smov.u32 s29  }
0x221: {  	v0 =	vld [tilespmem:s29+$0xFFFFFF00]  }
0x222: {  	[tilespmem:s29+$0x80] =	vst v5;
	v5 =	vld [tilespmem:s29+$0x90]  }
0x223: {  	v2 =	vadd.f32 v2, v8;
	v6 =	vld [tilespmem:s26+$0x90]  }
0x224: {  	v7 =	vld [tilespmem:s29+$0xFFFFFF10]  }
0x225: {  	[tilespmem:s29+$0xFFFFFF80] =	vst v2;
	v2 =	vld [tilespmem:s29+$0xFFFFFF90];
	v1 =	vadd.f32 v1, v4  }
0x226: {  	v0 =	vadd.f32 v3, v0;
	v3 =	vld [tilespmem:s26+$0xFFFFFF90]  }
0x227: {  	[tilespmem:s29+$0x0] =	vst v1;
	v1 =	vld [tilespmem:s29+$0x10]  }
0x228: {  	[tilespmem:s29+$0xFFFFFF00] =	vst v0;
	v0 =	vld [tilespmem:s26+$0x10];
	v4 =	vadd.f32 v6, v5  }
0x229: {  	v5 =	vld [tilespmem:s26+$0xFFFFFF10]  }
0x22a: {  	[tilespmem:s29+$0x90] =	vst v4;
	v4 =	vld [tilespmem:s29+$0xA0]  }
0x22b: {  	v2 =	vadd.f32 v3, v2;
	v3 =	vld [tilespmem:s26+$0xA0]  }
0x22c: {  	v6 =	vld [tilespmem:s29+$0xFFFFFF20]  }
0x22d: {  	[tilespmem:s29+$0xFFFFFF90] =	vst v2;
	v2 =	vld [tilespmem:s29+$0xFFFFFFA0];
	v0 =	vadd.f32 v0, v1  }
0x22e: {  	v1 =	vadd.f32 v5, v7;
	v5 =	vld [tilespmem:s26+$0xFFFFFFA0]  }
0x22f: {  	[tilespmem:s29+$0x10] =	vst v0;
	v0 =	vld [tilespmem:s29+$0x20]  }
0x230: {  	[tilespmem:s29+$0xFFFFFF10] =	vst v1;
	v1 =	vld [tilespmem:s26+$0x20];
	v3 =	vadd.f32 v3, v4  }
0x231: {  	v4 =	vld [tilespmem:s26+$0xFFFFFF20]  }
0x232: {  	[tilespmem:s29+$0xA0] =	vst v3;
	v3 =	vld [tilespmem:s29+$0xB0]  }
0x233: {  	v2 =	vadd.f32 v5, v2;
	v5 =	vld [tilespmem:s26+$0xB0]  }
0x234: {  	v7 =	vld [tilespmem:s29+$0xFFFFFF30]  }
0x235: {  	[tilespmem:s29+$0xFFFFFFA0] =	vst v2;
	v2 =	vld [tilespmem:s29+$0xFFFFFFB0];
	v0 =	vadd.f32 v1, v0  }
0x236: {  	v1 =	vadd.f32 v4, v6;
	v4 =	vld [tilespmem:s26+$0xFFFFFFB0]  }
0x237: {  	[tilespmem:s29+$0x20] =	vst v0;
	v0 =	vld [tilespmem:s29+$0x30]  }
0x238: {  	[tilespmem:s29+$0xFFFFFF20] =	vst v1;
	v1 =	vld [tilespmem:s26+$0x30];
	v3 =	vadd.f32 v5, v3  }
0x239: {  	v5 =	vld [tilespmem:s26+$0xFFFFFF30]  }
0x23a: {  	[tilespmem:s29+$0xB0] =	vst v3;
	v3 =	vld [tilespmem:s29+$0xC0]  }
0x23b: {  	v2 =	vadd.f32 v4, v2;
	v4 =	vld [tilespmem:s26+$0xC0]  }
0x23c: {  	v6 =	vld [tilespmem:s29+$0xFFFFFF40]  }
0x23d: {  	[tilespmem:s29+$0xFFFFFFB0] =	vst v2;
	v2 =	vld [tilespmem:s29+$0xFFFFFFC0];
	v0 =	vadd.f32 v1, v0  }
0x23e: {  	v1 =	vadd.f32 v5, v7;
	v5 =	vld [tilespmem:s26+$0xFFFFFFC0]  }
0x23f: {  	[tilespmem:s29+$0x30] =	vst v0;
	v0 =	vld [tilespmem:s29+$0x40]  }
0x240: {  	[tilespmem:s29+$0xFFFFFF30] =	vst v1;
	v1 =	vld [tilespmem:s26+$0x40];
	v3 =	vadd.f32 v4, v3  }
0x241: {  	v4 =	vld [tilespmem:s26+$0xFFFFFF40]  }
0x242: {  	[tilespmem:s29+$0xC0] =	vst v3;
	v3 =	vld [tilespmem:s29+$0xD0]  }
0x243: {  	v2 =	vadd.f32 v5, v2;
	v5 =	vld [tilespmem:s26+$0xD0]  }
0x244: {  	v7 =	vld [tilespmem:s29+$0xFFFFFF50]  }
0x245: {  	[tilespmem:s29+$0xFFFFFFC0] =	vst v2;
	v2 =	vld [tilespmem:s29+$0xFFFFFFD0];
	v0 =	vadd.f32 v1, v0  }
0x246: {  	v1 =	vadd.f32 v4, v6;
	v4 =	vld [tilespmem:s26+$0xFFFFFFD0]  }
0x247: {  	[tilespmem:s29+$0x40] =	vst v0;
	v0 =	vld [tilespmem:s29+$0x50]  }
0x248: {  	[tilespmem:s29+$0xFFFFFF40] =	vst v1;
	v1 =	vld [tilespmem:s26+$0x50];
	v3 =	vadd.f32 v5, v3  }
0x249: {  	v5 =	vld [tilespmem:s26+$0xFFFFFF50]  }
0x24a: {  	[tilespmem:s29+$0xD0] =	vst v3;
	v3 =	vld [tilespmem:s29+$0xE0]  }
0x24b: {  	v2 =	vadd.f32 v4, v2;
	v4 =	vld [tilespmem:s26+$0xE0]  }
0x24c: {  	v6 =	vld [tilespmem:s29+$0xFFFFFF60]  }
0x24d: {  	[tilespmem:s29+$0xFFFFFFD0] =	vst v2;
	v2 =	vld [tilespmem:s29+$0xFFFFFFE0];
	v0 =	vadd.f32 v1, v0  }
0x24e: {  	v1 =	vadd.f32 v5, v7;
	v5 =	vld [tilespmem:s26+$0xFFFFFFE0]  }
0x24f: {  	[tilespmem:s29+$0x50] =	vst v0;
	v7 =	vld [tilespmem:s29+$0x60]  }
0x250: {  	[tilespmem:s29+$0xFFFFFF50] =	vst v1;
	v8 =	vld [tilespmem:s26+$0x60];
	v0 =	vadd.f32 v4, v3  }
0x251: {  	v3 =	vld [tilespmem:s26+$0xFFFFFF60]  }
0x252: {  	[tilespmem:s29+$0xE0] =	vst v0;
	v9 =	vld [tilespmem:s29+$0xF0]  }
0x253: {  	v1 =	vadd.f32 v5, v2;
	v5 =	vld [tilespmem:s26+$0xF0]  }
0x254: {  	v0 =	vld [tilespmem:s29+$0xFFFFFF70]  }
.Ltmp3:
0x255: {  	[tilespmem:s29+$0xFFFFFFE0] =	vst v1;
	v1 =	vld [tilespmem:s29+$0xFFFFFFF0];
	v2 =	vadd.f32 v8, v7;
	(pc) =	sbr.rel @p0 .LBB2_8-.Ltmp3, $4  }
0x256: {  	v4 =	vadd.f32 v3, v6;
	v3 =	vld [tilespmem:s26+$0xFFFFFFF0]  }
0x257: {  	[tilespmem:s29+$0x60] =	vst v2;
	v2 =	vld [tilespmem:s29+$0x70]  }
0x258: {  	[tilespmem:s29+$0xFFFFFF60] =	vst v4;
	v4 =	vld [tilespmem:s26+$0x70];
	v6 =	vadd.f32 v5, v9  }
0x259: {  	s29 =	sadd.s32 $0x200, s29;
	v5 =	vld [tilespmem:s26+$0xFFFFFF70]  }
0x25a: {  	_ =	sdelay $0x1  }
0x25b: {  	v1 =	vadd.f32 v3, v1  }
0x25c: {  	[tilespmem:s25+$0xF0] =	vst v6;
	v2 =	vadd.f32 v4, v2  }
0x25d: {  	s24 =	sadd.s32 $0x1, s24;
	[tilespmem:s25+$0xFFFFFFF0] =	vst v1;
	v0 =	vadd.f32 v5, v0  }
0x25e: {  	p0 =	sne.s32 s24, s11;
	[tilespmem:s25+$0x70] =	vst v2  }
.Ltmp4:
0x25f: {  	[tilespmem:s25+$0xFFFFFF70] =	vst v0;
	(pc) =	sbr.rel @p0 .LBB2_1-.Ltmp4, $4  }
0x260: {  	[hbm4b:s10+s4] =	stream.linear.scatter [tilespmem:s15], [sflag:$0x3], $0x2800, $0x38;
	[tilespmem:$0x5300] =	vst v63  }
0x261: {  	_ =	swait.ge [sflag:s12], $0x2800  }
0x262: {  	[sflag:s12] =	ssyncset.done $0x0  }
0x263: {  	[sflag:s12] =	ssyncadd.s32 $0xFFFFD800  }
0x264: {  	_ =	sfence.sel $0x180000  }
0x265: {  	[bflag:$0x0] =	sbarrier.arrive $0xFFFF  }
0x266: {  	p0 =	sne.s32 s0, $0x0;
	_ =	strace $0x90000047  }
0x267: {  	s0 =	sadd.s32 @!p0 $0x100000, s1;
	[bflag:$0x2] =	sbarrier.arrive $0xFFFF  }
0x268: {  	[sflag:s0] =	ssyncadd.tile.s32 @!p0 $0x1;
	_ =	shalt  }
.Lfunc_end2:
_tile_overlayer_lowered:
.L_overlay_start_2:
0x269: {  	(tag) =	ssettag $0x2  }
0x26a: {  	s0 =	rddreg [dreg:$0x0];
	s2 =	stileid.u32  }
0x26b: {  	s1 =	rddreg [dreg:$0x1];
	p0 =	sne.s32 s2, $0x0  }
0x26c: {  	s3 =	rddreg [dreg:$0x2];
	[bflag:$0x3] =	sbarrier.arrive $0xFFFF;
	s2 =	simm.s32 @!p0 $0x1C03  }
0x26d: {  	[timem:s3], [sflag:s2] =	dma.local @!p0 [hbm:s0], s1  }
0x26e: {  	s0 =	simm.s32 @!p0 $0x3  }
0x26f: {  	_ =	swait.ge @!p0 [sflag:s0], s1  }
0x270: {  	s1 =	ssub.s32 @!p0 $0x0, s1;
	[sflag:s0] =	ssyncset.done @!p0 $0x0  }
0x271: {  	[sflag:s0] =	ssyncadd.s32 @!p0 s1  }
0x272: {  	[bflag:$0x3] =	sbarrier.arrive $0xFFFF  }
0x273: {  	_ =	shalt  }

</sc_bundles>
